<compile_context>
chip_gen: v7x
topology: tpu7x:2x2x1
jax: 0.10.2.dev20260603
libtpu: 0.0.44.dev20260713+nightly
codegen_flags: <defaults>
</compile_context>

<pallas_src>
import functools

import jax
import jax.numpy as jnp
from jax import lax
from jax.experimental import pallas as pl
from jax.experimental.pallas import tpu as pltpu
from jax.experimental.pallas import tpu_sc as plsc

_VOCAB = 1000
_VPAD = 1024
_BLOCK = 50
_TPAD = 64
_N_EMBED = 64
_B = 1024
_T = 50

_INFO = plsc.get_sparse_core_info()
_NC = _INFO.num_cores
_NS = _INFO.num_subcores
_NW = _NC * _NS
_NV = _VPAD // _NW
_NPAIR = _T // 2


def _precompute_body(tok_emb_ref, pos_emb_ref, w_ref, b_ref,
                     fusedt_ref, poswt_ref):
    w = w_ref[...]
    dn = (((0,), (1,)), ((), ()))
    fusedt_ref[...] = (
        lax.dot_general(w, tok_emb_ref[...], dn,
                        preferred_element_type=jnp.float32)
        + b_ref[...]
    )
    poswt_ref[...] = lax.dot_general(w, pos_emb_ref[...], dn,
                                     preferred_element_type=jnp.float32)


def _precompute(tok_emb_pad, pos_emb_pad, w_pad, b_col):
    return pl.pallas_call(
        _precompute_body,
        out_shape=[
            jax.ShapeDtypeStruct((_VPAD, _VPAD), jnp.float32),
            jax.ShapeDtypeStruct((_VPAD, _TPAD), jnp.float32),
        ],
    )(tok_emb_pad, pos_emb_pad, w_pad, b_col)


@functools.partial(
    pl.kernel,
    mesh=plsc.VectorSubcoreMesh(core_axis_name="c", subcore_axis_name="s"),
    out_type=jax.ShapeDtypeStruct((_T, _VOCAB, _B), jnp.float32),
    scratch_types=[
        pltpu.VMEM((_NV, _VPAD), jnp.float32),
        pltpu.VMEM((_NV, _TPAD), jnp.float32),
        pltpu.VMEM((_B,), jnp.int32),
        pltpu.VMEM((_B,), jnp.int32),
        pltpu.VMEM((_NV, _B), jnp.float32),
        pltpu.VMEM((_NV, _B), jnp.float32),
        pltpu.VMEM((_NV, 16), jnp.float32),
        pltpu.SemaphoreType.DMA,
        pltpu.SemaphoreType.DMA,
        pltpu.SemaphoreType.DMA,
        pltpu.SemaphoreType.DMA,
    ],
    compiler_params=pltpu.CompilerParams(needs_layout_passes=False),
)
def _sc_logits(tokenst_hbm, fusedt_hbm, poswt_hbm, outt_hbm,
               fusedt_v, poswt_v, tk0, tk1, ob0, ob1, psplat_v,
               ts0, ts1, ws0, ws1):
    wid = lax.axis_index("s") * _NC + lax.axis_index("c")
    vbase = wid * _NV
    pltpu.sync_copy(fusedt_hbm.at[pl.ds(vbase, _NV)], fusedt_v)
    pltpu.sync_copy(poswt_hbm.at[pl.ds(vbase, _NV)], poswt_v)
    tks = (tk0, tk1)
    obs = (ob0, ob1)
    tss = (ts0, ts1)
    wss = (ws0, ws1)
    pltpu.async_copy(tokenst_hbm.at[0], tk0, ts0)
    pltpu.async_copy(tokenst_hbm.at[1], tk1, ts1)

    def write_out(ob, t, ws):
        @pl.when(wid < _NW - 1)
        def _():
            pltpu.async_copy(ob, outt_hbm.at[t, pl.ds(vbase, _NV)], ws)

        @pl.when(wid == _NW - 1)
        def _():
            pltpu.async_copy(ob.at[pl.ds(0, 8)],
                             outt_hbm.at[t, pl.ds(vbase, 8)], ws)

    def drain_write(ob, t, ws):
        @pl.when(wid < _NW - 1)
        def _():
            pltpu.make_async_copy(
                ob, outt_hbm.at[t, pl.ds(vbase, _NV)], ws).wait()

        @pl.when(wid == _NW - 1)
        def _():
            pltpu.make_async_copy(
                ob.at[pl.ds(0, 8)], outt_hbm.at[t, pl.ds(vbase, 8)], ws).wait()

    def pair_body(p, carry):
        for par in (0, 1):
            t = 2 * p + par
            tk, ob, ts, ws = tks[par], obs[par], tss[par], wss[par]
            pltpu.make_async_copy(tokenst_hbm.at[t], tk, ts).wait()

            @pl.when(p > 0)
            def _():
                drain_write(ob, t, ws)

            tvec = jnp.zeros((16,), jnp.int32) + t
            for vg in range(_NV // 8):
                psplat = [
                    plsc.load_gather(
                        poswt_v,
                        [jnp.full((16,), 8 * vg + k, jnp.int32), tvec])
                    for k in range(8)
                ]

                @plsc.parallel_loop(0, _B // 16)
                def bc_body(bc):
                    tok = tk[pl.ds(16 * bc, 16)]
                    for k in range(8):
                        vl = 8 * vg + k
                        vals = plsc.load_gather(
                            fusedt_v, [jnp.full((16,), vl, jnp.int32), tok])
                        ob[vl, pl.ds(16 * bc, 16)] = vals + psplat[k]
            write_out(ob, t, ws)

            @pl.when(p < _NPAIR - 1)
            def _():
                pltpu.async_copy(tokenst_hbm.at[t + 2], tk, ts)
        return carry

    lax.fori_loop(0, _NPAIR, pair_body, 0)
    for par in (0, 1):
        drain_write(obs[par], _T - 2 + par, wss[par])


def kernel(tokens, tok_emb, pos_emb, W, b):
    w_pad = jnp.pad(W, ((0, 0), (0, _VPAD - _VOCAB)))
    b_col = jnp.pad(b, (0, _VPAD - _VOCAB)).reshape(_VPAD, 1)
    tok_emb_pad = jnp.pad(tok_emb, ((0, _VPAD - _VOCAB), (0, 0)))
    pos_emb_pad = jnp.pad(pos_emb, ((0, _TPAD - _BLOCK), (0, 0)))
    tokenst = tokens.astype(jnp.int32).T
    fusedt, poswt = _precompute(tok_emb_pad, pos_emb_pad, w_pad, b_col)
    outt = _sc_logits(tokenst, fusedt, poswt)
    return jnp.transpose(outt, (2, 0, 1))

# --- scband reference (transcript-rebuilt; emitter-appended) ---
"""Pipeline reference for scband-bigram-language-model-with-positional-encoding-29626684408532 (READ-ONLY COPY).

The authoritative reference and input builder live on the scoring server;
editing this copy changes nothing except your own understanding.
"""

import jax, jax.numpy as jnp
import numpy as np

VOCAB = 1000
BLOCK = 50
N_EMBED = 64
B = 1024
T = 50


def setup_inputs(seed: int = 0) -> dict:
    key = jax.random.key(seed)
    k1, k2, k3, k4 = jax.random.split(key, 4)
    tokens = jax.random.randint(k1, (B, T), 0, VOCAB, dtype=jnp.int64 if jax.config.read('jax_enable_x64') else jnp.int32)
    tok_emb = jax.random.normal(k2, (VOCAB, N_EMBED), dtype=jnp.float32) * 0.02
    pos_emb = jax.random.normal(k3, (BLOCK, N_EMBED), dtype=jnp.float32) * 0.02
    W = jax.random.normal(k4, (N_EMBED, VOCAB), dtype=jnp.float32) * 0.02
    b = jnp.zeros((VOCAB,), dtype=jnp.float32)
    return {"tokens": tokens, "tok_emb": tok_emb, "pos_emb": pos_emb, "W": W, "b": b}


def reference(tokens, tok_emb, pos_emb, W, b):
    # BigramLanguageModelWithPositionalEncoding.forward with targets=None
    Bsz, Tlen = tokens.shape
    token_embeddings = jnp.take(tok_emb, tokens, axis=0)            # [B, T, C] gather
    positions = jnp.arange(Tlen)
    position_embeddings = jnp.take(pos_emb, positions, axis=0)      # [T, C] gather
    x = token_embeddings + position_embeddings[None, :, :]          # broadcast add
    logits = jnp.einsum('btc,cv->btv', x, W) + b                    # lm_head
    return logits

if __name__ == "__main__":
    import jax
    _d = setup_inputs()
    print(jax.jit(kernel)(*tuple(_d.values())))

</pallas_src>

<mosaic_0001>
#map = affine_map<(d0, d1) -> (0, 0)>
#map1 = affine_map<(d0, d1) -> (0, 0, 0)>
module attributes {stable_mosaic.version = 14 : i64} {
  func.func @_sc_logits(%arg0: i32, %arg1: i32, %arg2: memref<50x1024xi32, #tpu.memory_space<hbm>>, %arg3: memref<1024x1024xf32, #tpu.memory_space<hbm>>, %arg4: memref<1024x64xf32, #tpu.memory_space<hbm>>, %arg5: memref<50x1000x1024xf32, #tpu.memory_space<hbm>>, %arg6: memref<32x1024xf32, #tpu.memory_space<vmem>>, %arg7: memref<32x64xf32, #tpu.memory_space<vmem>>, %arg8: memref<1024xi32, #tpu.memory_space<vmem>>, %arg9: memref<1024xi32, #tpu.memory_space<vmem>>, %arg10: memref<32x1024xf32, #tpu.memory_space<vmem>>, %arg11: memref<32x1024xf32, #tpu.memory_space<vmem>>, %arg12: memref<32x16xf32, #tpu.memory_space<vmem>>, %arg13: memref<!tpu.dma_semaphore, #tpu.memory_space<semaphore_mem>>, %arg14: memref<!tpu.dma_semaphore, #tpu.memory_space<semaphore_mem>>, %arg15: memref<!tpu.dma_semaphore, #tpu.memory_space<semaphore_mem>>, %arg16: memref<!tpu.dma_semaphore, #tpu.memory_space<semaphore_mem>>) attributes {dimension_semantics = [#tpu.dimension_semantics<core_parallel>, #tpu.dimension_semantics<subcore_parallel>], iteration_bounds = array<i64: 2, 16>, scalar_prefetch = 0 : i64, scratch_operands = 11 : i64, tpu.core_type = #tpu.core_type<sc_vector_subcore>, window_params = [{transform_indices = #map}, {transform_indices = #map}, {transform_indices = #map}, {transform_indices = #map1}]} {
    %mul3A = arith.constant 2 : i32
    %mul3A_0 = arith.muli %arg1, %mul3A : i32
    %add3A = arith.addi %mul3A_0, %arg0 : i32
    %mul3A_1 = arith.constant 32 : i32
    %mul3A_2 = arith.muli %add3A, %mul3A_1 : i32
    "tpu.region"() ({
      %run_scoped3A = tpu.sem_alloc : memref<!tpu.dma_semaphore, #tpu.memory_space<semaphore_mem>>
      %dma_start3A_37 = arith.constant 0 : i32
      %dma_start3A_38 = tpu.memref_slice %arg3[%mul3A_2, %dma_start3A_37] : memref<1024x1024xf32, #tpu.memory_space<hbm>> -> memref<32x1024xf32, #tpu.memory_space<hbm>>
      %dma_start3A_39 = arith.constant 0 : i32
      %dma_start3A_40 = tpu.memref_slice %arg3[%mul3A_2, %dma_start3A_39] : memref<1024x1024xf32, #tpu.memory_space<hbm>> -> memref<32x1024xf32, #tpu.memory_space<hbm>>
      tpu.enqueue_dma source(%dma_start3A_40 : memref<32x1024xf32, #tpu.memory_space<hbm>>) target(%arg6 : memref<32x1024xf32, #tpu.memory_space<vmem>>) target_semaphore(%run_scoped3A : memref<!tpu.dma_semaphore, #tpu.memory_space<semaphore_mem>>)
      %dma_wait3A = arith.constant 0 : i32
      %dma_wait3A_41 = tpu.memref_slice %arg3[%mul3A_2, %dma_wait3A] : memref<1024x1024xf32, #tpu.memory_space<hbm>> -> memref<32x1024xf32, #tpu.memory_space<hbm>>
      %dma_wait3A_42 = arith.constant 0 : i32
      %dma_wait3A_43 = tpu.memref_slice %arg3[%mul3A_2, %dma_wait3A_42] : memref<1024x1024xf32, #tpu.memory_space<hbm>> -> memref<32x1024xf32, #tpu.memory_space<hbm>>
      tpu.wait_dma2 semaphore(%run_scoped3A : memref<!tpu.dma_semaphore, #tpu.memory_space<semaphore_mem>>) src(%dma_wait3A_43 : memref<32x1024xf32, #tpu.memory_space<hbm>>) dst(%arg6 : memref<32x1024xf32, #tpu.memory_space<vmem>>)
      tpu.yield
    }) : () -> ()
    "tpu.region"() ({
      %run_scoped3A = tpu.sem_alloc : memref<!tpu.dma_semaphore, #tpu.memory_space<semaphore_mem>>
      %dma_start3A_37 = arith.constant 0 : i32
      %dma_start3A_38 = tpu.memref_slice %arg4[%mul3A_2, %dma_start3A_37] : memref<1024x64xf32, #tpu.memory_space<hbm>> -> memref<32x64xf32, #tpu.memory_space<hbm>>
      %dma_start3A_39 = arith.constant 0 : i32
      %dma_start3A_40 = tpu.memref_slice %arg4[%mul3A_2, %dma_start3A_39] : memref<1024x64xf32, #tpu.memory_space<hbm>> -> memref<32x64xf32, #tpu.memory_space<hbm>>
      tpu.enqueue_dma source(%dma_start3A_40 : memref<32x64xf32, #tpu.memory_space<hbm>>) target(%arg7 : memref<32x64xf32, #tpu.memory_space<vmem>>) target_semaphore(%run_scoped3A : memref<!tpu.dma_semaphore, #tpu.memory_space<semaphore_mem>>)
      %dma_wait3A = arith.constant 0 : i32
      %dma_wait3A_41 = tpu.memref_slice %arg4[%mul3A_2, %dma_wait3A] : memref<1024x64xf32, #tpu.memory_space<hbm>> -> memref<32x64xf32, #tpu.memory_space<hbm>>
      %dma_wait3A_42 = arith.constant 0 : i32
      %dma_wait3A_43 = tpu.memref_slice %arg4[%mul3A_2, %dma_wait3A_42] : memref<1024x64xf32, #tpu.memory_space<hbm>> -> memref<32x64xf32, #tpu.memory_space<hbm>>
      tpu.wait_dma2 semaphore(%run_scoped3A : memref<!tpu.dma_semaphore, #tpu.memory_space<semaphore_mem>>) src(%dma_wait3A_43 : memref<32x64xf32, #tpu.memory_space<hbm>>) dst(%arg7 : memref<32x64xf32, #tpu.memory_space<vmem>>)
      tpu.yield
    }) : () -> ()
    %dma_start3A = arith.constant 0 : i32
    %dma_start3A_3 = arith.constant 0 : i32
    %dma_start3A_4 = tpu.memref_slice %arg2[%dma_start3A, %dma_start3A_3] : memref<50x1024xi32, #tpu.memory_space<hbm>> -> memref<1x1024xi32, #tpu.memory_space<hbm>>
    %dma_start3A_5 = tpu.memref_squeeze %dma_start3A_4 : memref<1x1024xi32, #tpu.memory_space<hbm>> -> memref<1024xi32, #tpu.memory_space<hbm>>
    %dma_start3A_6 = arith.constant 0 : i32
    %dma_start3A_7 = tpu.memref_slice %arg2[%dma_start3A, %dma_start3A_6] : memref<50x1024xi32, #tpu.memory_space<hbm>> -> memref<1x1024xi32, #tpu.memory_space<hbm>>
    %dma_start3A_8 = tpu.memref_squeeze %dma_start3A_7 : memref<1x1024xi32, #tpu.memory_space<hbm>> -> memref<1024xi32, #tpu.memory_space<hbm>>
    tpu.enqueue_dma source(%dma_start3A_8 : memref<1024xi32, #tpu.memory_space<hbm>>) target(%arg8 : memref<1024xi32, #tpu.memory_space<vmem>>) target_semaphore(%arg13 : memref<!tpu.dma_semaphore, #tpu.memory_space<semaphore_mem>>)
    %dma_start3A_9 = arith.constant 1 : i32
    %dma_start3A_10 = arith.constant 0 : i32
    %dma_start3A_11 = tpu.memref_slice %arg2[%dma_start3A_9, %dma_start3A_10] : memref<50x1024xi32, #tpu.memory_space<hbm>> -> memref<1x1024xi32, #tpu.memory_space<hbm>>
    %dma_start3A_12 = tpu.memref_squeeze %dma_start3A_11 : memref<1x1024xi32, #tpu.memory_space<hbm>> -> memref<1024xi32, #tpu.memory_space<hbm>>
    %dma_start3A_13 = arith.constant 0 : i32
    %dma_start3A_14 = tpu.memref_slice %arg2[%dma_start3A_9, %dma_start3A_13] : memref<50x1024xi32, #tpu.memory_space<hbm>> -> memref<1x1024xi32, #tpu.memory_space<hbm>>
    %dma_start3A_15 = tpu.memref_squeeze %dma_start3A_14 : memref<1x1024xi32, #tpu.memory_space<hbm>> -> memref<1024xi32, #tpu.memory_space<hbm>>
    tpu.enqueue_dma source(%dma_start3A_15 : memref<1024xi32, #tpu.memory_space<hbm>>) target(%arg9 : memref<1024xi32, #tpu.memory_space<vmem>>) target_semaphore(%arg14 : memref<!tpu.dma_semaphore, #tpu.memory_space<semaphore_mem>>)
    %scan3A = arith.constant 0 : i32
    %scan3A_16 = arith.constant 0 : i32
    %scan3A_17 = arith.constant 25 : i32
    %scan3A_18 = arith.addi %scan3A_16, %scan3A_17 : i32
    %scan3A_19 = arith.constant 1 : i32
    scf.for %scan3A_37 = %scan3A_16 to %scan3A_18 step %scan3A_19  : i32 {
      %mul3A_38 = arith.constant 2 : i32
      %mul3A_39 = arith.muli %mul3A_38, %scan3A_37 : i32
      %add3A_40 = arith.constant 0 : i32
      %add3A_41 = arith.addi %mul3A_39, %add3A_40 : i32
      %dma_wait3A = arith.constant 0 : i32
      %dma_wait3A_42 = tpu.memref_slice %arg2[%add3A_41, %dma_wait3A] : memref<50x1024xi32, #tpu.memory_space<hbm>> -> memref<1x1024xi32, #tpu.memory_space<hbm>>
      %dma_wait3A_43 = tpu.memref_squeeze %dma_wait3A_42 : memref<1x1024xi32, #tpu.memory_space<hbm>> -> memref<1024xi32, #tpu.memory_space<hbm>>
      %dma_wait3A_44 = arith.constant 0 : i32
      %dma_wait3A_45 = tpu.memref_slice %arg2[%add3A_41, %dma_wait3A_44] : memref<50x1024xi32, #tpu.memory_space<hbm>> -> memref<1x1024xi32, #tpu.memory_space<hbm>>
      %dma_wait3A_46 = tpu.memref_squeeze %dma_wait3A_45 : memref<1x1024xi32, #tpu.memory_space<hbm>> -> memref<1024xi32, #tpu.memory_space<hbm>>
      tpu.wait_dma2 semaphore(%arg13 : memref<!tpu.dma_semaphore, #tpu.memory_space<semaphore_mem>>) src(%dma_wait3A_46 : memref<1024xi32, #tpu.memory_space<hbm>>) dst(%arg8 : memref<1024xi32, #tpu.memory_space<vmem>>)
      %gt3A = arith.constant 0 : i32
      %gt3A_47 = arith.cmpi sgt, %scan3A_37, %gt3A : i32
      %convert_element_type3A_48 = arith.extui %gt3A_47 : i1 to i32
      %cond3A_49 = arith.constant 0 : i32
      %cond3A_50 = arith.cmpi ne, %convert_element_type3A_48, %cond3A_49 : i32
      scf.if %cond3A_50 {
        %lt3A_317 = arith.constant 31 : i32
        %lt3A_318 = arith.cmpi slt, %add3A, %lt3A_317 : i32
        %convert_element_type3A_319 = arith.extui %lt3A_318 : i1 to i32
        %cond3A_320 = arith.constant 0 : i32
        %cond3A_321 = arith.cmpi ne, %convert_element_type3A_319, %cond3A_320 : i32
        scf.if %cond3A_321 {
          %dma_wait3A_327 = arith.constant 0 : i32
          %dma_wait3A_328 = tpu.memref_slice %arg5[%add3A_41, %mul3A_2, %dma_wait3A_327] : memref<50x1000x1024xf32, #tpu.memory_space<hbm>> -> memref<1x32x1024xf32, #tpu.memory_space<hbm>>
          %dma_wait3A_329 = tpu.memref_squeeze %dma_wait3A_328 : memref<1x32x1024xf32, #tpu.memory_space<hbm>> -> memref<32x1024xf32, #tpu.memory_space<hbm>>
          %dma_wait3A_330 = arith.constant 0 : i32
          %dma_wait3A_331 = tpu.memref_slice %arg5[%add3A_41, %mul3A_2, %dma_wait3A_330] : memref<50x1000x1024xf32, #tpu.memory_space<hbm>> -> memref<1x32x1024xf32, #tpu.memory_space<hbm>>
          %dma_wait3A_332 = tpu.memref_squeeze %dma_wait3A_331 : memref<1x32x1024xf32, #tpu.memory_space<hbm>> -> memref<32x1024xf32, #tpu.memory_space<hbm>>
          tpu.wait_dma2 semaphore(%arg15 : memref<!tpu.dma_semaphore, #tpu.memory_space<semaphore_mem>>) src(%arg10 : memref<32x1024xf32, #tpu.memory_space<vmem>>) dst(%dma_wait3A_332 : memref<32x1024xf32, #tpu.memory_space<hbm>>)
        } else {
        }
        %eq3A_322 = arith.constant 31 : i32
        %eq3A_323 = arith.cmpi eq, %add3A, %eq3A_322 : i32
        %convert_element_type3A_324 = arith.extui %eq3A_323 : i1 to i32
        %cond3A_325 = arith.constant 0 : i32
        %cond3A_326 = arith.cmpi ne, %convert_element_type3A_324, %cond3A_325 : i32
        scf.if %cond3A_326 {
          %dma_wait3A_327 = arith.constant 0 : i32
          %dma_wait3A_328 = arith.constant 0 : i32
          %dma_wait3A_329 = tpu.memref_slice %arg10[%dma_wait3A_327, %dma_wait3A_328] : memref<32x1024xf32, #tpu.memory_space<vmem>> -> memref<8x1024xf32, #tpu.memory_space<vmem>>
          %dma_wait3A_330 = arith.constant 0 : i32
          %dma_wait3A_331 = tpu.memref_slice %arg5[%add3A_41, %mul3A_2, %dma_wait3A_330] : memref<50x1000x1024xf32, #tpu.memory_space<hbm>> -> memref<1x8x1024xf32, #tpu.memory_space<hbm>>
          %dma_wait3A_332 = tpu.memref_squeeze %dma_wait3A_331 : memref<1x8x1024xf32, #tpu.memory_space<hbm>> -> memref<8x1024xf32, #tpu.memory_space<hbm>>
          %dma_wait3A_333 = arith.constant 0 : i32
          %dma_wait3A_334 = tpu.memref_slice %arg5[%add3A_41, %mul3A_2, %dma_wait3A_333] : memref<50x1000x1024xf32, #tpu.memory_space<hbm>> -> memref<1x8x1024xf32, #tpu.memory_space<hbm>>
          %dma_wait3A_335 = tpu.memref_squeeze %dma_wait3A_334 : memref<1x8x1024xf32, #tpu.memory_space<hbm>> -> memref<8x1024xf32, #tpu.memory_space<hbm>>
          %dma_wait3A_336 = arith.constant 0 : i32
          %dma_wait3A_337 = arith.constant 0 : i32
          %dma_wait3A_338 = tpu.memref_slice %arg10[%dma_wait3A_336, %dma_wait3A_337] : memref<32x1024xf32, #tpu.memory_space<vmem>> -> memref<8x1024xf32, #tpu.memory_space<vmem>>
          tpu.wait_dma2 semaphore(%arg15 : memref<!tpu.dma_semaphore, #tpu.memory_space<semaphore_mem>>) src(%dma_wait3A_338 : memref<8x1024xf32, #tpu.memory_space<vmem>>) dst(%dma_wait3A_335 : memref<8x1024xf32, #tpu.memory_space<hbm>>)
        } else {
        }
      } else {
      }
      %broadcast_in_dim3A = arith.constant 0 : i32
      %broadcast_in_dim3A_51 = vector.broadcast %broadcast_in_dim3A : i32 to vector<16xi32>
      %add3A_52 = vector.broadcast %add3A_41 : i32 to vector<16xi32>
      %add3A_53 = arith.addi %broadcast_in_dim3A_51, %add3A_52 : vector<16xi32>
      %broadcast_in_dim3A_54 = arith.constant 0 : i32
      %broadcast_in_dim3A_55 = vector.broadcast %broadcast_in_dim3A_54 : i32 to vector<16xi32>
      %gather3A = tpu.vector_load_idx %arg7[%broadcast_in_dim3A_55, %add3A_53] : memref<32x64xf32, #tpu.memory_space<vmem>>[vector<16xi32>, vector<16xi32>], vector<16xf32>,
      %broadcast_in_dim3A_56 = arith.constant 1 : i32
      %broadcast_in_dim3A_57 = vector.broadcast %broadcast_in_dim3A_56 : i32 to vector<16xi32>
      %gather3A_58 = tpu.vector_load_idx %arg7[%broadcast_in_dim3A_57, %add3A_53] : memref<32x64xf32, #tpu.memory_space<vmem>>[vector<16xi32>, vector<16xi32>], vector<16xf32>,
      %broadcast_in_dim3A_59 = arith.constant 2 : i32
      %broadcast_in_dim3A_60 = vector.broadcast %broadcast_in_dim3A_59 : i32 to vector<16xi32>
      %gather3A_61 = tpu.vector_load_idx %arg7[%broadcast_in_dim3A_60, %add3A_53] : memref<32x64xf32, #tpu.memory_space<vmem>>[vector<16xi32>, vector<16xi32>], vector<16xf32>,
      %broadcast_in_dim3A_62 = arith.constant 3 : i32
      %broadcast_in_dim3A_63 = vector.broadcast %broadcast_in_dim3A_62 : i32 to vector<16xi32>
      %gather3A_64 = tpu.vector_load_idx %arg7[%broadcast_in_dim3A_63, %add3A_53] : memref<32x64xf32, #tpu.memory_space<vmem>>[vector<16xi32>, vector<16xi32>], vector<16xf32>,
      %broadcast_in_dim3A_65 = arith.constant 4 : i32
      %broadcast_in_dim3A_66 = vector.broadcast %broadcast_in_dim3A_65 : i32 to vector<16xi32>
      %gather3A_67 = tpu.vector_load_idx %arg7[%broadcast_in_dim3A_66, %add3A_53] : memref<32x64xf32, #tpu.memory_space<vmem>>[vector<16xi32>, vector<16xi32>], vector<16xf32>,
      %broadcast_in_dim3A_68 = arith.constant 5 : i32
      %broadcast_in_dim3A_69 = vector.broadcast %broadcast_in_dim3A_68 : i32 to vector<16xi32>
      %gather3A_70 = tpu.vector_load_idx %arg7[%broadcast_in_dim3A_69, %add3A_53] : memref<32x64xf32, #tpu.memory_space<vmem>>[vector<16xi32>, vector<16xi32>], vector<16xf32>,
      %broadcast_in_dim3A_71 = arith.constant 6 : i32
      %broadcast_in_dim3A_72 = vector.broadcast %broadcast_in_dim3A_71 : i32 to vector<16xi32>
      %gather3A_73 = tpu.vector_load_idx %arg7[%broadcast_in_dim3A_72, %add3A_53] : memref<32x64xf32, #tpu.memory_space<vmem>>[vector<16xi32>, vector<16xi32>], vector<16xf32>,
      %broadcast_in_dim3A_74 = arith.constant 7 : i32
      %broadcast_in_dim3A_75 = vector.broadcast %broadcast_in_dim3A_74 : i32 to vector<16xi32>
      %gather3A_76 = tpu.vector_load_idx %arg7[%broadcast_in_dim3A_75, %add3A_53] : memref<32x64xf32, #tpu.memory_space<vmem>>[vector<16xi32>, vector<16xi32>], vector<16xf32>,
      %parallel_loop3A = arith.constant 0 : i32
      %parallel_loop3A_77 = arith.constant 64 : i32
      %parallel_loop3A_78 = arith.constant 1 : i32
      scf.for %parallel_loop3A_317 = %parallel_loop3A to %parallel_loop3A_77 step %parallel_loop3A_78  : i32 {
        %parallel_loop3A_318 = arith.constant 16 : i32
        %parallel_loop3A_319 = arith.muli %parallel_loop3A_318, %parallel_loop3A_317 : i32
        %parallel_loop3A_320 = arith.index_cast %parallel_loop3A_319 : i32 to index
        %parallel_loop3A_321 = tpu.vector_load %arg8[%parallel_loop3A_320] {strides = array<i32>} : memref<1024xi32, #tpu.memory_space<vmem>>, vector<16xi32>,
        %parallel_loop3A_322 = arith.constant 0 : i32
        %parallel_loop3A_323 = vector.broadcast %parallel_loop3A_322 : i32 to vector<16xi32>
        %parallel_loop3A_324 = tpu.vector_load_idx %arg6[%parallel_loop3A_323, %parallel_loop3A_321] : memref<32x1024xf32, #tpu.memory_space<vmem>>[vector<16xi32>, vector<16xi32>], vector<16xf32>,
        %parallel_loop3A_325 = arith.addf %parallel_loop3A_324, %gather3A : vector<16xf32>
        %parallel_loop3A_326 = arith.constant 16 : i32
        %parallel_loop3A_327 = arith.muli %parallel_loop3A_326, %parallel_loop3A_317 : i32
        %parallel_loop3A_328 = arith.constant 0 : i32
        %parallel_loop3A_329 = arith.index_cast %parallel_loop3A_328 : i32 to index
        %parallel_loop3A_330 = arith.index_cast %parallel_loop3A_327 : i32 to index
        %parallel_loop3A_331 = tpu.vector_load %arg10[%parallel_loop3A_329, %parallel_loop3A_330] {strides = array<i32>} : memref<32x1024xf32, #tpu.memory_space<vmem>>, vector<16xf32>,
        tpu.vector_store %arg10[%parallel_loop3A_329, %parallel_loop3A_330], %parallel_loop3A_325 {strides = array<i32>} : memref<32x1024xf32, #tpu.memory_space<vmem>>, vector<16xf32>,
        %parallel_loop3A_332 = arith.constant 1 : i32
        %parallel_loop3A_333 = vector.broadcast %parallel_loop3A_332 : i32 to vector<16xi32>
        %parallel_loop3A_334 = tpu.vector_load_idx %arg6[%parallel_loop3A_333, %parallel_loop3A_321] : memref<32x1024xf32, #tpu.memory_space<vmem>>[vector<16xi32>, vector<16xi32>], vector<16xf32>,
        %parallel_loop3A_335 = arith.addf %parallel_loop3A_334, %gather3A_58 : vector<16xf32>
        %parallel_loop3A_336 = arith.constant 16 : i32
        %parallel_loop3A_337 = arith.muli %parallel_loop3A_336, %parallel_loop3A_317 : i32
        %parallel_loop3A_338 = arith.constant 1 : i32
        %parallel_loop3A_339 = arith.index_cast %parallel_loop3A_338 : i32 to index
        %parallel_loop3A_340 = arith.index_cast %parallel_loop3A_337 : i32 to index
        %parallel_loop3A_341 = tpu.vector_load %arg10[%parallel_loop3A_339, %parallel_loop3A_340] {strides = array<i32>} : memref<32x1024xf32, #tpu.memory_space<vmem>>, vector<16xf32>,
        tpu.vector_store %arg10[%parallel_loop3A_339, %parallel_loop3A_340], %parallel_loop3A_335 {strides = array<i32>} : memref<32x1024xf32, #tpu.memory_space<vmem>>, vector<16xf32>,
        %parallel_loop3A_342 = arith.constant 2 : i32
        %parallel_loop3A_343 = vector.broadcast %parallel_loop3A_342 : i32 to vector<16xi32>
        %parallel_loop3A_344 = tpu.vector_load_idx %arg6[%parallel_loop3A_343, %parallel_loop3A_321] : memref<32x1024xf32, #tpu.memory_space<vmem>>[vector<16xi32>, vector<16xi32>], vector<16xf32>,
        %parallel_loop3A_345 = arith.addf %parallel_loop3A_344, %gather3A_61 : vector<16xf32>
        %parallel_loop3A_346 = arith.constant 16 : i32
        %parallel_loop3A_347 = arith.muli %parallel_loop3A_346, %parallel_loop3A_317 : i32
        %parallel_loop3A_348 = arith.constant 2 : i32
        %parallel_loop3A_349 = arith.index_cast %parallel_loop3A_348 : i32 to index
        %parallel_loop3A_350 = arith.index_cast %parallel_loop3A_347 : i32 to index
        %parallel_loop3A_351 = tpu.vector_load %arg10[%parallel_loop3A_349, %parallel_loop3A_350] {strides = array<i32>} : memref<32x1024xf32, #tpu.memory_space<vmem>>, vector<16xf32>,
        tpu.vector_store %arg10[%parallel_loop3A_349, %parallel_loop3A_350], %parallel_loop3A_345 {strides = array<i32>} : memref<32x1024xf32, #tpu.memory_space<vmem>>, vector<16xf32>,
        %parallel_loop3A_352 = arith.constant 3 : i32
        %parallel_loop3A_353 = vector.broadcast %parallel_loop3A_352 : i32 to vector<16xi32>
        %parallel_loop3A_354 = tpu.vector_load_idx %arg6[%parallel_loop3A_353, %parallel_loop3A_321] : memref<32x1024xf32, #tpu.memory_space<vmem>>[vector<16xi32>, vector<16xi32>], vector<16xf32>,
        %parallel_loop3A_355 = arith.addf %parallel_loop3A_354, %gather3A_64 : vector<16xf32>
        %parallel_loop3A_356 = arith.constant 16 : i32
        %parallel_loop3A_357 = arith.muli %parallel_loop3A_356, %parallel_loop3A_317 : i32
        %parallel_loop3A_358 = arith.constant 3 : i32
        %parallel_loop3A_359 = arith.index_cast %parallel_loop3A_358 : i32 to index
        %parallel_loop3A_360 = arith.index_cast %parallel_loop3A_357 : i32 to index
        %parallel_loop3A_361 = tpu.vector_load %arg10[%parallel_loop3A_359, %parallel_loop3A_360] {strides = array<i32>} : memref<32x1024xf32, #tpu.memory_space<vmem>>, vector<16xf32>,
        tpu.vector_store %arg10[%parallel_loop3A_359, %parallel_loop3A_360], %parallel_loop3A_355 {strides = array<i32>} : memref<32x1024xf32, #tpu.memory_space<vmem>>, vector<16xf32>,
        %parallel_loop3A_362 = arith.constant 4 : i32
        %parallel_loop3A_363 = vector.broadcast %parallel_loop3A_362 : i32 to vector<16xi32>
        %parallel_loop3A_364 = tpu.vector_load_idx %arg6[%parallel_loop3A_363, %parallel_loop3A_321] : memref<32x1024xf32, #tpu.memory_space<vmem>>[vector<16xi32>, vector<16xi32>], vector<16xf32>,
        %parallel_loop3A_365 = arith.addf %parallel_loop3A_364, %gather3A_67 : vector<16xf32>
        %parallel_loop3A_366 = arith.constant 16 : i32
        %parallel_loop3A_367 = arith.muli %parallel_loop3A_366, %parallel_loop3A_317 : i32
        %parallel_loop3A_368 = arith.constant 4 : i32
        %parallel_loop3A_369 = arith.index_cast %parallel_loop3A_368 : i32 to index
        %parallel_loop3A_370 = arith.index_cast %parallel_loop3A_367 : i32 to index
        %parallel_loop3A_371 = tpu.vector_load %arg10[%parallel_loop3A_369, %parallel_loop3A_370] {strides = array<i32>} : memref<32x1024xf32, #tpu.memory_space<vmem>>, vector<16xf32>,
        tpu.vector_store %arg10[%parallel_loop3A_369, %parallel_loop3A_370], %parallel_loop3A_365 {strides = array<i32>} : memref<32x1024xf32, #tpu.memory_space<vmem>>, vector<16xf32>,
        %parallel_loop3A_372 = arith.constant 5 : i32
        %parallel_loop3A_373 = vector.broadcast %parallel_loop3A_372 : i32 to vector<16xi32>
        %parallel_loop3A_374 = tpu.vector_load_idx %arg6[%parallel_loop3A_373, %parallel_loop3A_321] : memref<32x1024xf32, #tpu.memory_space<vmem>>[vector<16xi32>, vector<16xi32>], vector<16xf32>,
        %parallel_loop3A_375 = arith.addf %parallel_loop3A_374, %gather3A_70 : vector<16xf32>
        %parallel_loop3A_376 = arith.constant 16 : i32
        %parallel_loop3A_377 = arith.muli %parallel_loop3A_376, %parallel_loop3A_317 : i32
        %parallel_loop3A_378 = arith.constant 5 : i32
        %parallel_loop3A_379 = arith.index_cast %parallel_loop3A_378 : i32 to index
        %parallel_loop3A_380 = arith.index_cast %parallel_loop3A_377 : i32 to index
        %parallel_loop3A_381 = tpu.vector_load %arg10[%parallel_loop3A_379, %parallel_loop3A_380] {strides = array<i32>} : memref<32x1024xf32, #tpu.memory_space<vmem>>, vector<16xf32>,
        tpu.vector_store %arg10[%parallel_loop3A_379, %parallel_loop3A_380], %parallel_loop3A_375 {strides = array<i32>} : memref<32x1024xf32, #tpu.memory_space<vmem>>, vector<16xf32>,
        %parallel_loop3A_382 = arith.constant 6 : i32
        %parallel_loop3A_383 = vector.broadcast %parallel_loop3A_382 : i32 to vector<16xi32>
        %parallel_loop3A_384 = tpu.vector_load_idx %arg6[%parallel_loop3A_383, %parallel_loop3A_321] : memref<32x1024xf32, #tpu.memory_space<vmem>>[vector<16xi32>, vector<16xi32>], vector<16xf32>,
        %parallel_loop3A_385 = arith.addf %parallel_loop3A_384, %gather3A_73 : vector<16xf32>
        %parallel_loop3A_386 = arith.constant 16 : i32
        %parallel_loop3A_387 = arith.muli %parallel_loop3A_386, %parallel_loop3A_317 : i32
        %parallel_loop3A_388 = arith.constant 6 : i32
        %parallel_loop3A_389 = arith.index_cast %parallel_loop3A_388 : i32 to index
        %parallel_loop3A_390 = arith.index_cast %parallel_loop3A_387 : i32 to index
        %parallel_loop3A_391 = tpu.vector_load %arg10[%parallel_loop3A_389, %parallel_loop3A_390] {strides = array<i32>} : memref<32x1024xf32, #tpu.memory_space<vmem>>, vector<16xf32>,
        tpu.vector_store %arg10[%parallel_loop3A_389, %parallel_loop3A_390], %parallel_loop3A_385 {strides = array<i32>} : memref<32x1024xf32, #tpu.memory_space<vmem>>, vector<16xf32>,
        %parallel_loop3A_392 = arith.constant 7 : i32
        %parallel_loop3A_393 = vector.broadcast %parallel_loop3A_392 : i32 to vector<16xi32>
        %parallel_loop3A_394 = tpu.vector_load_idx %arg6[%parallel_loop3A_393, %parallel_loop3A_321] : memref<32x1024xf32, #tpu.memory_space<vmem>>[vector<16xi32>, vector<16xi32>], vector<16xf32>,
        %parallel_loop3A_395 = arith.addf %parallel_loop3A_394, %gather3A_76 : vector<16xf32>
        %parallel_loop3A_396 = arith.constant 16 : i32
        %parallel_loop3A_397 = arith.muli %parallel_loop3A_396, %parallel_loop3A_317 : i32
        %parallel_loop3A_398 = arith.constant 7 : i32
        %parallel_loop3A_399 = arith.index_cast %parallel_loop3A_398 : i32 to index
        %parallel_loop3A_400 = arith.index_cast %parallel_loop3A_397 : i32 to index
        %parallel_loop3A_401 = tpu.vector_load %arg10[%parallel_loop3A_399, %parallel_loop3A_400] {strides = array<i32>} : memref<32x1024xf32, #tpu.memory_space<vmem>>, vector<16xf32>,
        tpu.vector_store %arg10[%parallel_loop3A_399, %parallel_loop3A_400], %parallel_loop3A_395 {strides = array<i32>} : memref<32x1024xf32, #tpu.memory_space<vmem>>, vector<16xf32>,
      } {sc.loop_unroll_factor = 1 : i64, sc.parallel_access}
      %broadcast_in_dim3A_79 = arith.constant 8 : i32
      %broadcast_in_dim3A_80 = vector.broadcast %broadcast_in_dim3A_79 : i32 to vector<16xi32>
      %gather3A_81 = tpu.vector_load_idx %arg7[%broadcast_in_dim3A_80, %add3A_53] : memref<32x64xf32, #tpu.memory_space<vmem>>[vector<16xi32>, vector<16xi32>], vector<16xf32>,
      %broadcast_in_dim3A_82 = arith.constant 9 : i32
      %broadcast_in_dim3A_83 = vector.broadcast %broadcast_in_dim3A_82 : i32 to vector<16xi32>
      %gather3A_84 = tpu.vector_load_idx %arg7[%broadcast_in_dim3A_83, %add3A_53] : memref<32x64xf32, #tpu.memory_space<vmem>>[vector<16xi32>, vector<16xi32>], vector<16xf32>,
      %broadcast_in_dim3A_85 = arith.constant 10 : i32
      %broadcast_in_dim3A_86 = vector.broadcast %broadcast_in_dim3A_85 : i32 to vector<16xi32>
      %gather3A_87 = tpu.vector_load_idx %arg7[%broadcast_in_dim3A_86, %add3A_53] : memref<32x64xf32, #tpu.memory_space<vmem>>[vector<16xi32>, vector<16xi32>], vector<16xf32>,
      %broadcast_in_dim3A_88 = arith.constant 11 : i32
      %broadcast_in_dim3A_89 = vector.broadcast %broadcast_in_dim3A_88 : i32 to vector<16xi32>
      %gather3A_90 = tpu.vector_load_idx %arg7[%broadcast_in_dim3A_89, %add3A_53] : memref<32x64xf32, #tpu.memory_space<vmem>>[vector<16xi32>, vector<16xi32>], vector<16xf32>,
      %broadcast_in_dim3A_91 = arith.constant 12 : i32
      %broadcast_in_dim3A_92 = vector.broadcast %broadcast_in_dim3A_91 : i32 to vector<16xi32>
      %gather3A_93 = tpu.vector_load_idx %arg7[%broadcast_in_dim3A_92, %add3A_53] : memref<32x64xf32, #tpu.memory_space<vmem>>[vector<16xi32>, vector<16xi32>], vector<16xf32>,
      %broadcast_in_dim3A_94 = arith.constant 13 : i32
      %broadcast_in_dim3A_95 = vector.broadcast %broadcast_in_dim3A_94 : i32 to vector<16xi32>
      %gather3A_96 = tpu.vector_load_idx %arg7[%broadcast_in_dim3A_95, %add3A_53] : memref<32x64xf32, #tpu.memory_space<vmem>>[vector<16xi32>, vector<16xi32>], vector<16xf32>,
      %broadcast_in_dim3A_97 = arith.constant 14 : i32
      %broadcast_in_dim3A_98 = vector.broadcast %broadcast_in_dim3A_97 : i32 to vector<16xi32>
      %gather3A_99 = tpu.vector_load_idx %arg7[%broadcast_in_dim3A_98, %add3A_53] : memref<32x64xf32, #tpu.memory_space<vmem>>[vector<16xi32>, vector<16xi32>], vector<16xf32>,
      %broadcast_in_dim3A_100 = arith.constant 15 : i32
      %broadcast_in_dim3A_101 = vector.broadcast %broadcast_in_dim3A_100 : i32 to vector<16xi32>
      %gather3A_102 = tpu.vector_load_idx %arg7[%broadcast_in_dim3A_101, %add3A_53] : memref<32x64xf32, #tpu.memory_space<vmem>>[vector<16xi32>, vector<16xi32>], vector<16xf32>,
      %parallel_loop3A_103 = arith.constant 0 : i32
      %parallel_loop3A_104 = arith.constant 64 : i32
      %parallel_loop3A_105 = arith.constant 1 : i32
      scf.for %parallel_loop3A_317 = %parallel_loop3A_103 to %parallel_loop3A_104 step %parallel_loop3A_105  : i32 {
        %parallel_loop3A_318 = arith.constant 16 : i32
        %parallel_loop3A_319 = arith.muli %parallel_loop3A_318, %parallel_loop3A_317 : i32
        %parallel_loop3A_320 = arith.index_cast %parallel_loop3A_319 : i32 to index
        %parallel_loop3A_321 = tpu.vector_load %arg8[%parallel_loop3A_320] {strides = array<i32>} : memref<1024xi32, #tpu.memory_space<vmem>>, vector<16xi32>,
        %parallel_loop3A_322 = arith.constant 8 : i32
        %parallel_loop3A_323 = vector.broadcast %parallel_loop3A_322 : i32 to vector<16xi32>
        %parallel_loop3A_324 = tpu.vector_load_idx %arg6[%parallel_loop3A_323, %parallel_loop3A_321] : memref<32x1024xf32, #tpu.memory_space<vmem>>[vector<16xi32>, vector<16xi32>], vector<16xf32>,
        %parallel_loop3A_325 = arith.addf %parallel_loop3A_324, %gather3A_81 : vector<16xf32>
        %parallel_loop3A_326 = arith.constant 16 : i32
        %parallel_loop3A_327 = arith.muli %parallel_loop3A_326, %parallel_loop3A_317 : i32
        %parallel_loop3A_328 = arith.constant 8 : i32
        %parallel_loop3A_329 = arith.index_cast %parallel_loop3A_328 : i32 to index
        %parallel_loop3A_330 = arith.index_cast %parallel_loop3A_327 : i32 to index
        %parallel_loop3A_331 = tpu.vector_load %arg10[%parallel_loop3A_329, %parallel_loop3A_330] {strides = array<i32>} : memref<32x1024xf32, #tpu.memory_space<vmem>>, vector<16xf32>,
        tpu.vector_store %arg10[%parallel_loop3A_329, %parallel_loop3A_330], %parallel_loop3A_325 {strides = array<i32>} : memref<32x1024xf32, #tpu.memory_space<vmem>>, vector<16xf32>,
        %parallel_loop3A_332 = arith.constant 9 : i32
        %parallel_loop3A_333 = vector.broadcast %parallel_loop3A_332 : i32 to vector<16xi32>
        %parallel_loop3A_334 = tpu.vector_load_idx %arg6[%parallel_loop3A_333, %parallel_loop3A_321] : memref<32x1024xf32, #tpu.memory_space<vmem>>[vector<16xi32>, vector<16xi32>], vector<16xf32>,
        %parallel_loop3A_335 = arith.addf %parallel_loop3A_334, %gather3A_84 : vector<16xf32>
        %parallel_loop3A_336 = arith.constant 16 : i32
        %parallel_loop3A_337 = arith.muli %parallel_loop3A_336, %parallel_loop3A_317 : i32
        %parallel_loop3A_338 = arith.constant 9 : i32
        %parallel_loop3A_339 = arith.index_cast %parallel_loop3A_338 : i32 to index
        %parallel_loop3A_340 = arith.index_cast %parallel_loop3A_337 : i32 to index
        %parallel_loop3A_341 = tpu.vector_load %arg10[%parallel_loop3A_339, %parallel_loop3A_340] {strides = array<i32>} : memref<32x1024xf32, #tpu.memory_space<vmem>>, vector<16xf32>,
        tpu.vector_store %arg10[%parallel_loop3A_339, %parallel_loop3A_340], %parallel_loop3A_335 {strides = array<i32>} : memref<32x1024xf32, #tpu.memory_space<vmem>>, vector<16xf32>,
        %parallel_loop3A_342 = arith.constant 10 : i32
        %parallel_loop3A_343 = vector.broadcast %parallel_loop3A_342 : i32 to vector<16xi32>
        %parallel_loop3A_344 = tpu.vector_load_idx %arg6[%parallel_loop3A_343, %parallel_loop3A_321] : memref<32x1024xf32, #tpu.memory_space<vmem>>[vector<16xi32>, vector<16xi32>], vector<16xf32>,
        %parallel_loop3A_345 = arith.addf %parallel_loop3A_344, %gather3A_87 : vector<16xf32>
        %parallel_loop3A_346 = arith.constant 16 : i32
        %parallel_loop3A_347 = arith.muli %parallel_loop3A_346, %parallel_loop3A_317 : i32
        %parallel_loop3A_348 = arith.constant 10 : i32
        %parallel_loop3A_349 = arith.index_cast %parallel_loop3A_348 : i32 to index
        %parallel_loop3A_350 = arith.index_cast %parallel_loop3A_347 : i32 to index
        %parallel_loop3A_351 = tpu.vector_load %arg10[%parallel_loop3A_349, %parallel_loop3A_350] {strides = array<i32>} : memref<32x1024xf32, #tpu.memory_space<vmem>>, vector<16xf32>,
        tpu.vector_store %arg10[%parallel_loop3A_349, %parallel_loop3A_350], %parallel_loop3A_345 {strides = array<i32>} : memref<32x1024xf32, #tpu.memory_space<vmem>>, vector<16xf32>,
        %parallel_loop3A_352 = arith.constant 11 : i32
        %parallel_loop3A_353 = vector.broadcast %parallel_loop3A_352 : i32 to vector<16xi32>
        %parallel_loop3A_354 = tpu.vector_load_idx %arg6[%parallel_loop3A_353, %parallel_loop3A_321] : memref<32x1024xf32, #tpu.memory_space<vmem>>[vector<16xi32>, vector<16xi32>], vector<16xf32>,
        %parallel_loop3A_355 = arith.addf %parallel_loop3A_354, %gather3A_90 : vector<16xf32>
        %parallel_loop3A_356 = arith.constant 16 : i32
        %parallel_loop3A_357 = arith.muli %parallel_loop3A_356, %parallel_loop3A_317 : i32
        %parallel_loop3A_358 = arith.constant 11 : i32
        %parallel_loop3A_359 = arith.index_cast %parallel_loop3A_358 : i32 to index
        %parallel_loop3A_360 = arith.index_cast %parallel_loop3A_357 : i32 to index
        %parallel_loop3A_361 = tpu.vector_load %arg10[%parallel_loop3A_359, %parallel_loop3A_360] {strides = array<i32>} : memref<32x1024xf32, #tpu.memory_space<vmem>>, vector<16xf32>,
        tpu.vector_store %arg10[%parallel_loop3A_359, %parallel_loop3A_360], %parallel_loop3A_355 {strides = array<i32>} : memref<32x1024xf32, #tpu.memory_space<vmem>>, vector<16xf32>,
        %parallel_loop3A_362 = arith.constant 12 : i32
        %parallel_loop3A_363 = vector.broadcast %parallel_loop3A_362 : i32 to vector<16xi32>
        %parallel_loop3A_364 = tpu.vector_load_idx %arg6[%parallel_loop3A_363, %parallel_loop3A_321] : memref<32x1024xf32, #tpu.memory_space<vmem>>[vector<16xi32>, vector<16xi32>], vector<16xf32>,
        %parallel_loop3A_365 = arith.addf %parallel_loop3A_364, %gather3A_93 : vector<16xf32>
        %parallel_loop3A_366 = arith.constant 16 : i32
        %parallel_loop3A_367 = arith.muli %parallel_loop3A_366, %parallel_loop3A_317 : i32
        %parallel_loop3A_368 = arith.constant 12 : i32
        %parallel_loop3A_369 = arith.index_cast %parallel_loop3A_368 : i32 to index
        %parallel_loop3A_370 = arith.index_cast %parallel_loop3A_367 : i32 to index
        %parallel_loop3A_371 = tpu.vector_load %arg10[%parallel_loop3A_369, %parallel_loop3A_370] {strides = array<i32>} : memref<32x1024xf32, #tpu.memory_space<vmem>>, vector<16xf32>,
        tpu.vector_store %arg10[%parallel_loop3A_369, %parallel_loop3A_370], %parallel_loop3A_365 {strides = array<i32>} : memref<32x1024xf32, #tpu.memory_space<vmem>>, vector<16xf32>,
        %parallel_loop3A_372 = arith.constant 13 : i32
        %parallel_loop3A_373 = vector.broadcast %parallel_loop3A_372 : i32 to vector<16xi32>
        %parallel_loop3A_374 = tpu.vector_load_idx %arg6[%parallel_loop3A_373, %parallel_loop3A_321] : memref<32x1024xf32, #tpu.memory_space<vmem>>[vector<16xi32>, vector<16xi32>], vector<16xf32>,
        %parallel_loop3A_375 = arith.addf %parallel_loop3A_374, %gather3A_96 : vector<16xf32>
        %parallel_loop3A_376 = arith.constant 16 : i32
        %parallel_loop3A_377 = arith.muli %parallel_loop3A_376, %parallel_loop3A_317 : i32
        %parallel_loop3A_378 = arith.constant 13 : i32
        %parallel_loop3A_379 = arith.index_cast %parallel_loop3A_378 : i32 to index
        %parallel_loop3A_380 = arith.index_cast %parallel_loop3A_377 : i32 to index
        %parallel_loop3A_381 = tpu.vector_load %arg10[%parallel_loop3A_379, %parallel_loop3A_380] {strides = array<i32>} : memref<32x1024xf32, #tpu.memory_space<vmem>>, vector<16xf32>,
        tpu.vector_store %arg10[%parallel_loop3A_379, %parallel_loop3A_380], %parallel_loop3A_375 {strides = array<i32>} : memref<32x1024xf32, #tpu.memory_space<vmem>>, vector<16xf32>,
        %parallel_loop3A_382 = arith.constant 14 : i32
        %parallel_loop3A_383 = vector.broadcast %parallel_loop3A_382 : i32 to vector<16xi32>
        %parallel_loop3A_384 = tpu.vector_load_idx %arg6[%parallel_loop3A_383, %parallel_loop3A_321] : memref<32x1024xf32, #tpu.memory_space<vmem>>[vector<16xi32>, vector<16xi32>], vector<16xf32>,
        %parallel_loop3A_385 = arith.addf %parallel_loop3A_384, %gather3A_99 : vector<16xf32>
        %parallel_loop3A_386 = arith.constant 16 : i32
        %parallel_loop3A_387 = arith.muli %parallel_loop3A_386, %parallel_loop3A_317 : i32
        %parallel_loop3A_388 = arith.constant 14 : i32
        %parallel_loop3A_389 = arith.index_cast %parallel_loop3A_388 : i32 to index
        %parallel_loop3A_390 = arith.index_cast %parallel_loop3A_387 : i32 to index
        %parallel_loop3A_391 = tpu.vector_load %arg10[%parallel_loop3A_389, %parallel_loop3A_390] {strides = array<i32>} : memref<32x1024xf32, #tpu.memory_space<vmem>>, vector<16xf32>,
        tpu.vector_store %arg10[%parallel_loop3A_389, %parallel_loop3A_390], %parallel_loop3A_385 {strides = array<i32>} : memref<32x1024xf32, #tpu.memory_space<vmem>>, vector<16xf32>,
        %parallel_loop3A_392 = arith.constant 15 : i32
        %parallel_loop3A_393 = vector.broadcast %parallel_loop3A_392 : i32 to vector<16xi32>
        %parallel_loop3A_394 = tpu.vector_load_idx %arg6[%parallel_loop3A_393, %parallel_loop3A_321] : memref<32x1024xf32, #tpu.memory_space<vmem>>[vector<16xi32>, vector<16xi32>], vector<16xf32>,
        %parallel_loop3A_395 = arith.addf %parallel_loop3A_394, %gather3A_102 : vector<16xf32>
        %parallel_loop3A_396 = arith.constant 16 : i32
        %parallel_loop3A_397 = arith.muli %parallel_loop3A_396, %parallel_loop3A_317 : i32
        %parallel_loop3A_398 = arith.constant 15 : i32
        %parallel_loop3A_399 = arith.index_cast %parallel_loop3A_398 : i32 to index
        %parallel_loop3A_400 = arith.index_cast %parallel_loop3A_397 : i32 to index
        %parallel_loop3A_401 = tpu.vector_load %arg10[%parallel_loop3A_399, %parallel_loop3A_400] {strides = array<i32>} : memref<32x1024xf32, #tpu.memory_space<vmem>>, vector<16xf32>,
        tpu.vector_store %arg10[%parallel_loop3A_399, %parallel_loop3A_400], %parallel_loop3A_395 {strides = array<i32>} : memref<32x1024xf32, #tpu.memory_space<vmem>>, vector<16xf32>,
      } {sc.loop_unroll_factor = 1 : i64, sc.parallel_access}
      %broadcast_in_dim3A_106 = arith.constant 16 : i32
      %broadcast_in_dim3A_107 = vector.broadcast %broadcast_in_dim3A_106 : i32 to vector<16xi32>
      %gather3A_108 = tpu.vector_load_idx %arg7[%broadcast_in_dim3A_107, %add3A_53] : memref<32x64xf32, #tpu.memory_space<vmem>>[vector<16xi32>, vector<16xi32>], vector<16xf32>,
      %broadcast_in_dim3A_109 = arith.constant 17 : i32
      %broadcast_in_dim3A_110 = vector.broadcast %broadcast_in_dim3A_109 : i32 to vector<16xi32>
      %gather3A_111 = tpu.vector_load_idx %arg7[%broadcast_in_dim3A_110, %add3A_53] : memref<32x64xf32, #tpu.memory_space<vmem>>[vector<16xi32>, vector<16xi32>], vector<16xf32>,
      %broadcast_in_dim3A_112 = arith.constant 18 : i32
      %broadcast_in_dim3A_113 = vector.broadcast %broadcast_in_dim3A_112 : i32 to vector<16xi32>
      %gather3A_114 = tpu.vector_load_idx %arg7[%broadcast_in_dim3A_113, %add3A_53] : memref<32x64xf32, #tpu.memory_space<vmem>>[vector<16xi32>, vector<16xi32>], vector<16xf32>,
      %broadcast_in_dim3A_115 = arith.constant 19 : i32
      %broadcast_in_dim3A_116 = vector.broadcast %broadcast_in_dim3A_115 : i32 to vector<16xi32>
      %gather3A_117 = tpu.vector_load_idx %arg7[%broadcast_in_dim3A_116, %add3A_53] : memref<32x64xf32, #tpu.memory_space<vmem>>[vector<16xi32>, vector<16xi32>], vector<16xf32>,
      %broadcast_in_dim3A_118 = arith.constant 20 : i32
      %broadcast_in_dim3A_119 = vector.broadcast %broadcast_in_dim3A_118 : i32 to vector<16xi32>
      %gather3A_120 = tpu.vector_load_idx %arg7[%broadcast_in_dim3A_119, %add3A_53] : memref<32x64xf32, #tpu.memory_space<vmem>>[vector<16xi32>, vector<16xi32>], vector<16xf32>,
      %broadcast_in_dim3A_121 = arith.constant 21 : i32
      %broadcast_in_dim3A_122 = vector.broadcast %broadcast_in_dim3A_121 : i32 to vector<16xi32>
      %gather3A_123 = tpu.vector_load_idx %arg7[%broadcast_in_dim3A_122, %add3A_53] : memref<32x64xf32, #tpu.memory_space<vmem>>[vector<16xi32>, vector<16xi32>], vector<16xf32>,
      %broadcast_in_dim3A_124 = arith.constant 22 : i32
      %broadcast_in_dim3A_125 = vector.broadcast %broadcast_in_dim3A_124 : i32 to vector<16xi32>
      %gather3A_126 = tpu.vector_load_idx %arg7[%broadcast_in_dim3A_125, %add3A_53] : memref<32x64xf32, #tpu.memory_space<vmem>>[vector<16xi32>, vector<16xi32>], vector<16xf32>,
      %broadcast_in_dim3A_127 = arith.constant 23 : i32
      %broadcast_in_dim3A_128 = vector.broadcast %broadcast_in_dim3A_127 : i32 to vector<16xi32>
      %gather3A_129 = tpu.vector_load_idx %arg7[%broadcast_in_dim3A_128, %add3A_53] : memref<32x64xf32, #tpu.memory_space<vmem>>[vector<16xi32>, vector<16xi32>], vector<16xf32>,
      %parallel_loop3A_130 = arith.constant 0 : i32
      %parallel_loop3A_131 = arith.constant 64 : i32
      %parallel_loop3A_132 = arith.constant 1 : i32
      scf.for %parallel_loop3A_317 = %parallel_loop3A_130 to %parallel_loop3A_131 step %parallel_loop3A_132  : i32 {
        %parallel_loop3A_318 = arith.constant 16 : i32
        %parallel_loop3A_319 = arith.muli %parallel_loop3A_318, %parallel_loop3A_317 : i32
        %parallel_loop3A_320 = arith.index_cast %parallel_loop3A_319 : i32 to index
        %parallel_loop3A_321 = tpu.vector_load %arg8[%parallel_loop3A_320] {strides = array<i32>} : memref<1024xi32, #tpu.memory_space<vmem>>, vector<16xi32>,
        %parallel_loop3A_322 = arith.constant 16 : i32
        %parallel_loop3A_323 = vector.broadcast %parallel_loop3A_322 : i32 to vector<16xi32>
        %parallel_loop3A_324 = tpu.vector_load_idx %arg6[%parallel_loop3A_323, %parallel_loop3A_321] : memref<32x1024xf32, #tpu.memory_space<vmem>>[vector<16xi32>, vector<16xi32>], vector<16xf32>,
        %parallel_loop3A_325 = arith.addf %parallel_loop3A_324, %gather3A_108 : vector<16xf32>
        %parallel_loop3A_326 = arith.constant 16 : i32
        %parallel_loop3A_327 = arith.muli %parallel_loop3A_326, %parallel_loop3A_317 : i32
        %parallel_loop3A_328 = arith.constant 16 : i32
        %parallel_loop3A_329 = arith.index_cast %parallel_loop3A_328 : i32 to index
        %parallel_loop3A_330 = arith.index_cast %parallel_loop3A_327 : i32 to index
        %parallel_loop3A_331 = tpu.vector_load %arg10[%parallel_loop3A_329, %parallel_loop3A_330] {strides = array<i32>} : memref<32x1024xf32, #tpu.memory_space<vmem>>, vector<16xf32>,
        tpu.vector_store %arg10[%parallel_loop3A_329, %parallel_loop3A_330], %parallel_loop3A_325 {strides = array<i32>} : memref<32x1024xf32, #tpu.memory_space<vmem>>, vector<16xf32>,
        %parallel_loop3A_332 = arith.constant 17 : i32
        %parallel_loop3A_333 = vector.broadcast %parallel_loop3A_332 : i32 to vector<16xi32>
        %parallel_loop3A_334 = tpu.vector_load_idx %arg6[%parallel_loop3A_333, %parallel_loop3A_321] : memref<32x1024xf32, #tpu.memory_space<vmem>>[vector<16xi32>, vector<16xi32>], vector<16xf32>,
        %parallel_loop3A_335 = arith.addf %parallel_loop3A_334, %gather3A_111 : vector<16xf32>
        %parallel_loop3A_336 = arith.constant 16 : i32
        %parallel_loop3A_337 = arith.muli %parallel_loop3A_336, %parallel_loop3A_317 : i32
        %parallel_loop3A_338 = arith.constant 17 : i32
        %parallel_loop3A_339 = arith.index_cast %parallel_loop3A_338 : i32 to index
        %parallel_loop3A_340 = arith.index_cast %parallel_loop3A_337 : i32 to index
        %parallel_loop3A_341 = tpu.vector_load %arg10[%parallel_loop3A_339, %parallel_loop3A_340] {strides = array<i32>} : memref<32x1024xf32, #tpu.memory_space<vmem>>, vector<16xf32>,
        tpu.vector_store %arg10[%parallel_loop3A_339, %parallel_loop3A_340], %parallel_loop3A_335 {strides = array<i32>} : memref<32x1024xf32, #tpu.memory_space<vmem>>, vector<16xf32>,
        %parallel_loop3A_342 = arith.constant 18 : i32
        %parallel_loop3A_343 = vector.broadcast %parallel_loop3A_342 : i32 to vector<16xi32>
        %parallel_loop3A_344 = tpu.vector_load_idx %arg6[%parallel_loop3A_343, %parallel_loop3A_321] : memref<32x1024xf32, #tpu.memory_space<vmem>>[vector<16xi32>, vector<16xi32>], vector<16xf32>,
        %parallel_loop3A_345 = arith.addf %parallel_loop3A_344, %gather3A_114 : vector<16xf32>
        %parallel_loop3A_346 = arith.constant 16 : i32
        %parallel_loop3A_347 = arith.muli %parallel_loop3A_346, %parallel_loop3A_317 : i32
        %parallel_loop3A_348 = arith.constant 18 : i32
        %parallel_loop3A_349 = arith.index_cast %parallel_loop3A_348 : i32 to index
        %parallel_loop3A_350 = arith.index_cast %parallel_loop3A_347 : i32 to index
        %parallel_loop3A_351 = tpu.vector_load %arg10[%parallel_loop3A_349, %parallel_loop3A_350] {strides = array<i32>} : memref<32x1024xf32, #tpu.memory_space<vmem>>, vector<16xf32>,
        tpu.vector_store %arg10[%parallel_loop3A_349, %parallel_loop3A_350], %parallel_loop3A_345 {strides = array<i32>} : memref<32x1024xf32, #tpu.memory_space<vmem>>, vector<16xf32>,
        %parallel_loop3A_352 = arith.constant 19 : i32
        %parallel_loop3A_353 = vector.broadcast %parallel_loop3A_352 : i32 to vector<16xi32>
        %parallel_loop3A_354 = tpu.vector_load_idx %arg6[%parallel_loop3A_353, %parallel_loop3A_321] : memref<32x1024xf32, #tpu.memory_space<vmem>>[vector<16xi32>, vector<16xi32>], vector<16xf32>,
        %parallel_loop3A_355 = arith.addf %parallel_loop3A_354, %gather3A_117 : vector<16xf32>
        %parallel_loop3A_356 = arith.constant 16 : i32
        %parallel_loop3A_357 = arith.muli %parallel_loop3A_356, %parallel_loop3A_317 : i32
        %parallel_loop3A_358 = arith.constant 19 : i32
        %parallel_loop3A_359 = arith.index_cast %parallel_loop3A_358 : i32 to index
        %parallel_loop3A_360 = arith.index_cast %parallel_loop3A_357 : i32 to index
        %parallel_loop3A_361 = tpu.vector_load %arg10[%parallel_loop3A_359, %parallel_loop3A_360] {strides = array<i32>} : memref<32x1024xf32, #tpu.memory_space<vmem>>, vector<16xf32>,
        tpu.vector_store %arg10[%parallel_loop3A_359, %parallel_loop3A_360], %parallel_loop3A_355 {strides = array<i32>} : memref<32x1024xf32, #tpu.memory_space<vmem>>, vector<16xf32>,
        %parallel_loop3A_362 = arith.constant 20 : i32
        %parallel_loop3A_363 = vector.broadcast %parallel_loop3A_362 : i32 to vector<16xi32>
        %parallel_loop3A_364 = tpu.vector_load_idx %arg6[%parallel_loop3A_363, %parallel_loop3A_321] : memref<32x1024xf32, #tpu.memory_space<vmem>>[vector<16xi32>, vector<16xi32>], vector<16xf32>,
        %parallel_loop3A_365 = arith.addf %parallel_loop3A_364, %gather3A_120 : vector<16xf32>
        %parallel_loop3A_366 = arith.constant 16 : i32
        %parallel_loop3A_367 = arith.muli %parallel_loop3A_366, %parallel_loop3A_317 : i32
        %parallel_loop3A_368 = arith.constant 20 : i32
        %parallel_loop3A_369 = arith.index_cast %parallel_loop3A_368 : i32 to index
        %parallel_loop3A_370 = arith.index_cast %parallel_loop3A_367 : i32 to index
        %parallel_loop3A_371 = tpu.vector_load %arg10[%parallel_loop3A_369, %parallel_loop3A_370] {strides = array<i32>} : memref<32x1024xf32, #tpu.memory_space<vmem>>, vector<16xf32>,
        tpu.vector_store %arg10[%parallel_loop3A_369, %parallel_loop3A_370], %parallel_loop3A_365 {strides = array<i32>} : memref<32x1024xf32, #tpu.memory_space<vmem>>, vector<16xf32>,
        %parallel_loop3A_372 = arith.constant 21 : i32
        %parallel_loop3A_373 = vector.broadcast %parallel_loop3A_372 : i32 to vector<16xi32>
        %parallel_loop3A_374 = tpu.vector_load_idx %arg6[%parallel_loop3A_373, %parallel_loop3A_321] : memref<32x1024xf32, #tpu.memory_space<vmem>>[vector<16xi32>, vector<16xi32>], vector<16xf32>,
        %parallel_loop3A_375 = arith.addf %parallel_loop3A_374, %gather3A_123 : vector<16xf32>
        %parallel_loop3A_376 = arith.constant 16 : i32
        %parallel_loop3A_377 = arith.muli %parallel_loop3A_376, %parallel_loop3A_317 : i32
        %parallel_loop3A_378 = arith.constant 21 : i32
        %parallel_loop3A_379 = arith.index_cast %parallel_loop3A_378 : i32 to index
        %parallel_loop3A_380 = arith.index_cast %parallel_loop3A_377 : i32 to index
        %parallel_loop3A_381 = tpu.vector_load %arg10[%parallel_loop3A_379, %parallel_loop3A_380] {strides = array<i32>} : memref<32x1024xf32, #tpu.memory_space<vmem>>, vector<16xf32>,
        tpu.vector_store %arg10[%parallel_loop3A_379, %parallel_loop3A_380], %parallel_loop3A_375 {strides = array<i32>} : memref<32x1024xf32, #tpu.memory_space<vmem>>, vector<16xf32>,
        %parallel_loop3A_382 = arith.constant 22 : i32
        %parallel_loop3A_383 = vector.broadcast %parallel_loop3A_382 : i32 to vector<16xi32>
        %parallel_loop3A_384 = tpu.vector_load_idx %arg6[%parallel_loop3A_383, %parallel_loop3A_321] : memref<32x1024xf32, #tpu.memory_space<vmem>>[vector<16xi32>, vector<16xi32>], vector<16xf32>,
        %parallel_loop3A_385 = arith.addf %parallel_loop3A_384, %gather3A_126 : vector<16xf32>
        %parallel_loop3A_386 = arith.constant 16 : i32
        %parallel_loop3A_387 = arith.muli %parallel_loop3A_386, %parallel_loop3A_317 : i32
        %parallel_loop3A_388 = arith.constant 22 : i32
        %parallel_loop3A_389 = arith.index_cast %parallel_loop3A_388 : i32 to index
        %parallel_loop3A_390 = arith.index_cast %parallel_loop3A_387 : i32 to index
        %parallel_loop3A_391 = tpu.vector_load %arg10[%parallel_loop3A_389, %parallel_loop3A_390] {strides = array<i32>} : memref<32x1024xf32, #tpu.memory_space<vmem>>, vector<16xf32>,
        tpu.vector_store %arg10[%parallel_loop3A_389, %parallel_loop3A_390], %parallel_loop3A_385 {strides = array<i32>} : memref<32x1024xf32, #tpu.memory_space<vmem>>, vector<16xf32>,
        %parallel_loop3A_392 = arith.constant 23 : i32
        %parallel_loop3A_393 = vector.broadcast %parallel_loop3A_392 : i32 to vector<16xi32>
        %parallel_loop3A_394 = tpu.vector_load_idx %arg6[%parallel_loop3A_393, %parallel_loop3A_321] : memref<32x1024xf32, #tpu.memory_space<vmem>>[vector<16xi32>, vector<16xi32>], vector<16xf32>,
        %parallel_loop3A_395 = arith.addf %parallel_loop3A_394, %gather3A_129 : vector<16xf32>
        %parallel_loop3A_396 = arith.constant 16 : i32
        %parallel_loop3A_397 = arith.muli %parallel_loop3A_396, %parallel_loop3A_317 : i32
        %parallel_loop3A_398 = arith.constant 23 : i32
        %parallel_loop3A_399 = arith.index_cast %parallel_loop3A_398 : i32 to index
        %parallel_loop3A_400 = arith.index_cast %parallel_loop3A_397 : i32 to index
        %parallel_loop3A_401 = tpu.vector_load %arg10[%parallel_loop3A_399, %parallel_loop3A_400] {strides = array<i32>} : memref<32x1024xf32, #tpu.memory_space<vmem>>, vector<16xf32>,
        tpu.vector_store %arg10[%parallel_loop3A_399, %parallel_loop3A_400], %parallel_loop3A_395 {strides = array<i32>} : memref<32x1024xf32, #tpu.memory_space<vmem>>, vector<16xf32>,
      } {sc.loop_unroll_factor = 1 : i64, sc.parallel_access}
      %broadcast_in_dim3A_133 = arith.constant 24 : i32
      %broadcast_in_dim3A_134 = vector.broadcast %broadcast_in_dim3A_133 : i32 to vector<16xi32>
      %gather3A_135 = tpu.vector_load_idx %arg7[%broadcast_in_dim3A_134, %add3A_53] : memref<32x64xf32, #tpu.memory_space<vmem>>[vector<16xi32>, vector<16xi32>], vector<16xf32>,
      %broadcast_in_dim3A_136 = arith.constant 25 : i32
      %broadcast_in_dim3A_137 = vector.broadcast %broadcast_in_dim3A_136 : i32 to vector<16xi32>
      %gather3A_138 = tpu.vector_load_idx %arg7[%broadcast_in_dim3A_137, %add3A_53] : memref<32x64xf32, #tpu.memory_space<vmem>>[vector<16xi32>, vector<16xi32>], vector<16xf32>,
      %broadcast_in_dim3A_139 = arith.constant 26 : i32
      %broadcast_in_dim3A_140 = vector.broadcast %broadcast_in_dim3A_139 : i32 to vector<16xi32>
      %gather3A_141 = tpu.vector_load_idx %arg7[%broadcast_in_dim3A_140, %add3A_53] : memref<32x64xf32, #tpu.memory_space<vmem>>[vector<16xi32>, vector<16xi32>], vector<16xf32>,
      %broadcast_in_dim3A_142 = arith.constant 27 : i32
      %broadcast_in_dim3A_143 = vector.broadcast %broadcast_in_dim3A_142 : i32 to vector<16xi32>
      %gather3A_144 = tpu.vector_load_idx %arg7[%broadcast_in_dim3A_143, %add3A_53] : memref<32x64xf32, #tpu.memory_space<vmem>>[vector<16xi32>, vector<16xi32>], vector<16xf32>,
      %broadcast_in_dim3A_145 = arith.constant 28 : i32
      %broadcast_in_dim3A_146 = vector.broadcast %broadcast_in_dim3A_145 : i32 to vector<16xi32>
      %gather3A_147 = tpu.vector_load_idx %arg7[%broadcast_in_dim3A_146, %add3A_53] : memref<32x64xf32, #tpu.memory_space<vmem>>[vector<16xi32>, vector<16xi32>], vector<16xf32>,
      %broadcast_in_dim3A_148 = arith.constant 29 : i32
      %broadcast_in_dim3A_149 = vector.broadcast %broadcast_in_dim3A_148 : i32 to vector<16xi32>
      %gather3A_150 = tpu.vector_load_idx %arg7[%broadcast_in_dim3A_149, %add3A_53] : memref<32x64xf32, #tpu.memory_space<vmem>>[vector<16xi32>, vector<16xi32>], vector<16xf32>,
      %broadcast_in_dim3A_151 = arith.constant 30 : i32
      %broadcast_in_dim3A_152 = vector.broadcast %broadcast_in_dim3A_151 : i32 to vector<16xi32>
      %gather3A_153 = tpu.vector_load_idx %arg7[%broadcast_in_dim3A_152, %add3A_53] : memref<32x64xf32, #tpu.memory_space<vmem>>[vector<16xi32>, vector<16xi32>], vector<16xf32>,
      %broadcast_in_dim3A_154 = arith.constant 31 : i32
      %broadcast_in_dim3A_155 = vector.broadcast %broadcast_in_dim3A_154 : i32 to vector<16xi32>
      %gather3A_156 = tpu.vector_load_idx %arg7[%broadcast_in_dim3A_155, %add3A_53] : memref<32x64xf32, #tpu.memory_space<vmem>>[vector<16xi32>, vector<16xi32>], vector<16xf32>,
      %parallel_loop3A_157 = arith.constant 0 : i32
      %parallel_loop3A_158 = arith.constant 64 : i32
      %parallel_loop3A_159 = arith.constant 1 : i32
      scf.for %parallel_loop3A_317 = %parallel_loop3A_157 to %parallel_loop3A_158 step %parallel_loop3A_159  : i32 {
        %parallel_loop3A_318 = arith.constant 16 : i32
        %parallel_loop3A_319 = arith.muli %parallel_loop3A_318, %parallel_loop3A_317 : i32
        %parallel_loop3A_320 = arith.index_cast %parallel_loop3A_319 : i32 to index
        %parallel_loop3A_321 = tpu.vector_load %arg8[%parallel_loop3A_320] {strides = array<i32>} : memref<1024xi32, #tpu.memory_space<vmem>>, vector<16xi32>,
        %parallel_loop3A_322 = arith.constant 24 : i32
        %parallel_loop3A_323 = vector.broadcast %parallel_loop3A_322 : i32 to vector<16xi32>
        %parallel_loop3A_324 = tpu.vector_load_idx %arg6[%parallel_loop3A_323, %parallel_loop3A_321] : memref<32x1024xf32, #tpu.memory_space<vmem>>[vector<16xi32>, vector<16xi32>], vector<16xf32>,
        %parallel_loop3A_325 = arith.addf %parallel_loop3A_324, %gather3A_135 : vector<16xf32>
        %parallel_loop3A_326 = arith.constant 16 : i32
        %parallel_loop3A_327 = arith.muli %parallel_loop3A_326, %parallel_loop3A_317 : i32
        %parallel_loop3A_328 = arith.constant 24 : i32
        %parallel_loop3A_329 = arith.index_cast %parallel_loop3A_328 : i32 to index
        %parallel_loop3A_330 = arith.index_cast %parallel_loop3A_327 : i32 to index
        %parallel_loop3A_331 = tpu.vector_load %arg10[%parallel_loop3A_329, %parallel_loop3A_330] {strides = array<i32>} : memref<32x1024xf32, #tpu.memory_space<vmem>>, vector<16xf32>,
        tpu.vector_store %arg10[%parallel_loop3A_329, %parallel_loop3A_330], %parallel_loop3A_325 {strides = array<i32>} : memref<32x1024xf32, #tpu.memory_space<vmem>>, vector<16xf32>,
        %parallel_loop3A_332 = arith.constant 25 : i32
        %parallel_loop3A_333 = vector.broadcast %parallel_loop3A_332 : i32 to vector<16xi32>
        %parallel_loop3A_334 = tpu.vector_load_idx %arg6[%parallel_loop3A_333, %parallel_loop3A_321] : memref<32x1024xf32, #tpu.memory_space<vmem>>[vector<16xi32>, vector<16xi32>], vector<16xf32>,
        %parallel_loop3A_335 = arith.addf %parallel_loop3A_334, %gather3A_138 : vector<16xf32>
        %parallel_loop3A_336 = arith.constant 16 : i32
        %parallel_loop3A_337 = arith.muli %parallel_loop3A_336, %parallel_loop3A_317 : i32
        %parallel_loop3A_338 = arith.constant 25 : i32
        %parallel_loop3A_339 = arith.index_cast %parallel_loop3A_338 : i32 to index
        %parallel_loop3A_340 = arith.index_cast %parallel_loop3A_337 : i32 to index
        %parallel_loop3A_341 = tpu.vector_load %arg10[%parallel_loop3A_339, %parallel_loop3A_340] {strides = array<i32>} : memref<32x1024xf32, #tpu.memory_space<vmem>>, vector<16xf32>,
        tpu.vector_store %arg10[%parallel_loop3A_339, %parallel_loop3A_340], %parallel_loop3A_335 {strides = array<i32>} : memref<32x1024xf32, #tpu.memory_space<vmem>>, vector<16xf32>,
        %parallel_loop3A_342 = arith.constant 26 : i32
        %parallel_loop3A_343 = vector.broadcast %parallel_loop3A_342 : i32 to vector<16xi32>
        %parallel_loop3A_344 = tpu.vector_load_idx %arg6[%parallel_loop3A_343, %parallel_loop3A_321] : memref<32x1024xf32, #tpu.memory_space<vmem>>[vector<16xi32>, vector<16xi32>], vector<16xf32>,
        %parallel_loop3A_345 = arith.addf %parallel_loop3A_344, %gather3A_141 : vector<16xf32>
        %parallel_loop3A_346 = arith.constant 16 : i32
        %parallel_loop3A_347 = arith.muli %parallel_loop3A_346, %parallel_loop3A_317 : i32
        %parallel_loop3A_348 = arith.constant 26 : i32
        %parallel_loop3A_349 = arith.index_cast %parallel_loop3A_348 : i32 to index
        %parallel_loop3A_350 = arith.index_cast %parallel_loop3A_347 : i32 to index
        %parallel_loop3A_351 = tpu.vector_load %arg10[%parallel_loop3A_349, %parallel_loop3A_350] {strides = array<i32>} : memref<32x1024xf32, #tpu.memory_space<vmem>>, vector<16xf32>,
        tpu.vector_store %arg10[%parallel_loop3A_349, %parallel_loop3A_350], %parallel_loop3A_345 {strides = array<i32>} : memref<32x1024xf32, #tpu.memory_space<vmem>>, vector<16xf32>,
        %parallel_loop3A_352 = arith.constant 27 : i32
        %parallel_loop3A_353 = vector.broadcast %parallel_loop3A_352 : i32 to vector<16xi32>
        %parallel_loop3A_354 = tpu.vector_load_idx %arg6[%parallel_loop3A_353, %parallel_loop3A_321] : memref<32x1024xf32, #tpu.memory_space<vmem>>[vector<16xi32>, vector<16xi32>], vector<16xf32>,
        %parallel_loop3A_355 = arith.addf %parallel_loop3A_354, %gather3A_144 : vector<16xf32>
        %parallel_loop3A_356 = arith.constant 16 : i32
        %parallel_loop3A_357 = arith.muli %parallel_loop3A_356, %parallel_loop3A_317 : i32
        %parallel_loop3A_358 = arith.constant 27 : i32
        %parallel_loop3A_359 = arith.index_cast %parallel_loop3A_358 : i32 to index
        %parallel_loop3A_360 = arith.index_cast %parallel_loop3A_357 : i32 to index
        %parallel_loop3A_361 = tpu.vector_load %arg10[%parallel_loop3A_359, %parallel_loop3A_360] {strides = array<i32>} : memref<32x1024xf32, #tpu.memory_space<vmem>>, vector<16xf32>,
        tpu.vector_store %arg10[%parallel_loop3A_359, %parallel_loop3A_360], %parallel_loop3A_355 {strides = array<i32>} : memref<32x1024xf32, #tpu.memory_space<vmem>>, vector<16xf32>,
        %parallel_loop3A_362 = arith.constant 28 : i32
        %parallel_loop3A_363 = vector.broadcast %parallel_loop3A_362 : i32 to vector<16xi32>
        %parallel_loop3A_364 = tpu.vector_load_idx %arg6[%parallel_loop3A_363, %parallel_loop3A_321] : memref<32x1024xf32, #tpu.memory_space<vmem>>[vector<16xi32>, vector<16xi32>], vector<16xf32>,
        %parallel_loop3A_365 = arith.addf %parallel_loop3A_364, %gather3A_147 : vector<16xf32>
        %parallel_loop3A_366 = arith.constant 16 : i32
        %parallel_loop3A_367 = arith.muli %parallel_loop3A_366, %parallel_loop3A_317 : i32
        %parallel_loop3A_368 = arith.constant 28 : i32
        %parallel_loop3A_369 = arith.index_cast %parallel_loop3A_368 : i32 to index
        %parallel_loop3A_370 = arith.index_cast %parallel_loop3A_367 : i32 to index
        %parallel_loop3A_371 = tpu.vector_load %arg10[%parallel_loop3A_369, %parallel_loop3A_370] {strides = array<i32>} : memref<32x1024xf32, #tpu.memory_space<vmem>>, vector<16xf32>,
        tpu.vector_store %arg10[%parallel_loop3A_369, %parallel_loop3A_370], %parallel_loop3A_365 {strides = array<i32>} : memref<32x1024xf32, #tpu.memory_space<vmem>>, vector<16xf32>,
        %parallel_loop3A_372 = arith.constant 29 : i32
        %parallel_loop3A_373 = vector.broadcast %parallel_loop3A_372 : i32 to vector<16xi32>
        %parallel_loop3A_374 = tpu.vector_load_idx %arg6[%parallel_loop3A_373, %parallel_loop3A_321] : memref<32x1024xf32, #tpu.memory_space<vmem>>[vector<16xi32>, vector<16xi32>], vector<16xf32>,
        %parallel_loop3A_375 = arith.addf %parallel_loop3A_374, %gather3A_150 : vector<16xf32>
        %parallel_loop3A_376 = arith.constant 16 : i32
        %parallel_loop3A_377 = arith.muli %parallel_loop3A_376, %parallel_loop3A_317 : i32
        %parallel_loop3A_378 = arith.constant 29 : i32
        %parallel_loop3A_379 = arith.index_cast %parallel_loop3A_378 : i32 to index
        %parallel_loop3A_380 = arith.index_cast %parallel_loop3A_377 : i32 to index
        %parallel_loop3A_381 = tpu.vector_load %arg10[%parallel_loop3A_379, %parallel_loop3A_380] {strides = array<i32>} : memref<32x1024xf32, #tpu.memory_space<vmem>>, vector<16xf32>,
        tpu.vector_store %arg10[%parallel_loop3A_379, %parallel_loop3A_380], %parallel_loop3A_375 {strides = array<i32>} : memref<32x1024xf32, #tpu.memory_space<vmem>>, vector<16xf32>,
        %parallel_loop3A_382 = arith.constant 30 : i32
        %parallel_loop3A_383 = vector.broadcast %parallel_loop3A_382 : i32 to vector<16xi32>
        %parallel_loop3A_384 = tpu.vector_load_idx %arg6[%parallel_loop3A_383, %parallel_loop3A_321] : memref<32x1024xf32, #tpu.memory_space<vmem>>[vector<16xi32>, vector<16xi32>], vector<16xf32>,
        %parallel_loop3A_385 = arith.addf %parallel_loop3A_384, %gather3A_153 : vector<16xf32>
        %parallel_loop3A_386 = arith.constant 16 : i32
        %parallel_loop3A_387 = arith.muli %parallel_loop3A_386, %parallel_loop3A_317 : i32
        %parallel_loop3A_388 = arith.constant 30 : i32
        %parallel_loop3A_389 = arith.index_cast %parallel_loop3A_388 : i32 to index
        %parallel_loop3A_390 = arith.index_cast %parallel_loop3A_387 : i32 to index
        %parallel_loop3A_391 = tpu.vector_load %arg10[%parallel_loop3A_389, %parallel_loop3A_390] {strides = array<i32>} : memref<32x1024xf32, #tpu.memory_space<vmem>>, vector<16xf32>,
        tpu.vector_store %arg10[%parallel_loop3A_389, %parallel_loop3A_390], %parallel_loop3A_385 {strides = array<i32>} : memref<32x1024xf32, #tpu.memory_space<vmem>>, vector<16xf32>,
        %parallel_loop3A_392 = arith.constant 31 : i32
        %parallel_loop3A_393 = vector.broadcast %parallel_loop3A_392 : i32 to vector<16xi32>
        %parallel_loop3A_394 = tpu.vector_load_idx %arg6[%parallel_loop3A_393, %parallel_loop3A_321] : memref<32x1024xf32, #tpu.memory_space<vmem>>[vector<16xi32>, vector<16xi32>], vector<16xf32>,
        %parallel_loop3A_395 = arith.addf %parallel_loop3A_394, %gather3A_156 : vector<16xf32>
        %parallel_loop3A_396 = arith.constant 16 : i32
        %parallel_loop3A_397 = arith.muli %parallel_loop3A_396, %parallel_loop3A_317 : i32
        %parallel_loop3A_398 = arith.constant 31 : i32
        %parallel_loop3A_399 = arith.index_cast %parallel_loop3A_398 : i32 to index
        %parallel_loop3A_400 = arith.index_cast %parallel_loop3A_397 : i32 to index
        %parallel_loop3A_401 = tpu.vector_load %arg10[%parallel_loop3A_399, %parallel_loop3A_400] {strides = array<i32>} : memref<32x1024xf32, #tpu.memory_space<vmem>>, vector<16xf32>,
        tpu.vector_store %arg10[%parallel_loop3A_399, %parallel_loop3A_400], %parallel_loop3A_395 {strides = array<i32>} : memref<32x1024xf32, #tpu.memory_space<vmem>>, vector<16xf32>,
      } {sc.loop_unroll_factor = 1 : i64, sc.parallel_access}
      %lt3A_160 = arith.constant 31 : i32
      %lt3A_161 = arith.cmpi slt, %add3A, %lt3A_160 : i32
      %convert_element_type3A_162 = arith.extui %lt3A_161 : i1 to i32
      %cond3A_163 = arith.constant 0 : i32
      %cond3A_164 = arith.cmpi ne, %convert_element_type3A_162, %cond3A_163 : i32
      scf.if %cond3A_164 {
        %dma_start3A_317 = arith.constant 0 : i32
        %dma_start3A_318 = tpu.memref_slice %arg5[%add3A_41, %mul3A_2, %dma_start3A_317] : memref<50x1000x1024xf32, #tpu.memory_space<hbm>> -> memref<1x32x1024xf32, #tpu.memory_space<hbm>>
        %dma_start3A_319 = tpu.memref_squeeze %dma_start3A_318 : memref<1x32x1024xf32, #tpu.memory_space<hbm>> -> memref<32x1024xf32, #tpu.memory_space<hbm>>
        %dma_start3A_320 = arith.constant 0 : i32
        %dma_start3A_321 = tpu.memref_slice %arg5[%add3A_41, %mul3A_2, %dma_start3A_320] : memref<50x1000x1024xf32, #tpu.memory_space<hbm>> -> memref<1x32x1024xf32, #tpu.memory_space<hbm>>
        %dma_start3A_322 = tpu.memref_squeeze %dma_start3A_321 : memref<1x32x1024xf32, #tpu.memory_space<hbm>> -> memref<32x1024xf32, #tpu.memory_space<hbm>>
        tpu.enqueue_dma source(%arg10 : memref<32x1024xf32, #tpu.memory_space<vmem>>) target(%dma_start3A_322 : memref<32x1024xf32, #tpu.memory_space<hbm>>) target_semaphore(%arg15 : memref<!tpu.dma_semaphore, #tpu.memory_space<semaphore_mem>>)
      } else {
      }
      %eq3A_165 = arith.constant 31 : i32
      %eq3A_166 = arith.cmpi eq, %add3A, %eq3A_165 : i32
      %convert_element_type3A_167 = arith.extui %eq3A_166 : i1 to i32
      %cond3A_168 = arith.constant 0 : i32
      %cond3A_169 = arith.cmpi ne, %convert_element_type3A_167, %cond3A_168 : i32
      scf.if %cond3A_169 {
        %dma_start3A_317 = arith.constant 0 : i32
        %dma_start3A_318 = arith.constant 0 : i32
        %dma_start3A_319 = tpu.memref_slice %arg10[%dma_start3A_317, %dma_start3A_318] : memref<32x1024xf32, #tpu.memory_space<vmem>> -> memref<8x1024xf32, #tpu.memory_space<vmem>>
        %dma_start3A_320 = arith.constant 0 : i32
        %dma_start3A_321 = tpu.memref_slice %arg5[%add3A_41, %mul3A_2, %dma_start3A_320] : memref<50x1000x1024xf32, #tpu.memory_space<hbm>> -> memref<1x8x1024xf32, #tpu.memory_space<hbm>>
        %dma_start3A_322 = tpu.memref_squeeze %dma_start3A_321 : memref<1x8x1024xf32, #tpu.memory_space<hbm>> -> memref<8x1024xf32, #tpu.memory_space<hbm>>
        %dma_start3A_323 = arith.constant 0 : i32
        %dma_start3A_324 = tpu.memref_slice %arg5[%add3A_41, %mul3A_2, %dma_start3A_323] : memref<50x1000x1024xf32, #tpu.memory_space<hbm>> -> memref<1x8x1024xf32, #tpu.memory_space<hbm>>
        %dma_start3A_325 = tpu.memref_squeeze %dma_start3A_324 : memref<1x8x1024xf32, #tpu.memory_space<hbm>> -> memref<8x1024xf32, #tpu.memory_space<hbm>>
        %dma_start3A_326 = arith.constant 0 : i32
        %dma_start3A_327 = arith.constant 0 : i32
        %dma_start3A_328 = tpu.memref_slice %arg10[%dma_start3A_326, %dma_start3A_327] : memref<32x1024xf32, #tpu.memory_space<vmem>> -> memref<8x1024xf32, #tpu.memory_space<vmem>>
        tpu.enqueue_dma source(%dma_start3A_328 : memref<8x1024xf32, #tpu.memory_space<vmem>>) target(%dma_start3A_325 : memref<8x1024xf32, #tpu.memory_space<hbm>>) target_semaphore(%arg15 : memref<!tpu.dma_semaphore, #tpu.memory_space<semaphore_mem>>)
      } else {
      }
      %lt3A_170 = arith.constant 24 : i32
      %lt3A_171 = arith.cmpi slt, %scan3A_37, %lt3A_170 : i32
      %convert_element_type3A_172 = arith.extui %lt3A_171 : i1 to i32
      %cond3A_173 = arith.constant 0 : i32
      %cond3A_174 = arith.cmpi ne, %convert_element_type3A_172, %cond3A_173 : i32
      scf.if %cond3A_174 {
        %add3A_317 = arith.constant 2 : i32
        %add3A_318 = arith.addi %add3A_41, %add3A_317 : i32
        %dma_start3A_319 = arith.constant 0 : i32
        %dma_start3A_320 = tpu.memref_slice %arg2[%add3A_318, %dma_start3A_319] : memref<50x1024xi32, #tpu.memory_space<hbm>> -> memref<1x1024xi32, #tpu.memory_space<hbm>>
        %dma_start3A_321 = tpu.memref_squeeze %dma_start3A_320 : memref<1x1024xi32, #tpu.memory_space<hbm>> -> memref<1024xi32, #tpu.memory_space<hbm>>
        %dma_start3A_322 = arith.constant 0 : i32
        %dma_start3A_323 = tpu.memref_slice %arg2[%add3A_318, %dma_start3A_322] : memref<50x1024xi32, #tpu.memory_space<hbm>> -> memref<1x1024xi32, #tpu.memory_space<hbm>>
        %dma_start3A_324 = tpu.memref_squeeze %dma_start3A_323 : memref<1x1024xi32, #tpu.memory_space<hbm>> -> memref<1024xi32, #tpu.memory_space<hbm>>
        tpu.enqueue_dma source(%dma_start3A_324 : memref<1024xi32, #tpu.memory_space<hbm>>) target(%arg8 : memref<1024xi32, #tpu.memory_space<vmem>>) target_semaphore(%arg13 : memref<!tpu.dma_semaphore, #tpu.memory_space<semaphore_mem>>)
      } else {
      }
      %mul3A_175 = arith.constant 2 : i32
      %mul3A_176 = arith.muli %mul3A_175, %scan3A_37 : i32
      %add3A_177 = arith.constant 1 : i32
      %add3A_178 = arith.addi %mul3A_176, %add3A_177 : i32
      %dma_wait3A_179 = arith.constant 0 : i32
      %dma_wait3A_180 = tpu.memref_slice %arg2[%add3A_178, %dma_wait3A_179] : memref<50x1024xi32, #tpu.memory_space<hbm>> -> memref<1x1024xi32, #tpu.memory_space<hbm>>
      %dma_wait3A_181 = tpu.memref_squeeze %dma_wait3A_180 : memref<1x1024xi32, #tpu.memory_space<hbm>> -> memref<1024xi32, #tpu.memory_space<hbm>>
      %dma_wait3A_182 = arith.constant 0 : i32
      %dma_wait3A_183 = tpu.memref_slice %arg2[%add3A_178, %dma_wait3A_182] : memref<50x1024xi32, #tpu.memory_space<hbm>> -> memref<1x1024xi32, #tpu.memory_space<hbm>>
      %dma_wait3A_184 = tpu.memref_squeeze %dma_wait3A_183 : memref<1x1024xi32, #tpu.memory_space<hbm>> -> memref<1024xi32, #tpu.memory_space<hbm>>
      tpu.wait_dma2 semaphore(%arg14 : memref<!tpu.dma_semaphore, #tpu.memory_space<semaphore_mem>>) src(%dma_wait3A_184 : memref<1024xi32, #tpu.memory_space<hbm>>) dst(%arg9 : memref<1024xi32, #tpu.memory_space<vmem>>)
      %gt3A_185 = arith.constant 0 : i32
      %gt3A_186 = arith.cmpi sgt, %scan3A_37, %gt3A_185 : i32
      %convert_element_type3A_187 = arith.extui %gt3A_186 : i1 to i32
      %cond3A_188 = arith.constant 0 : i32
      %cond3A_189 = arith.cmpi ne, %convert_element_type3A_187, %cond3A_188 : i32
      scf.if %cond3A_189 {
        %lt3A_317 = arith.constant 31 : i32
        %lt3A_318 = arith.cmpi slt, %add3A, %lt3A_317 : i32
        %convert_element_type3A_319 = arith.extui %lt3A_318 : i1 to i32
        %cond3A_320 = arith.constant 0 : i32
        %cond3A_321 = arith.cmpi ne, %convert_element_type3A_319, %cond3A_320 : i32
        scf.if %cond3A_321 {
          %dma_wait3A_327 = arith.constant 0 : i32
          %dma_wait3A_328 = tpu.memref_slice %arg5[%add3A_178, %mul3A_2, %dma_wait3A_327] : memref<50x1000x1024xf32, #tpu.memory_space<hbm>> -> memref<1x32x1024xf32, #tpu.memory_space<hbm>>
          %dma_wait3A_329 = tpu.memref_squeeze %dma_wait3A_328 : memref<1x32x1024xf32, #tpu.memory_space<hbm>> -> memref<32x1024xf32, #tpu.memory_space<hbm>>
          %dma_wait3A_330 = arith.constant 0 : i32
          %dma_wait3A_331 = tpu.memref_slice %arg5[%add3A_178, %mul3A_2, %dma_wait3A_330] : memref<50x1000x1024xf32, #tpu.memory_space<hbm>> -> memref<1x32x1024xf32, #tpu.memory_space<hbm>>
          %dma_wait3A_332 = tpu.memref_squeeze %dma_wait3A_331 : memref<1x32x1024xf32, #tpu.memory_space<hbm>> -> memref<32x1024xf32, #tpu.memory_space<hbm>>
          tpu.wait_dma2 semaphore(%arg16 : memref<!tpu.dma_semaphore, #tpu.memory_space<semaphore_mem>>) src(%arg11 : memref<32x1024xf32, #tpu.memory_space<vmem>>) dst(%dma_wait3A_332 : memref<32x1024xf32, #tpu.memory_space<hbm>>)
        } else {
        }
        %eq3A_322 = arith.constant 31 : i32
        %eq3A_323 = arith.cmpi eq, %add3A, %eq3A_322 : i32
        %convert_element_type3A_324 = arith.extui %eq3A_323 : i1 to i32
        %cond3A_325 = arith.constant 0 : i32
        %cond3A_326 = arith.cmpi ne, %convert_element_type3A_324, %cond3A_325 : i32
        scf.if %cond3A_326 {
          %dma_wait3A_327 = arith.constant 0 : i32
          %dma_wait3A_328 = arith.constant 0 : i32
          %dma_wait3A_329 = tpu.memref_slice %arg11[%dma_wait3A_327, %dma_wait3A_328] : memref<32x1024xf32, #tpu.memory_space<vmem>> -> memref<8x1024xf32, #tpu.memory_space<vmem>>
          %dma_wait3A_330 = arith.constant 0 : i32
          %dma_wait3A_331 = tpu.memref_slice %arg5[%add3A_178, %mul3A_2, %dma_wait3A_330] : memref<50x1000x1024xf32, #tpu.memory_space<hbm>> -> memref<1x8x1024xf32, #tpu.memory_space<hbm>>
          %dma_wait3A_332 = tpu.memref_squeeze %dma_wait3A_331 : memref<1x8x1024xf32, #tpu.memory_space<hbm>> -> memref<8x1024xf32, #tpu.memory_space<hbm>>
          %dma_wait3A_333 = arith.constant 0 : i32
          %dma_wait3A_334 = tpu.memref_slice %arg5[%add3A_178, %mul3A_2, %dma_wait3A_333] : memref<50x1000x1024xf32, #tpu.memory_space<hbm>> -> memref<1x8x1024xf32, #tpu.memory_space<hbm>>
          %dma_wait3A_335 = tpu.memref_squeeze %dma_wait3A_334 : memref<1x8x1024xf32, #tpu.memory_space<hbm>> -> memref<8x1024xf32, #tpu.memory_space<hbm>>
          %dma_wait3A_336 = arith.constant 0 : i32
          %dma_wait3A_337 = arith.constant 0 : i32
          %dma_wait3A_338 = tpu.memref_slice %arg11[%dma_wait3A_336, %dma_wait3A_337] : memref<32x1024xf32, #tpu.memory_space<vmem>> -> memref<8x1024xf32, #tpu.memory_space<vmem>>
          tpu.wait_dma2 semaphore(%arg16 : memref<!tpu.dma_semaphore, #tpu.memory_space<semaphore_mem>>) src(%dma_wait3A_338 : memref<8x1024xf32, #tpu.memory_space<vmem>>) dst(%dma_wait3A_335 : memref<8x1024xf32, #tpu.memory_space<hbm>>)
        } else {
        }
      } else {
      }
      %broadcast_in_dim3A_190 = arith.constant 0 : i32
      %broadcast_in_dim3A_191 = vector.broadcast %broadcast_in_dim3A_190 : i32 to vector<16xi32>
      %add3A_192 = vector.broadcast %add3A_178 : i32 to vector<16xi32>
      %add3A_193 = arith.addi %broadcast_in_dim3A_191, %add3A_192 : vector<16xi32>
      %broadcast_in_dim3A_194 = arith.constant 0 : i32
      %broadcast_in_dim3A_195 = vector.broadcast %broadcast_in_dim3A_194 : i32 to vector<16xi32>
      %gather3A_196 = tpu.vector_load_idx %arg7[%broadcast_in_dim3A_195, %add3A_193] : memref<32x64xf32, #tpu.memory_space<vmem>>[vector<16xi32>, vector<16xi32>], vector<16xf32>,
      %broadcast_in_dim3A_197 = arith.constant 1 : i32
      %broadcast_in_dim3A_198 = vector.broadcast %broadcast_in_dim3A_197 : i32 to vector<16xi32>
      %gather3A_199 = tpu.vector_load_idx %arg7[%broadcast_in_dim3A_198, %add3A_193] : memref<32x64xf32, #tpu.memory_space<vmem>>[vector<16xi32>, vector<16xi32>], vector<16xf32>,
      %broadcast_in_dim3A_200 = arith.constant 2 : i32
      %broadcast_in_dim3A_201 = vector.broadcast %broadcast_in_dim3A_200 : i32 to vector<16xi32>
      %gather3A_202 = tpu.vector_load_idx %arg7[%broadcast_in_dim3A_201, %add3A_193] : memref<32x64xf32, #tpu.memory_space<vmem>>[vector<16xi32>, vector<16xi32>], vector<16xf32>,
      %broadcast_in_dim3A_203 = arith.constant 3 : i32
      %broadcast_in_dim3A_204 = vector.broadcast %broadcast_in_dim3A_203 : i32 to vector<16xi32>
      %gather3A_205 = tpu.vector_load_idx %arg7[%broadcast_in_dim3A_204, %add3A_193] : memref<32x64xf32, #tpu.memory_space<vmem>>[vector<16xi32>, vector<16xi32>], vector<16xf32>,
      %broadcast_in_dim3A_206 = arith.constant 4 : i32
      %broadcast_in_dim3A_207 = vector.broadcast %broadcast_in_dim3A_206 : i32 to vector<16xi32>
      %gather3A_208 = tpu.vector_load_idx %arg7[%broadcast_in_dim3A_207, %add3A_193] : memref<32x64xf32, #tpu.memory_space<vmem>>[vector<16xi32>, vector<16xi32>], vector<16xf32>,
      %broadcast_in_dim3A_209 = arith.constant 5 : i32
      %broadcast_in_dim3A_210 = vector.broadcast %broadcast_in_dim3A_209 : i32 to vector<16xi32>
      %gather3A_211 = tpu.vector_load_idx %arg7[%broadcast_in_dim3A_210, %add3A_193] : memref<32x64xf32, #tpu.memory_space<vmem>>[vector<16xi32>, vector<16xi32>], vector<16xf32>,
      %broadcast_in_dim3A_212 = arith.constant 6 : i32
      %broadcast_in_dim3A_213 = vector.broadcast %broadcast_in_dim3A_212 : i32 to vector<16xi32>
      %gather3A_214 = tpu.vector_load_idx %arg7[%broadcast_in_dim3A_213, %add3A_193] : memref<32x64xf32, #tpu.memory_space<vmem>>[vector<16xi32>, vector<16xi32>], vector<16xf32>,
      %broadcast_in_dim3A_215 = arith.constant 7 : i32
      %broadcast_in_dim3A_216 = vector.broadcast %broadcast_in_dim3A_215 : i32 to vector<16xi32>
      %gather3A_217 = tpu.vector_load_idx %arg7[%broadcast_in_dim3A_216, %add3A_193] : memref<32x64xf32, #tpu.memory_space<vmem>>[vector<16xi32>, vector<16xi32>], vector<16xf32>,
      %parallel_loop3A_218 = arith.constant 0 : i32
      %parallel_loop3A_219 = arith.constant 64 : i32
      %parallel_loop3A_220 = arith.constant 1 : i32
      scf.for %parallel_loop3A_317 = %parallel_loop3A_218 to %parallel_loop3A_219 step %parallel_loop3A_220  : i32 {
        %parallel_loop3A_318 = arith.constant 16 : i32
        %parallel_loop3A_319 = arith.muli %parallel_loop3A_318, %parallel_loop3A_317 : i32
        %parallel_loop3A_320 = arith.index_cast %parallel_loop3A_319 : i32 to index
        %parallel_loop3A_321 = tpu.vector_load %arg9[%parallel_loop3A_320] {strides = array<i32>} : memref<1024xi32, #tpu.memory_space<vmem>>, vector<16xi32>,
        %parallel_loop3A_322 = arith.constant 0 : i32
        %parallel_loop3A_323 = vector.broadcast %parallel_loop3A_322 : i32 to vector<16xi32>
        %parallel_loop3A_324 = tpu.vector_load_idx %arg6[%parallel_loop3A_323, %parallel_loop3A_321] : memref<32x1024xf32, #tpu.memory_space<vmem>>[vector<16xi32>, vector<16xi32>], vector<16xf32>,
        %parallel_loop3A_325 = arith.addf %parallel_loop3A_324, %gather3A_196 : vector<16xf32>
        %parallel_loop3A_326 = arith.constant 16 : i32
        %parallel_loop3A_327 = arith.muli %parallel_loop3A_326, %parallel_loop3A_317 : i32
        %parallel_loop3A_328 = arith.constant 0 : i32
        %parallel_loop3A_329 = arith.index_cast %parallel_loop3A_328 : i32 to index
        %parallel_loop3A_330 = arith.index_cast %parallel_loop3A_327 : i32 to index
        %parallel_loop3A_331 = tpu.vector_load %arg11[%parallel_loop3A_329, %parallel_loop3A_330] {strides = array<i32>} : memref<32x1024xf32, #tpu.memory_space<vmem>>, vector<16xf32>,
        tpu.vector_store %arg11[%parallel_loop3A_329, %parallel_loop3A_330], %parallel_loop3A_325 {strides = array<i32>} : memref<32x1024xf32, #tpu.memory_space<vmem>>, vector<16xf32>,
        %parallel_loop3A_332 = arith.constant 1 : i32
        %parallel_loop3A_333 = vector.broadcast %parallel_loop3A_332 : i32 to vector<16xi32>
        %parallel_loop3A_334 = tpu.vector_load_idx %arg6[%parallel_loop3A_333, %parallel_loop3A_321] : memref<32x1024xf32, #tpu.memory_space<vmem>>[vector<16xi32>, vector<16xi32>], vector<16xf32>,
        %parallel_loop3A_335 = arith.addf %parallel_loop3A_334, %gather3A_199 : vector<16xf32>
        %parallel_loop3A_336 = arith.constant 16 : i32
        %parallel_loop3A_337 = arith.muli %parallel_loop3A_336, %parallel_loop3A_317 : i32
        %parallel_loop3A_338 = arith.constant 1 : i32
        %parallel_loop3A_339 = arith.index_cast %parallel_loop3A_338 : i32 to index
        %parallel_loop3A_340 = arith.index_cast %parallel_loop3A_337 : i32 to index
        %parallel_loop3A_341 = tpu.vector_load %arg11[%parallel_loop3A_339, %parallel_loop3A_340] {strides = array<i32>} : memref<32x1024xf32, #tpu.memory_space<vmem>>, vector<16xf32>,
        tpu.vector_store %arg11[%parallel_loop3A_339, %parallel_loop3A_340], %parallel_loop3A_335 {strides = array<i32>} : memref<32x1024xf32, #tpu.memory_space<vmem>>, vector<16xf32>,
        %parallel_loop3A_342 = arith.constant 2 : i32
        %parallel_loop3A_343 = vector.broadcast %parallel_loop3A_342 : i32 to vector<16xi32>
        %parallel_loop3A_344 = tpu.vector_load_idx %arg6[%parallel_loop3A_343, %parallel_loop3A_321] : memref<32x1024xf32, #tpu.memory_space<vmem>>[vector<16xi32>, vector<16xi32>], vector<16xf32>,
        %parallel_loop3A_345 = arith.addf %parallel_loop3A_344, %gather3A_202 : vector<16xf32>
        %parallel_loop3A_346 = arith.constant 16 : i32
        %parallel_loop3A_347 = arith.muli %parallel_loop3A_346, %parallel_loop3A_317 : i32
        %parallel_loop3A_348 = arith.constant 2 : i32
        %parallel_loop3A_349 = arith.index_cast %parallel_loop3A_348 : i32 to index
        %parallel_loop3A_350 = arith.index_cast %parallel_loop3A_347 : i32 to index
        %parallel_loop3A_351 = tpu.vector_load %arg11[%parallel_loop3A_349, %parallel_loop3A_350] {strides = array<i32>} : memref<32x1024xf32, #tpu.memory_space<vmem>>, vector<16xf32>,
        tpu.vector_store %arg11[%parallel_loop3A_349, %parallel_loop3A_350], %parallel_loop3A_345 {strides = array<i32>} : memref<32x1024xf32, #tpu.memory_space<vmem>>, vector<16xf32>,
        %parallel_loop3A_352 = arith.constant 3 : i32
        %parallel_loop3A_353 = vector.broadcast %parallel_loop3A_352 : i32 to vector<16xi32>
        %parallel_loop3A_354 = tpu.vector_load_idx %arg6[%parallel_loop3A_353, %parallel_loop3A_321] : memref<32x1024xf32, #tpu.memory_space<vmem>>[vector<16xi32>, vector<16xi32>], vector<16xf32>,
        %parallel_loop3A_355 = arith.addf %parallel_loop3A_354, %gather3A_205 : vector<16xf32>
        %parallel_loop3A_356 = arith.constant 16 : i32
        %parallel_loop3A_357 = arith.muli %parallel_loop3A_356, %parallel_loop3A_317 : i32
        %parallel_loop3A_358 = arith.constant 3 : i32
        %parallel_loop3A_359 = arith.index_cast %parallel_loop3A_358 : i32 to index
        %parallel_loop3A_360 = arith.index_cast %parallel_loop3A_357 : i32 to index
        %parallel_loop3A_361 = tpu.vector_load %arg11[%parallel_loop3A_359, %parallel_loop3A_360] {strides = array<i32>} : memref<32x1024xf32, #tpu.memory_space<vmem>>, vector<16xf32>,
        tpu.vector_store %arg11[%parallel_loop3A_359, %parallel_loop3A_360], %parallel_loop3A_355 {strides = array<i32>} : memref<32x1024xf32, #tpu.memory_space<vmem>>, vector<16xf32>,
        %parallel_loop3A_362 = arith.constant 4 : i32
        %parallel_loop3A_363 = vector.broadcast %parallel_loop3A_362 : i32 to vector<16xi32>
        %parallel_loop3A_364 = tpu.vector_load_idx %arg6[%parallel_loop3A_363, %parallel_loop3A_321] : memref<32x1024xf32, #tpu.memory_space<vmem>>[vector<16xi32>, vector<16xi32>], vector<16xf32>,
        %parallel_loop3A_365 = arith.addf %parallel_loop3A_364, %gather3A_208 : vector<16xf32>
        %parallel_loop3A_366 = arith.constant 16 : i32
        %parallel_loop3A_367 = arith.muli %parallel_loop3A_366, %parallel_loop3A_317 : i32
        %parallel_loop3A_368 = arith.constant 4 : i32
        %parallel_loop3A_369 = arith.index_cast %parallel_loop3A_368 : i32 to index
        %parallel_loop3A_370 = arith.index_cast %parallel_loop3A_367 : i32 to index
        %parallel_loop3A_371 = tpu.vector_load %arg11[%parallel_loop3A_369, %parallel_loop3A_370] {strides = array<i32>} : memref<32x1024xf32, #tpu.memory_space<vmem>>, vector<16xf32>,
        tpu.vector_store %arg11[%parallel_loop3A_369, %parallel_loop3A_370], %parallel_loop3A_365 {strides = array<i32>} : memref<32x1024xf32, #tpu.memory_space<vmem>>, vector<16xf32>,
        %parallel_loop3A_372 = arith.constant 5 : i32
        %parallel_loop3A_373 = vector.broadcast %parallel_loop3A_372 : i32 to vector<16xi32>
        %parallel_loop3A_374 = tpu.vector_load_idx %arg6[%parallel_loop3A_373, %parallel_loop3A_321] : memref<32x1024xf32, #tpu.memory_space<vmem>>[vector<16xi32>, vector<16xi32>], vector<16xf32>,
        %parallel_loop3A_375 = arith.addf %parallel_loop3A_374, %gather3A_211 : vector<16xf32>
        %parallel_loop3A_376 = arith.constant 16 : i32
        %parallel_loop3A_377 = arith.muli %parallel_loop3A_376, %parallel_loop3A_317 : i32
        %parallel_loop3A_378 = arith.constant 5 : i32
        %parallel_loop3A_379 = arith.index_cast %parallel_loop3A_378 : i32 to index
        %parallel_loop3A_380 = arith.index_cast %parallel_loop3A_377 : i32 to index
        %parallel_loop3A_381 = tpu.vector_load %arg11[%parallel_loop3A_379, %parallel_loop3A_380] {strides = array<i32>} : memref<32x1024xf32, #tpu.memory_space<vmem>>, vector<16xf32>,
        tpu.vector_store %arg11[%parallel_loop3A_379, %parallel_loop3A_380], %parallel_loop3A_375 {strides = array<i32>} : memref<32x1024xf32, #tpu.memory_space<vmem>>, vector<16xf32>,
        %parallel_loop3A_382 = arith.constant 6 : i32
        %parallel_loop3A_383 = vector.broadcast %parallel_loop3A_382 : i32 to vector<16xi32>
        %parallel_loop3A_384 = tpu.vector_load_idx %arg6[%parallel_loop3A_383, %parallel_loop3A_321] : memref<32x1024xf32, #tpu.memory_space<vmem>>[vector<16xi32>, vector<16xi32>], vector<16xf32>,
        %parallel_loop3A_385 = arith.addf %parallel_loop3A_384, %gather3A_214 : vector<16xf32>
        %parallel_loop3A_386 = arith.constant 16 : i32
        %parallel_loop3A_387 = arith.muli %parallel_loop3A_386, %parallel_loop3A_317 : i32
        %parallel_loop3A_388 = arith.constant 6 : i32
        %parallel_loop3A_389 = arith.index_cast %parallel_loop3A_388 : i32 to index
        %parallel_loop3A_390 = arith.index_cast %parallel_loop3A_387 : i32 to index
        %parallel_loop3A_391 = tpu.vector_load %arg11[%parallel_loop3A_389, %parallel_loop3A_390] {strides = array<i32>} : memref<32x1024xf32, #tpu.memory_space<vmem>>, vector<16xf32>,
        tpu.vector_store %arg11[%parallel_loop3A_389, %parallel_loop3A_390], %parallel_loop3A_385 {strides = array<i32>} : memref<32x1024xf32, #tpu.memory_space<vmem>>, vector<16xf32>,
        %parallel_loop3A_392 = arith.constant 7 : i32
        %parallel_loop3A_393 = vector.broadcast %parallel_loop3A_392 : i32 to vector<16xi32>
        %parallel_loop3A_394 = tpu.vector_load_idx %arg6[%parallel_loop3A_393, %parallel_loop3A_321] : memref<32x1024xf32, #tpu.memory_space<vmem>>[vector<16xi32>, vector<16xi32>], vector<16xf32>,
        %parallel_loop3A_395 = arith.addf %parallel_loop3A_394, %gather3A_217 : vector<16xf32>
        %parallel_loop3A_396 = arith.constant 16 : i32
        %parallel_loop3A_397 = arith.muli %parallel_loop3A_396, %parallel_loop3A_317 : i32
        %parallel_loop3A_398 = arith.constant 7 : i32
        %parallel_loop3A_399 = arith.index_cast %parallel_loop3A_398 : i32 to index
        %parallel_loop3A_400 = arith.index_cast %parallel_loop3A_397 : i32 to index
        %parallel_loop3A_401 = tpu.vector_load %arg11[%parallel_loop3A_399, %parallel_loop3A_400] {strides = array<i32>} : memref<32x1024xf32, #tpu.memory_space<vmem>>, vector<16xf32>,
        tpu.vector_store %arg11[%parallel_loop3A_399, %parallel_loop3A_400], %parallel_loop3A_395 {strides = array<i32>} : memref<32x1024xf32, #tpu.memory_space<vmem>>, vector<16xf32>,
      } {sc.loop_unroll_factor = 1 : i64, sc.parallel_access}
      %broadcast_in_dim3A_221 = arith.constant 8 : i32
      %broadcast_in_dim3A_222 = vector.broadcast %broadcast_in_dim3A_221 : i32 to vector<16xi32>
      %gather3A_223 = tpu.vector_load_idx %arg7[%broadcast_in_dim3A_222, %add3A_193] : memref<32x64xf32, #tpu.memory_space<vmem>>[vector<16xi32>, vector<16xi32>], vector<16xf32>,
      %broadcast_in_dim3A_224 = arith.constant 9 : i32
      %broadcast_in_dim3A_225 = vector.broadcast %broadcast_in_dim3A_224 : i32 to vector<16xi32>
      %gather3A_226 = tpu.vector_load_idx %arg7[%broadcast_in_dim3A_225, %add3A_193] : memref<32x64xf32, #tpu.memory_space<vmem>>[vector<16xi32>, vector<16xi32>], vector<16xf32>,
      %broadcast_in_dim3A_227 = arith.constant 10 : i32
      %broadcast_in_dim3A_228 = vector.broadcast %broadcast_in_dim3A_227 : i32 to vector<16xi32>
      %gather3A_229 = tpu.vector_load_idx %arg7[%broadcast_in_dim3A_228, %add3A_193] : memref<32x64xf32, #tpu.memory_space<vmem>>[vector<16xi32>, vector<16xi32>], vector<16xf32>,
      %broadcast_in_dim3A_230 = arith.constant 11 : i32
      %broadcast_in_dim3A_231 = vector.broadcast %broadcast_in_dim3A_230 : i32 to vector<16xi32>
      %gather3A_232 = tpu.vector_load_idx %arg7[%broadcast_in_dim3A_231, %add3A_193] : memref<32x64xf32, #tpu.memory_space<vmem>>[vector<16xi32>, vector<16xi32>], vector<16xf32>,
      %broadcast_in_dim3A_233 = arith.constant 12 : i32
      %broadcast_in_dim3A_234 = vector.broadcast %broadcast_in_dim3A_233 : i32 to vector<16xi32>
      %gather3A_235 = tpu.vector_load_idx %arg7[%broadcast_in_dim3A_234, %add3A_193] : memref<32x64xf32, #tpu.memory_space<vmem>>[vector<16xi32>, vector<16xi32>], vector<16xf32>,
      %broadcast_in_dim3A_236 = arith.constant 13 : i32
      %broadcast_in_dim3A_237 = vector.broadcast %broadcast_in_dim3A_236 : i32 to vector<16xi32>
      %gather3A_238 = tpu.vector_load_idx %arg7[%broadcast_in_dim3A_237, %add3A_193] : memref<32x64xf32, #tpu.memory_space<vmem>>[vector<16xi32>, vector<16xi32>], vector<16xf32>,
      %broadcast_in_dim3A_239 = arith.constant 14 : i32
      %broadcast_in_dim3A_240 = vector.broadcast %broadcast_in_dim3A_239 : i32 to vector<16xi32>
      %gather3A_241 = tpu.vector_load_idx %arg7[%broadcast_in_dim3A_240, %add3A_193] : memref<32x64xf32, #tpu.memory_space<vmem>>[vector<16xi32>, vector<16xi32>], vector<16xf32>,
      %broadcast_in_dim3A_242 = arith.constant 15 : i32
      %broadcast_in_dim3A_243 = vector.broadcast %broadcast_in_dim3A_242 : i32 to vector<16xi32>
      %gather3A_244 = tpu.vector_load_idx %arg7[%broadcast_in_dim3A_243, %add3A_193] : memref<32x64xf32, #tpu.memory_space<vmem>>[vector<16xi32>, vector<16xi32>], vector<16xf32>,
      %parallel_loop3A_245 = arith.constant 0 : i32
      %parallel_loop3A_246 = arith.constant 64 : i32
      %parallel_loop3A_247 = arith.constant 1 : i32
      scf.for %parallel_loop3A_317 = %parallel_loop3A_245 to %parallel_loop3A_246 step %parallel_loop3A_247  : i32 {
        %parallel_loop3A_318 = arith.constant 16 : i32
        %parallel_loop3A_319 = arith.muli %parallel_loop3A_318, %parallel_loop3A_317 : i32
        %parallel_loop3A_320 = arith.index_cast %parallel_loop3A_319 : i32 to index
        %parallel_loop3A_321 = tpu.vector_load %arg9[%parallel_loop3A_320] {strides = array<i32>} : memref<1024xi32, #tpu.memory_space<vmem>>, vector<16xi32>,
        %parallel_loop3A_322 = arith.constant 8 : i32
        %parallel_loop3A_323 = vector.broadcast %parallel_loop3A_322 : i32 to vector<16xi32>
        %parallel_loop3A_324 = tpu.vector_load_idx %arg6[%parallel_loop3A_323, %parallel_loop3A_321] : memref<32x1024xf32, #tpu.memory_space<vmem>>[vector<16xi32>, vector<16xi32>], vector<16xf32>,
        %parallel_loop3A_325 = arith.addf %parallel_loop3A_324, %gather3A_223 : vector<16xf32>
        %parallel_loop3A_326 = arith.constant 16 : i32
        %parallel_loop3A_327 = arith.muli %parallel_loop3A_326, %parallel_loop3A_317 : i32
        %parallel_loop3A_328 = arith.constant 8 : i32
        %parallel_loop3A_329 = arith.index_cast %parallel_loop3A_328 : i32 to index
        %parallel_loop3A_330 = arith.index_cast %parallel_loop3A_327 : i32 to index
        %parallel_loop3A_331 = tpu.vector_load %arg11[%parallel_loop3A_329, %parallel_loop3A_330] {strides = array<i32>} : memref<32x1024xf32, #tpu.memory_space<vmem>>, vector<16xf32>,
        tpu.vector_store %arg11[%parallel_loop3A_329, %parallel_loop3A_330], %parallel_loop3A_325 {strides = array<i32>} : memref<32x1024xf32, #tpu.memory_space<vmem>>, vector<16xf32>,
        %parallel_loop3A_332 = arith.constant 9 : i32
        %parallel_loop3A_333 = vector.broadcast %parallel_loop3A_332 : i32 to vector<16xi32>
        %parallel_loop3A_334 = tpu.vector_load_idx %arg6[%parallel_loop3A_333, %parallel_loop3A_321] : memref<32x1024xf32, #tpu.memory_space<vmem>>[vector<16xi32>, vector<16xi32>], vector<16xf32>,
        %parallel_loop3A_335 = arith.addf %parallel_loop3A_334, %gather3A_226 : vector<16xf32>
        %parallel_loop3A_336 = arith.constant 16 : i32
        %parallel_loop3A_337 = arith.muli %parallel_loop3A_336, %parallel_loop3A_317 : i32
        %parallel_loop3A_338 = arith.constant 9 : i32
        %parallel_loop3A_339 = arith.index_cast %parallel_loop3A_338 : i32 to index
        %parallel_loop3A_340 = arith.index_cast %parallel_loop3A_337 : i32 to index
        %parallel_loop3A_341 = tpu.vector_load %arg11[%parallel_loop3A_339, %parallel_loop3A_340] {strides = array<i32>} : memref<32x1024xf32, #tpu.memory_space<vmem>>, vector<16xf32>,
        tpu.vector_store %arg11[%parallel_loop3A_339, %parallel_loop3A_340], %parallel_loop3A_335 {strides = array<i32>} : memref<32x1024xf32, #tpu.memory_space<vmem>>, vector<16xf32>,
        %parallel_loop3A_342 = arith.constant 10 : i32
        %parallel_loop3A_343 = vector.broadcast %parallel_loop3A_342 : i32 to vector<16xi32>
        %parallel_loop3A_344 = tpu.vector_load_idx %arg6[%parallel_loop3A_343, %parallel_loop3A_321] : memref<32x1024xf32, #tpu.memory_space<vmem>>[vector<16xi32>, vector<16xi32>], vector<16xf32>,
        %parallel_loop3A_345 = arith.addf %parallel_loop3A_344, %gather3A_229 : vector<16xf32>
        %parallel_loop3A_346 = arith.constant 16 : i32
        %parallel_loop3A_347 = arith.muli %parallel_loop3A_346, %parallel_loop3A_317 : i32
        %parallel_loop3A_348 = arith.constant 10 : i32
        %parallel_loop3A_349 = arith.index_cast %parallel_loop3A_348 : i32 to index
        %parallel_loop3A_350 = arith.index_cast %parallel_loop3A_347 : i32 to index
        %parallel_loop3A_351 = tpu.vector_load %arg11[%parallel_loop3A_349, %parallel_loop3A_350] {strides = array<i32>} : memref<32x1024xf32, #tpu.memory_space<vmem>>, vector<16xf32>,
        tpu.vector_store %arg11[%parallel_loop3A_349, %parallel_loop3A_350], %parallel_loop3A_345 {strides = array<i32>} : memref<32x1024xf32, #tpu.memory_space<vmem>>, vector<16xf32>,
        %parallel_loop3A_352 = arith.constant 11 : i32
        %parallel_loop3A_353 = vector.broadcast %parallel_loop3A_352 : i32 to vector<16xi32>
        %parallel_loop3A_354 = tpu.vector_load_idx %arg6[%parallel_loop3A_353, %parallel_loop3A_321] : memref<32x1024xf32, #tpu.memory_space<vmem>>[vector<16xi32>, vector<16xi32>], vector<16xf32>,
        %parallel_loop3A_355 = arith.addf %parallel_loop3A_354, %gather3A_232 : vector<16xf32>
        %parallel_loop3A_356 = arith.constant 16 : i32
        %parallel_loop3A_357 = arith.muli %parallel_loop3A_356, %parallel_loop3A_317 : i32
        %parallel_loop3A_358 = arith.constant 11 : i32
        %parallel_loop3A_359 = arith.index_cast %parallel_loop3A_358 : i32 to index
        %parallel_loop3A_360 = arith.index_cast %parallel_loop3A_357 : i32 to index
        %parallel_loop3A_361 = tpu.vector_load %arg11[%parallel_loop3A_359, %parallel_loop3A_360] {strides = array<i32>} : memref<32x1024xf32, #tpu.memory_space<vmem>>, vector<16xf32>,
        tpu.vector_store %arg11[%parallel_loop3A_359, %parallel_loop3A_360], %parallel_loop3A_355 {strides = array<i32>} : memref<32x1024xf32, #tpu.memory_space<vmem>>, vector<16xf32>,
        %parallel_loop3A_362 = arith.constant 12 : i32
        %parallel_loop3A_363 = vector.broadcast %parallel_loop3A_362 : i32 to vector<16xi32>
        %parallel_loop3A_364 = tpu.vector_load_idx %arg6[%parallel_loop3A_363, %parallel_loop3A_321] : memref<32x1024xf32, #tpu.memory_space<vmem>>[vector<16xi32>, vector<16xi32>], vector<16xf32>,
        %parallel_loop3A_365 = arith.addf %parallel_loop3A_364, %gather3A_235 : vector<16xf32>
        %parallel_loop3A_366 = arith.constant 16 : i32
        %parallel_loop3A_367 = arith.muli %parallel_loop3A_366, %parallel_loop3A_317 : i32
        %parallel_loop3A_368 = arith.constant 12 : i32
        %parallel_loop3A_369 = arith.index_cast %parallel_loop3A_368 : i32 to index
        %parallel_loop3A_370 = arith.index_cast %parallel_loop3A_367 : i32 to index
        %parallel_loop3A_371 = tpu.vector_load %arg11[%parallel_loop3A_369, %parallel_loop3A_370] {strides = array<i32>} : memref<32x1024xf32, #tpu.memory_space<vmem>>, vector<16xf32>,
        tpu.vector_store %arg11[%parallel_loop3A_369, %parallel_loop3A_370], %parallel_loop3A_365 {strides = array<i32>} : memref<32x1024xf32, #tpu.memory_space<vmem>>, vector<16xf32>,
        %parallel_loop3A_372 = arith.constant 13 : i32
        %parallel_loop3A_373 = vector.broadcast %parallel_loop3A_372 : i32 to vector<16xi32>
        %parallel_loop3A_374 = tpu.vector_load_idx %arg6[%parallel_loop3A_373, %parallel_loop3A_321] : memref<32x1024xf32, #tpu.memory_space<vmem>>[vector<16xi32>, vector<16xi32>], vector<16xf32>,
        %parallel_loop3A_375 = arith.addf %parallel_loop3A_374, %gather3A_238 : vector<16xf32>
        %parallel_loop3A_376 = arith.constant 16 : i32
        %parallel_loop3A_377 = arith.muli %parallel_loop3A_376, %parallel_loop3A_317 : i32
        %parallel_loop3A_378 = arith.constant 13 : i32
        %parallel_loop3A_379 = arith.index_cast %parallel_loop3A_378 : i32 to index
        %parallel_loop3A_380 = arith.index_cast %parallel_loop3A_377 : i32 to index
        %parallel_loop3A_381 = tpu.vector_load %arg11[%parallel_loop3A_379, %parallel_loop3A_380] {strides = array<i32>} : memref<32x1024xf32, #tpu.memory_space<vmem>>, vector<16xf32>,
        tpu.vector_store %arg11[%parallel_loop3A_379, %parallel_loop3A_380], %parallel_loop3A_375 {strides = array<i32>} : memref<32x1024xf32, #tpu.memory_space<vmem>>, vector<16xf32>,
        %parallel_loop3A_382 = arith.constant 14 : i32
        %parallel_loop3A_383 = vector.broadcast %parallel_loop3A_382 : i32 to vector<16xi32>
        %parallel_loop3A_384 = tpu.vector_load_idx %arg6[%parallel_loop3A_383, %parallel_loop3A_321] : memref<32x1024xf32, #tpu.memory_space<vmem>>[vector<16xi32>, vector<16xi32>], vector<16xf32>,
        %parallel_loop3A_385 = arith.addf %parallel_loop3A_384, %gather3A_241 : vector<16xf32>
        %parallel_loop3A_386 = arith.constant 16 : i32
        %parallel_loop3A_387 = arith.muli %parallel_loop3A_386, %parallel_loop3A_317 : i32
        %parallel_loop3A_388 = arith.constant 14 : i32
        %parallel_loop3A_389 = arith.index_cast %parallel_loop3A_388 : i32 to index
        %parallel_loop3A_390 = arith.index_cast %parallel_loop3A_387 : i32 to index
        %parallel_loop3A_391 = tpu.vector_load %arg11[%parallel_loop3A_389, %parallel_loop3A_390] {strides = array<i32>} : memref<32x1024xf32, #tpu.memory_space<vmem>>, vector<16xf32>,
        tpu.vector_store %arg11[%parallel_loop3A_389, %parallel_loop3A_390], %parallel_loop3A_385 {strides = array<i32>} : memref<32x1024xf32, #tpu.memory_space<vmem>>, vector<16xf32>,
        %parallel_loop3A_392 = arith.constant 15 : i32
        %parallel_loop3A_393 = vector.broadcast %parallel_loop3A_392 : i32 to vector<16xi32>
        %parallel_loop3A_394 = tpu.vector_load_idx %arg6[%parallel_loop3A_393, %parallel_loop3A_321] : memref<32x1024xf32, #tpu.memory_space<vmem>>[vector<16xi32>, vector<16xi32>], vector<16xf32>,
        %parallel_loop3A_395 = arith.addf %parallel_loop3A_394, %gather3A_244 : vector<16xf32>
        %parallel_loop3A_396 = arith.constant 16 : i32
        %parallel_loop3A_397 = arith.muli %parallel_loop3A_396, %parallel_loop3A_317 : i32
        %parallel_loop3A_398 = arith.constant 15 : i32
        %parallel_loop3A_399 = arith.index_cast %parallel_loop3A_398 : i32 to index
        %parallel_loop3A_400 = arith.index_cast %parallel_loop3A_397 : i32 to index
        %parallel_loop3A_401 = tpu.vector_load %arg11[%parallel_loop3A_399, %parallel_loop3A_400] {strides = array<i32>} : memref<32x1024xf32, #tpu.memory_space<vmem>>, vector<16xf32>,
        tpu.vector_store %arg11[%parallel_loop3A_399, %parallel_loop3A_400], %parallel_loop3A_395 {strides = array<i32>} : memref<32x1024xf32, #tpu.memory_space<vmem>>, vector<16xf32>,
      } {sc.loop_unroll_factor = 1 : i64, sc.parallel_access}
      %broadcast_in_dim3A_248 = arith.constant 16 : i32
      %broadcast_in_dim3A_249 = vector.broadcast %broadcast_in_dim3A_248 : i32 to vector<16xi32>
      %gather3A_250 = tpu.vector_load_idx %arg7[%broadcast_in_dim3A_249, %add3A_193] : memref<32x64xf32, #tpu.memory_space<vmem>>[vector<16xi32>, vector<16xi32>], vector<16xf32>,
      %broadcast_in_dim3A_251 = arith.constant 17 : i32
      %broadcast_in_dim3A_252 = vector.broadcast %broadcast_in_dim3A_251 : i32 to vector<16xi32>
      %gather3A_253 = tpu.vector_load_idx %arg7[%broadcast_in_dim3A_252, %add3A_193] : memref<32x64xf32, #tpu.memory_space<vmem>>[vector<16xi32>, vector<16xi32>], vector<16xf32>,
      %broadcast_in_dim3A_254 = arith.constant 18 : i32
      %broadcast_in_dim3A_255 = vector.broadcast %broadcast_in_dim3A_254 : i32 to vector<16xi32>
      %gather3A_256 = tpu.vector_load_idx %arg7[%broadcast_in_dim3A_255, %add3A_193] : memref<32x64xf32, #tpu.memory_space<vmem>>[vector<16xi32>, vector<16xi32>], vector<16xf32>,
      %broadcast_in_dim3A_257 = arith.constant 19 : i32
      %broadcast_in_dim3A_258 = vector.broadcast %broadcast_in_dim3A_257 : i32 to vector<16xi32>
      %gather3A_259 = tpu.vector_load_idx %arg7[%broadcast_in_dim3A_258, %add3A_193] : memref<32x64xf32, #tpu.memory_space<vmem>>[vector<16xi32>, vector<16xi32>], vector<16xf32>,
      %broadcast_in_dim3A_260 = arith.constant 20 : i32
      %broadcast_in_dim3A_261 = vector.broadcast %broadcast_in_dim3A_260 : i32 to vector<16xi32>
      %gather3A_262 = tpu.vector_load_idx %arg7[%broadcast_in_dim3A_261, %add3A_193] : memref<32x64xf32, #tpu.memory_space<vmem>>[vector<16xi32>, vector<16xi32>], vector<16xf32>,
      %broadcast_in_dim3A_263 = arith.constant 21 : i32
      %broadcast_in_dim3A_264 = vector.broadcast %broadcast_in_dim3A_263 : i32 to vector<16xi32>
      %gather3A_265 = tpu.vector_load_idx %arg7[%broadcast_in_dim3A_264, %add3A_193] : memref<32x64xf32, #tpu.memory_space<vmem>>[vector<16xi32>, vector<16xi32>], vector<16xf32>,
      %broadcast_in_dim3A_266 = arith.constant 22 : i32
      %broadcast_in_dim3A_267 = vector.broadcast %broadcast_in_dim3A_266 : i32 to vector<16xi32>
      %gather3A_268 = tpu.vector_load_idx %arg7[%broadcast_in_dim3A_267, %add3A_193] : memref<32x64xf32, #tpu.memory_space<vmem>>[vector<16xi32>, vector<16xi32>], vector<16xf32>,
      %broadcast_in_dim3A_269 = arith.constant 23 : i32
      %broadcast_in_dim3A_270 = vector.broadcast %broadcast_in_dim3A_269 : i32 to vector<16xi32>
      %gather3A_271 = tpu.vector_load_idx %arg7[%broadcast_in_dim3A_270, %add3A_193] : memref<32x64xf32, #tpu.memory_space<vmem>>[vector<16xi32>, vector<16xi32>], vector<16xf32>,
      %parallel_loop3A_272 = arith.constant 0 : i32
      %parallel_loop3A_273 = arith.constant 64 : i32
      %parallel_loop3A_274 = arith.constant 1 : i32
      scf.for %parallel_loop3A_317 = %parallel_loop3A_272 to %parallel_loop3A_273 step %parallel_loop3A_274  : i32 {
        %parallel_loop3A_318 = arith.constant 16 : i32
        %parallel_loop3A_319 = arith.muli %parallel_loop3A_318, %parallel_loop3A_317 : i32
        %parallel_loop3A_320 = arith.index_cast %parallel_loop3A_319 : i32 to index
        %parallel_loop3A_321 = tpu.vector_load %arg9[%parallel_loop3A_320] {strides = array<i32>} : memref<1024xi32, #tpu.memory_space<vmem>>, vector<16xi32>,
        %parallel_loop3A_322 = arith.constant 16 : i32
        %parallel_loop3A_323 = vector.broadcast %parallel_loop3A_322 : i32 to vector<16xi32>
        %parallel_loop3A_324 = tpu.vector_load_idx %arg6[%parallel_loop3A_323, %parallel_loop3A_321] : memref<32x1024xf32, #tpu.memory_space<vmem>>[vector<16xi32>, vector<16xi32>], vector<16xf32>,
        %parallel_loop3A_325 = arith.addf %parallel_loop3A_324, %gather3A_250 : vector<16xf32>
        %parallel_loop3A_326 = arith.constant 16 : i32
        %parallel_loop3A_327 = arith.muli %parallel_loop3A_326, %parallel_loop3A_317 : i32
        %parallel_loop3A_328 = arith.constant 16 : i32
        %parallel_loop3A_329 = arith.index_cast %parallel_loop3A_328 : i32 to index
        %parallel_loop3A_330 = arith.index_cast %parallel_loop3A_327 : i32 to index
        %parallel_loop3A_331 = tpu.vector_load %arg11[%parallel_loop3A_329, %parallel_loop3A_330] {strides = array<i32>} : memref<32x1024xf32, #tpu.memory_space<vmem>>, vector<16xf32>,
        tpu.vector_store %arg11[%parallel_loop3A_329, %parallel_loop3A_330], %parallel_loop3A_325 {strides = array<i32>} : memref<32x1024xf32, #tpu.memory_space<vmem>>, vector<16xf32>,
        %parallel_loop3A_332 = arith.constant 17 : i32
        %parallel_loop3A_333 = vector.broadcast %parallel_loop3A_332 : i32 to vector<16xi32>
        %parallel_loop3A_334 = tpu.vector_load_idx %arg6[%parallel_loop3A_333, %parallel_loop3A_321] : memref<32x1024xf32, #tpu.memory_space<vmem>>[vector<16xi32>, vector<16xi32>], vector<16xf32>,
        %parallel_loop3A_335 = arith.addf %parallel_loop3A_334, %gather3A_253 : vector<16xf32>
        %parallel_loop3A_336 = arith.constant 16 : i32
        %parallel_loop3A_337 = arith.muli %parallel_loop3A_336, %parallel_loop3A_317 : i32
        %parallel_loop3A_338 = arith.constant 17 : i32
        %parallel_loop3A_339 = arith.index_cast %parallel_loop3A_338 : i32 to index
        %parallel_loop3A_340 = arith.index_cast %parallel_loop3A_337 : i32 to index
        %parallel_loop3A_341 = tpu.vector_load %arg11[%parallel_loop3A_339, %parallel_loop3A_340] {strides = array<i32>} : memref<32x1024xf32, #tpu.memory_space<vmem>>, vector<16xf32>,
        tpu.vector_store %arg11[%parallel_loop3A_339, %parallel_loop3A_340], %parallel_loop3A_335 {strides = array<i32>} : memref<32x1024xf32, #tpu.memory_space<vmem>>, vector<16xf32>,
        %parallel_loop3A_342 = arith.constant 18 : i32
        %parallel_loop3A_343 = vector.broadcast %parallel_loop3A_342 : i32 to vector<16xi32>
        %parallel_loop3A_344 = tpu.vector_load_idx %arg6[%parallel_loop3A_343, %parallel_loop3A_321] : memref<32x1024xf32, #tpu.memory_space<vmem>>[vector<16xi32>, vector<16xi32>], vector<16xf32>,
        %parallel_loop3A_345 = arith.addf %parallel_loop3A_344, %gather3A_256 : vector<16xf32>
        %parallel_loop3A_346 = arith.constant 16 : i32
        %parallel_loop3A_347 = arith.muli %parallel_loop3A_346, %parallel_loop3A_317 : i32
        %parallel_loop3A_348 = arith.constant 18 : i32
        %parallel_loop3A_349 = arith.index_cast %parallel_loop3A_348 : i32 to index
        %parallel_loop3A_350 = arith.index_cast %parallel_loop3A_347 : i32 to index
        %parallel_loop3A_351 = tpu.vector_load %arg11[%parallel_loop3A_349, %parallel_loop3A_350] {strides = array<i32>} : memref<32x1024xf32, #tpu.memory_space<vmem>>, vector<16xf32>,
        tpu.vector_store %arg11[%parallel_loop3A_349, %parallel_loop3A_350], %parallel_loop3A_345 {strides = array<i32>} : memref<32x1024xf32, #tpu.memory_space<vmem>>, vector<16xf32>,
        %parallel_loop3A_352 = arith.constant 19 : i32
        %parallel_loop3A_353 = vector.broadcast %parallel_loop3A_352 : i32 to vector<16xi32>
        %parallel_loop3A_354 = tpu.vector_load_idx %arg6[%parallel_loop3A_353, %parallel_loop3A_321] : memref<32x1024xf32, #tpu.memory_space<vmem>>[vector<16xi32>, vector<16xi32>], vector<16xf32>,
        %parallel_loop3A_355 = arith.addf %parallel_loop3A_354, %gather3A_259 : vector<16xf32>
        %parallel_loop3A_356 = arith.constant 16 : i32
        %parallel_loop3A_357 = arith.muli %parallel_loop3A_356, %parallel_loop3A_317 : i32
        %parallel_loop3A_358 = arith.constant 19 : i32
        %parallel_loop3A_359 = arith.index_cast %parallel_loop3A_358 : i32 to index
        %parallel_loop3A_360 = arith.index_cast %parallel_loop3A_357 : i32 to index
        %parallel_loop3A_361 = tpu.vector_load %arg11[%parallel_loop3A_359, %parallel_loop3A_360] {strides = array<i32>} : memref<32x1024xf32, #tpu.memory_space<vmem>>, vector<16xf32>,
        tpu.vector_store %arg11[%parallel_loop3A_359, %parallel_loop3A_360], %parallel_loop3A_355 {strides = array<i32>} : memref<32x1024xf32, #tpu.memory_space<vmem>>, vector<16xf32>,
        %parallel_loop3A_362 = arith.constant 20 : i32
        %parallel_loop3A_363 = vector.broadcast %parallel_loop3A_362 : i32 to vector<16xi32>
        %parallel_loop3A_364 = tpu.vector_load_idx %arg6[%parallel_loop3A_363, %parallel_loop3A_321] : memref<32x1024xf32, #tpu.memory_space<vmem>>[vector<16xi32>, vector<16xi32>], vector<16xf32>,
        %parallel_loop3A_365 = arith.addf %parallel_loop3A_364, %gather3A_262 : vector<16xf32>
        %parallel_loop3A_366 = arith.constant 16 : i32
        %parallel_loop3A_367 = arith.muli %parallel_loop3A_366, %parallel_loop3A_317 : i32
        %parallel_loop3A_368 = arith.constant 20 : i32
        %parallel_loop3A_369 = arith.index_cast %parallel_loop3A_368 : i32 to index
        %parallel_loop3A_370 = arith.index_cast %parallel_loop3A_367 : i32 to index
        %parallel_loop3A_371 = tpu.vector_load %arg11[%parallel_loop3A_369, %parallel_loop3A_370] {strides = array<i32>} : memref<32x1024xf32, #tpu.memory_space<vmem>>, vector<16xf32>,
        tpu.vector_store %arg11[%parallel_loop3A_369, %parallel_loop3A_370], %parallel_loop3A_365 {strides = array<i32>} : memref<32x1024xf32, #tpu.memory_space<vmem>>, vector<16xf32>,
        %parallel_loop3A_372 = arith.constant 21 : i32
        %parallel_loop3A_373 = vector.broadcast %parallel_loop3A_372 : i32 to vector<16xi32>
        %parallel_loop3A_374 = tpu.vector_load_idx %arg6[%parallel_loop3A_373, %parallel_loop3A_321] : memref<32x1024xf32, #tpu.memory_space<vmem>>[vector<16xi32>, vector<16xi32>], vector<16xf32>,
        %parallel_loop3A_375 = arith.addf %parallel_loop3A_374, %gather3A_265 : vector<16xf32>
        %parallel_loop3A_376 = arith.constant 16 : i32
        %parallel_loop3A_377 = arith.muli %parallel_loop3A_376, %parallel_loop3A_317 : i32
        %parallel_loop3A_378 = arith.constant 21 : i32
        %parallel_loop3A_379 = arith.index_cast %parallel_loop3A_378 : i32 to index
        %parallel_loop3A_380 = arith.index_cast %parallel_loop3A_377 : i32 to index
        %parallel_loop3A_381 = tpu.vector_load %arg11[%parallel_loop3A_379, %parallel_loop3A_380] {strides = array<i32>} : memref<32x1024xf32, #tpu.memory_space<vmem>>, vector<16xf32>,
        tpu.vector_store %arg11[%parallel_loop3A_379, %parallel_loop3A_380], %parallel_loop3A_375 {strides = array<i32>} : memref<32x1024xf32, #tpu.memory_space<vmem>>, vector<16xf32>,
        %parallel_loop3A_382 = arith.constant 22 : i32
        %parallel_loop3A_383 = vector.broadcast %parallel_loop3A_382 : i32 to vector<16xi32>
        %parallel_loop3A_384 = tpu.vector_load_idx %arg6[%parallel_loop3A_383, %parallel_loop3A_321] : memref<32x1024xf32, #tpu.memory_space<vmem>>[vector<16xi32>, vector<16xi32>], vector<16xf32>,
        %parallel_loop3A_385 = arith.addf %parallel_loop3A_384, %gather3A_268 : vector<16xf32>
        %parallel_loop3A_386 = arith.constant 16 : i32
        %parallel_loop3A_387 = arith.muli %parallel_loop3A_386, %parallel_loop3A_317 : i32
        %parallel_loop3A_388 = arith.constant 22 : i32
        %parallel_loop3A_389 = arith.index_cast %parallel_loop3A_388 : i32 to index
        %parallel_loop3A_390 = arith.index_cast %parallel_loop3A_387 : i32 to index
        %parallel_loop3A_391 = tpu.vector_load %arg11[%parallel_loop3A_389, %parallel_loop3A_390] {strides = array<i32>} : memref<32x1024xf32, #tpu.memory_space<vmem>>, vector<16xf32>,
        tpu.vector_store %arg11[%parallel_loop3A_389, %parallel_loop3A_390], %parallel_loop3A_385 {strides = array<i32>} : memref<32x1024xf32, #tpu.memory_space<vmem>>, vector<16xf32>,
        %parallel_loop3A_392 = arith.constant 23 : i32
        %parallel_loop3A_393 = vector.broadcast %parallel_loop3A_392 : i32 to vector<16xi32>
        %parallel_loop3A_394 = tpu.vector_load_idx %arg6[%parallel_loop3A_393, %parallel_loop3A_321] : memref<32x1024xf32, #tpu.memory_space<vmem>>[vector<16xi32>, vector<16xi32>], vector<16xf32>,
        %parallel_loop3A_395 = arith.addf %parallel_loop3A_394, %gather3A_271 : vector<16xf32>
        %parallel_loop3A_396 = arith.constant 16 : i32
        %parallel_loop3A_397 = arith.muli %parallel_loop3A_396, %parallel_loop3A_317 : i32
        %parallel_loop3A_398 = arith.constant 23 : i32
        %parallel_loop3A_399 = arith.index_cast %parallel_loop3A_398 : i32 to index
        %parallel_loop3A_400 = arith.index_cast %parallel_loop3A_397 : i32 to index
        %parallel_loop3A_401 = tpu.vector_load %arg11[%parallel_loop3A_399, %parallel_loop3A_400] {strides = array<i32>} : memref<32x1024xf32, #tpu.memory_space<vmem>>, vector<16xf32>,
        tpu.vector_store %arg11[%parallel_loop3A_399, %parallel_loop3A_400], %parallel_loop3A_395 {strides = array<i32>} : memref<32x1024xf32, #tpu.memory_space<vmem>>, vector<16xf32>,
      } {sc.loop_unroll_factor = 1 : i64, sc.parallel_access}
      %broadcast_in_dim3A_275 = arith.constant 24 : i32
      %broadcast_in_dim3A_276 = vector.broadcast %broadcast_in_dim3A_275 : i32 to vector<16xi32>
      %gather3A_277 = tpu.vector_load_idx %arg7[%broadcast_in_dim3A_276, %add3A_193] : memref<32x64xf32, #tpu.memory_space<vmem>>[vector<16xi32>, vector<16xi32>], vector<16xf32>,
      %broadcast_in_dim3A_278 = arith.constant 25 : i32
      %broadcast_in_dim3A_279 = vector.broadcast %broadcast_in_dim3A_278 : i32 to vector<16xi32>
      %gather3A_280 = tpu.vector_load_idx %arg7[%broadcast_in_dim3A_279, %add3A_193] : memref<32x64xf32, #tpu.memory_space<vmem>>[vector<16xi32>, vector<16xi32>], vector<16xf32>,
      %broadcast_in_dim3A_281 = arith.constant 26 : i32
      %broadcast_in_dim3A_282 = vector.broadcast %broadcast_in_dim3A_281 : i32 to vector<16xi32>
      %gather3A_283 = tpu.vector_load_idx %arg7[%broadcast_in_dim3A_282, %add3A_193] : memref<32x64xf32, #tpu.memory_space<vmem>>[vector<16xi32>, vector<16xi32>], vector<16xf32>,
      %broadcast_in_dim3A_284 = arith.constant 27 : i32
      %broadcast_in_dim3A_285 = vector.broadcast %broadcast_in_dim3A_284 : i32 to vector<16xi32>
      %gather3A_286 = tpu.vector_load_idx %arg7[%broadcast_in_dim3A_285, %add3A_193] : memref<32x64xf32, #tpu.memory_space<vmem>>[vector<16xi32>, vector<16xi32>], vector<16xf32>,
      %broadcast_in_dim3A_287 = arith.constant 28 : i32
      %broadcast_in_dim3A_288 = vector.broadcast %broadcast_in_dim3A_287 : i32 to vector<16xi32>
      %gather3A_289 = tpu.vector_load_idx %arg7[%broadcast_in_dim3A_288, %add3A_193] : memref<32x64xf32, #tpu.memory_space<vmem>>[vector<16xi32>, vector<16xi32>], vector<16xf32>,
      %broadcast_in_dim3A_290 = arith.constant 29 : i32
      %broadcast_in_dim3A_291 = vector.broadcast %broadcast_in_dim3A_290 : i32 to vector<16xi32>
      %gather3A_292 = tpu.vector_load_idx %arg7[%broadcast_in_dim3A_291, %add3A_193] : memref<32x64xf32, #tpu.memory_space<vmem>>[vector<16xi32>, vector<16xi32>], vector<16xf32>,
      %broadcast_in_dim3A_293 = arith.constant 30 : i32
      %broadcast_in_dim3A_294 = vector.broadcast %broadcast_in_dim3A_293 : i32 to vector<16xi32>
      %gather3A_295 = tpu.vector_load_idx %arg7[%broadcast_in_dim3A_294, %add3A_193] : memref<32x64xf32, #tpu.memory_space<vmem>>[vector<16xi32>, vector<16xi32>], vector<16xf32>,
      %broadcast_in_dim3A_296 = arith.constant 31 : i32
      %broadcast_in_dim3A_297 = vector.broadcast %broadcast_in_dim3A_296 : i32 to vector<16xi32>
      %gather3A_298 = tpu.vector_load_idx %arg7[%broadcast_in_dim3A_297, %add3A_193] : memref<32x64xf32, #tpu.memory_space<vmem>>[vector<16xi32>, vector<16xi32>], vector<16xf32>,
      %parallel_loop3A_299 = arith.constant 0 : i32
      %parallel_loop3A_300 = arith.constant 64 : i32
      %parallel_loop3A_301 = arith.constant 1 : i32
      scf.for %parallel_loop3A_317 = %parallel_loop3A_299 to %parallel_loop3A_300 step %parallel_loop3A_301  : i32 {
        %parallel_loop3A_318 = arith.constant 16 : i32
        %parallel_loop3A_319 = arith.muli %parallel_loop3A_318, %parallel_loop3A_317 : i32
        %parallel_loop3A_320 = arith.index_cast %parallel_loop3A_319 : i32 to index
        %parallel_loop3A_321 = tpu.vector_load %arg9[%parallel_loop3A_320] {strides = array<i32>} : memref<1024xi32, #tpu.memory_space<vmem>>, vector<16xi32>,
        %parallel_loop3A_322 = arith.constant 24 : i32
        %parallel_loop3A_323 = vector.broadcast %parallel_loop3A_322 : i32 to vector<16xi32>
        %parallel_loop3A_324 = tpu.vector_load_idx %arg6[%parallel_loop3A_323, %parallel_loop3A_321] : memref<32x1024xf32, #tpu.memory_space<vmem>>[vector<16xi32>, vector<16xi32>], vector<16xf32>,
        %parallel_loop3A_325 = arith.addf %parallel_loop3A_324, %gather3A_277 : vector<16xf32>
        %parallel_loop3A_326 = arith.constant 16 : i32
        %parallel_loop3A_327 = arith.muli %parallel_loop3A_326, %parallel_loop3A_317 : i32
        %parallel_loop3A_328 = arith.constant 24 : i32
        %parallel_loop3A_329 = arith.index_cast %parallel_loop3A_328 : i32 to index
        %parallel_loop3A_330 = arith.index_cast %parallel_loop3A_327 : i32 to index
        %parallel_loop3A_331 = tpu.vector_load %arg11[%parallel_loop3A_329, %parallel_loop3A_330] {strides = array<i32>} : memref<32x1024xf32, #tpu.memory_space<vmem>>, vector<16xf32>,
        tpu.vector_store %arg11[%parallel_loop3A_329, %parallel_loop3A_330], %parallel_loop3A_325 {strides = array<i32>} : memref<32x1024xf32, #tpu.memory_space<vmem>>, vector<16xf32>,
        %parallel_loop3A_332 = arith.constant 25 : i32
        %parallel_loop3A_333 = vector.broadcast %parallel_loop3A_332 : i32 to vector<16xi32>
        %parallel_loop3A_334 = tpu.vector_load_idx %arg6[%parallel_loop3A_333, %parallel_loop3A_321] : memref<32x1024xf32, #tpu.memory_space<vmem>>[vector<16xi32>, vector<16xi32>], vector<16xf32>,
        %parallel_loop3A_335 = arith.addf %parallel_loop3A_334, %gather3A_280 : vector<16xf32>
        %parallel_loop3A_336 = arith.constant 16 : i32
        %parallel_loop3A_337 = arith.muli %parallel_loop3A_336, %parallel_loop3A_317 : i32
        %parallel_loop3A_338 = arith.constant 25 : i32
        %parallel_loop3A_339 = arith.index_cast %parallel_loop3A_338 : i32 to index
        %parallel_loop3A_340 = arith.index_cast %parallel_loop3A_337 : i32 to index
        %parallel_loop3A_341 = tpu.vector_load %arg11[%parallel_loop3A_339, %parallel_loop3A_340] {strides = array<i32>} : memref<32x1024xf32, #tpu.memory_space<vmem>>, vector<16xf32>,
        tpu.vector_store %arg11[%parallel_loop3A_339, %parallel_loop3A_340], %parallel_loop3A_335 {strides = array<i32>} : memref<32x1024xf32, #tpu.memory_space<vmem>>, vector<16xf32>,
        %parallel_loop3A_342 = arith.constant 26 : i32
        %parallel_loop3A_343 = vector.broadcast %parallel_loop3A_342 : i32 to vector<16xi32>
        %parallel_loop3A_344 = tpu.vector_load_idx %arg6[%parallel_loop3A_343, %parallel_loop3A_321] : memref<32x1024xf32, #tpu.memory_space<vmem>>[vector<16xi32>, vector<16xi32>], vector<16xf32>,
        %parallel_loop3A_345 = arith.addf %parallel_loop3A_344, %gather3A_283 : vector<16xf32>
        %parallel_loop3A_346 = arith.constant 16 : i32
        %parallel_loop3A_347 = arith.muli %parallel_loop3A_346, %parallel_loop3A_317 : i32
        %parallel_loop3A_348 = arith.constant 26 : i32
        %parallel_loop3A_349 = arith.index_cast %parallel_loop3A_348 : i32 to index
        %parallel_loop3A_350 = arith.index_cast %parallel_loop3A_347 : i32 to index
        %parallel_loop3A_351 = tpu.vector_load %arg11[%parallel_loop3A_349, %parallel_loop3A_350] {strides = array<i32>} : memref<32x1024xf32, #tpu.memory_space<vmem>>, vector<16xf32>,
        tpu.vector_store %arg11[%parallel_loop3A_349, %parallel_loop3A_350], %parallel_loop3A_345 {strides = array<i32>} : memref<32x1024xf32, #tpu.memory_space<vmem>>, vector<16xf32>,
        %parallel_loop3A_352 = arith.constant 27 : i32
        %parallel_loop3A_353 = vector.broadcast %parallel_loop3A_352 : i32 to vector<16xi32>
        %parallel_loop3A_354 = tpu.vector_load_idx %arg6[%parallel_loop3A_353, %parallel_loop3A_321] : memref<32x1024xf32, #tpu.memory_space<vmem>>[vector<16xi32>, vector<16xi32>], vector<16xf32>,
        %parallel_loop3A_355 = arith.addf %parallel_loop3A_354, %gather3A_286 : vector<16xf32>
        %parallel_loop3A_356 = arith.constant 16 : i32
        %parallel_loop3A_357 = arith.muli %parallel_loop3A_356, %parallel_loop3A_317 : i32
        %parallel_loop3A_358 = arith.constant 27 : i32
        %parallel_loop3A_359 = arith.index_cast %parallel_loop3A_358 : i32 to index
        %parallel_loop3A_360 = arith.index_cast %parallel_loop3A_357 : i32 to index
        %parallel_loop3A_361 = tpu.vector_load %arg11[%parallel_loop3A_359, %parallel_loop3A_360] {strides = array<i32>} : memref<32x1024xf32, #tpu.memory_space<vmem>>, vector<16xf32>,
        tpu.vector_store %arg11[%parallel_loop3A_359, %parallel_loop3A_360], %parallel_loop3A_355 {strides = array<i32>} : memref<32x1024xf32, #tpu.memory_space<vmem>>, vector<16xf32>,
        %parallel_loop3A_362 = arith.constant 28 : i32
        %parallel_loop3A_363 = vector.broadcast %parallel_loop3A_362 : i32 to vector<16xi32>
        %parallel_loop3A_364 = tpu.vector_load_idx %arg6[%parallel_loop3A_363, %parallel_loop3A_321] : memref<32x1024xf32, #tpu.memory_space<vmem>>[vector<16xi32>, vector<16xi32>], vector<16xf32>,
        %parallel_loop3A_365 = arith.addf %parallel_loop3A_364, %gather3A_289 : vector<16xf32>
        %parallel_loop3A_366 = arith.constant 16 : i32
        %parallel_loop3A_367 = arith.muli %parallel_loop3A_366, %parallel_loop3A_317 : i32
        %parallel_loop3A_368 = arith.constant 28 : i32
        %parallel_loop3A_369 = arith.index_cast %parallel_loop3A_368 : i32 to index
        %parallel_loop3A_370 = arith.index_cast %parallel_loop3A_367 : i32 to index
        %parallel_loop3A_371 = tpu.vector_load %arg11[%parallel_loop3A_369, %parallel_loop3A_370] {strides = array<i32>} : memref<32x1024xf32, #tpu.memory_space<vmem>>, vector<16xf32>,
        tpu.vector_store %arg11[%parallel_loop3A_369, %parallel_loop3A_370], %parallel_loop3A_365 {strides = array<i32>} : memref<32x1024xf32, #tpu.memory_space<vmem>>, vector<16xf32>,
        %parallel_loop3A_372 = arith.constant 29 : i32
        %parallel_loop3A_373 = vector.broadcast %parallel_loop3A_372 : i32 to vector<16xi32>
        %parallel_loop3A_374 = tpu.vector_load_idx %arg6[%parallel_loop3A_373, %parallel_loop3A_321] : memref<32x1024xf32, #tpu.memory_space<vmem>>[vector<16xi32>, vector<16xi32>], vector<16xf32>,
        %parallel_loop3A_375 = arith.addf %parallel_loop3A_374, %gather3A_292 : vector<16xf32>
        %parallel_loop3A_376 = arith.constant 16 : i32
        %parallel_loop3A_377 = arith.muli %parallel_loop3A_376, %parallel_loop3A_317 : i32
        %parallel_loop3A_378 = arith.constant 29 : i32
        %parallel_loop3A_379 = arith.index_cast %parallel_loop3A_378 : i32 to index
        %parallel_loop3A_380 = arith.index_cast %parallel_loop3A_377 : i32 to index
        %parallel_loop3A_381 = tpu.vector_load %arg11[%parallel_loop3A_379, %parallel_loop3A_380] {strides = array<i32>} : memref<32x1024xf32, #tpu.memory_space<vmem>>, vector<16xf32>,
        tpu.vector_store %arg11[%parallel_loop3A_379, %parallel_loop3A_380], %parallel_loop3A_375 {strides = array<i32>} : memref<32x1024xf32, #tpu.memory_space<vmem>>, vector<16xf32>,
        %parallel_loop3A_382 = arith.constant 30 : i32
        %parallel_loop3A_383 = vector.broadcast %parallel_loop3A_382 : i32 to vector<16xi32>
        %parallel_loop3A_384 = tpu.vector_load_idx %arg6[%parallel_loop3A_383, %parallel_loop3A_321] : memref<32x1024xf32, #tpu.memory_space<vmem>>[vector<16xi32>, vector<16xi32>], vector<16xf32>,
        %parallel_loop3A_385 = arith.addf %parallel_loop3A_384, %gather3A_295 : vector<16xf32>
        %parallel_loop3A_386 = arith.constant 16 : i32
        %parallel_loop3A_387 = arith.muli %parallel_loop3A_386, %parallel_loop3A_317 : i32
        %parallel_loop3A_388 = arith.constant 30 : i32
        %parallel_loop3A_389 = arith.index_cast %parallel_loop3A_388 : i32 to index
        %parallel_loop3A_390 = arith.index_cast %parallel_loop3A_387 : i32 to index
        %parallel_loop3A_391 = tpu.vector_load %arg11[%parallel_loop3A_389, %parallel_loop3A_390] {strides = array<i32>} : memref<32x1024xf32, #tpu.memory_space<vmem>>, vector<16xf32>,
        tpu.vector_store %arg11[%parallel_loop3A_389, %parallel_loop3A_390], %parallel_loop3A_385 {strides = array<i32>} : memref<32x1024xf32, #tpu.memory_space<vmem>>, vector<16xf32>,
        %parallel_loop3A_392 = arith.constant 31 : i32
        %parallel_loop3A_393 = vector.broadcast %parallel_loop3A_392 : i32 to vector<16xi32>
        %parallel_loop3A_394 = tpu.vector_load_idx %arg6[%parallel_loop3A_393, %parallel_loop3A_321] : memref<32x1024xf32, #tpu.memory_space<vmem>>[vector<16xi32>, vector<16xi32>], vector<16xf32>,
        %parallel_loop3A_395 = arith.addf %parallel_loop3A_394, %gather3A_298 : vector<16xf32>
        %parallel_loop3A_396 = arith.constant 16 : i32
        %parallel_loop3A_397 = arith.muli %parallel_loop3A_396, %parallel_loop3A_317 : i32
        %parallel_loop3A_398 = arith.constant 31 : i32
        %parallel_loop3A_399 = arith.index_cast %parallel_loop3A_398 : i32 to index
        %parallel_loop3A_400 = arith.index_cast %parallel_loop3A_397 : i32 to index
        %parallel_loop3A_401 = tpu.vector_load %arg11[%parallel_loop3A_399, %parallel_loop3A_400] {strides = array<i32>} : memref<32x1024xf32, #tpu.memory_space<vmem>>, vector<16xf32>,
        tpu.vector_store %arg11[%parallel_loop3A_399, %parallel_loop3A_400], %parallel_loop3A_395 {strides = array<i32>} : memref<32x1024xf32, #tpu.memory_space<vmem>>, vector<16xf32>,
      } {sc.loop_unroll_factor = 1 : i64, sc.parallel_access}
      %lt3A_302 = arith.constant 31 : i32
      %lt3A_303 = arith.cmpi slt, %add3A, %lt3A_302 : i32
      %convert_element_type3A_304 = arith.extui %lt3A_303 : i1 to i32
      %cond3A_305 = arith.constant 0 : i32
      %cond3A_306 = arith.cmpi ne, %convert_element_type3A_304, %cond3A_305 : i32
      scf.if %cond3A_306 {
        %dma_start3A_317 = arith.constant 0 : i32
        %dma_start3A_318 = tpu.memref_slice %arg5[%add3A_178, %mul3A_2, %dma_start3A_317] : memref<50x1000x1024xf32, #tpu.memory_space<hbm>> -> memref<1x32x1024xf32, #tpu.memory_space<hbm>>
        %dma_start3A_319 = tpu.memref_squeeze %dma_start3A_318 : memref<1x32x1024xf32, #tpu.memory_space<hbm>> -> memref<32x1024xf32, #tpu.memory_space<hbm>>
        %dma_start3A_320 = arith.constant 0 : i32
        %dma_start3A_321 = tpu.memref_slice %arg5[%add3A_178, %mul3A_2, %dma_start3A_320] : memref<50x1000x1024xf32, #tpu.memory_space<hbm>> -> memref<1x32x1024xf32, #tpu.memory_space<hbm>>
        %dma_start3A_322 = tpu.memref_squeeze %dma_start3A_321 : memref<1x32x1024xf32, #tpu.memory_space<hbm>> -> memref<32x1024xf32, #tpu.memory_space<hbm>>
        tpu.enqueue_dma source(%arg11 : memref<32x1024xf32, #tpu.memory_space<vmem>>) target(%dma_start3A_322 : memref<32x1024xf32, #tpu.memory_space<hbm>>) target_semaphore(%arg16 : memref<!tpu.dma_semaphore, #tpu.memory_space<semaphore_mem>>)
      } else {
      }
      %eq3A_307 = arith.constant 31 : i32
      %eq3A_308 = arith.cmpi eq, %add3A, %eq3A_307 : i32
      %convert_element_type3A_309 = arith.extui %eq3A_308 : i1 to i32
      %cond3A_310 = arith.constant 0 : i32
      %cond3A_311 = arith.cmpi ne, %convert_element_type3A_309, %cond3A_310 : i32
      scf.if %cond3A_311 {
        %dma_start3A_317 = arith.constant 0 : i32
        %dma_start3A_318 = arith.constant 0 : i32
        %dma_start3A_319 = tpu.memref_slice %arg11[%dma_start3A_317, %dma_start3A_318] : memref<32x1024xf32, #tpu.memory_space<vmem>> -> memref<8x1024xf32, #tpu.memory_space<vmem>>
        %dma_start3A_320 = arith.constant 0 : i32
        %dma_start3A_321 = tpu.memref_slice %arg5[%add3A_178, %mul3A_2, %dma_start3A_320] : memref<50x1000x1024xf32, #tpu.memory_space<hbm>> -> memref<1x8x1024xf32, #tpu.memory_space<hbm>>
        %dma_start3A_322 = tpu.memref_squeeze %dma_start3A_321 : memref<1x8x1024xf32, #tpu.memory_space<hbm>> -> memref<8x1024xf32, #tpu.memory_space<hbm>>
        %dma_start3A_323 = arith.constant 0 : i32
        %dma_start3A_324 = tpu.memref_slice %arg5[%add3A_178, %mul3A_2, %dma_start3A_323] : memref<50x1000x1024xf32, #tpu.memory_space<hbm>> -> memref<1x8x1024xf32, #tpu.memory_space<hbm>>
        %dma_start3A_325 = tpu.memref_squeeze %dma_start3A_324 : memref<1x8x1024xf32, #tpu.memory_space<hbm>> -> memref<8x1024xf32, #tpu.memory_space<hbm>>
        %dma_start3A_326 = arith.constant 0 : i32
        %dma_start3A_327 = arith.constant 0 : i32
        %dma_start3A_328 = tpu.memref_slice %arg11[%dma_start3A_326, %dma_start3A_327] : memref<32x1024xf32, #tpu.memory_space<vmem>> -> memref<8x1024xf32, #tpu.memory_space<vmem>>
        tpu.enqueue_dma source(%dma_start3A_328 : memref<8x1024xf32, #tpu.memory_space<vmem>>) target(%dma_start3A_325 : memref<8x1024xf32, #tpu.memory_space<hbm>>) target_semaphore(%arg16 : memref<!tpu.dma_semaphore, #tpu.memory_space<semaphore_mem>>)
      } else {
      }
      %lt3A_312 = arith.constant 24 : i32
      %lt3A_313 = arith.cmpi slt, %scan3A_37, %lt3A_312 : i32
      %convert_element_type3A_314 = arith.extui %lt3A_313 : i1 to i32
      %cond3A_315 = arith.constant 0 : i32
      %cond3A_316 = arith.cmpi ne, %convert_element_type3A_314, %cond3A_315 : i32
      scf.if %cond3A_316 {
        %add3A_317 = arith.constant 2 : i32
        %add3A_318 = arith.addi %add3A_178, %add3A_317 : i32
        %dma_start3A_319 = arith.constant 0 : i32
        %dma_start3A_320 = tpu.memref_slice %arg2[%add3A_318, %dma_start3A_319] : memref<50x1024xi32, #tpu.memory_space<hbm>> -> memref<1x1024xi32, #tpu.memory_space<hbm>>
        %dma_start3A_321 = tpu.memref_squeeze %dma_start3A_320 : memref<1x1024xi32, #tpu.memory_space<hbm>> -> memref<1024xi32, #tpu.memory_space<hbm>>
        %dma_start3A_322 = arith.constant 0 : i32
        %dma_start3A_323 = tpu.memref_slice %arg2[%add3A_318, %dma_start3A_322] : memref<50x1024xi32, #tpu.memory_space<hbm>> -> memref<1x1024xi32, #tpu.memory_space<hbm>>
        %dma_start3A_324 = tpu.memref_squeeze %dma_start3A_323 : memref<1x1024xi32, #tpu.memory_space<hbm>> -> memref<1024xi32, #tpu.memory_space<hbm>>
        tpu.enqueue_dma source(%dma_start3A_324 : memref<1024xi32, #tpu.memory_space<hbm>>) target(%arg9 : memref<1024xi32, #tpu.memory_space<vmem>>) target_semaphore(%arg14 : memref<!tpu.dma_semaphore, #tpu.memory_space<semaphore_mem>>)
      } else {
      }
    }
    %scan3A_20 = arith.constant 25 : i32
    %lt3A = arith.constant 31 : i32
    %lt3A_21 = arith.cmpi slt, %add3A, %lt3A : i32
    %convert_element_type3A = arith.extui %lt3A_21 : i1 to i32
    %cond3A = arith.constant 0 : i32
    %cond3A_22 = arith.cmpi ne, %convert_element_type3A, %cond3A : i32
    scf.if %cond3A_22 {
      %dma_wait3A = arith.constant 48 : i32
      %dma_wait3A_37 = arith.constant 0 : i32
      %dma_wait3A_38 = tpu.memref_slice %arg5[%dma_wait3A, %mul3A_2, %dma_wait3A_37] : memref<50x1000x1024xf32, #tpu.memory_space<hbm>> -> memref<1x32x1024xf32, #tpu.memory_space<hbm>>
      %dma_wait3A_39 = tpu.memref_squeeze %dma_wait3A_38 : memref<1x32x1024xf32, #tpu.memory_space<hbm>> -> memref<32x1024xf32, #tpu.memory_space<hbm>>
      %dma_wait3A_40 = arith.constant 0 : i32
      %dma_wait3A_41 = tpu.memref_slice %arg5[%dma_wait3A, %mul3A_2, %dma_wait3A_40] : memref<50x1000x1024xf32, #tpu.memory_space<hbm>> -> memref<1x32x1024xf32, #tpu.memory_space<hbm>>
      %dma_wait3A_42 = tpu.memref_squeeze %dma_wait3A_41 : memref<1x32x1024xf32, #tpu.memory_space<hbm>> -> memref<32x1024xf32, #tpu.memory_space<hbm>>
      tpu.wait_dma2 semaphore(%arg15 : memref<!tpu.dma_semaphore, #tpu.memory_space<semaphore_mem>>) src(%arg10 : memref<32x1024xf32, #tpu.memory_space<vmem>>) dst(%dma_wait3A_42 : memref<32x1024xf32, #tpu.memory_space<hbm>>)
    } else {
    }
    %eq3A = arith.constant 31 : i32
    %eq3A_23 = arith.cmpi eq, %add3A, %eq3A : i32
    %convert_element_type3A_24 = arith.extui %eq3A_23 : i1 to i32
    %cond3A_25 = arith.constant 0 : i32
    %cond3A_26 = arith.cmpi ne, %convert_element_type3A_24, %cond3A_25 : i32
    scf.if %cond3A_26 {
      %dma_wait3A = arith.constant 48 : i32
      %dma_wait3A_37 = arith.constant 0 : i32
      %dma_wait3A_38 = arith.constant 0 : i32
      %dma_wait3A_39 = tpu.memref_slice %arg10[%dma_wait3A_37, %dma_wait3A_38] : memref<32x1024xf32, #tpu.memory_space<vmem>> -> memref<8x1024xf32, #tpu.memory_space<vmem>>
      %dma_wait3A_40 = arith.constant 0 : i32
      %dma_wait3A_41 = tpu.memref_slice %arg5[%dma_wait3A, %mul3A_2, %dma_wait3A_40] : memref<50x1000x1024xf32, #tpu.memory_space<hbm>> -> memref<1x8x1024xf32, #tpu.memory_space<hbm>>
      %dma_wait3A_42 = tpu.memref_squeeze %dma_wait3A_41 : memref<1x8x1024xf32, #tpu.memory_space<hbm>> -> memref<8x1024xf32, #tpu.memory_space<hbm>>
      %dma_wait3A_43 = arith.constant 0 : i32
      %dma_wait3A_44 = tpu.memref_slice %arg5[%dma_wait3A, %mul3A_2, %dma_wait3A_43] : memref<50x1000x1024xf32, #tpu.memory_space<hbm>> -> memref<1x8x1024xf32, #tpu.memory_space<hbm>>
      %dma_wait3A_45 = tpu.memref_squeeze %dma_wait3A_44 : memref<1x8x1024xf32, #tpu.memory_space<hbm>> -> memref<8x1024xf32, #tpu.memory_space<hbm>>
      %dma_wait3A_46 = arith.constant 0 : i32
      %dma_wait3A_47 = arith.constant 0 : i32
      %dma_wait3A_48 = tpu.memref_slice %arg10[%dma_wait3A_46, %dma_wait3A_47] : memref<32x1024xf32, #tpu.memory_space<vmem>> -> memref<8x1024xf32, #tpu.memory_space<vmem>>
      tpu.wait_dma2 semaphore(%arg15 : memref<!tpu.dma_semaphore, #tpu.memory_space<semaphore_mem>>) src(%dma_wait3A_48 : memref<8x1024xf32, #tpu.memory_space<vmem>>) dst(%dma_wait3A_45 : memref<8x1024xf32, #tpu.memory_space<hbm>>)
    } else {
    }
    %lt3A_27 = arith.constant 31 : i32
    %lt3A_28 = arith.cmpi slt, %add3A, %lt3A_27 : i32
    %convert_element_type3A_29 = arith.extui %lt3A_28 : i1 to i32
    %cond3A_30 = arith.constant 0 : i32
    %cond3A_31 = arith.cmpi ne, %convert_element_type3A_29, %cond3A_30 : i32
    scf.if %cond3A_31 {
      %dma_wait3A = arith.constant 49 : i32
      %dma_wait3A_37 = arith.constant 0 : i32
      %dma_wait3A_38 = tpu.memref_slice %arg5[%dma_wait3A, %mul3A_2, %dma_wait3A_37] : memref<50x1000x1024xf32, #tpu.memory_space<hbm>> -> memref<1x32x1024xf32, #tpu.memory_space<hbm>>
      %dma_wait3A_39 = tpu.memref_squeeze %dma_wait3A_38 : memref<1x32x1024xf32, #tpu.memory_space<hbm>> -> memref<32x1024xf32, #tpu.memory_space<hbm>>
      %dma_wait3A_40 = arith.constant 0 : i32
      %dma_wait3A_41 = tpu.memref_slice %arg5[%dma_wait3A, %mul3A_2, %dma_wait3A_40] : memref<50x1000x1024xf32, #tpu.memory_space<hbm>> -> memref<1x32x1024xf32, #tpu.memory_space<hbm>>
      %dma_wait3A_42 = tpu.memref_squeeze %dma_wait3A_41 : memref<1x32x1024xf32, #tpu.memory_space<hbm>> -> memref<32x1024xf32, #tpu.memory_space<hbm>>
      tpu.wait_dma2 semaphore(%arg16 : memref<!tpu.dma_semaphore, #tpu.memory_space<semaphore_mem>>) src(%arg11 : memref<32x1024xf32, #tpu.memory_space<vmem>>) dst(%dma_wait3A_42 : memref<32x1024xf32, #tpu.memory_space<hbm>>)
    } else {
    }
    %eq3A_32 = arith.constant 31 : i32
    %eq3A_33 = arith.cmpi eq, %add3A, %eq3A_32 : i32
    %convert_element_type3A_34 = arith.extui %eq3A_33 : i1 to i32
    %cond3A_35 = arith.constant 0 : i32
    %cond3A_36 = arith.cmpi ne, %convert_element_type3A_34, %cond3A_35 : i32
    scf.if %cond3A_36 {
      %dma_wait3A = arith.constant 49 : i32
      %dma_wait3A_37 = arith.constant 0 : i32
      %dma_wait3A_38 = arith.constant 0 : i32
      %dma_wait3A_39 = tpu.memref_slice %arg11[%dma_wait3A_37, %dma_wait3A_38] : memref<32x1024xf32, #tpu.memory_space<vmem>> -> memref<8x1024xf32, #tpu.memory_space<vmem>>
      %dma_wait3A_40 = arith.constant 0 : i32
      %dma_wait3A_41 = tpu.memref_slice %arg5[%dma_wait3A, %mul3A_2, %dma_wait3A_40] : memref<50x1000x1024xf32, #tpu.memory_space<hbm>> -> memref<1x8x1024xf32, #tpu.memory_space<hbm>>
      %dma_wait3A_42 = tpu.memref_squeeze %dma_wait3A_41 : memref<1x8x1024xf32, #tpu.memory_space<hbm>> -> memref<8x1024xf32, #tpu.memory_space<hbm>>
      %dma_wait3A_43 = arith.constant 0 : i32
      %dma_wait3A_44 = tpu.memref_slice %arg5[%dma_wait3A, %mul3A_2, %dma_wait3A_43] : memref<50x1000x1024xf32, #tpu.memory_space<hbm>> -> memref<1x8x1024xf32, #tpu.memory_space<hbm>>
      %dma_wait3A_45 = tpu.memref_squeeze %dma_wait3A_44 : memref<1x8x1024xf32, #tpu.memory_space<hbm>> -> memref<8x1024xf32, #tpu.memory_space<hbm>>
      %dma_wait3A_46 = arith.constant 0 : i32
      %dma_wait3A_47 = arith.constant 0 : i32
      %dma_wait3A_48 = tpu.memref_slice %arg11[%dma_wait3A_46, %dma_wait3A_47] : memref<32x1024xf32, #tpu.memory_space<vmem>> -> memref<8x1024xf32, #tpu.memory_space<vmem>>
      tpu.wait_dma2 semaphore(%arg16 : memref<!tpu.dma_semaphore, #tpu.memory_space<semaphore_mem>>) src(%dma_wait3A_48 : memref<8x1024xf32, #tpu.memory_space<vmem>>) dst(%dma_wait3A_45 : memref<8x1024xf32, #tpu.memory_space<hbm>>)
    } else {
    }
    return
  }
}

module attributes {stable_mosaic.version = 14 : i64} {
  func.func @_precompute_body(%arg0: memref<1024x64xf32, #tpu.memory_space<vmem>>, %arg1: memref<64x64xf32, #tpu.memory_space<vmem>>, %arg2: memref<64x1024xf32, #tpu.memory_space<vmem>>, %arg3: memref<1024x1xf32, #tpu.memory_space<vmem>>, %arg4: memref<1024x1024xf32, #tpu.memory_space<vmem>>, %arg5: memref<1024x64xf32, #tpu.memory_space<vmem>>) attributes {dimension_semantics = [], scalar_prefetch = 0 : i64, scratch_operands = 0 : i64, tpu.core_type = #tpu.core_type<tc>} {
    %get3A = arith.constant 0 : index
    %get3A_0 = arith.constant 0 : index
    %get3A_1 = vector.load %arg2[%get3A, %get3A_0] : memref<64x1024xf32, #tpu.memory_space<vmem>>, vector<64x1024xf32>
    %get3A_2 = arith.constant 0 : index
    %get3A_3 = arith.constant 0 : index
    %get3A_4 = vector.load %arg0[%get3A_2, %get3A_3] : memref<1024x64xf32, #tpu.memory_space<vmem>>, vector<1024x64xf32>
    %dot_general3A = arith.constant dense<0.000000e+00> : vector<1024x1024xf32>
    %dot_general3A_5 = tpu.matmul %get3A_1, %get3A_4, %dot_general3A {dimension_numbers = #tpu.dot_dimension_numbers<[0], [1], [1], [0], [0, 1, 1, 0], [], []>, transpose_lhs_hint = false} : vector<64x1024xf32>, vector<1024x64xf32>, vector<1024x1024xf32> -> vector<1024x1024xf32>
    %get3A_6 = arith.constant 0 : index
    %get3A_7 = arith.constant 0 : index
    %get3A_8 = vector.load %arg3[%get3A_6, %get3A_7] : memref<1024x1xf32, #tpu.memory_space<vmem>>, vector<1024x1xf32>
    %add3A = vector.broadcast %get3A_8 : vector<1024x1xf32> to vector<1024x1024xf32>
    %add3A_9 = arith.addf %dot_general3A_5, %add3A : vector<1024x1024xf32>
    %swap3A = arith.constant 0 : index
    %swap3A_10 = arith.constant 0 : index
    %swap3A_11 = vector.load %arg4[%swap3A, %swap3A_10] : memref<1024x1024xf32, #tpu.memory_space<vmem>>, vector<1024x1024xf32>
    tpu.vector_store %arg4[%swap3A, %swap3A_10], %add3A_9 {strides = array<i32>} : memref<1024x1024xf32, #tpu.memory_space<vmem>>, vector<1024x1024xf32>,
    %get3A_12 = arith.constant 0 : index
    %get3A_13 = arith.constant 0 : index
    %get3A_14 = vector.load %arg1[%get3A_12, %get3A_13] : memref<64x64xf32, #tpu.memory_space<vmem>>, vector<64x64xf32>
    %dot_general3A_15 = arith.constant dense<0.000000e+00> : vector<1024x64xf32>
    %dot_general3A_16 = tpu.matmul %get3A_1, %get3A_14, %dot_general3A_15 {dimension_numbers = #tpu.dot_dimension_numbers<[0], [1], [1], [0], [0, 1, 1, 0], [], []>, transpose_lhs_hint = false} : vector<64x1024xf32>, vector<64x64xf32>, vector<1024x64xf32> -> vector<1024x64xf32>
    %swap3A_17 = arith.constant 0 : index
    %swap3A_18 = arith.constant 0 : index
    %swap3A_19 = vector.load %arg5[%swap3A_17, %swap3A_18] : memref<1024x64xf32, #tpu.memory_space<vmem>>, vector<1024x64xf32>
    tpu.vector_store %arg5[%swap3A_17, %swap3A_18], %dot_general3A_16 {strides = array<i32>} : memref<1024x64xf32, #tpu.memory_space<vmem>>, vector<1024x64xf32>,
    return
  }
}

</mosaic_0001>

<sc_bundles>
// kernel: kernel.4.cloned.1.call-start
scs
__scs_entry_jumppad:
0x0: {  	(pc) =	sbr.rel $0x88, $3  }
0x1: {  	(tag) =	ssettag $0x0;
	lr =	simm.s32 $0x1  }
0x2: {  	[smem:$0x3F9C] =	sst lr;
	_ =	strace $0xD0000000  }
0x3: {  	_ = 	snop  }
0x4: {  	_ = 	snop  }
0x5: {  	_ = 	snop  }
0x6: {  	_ = 	snop  }
0x7: {  	_ = 	snop  }
__scs_overlays_trampoline_lowered:
0x8: {  	[smem:$0x3FAB] =	sst s0  }
0x9: {  	[smem:$0x3FAC] =	sst s1  }
0xa: {  	[smem:$0x3FAD] =	sst s2  }
0xb: {  	[smem:$0x3FAE] =	sst s3  }
0xc: {  	[smem:$0x3FAF] =	sst s4  }
0xd: {  	[smem:$0x3FB0] =	sst s5  }
0xe: {  	[smem:$0x3FB1] =	sst s6  }
0xf: {  	[smem:$0x3FB2] =	sst s7  }
0x10: {  	[smem:$0x3FB3] =	sst s8  }
0x11: {  	[smem:$0x3FB4] =	sst s9;
	s0 =	simm.s32 @!p0 $0x0  }
0x12: {  	s1 =	sld [smem:$0x3F9A];
	s0 =	simm.s32 @p0 $0x1  }
0x13: {  	[smem:$0x3FB5] =	sst s0;
	s0 =	simm.s32 @!p1 $0x0  }
0x14: {  	s2 =	sld [smem:$0x3F99];
	s0 =	simm.s32 @p1 $0x1  }
0x15: {  	[smem:$0x3FB6] =	sst s0;
	s0 =	simm.s32 @!p2 $0x0  }
0x16: {  	s3 =	sld [smem:$0x3FDB];
	s0 =	simm.s32 @p2 $0x1  }
0x17: {  	s4 =	simm.s32 $0x1BF5;
	[smem:$0x3FB8] =	sst s0  }
0x18: {  	s0 =	sld [smem:$0x3F9B];
	_ =	swait.ge [sflag:s4], $0x0  }
0x19: {  	s7 =	sld [smem:$0x3F9C]  }
0x1a: {  	s8 =	sadd.s32 $0xFFFFE003, lr  }
0x1b: {  	s9 =	sadd.s32 $0xFFFFFEF7, lr;
	s5 =	simm.s32 $0xFFFFFFFF;
	p2 =	slt.u32 s8, $0xFFFFF086  }
0x1c: {  	p1 =	slt.u32 s9, $0xF7A;
	s5 =	simm.s32 @!p2 $0x0  }
0x1d: {  	s5 =	simm.s32 @p1 $0x1;
	p0 =	seq.s32 s7, s2  }
0x1e: {  	s7 =	smul.u32 @!p0 $0xF7A, s2;
	p2 =	seq.s32 @!p0 s5, $0x0  }
0x1f: {  	s9 =	smul.u32 $0xF7A, s1;
	s8 =	simm.s32 @!p0 $0x1BF5;
	p2 =	por !p2, p0  }
0x20: {  	[sflag:s8] =	ssyncset.s32 @!p0 $0xFFFFF086;
	s6 =	sadd.s32 @!p0 s3, s7;
	s7 =	simm.s32 @!p0 $0x108  }
0x21: {  	s3 =	sadd.s32 s3, s9;
	s6 =	sadd.s32 @!p0 $0x88, s6;
	s7 =	simm.s32 @p2 $0x1082  }
0x22: {  	[simem:s7], [sflag:s8] =	dma.local @!p0 [hbm:s6], $0xF7A  }
0x23: {  	s9 =	sor.u32 $0xD0000000, s2;
	s6 =	simm.s32 $0x108;
	_ =	swait.ge @!p0 [sflag:s8], $0x0  }
0x24: {  	s3 =	sadd.s32 $0x88, s3;
	s6 =	simm.s32 @!p1 $0x1082;
	[sflag:s4] =	ssyncset.s32 $0xFFFFF086  }
0x25: {  	[simem:s6], [sflag:s4] =	dma.local [hbm:s3], $0xF7A  }
0x26: {  	[smem:$0x3F9C] =	sst s1;
	(tag) =	ssettag s2;
	_ =	strace s9  }
0x27: {  	s1 =	sld [smem:$0x3FAC]  }
0x28: {  	s2 =	sld [smem:$0x3FAD]  }
0x29: {  	s4 =	sld [smem:$0x3FAF]  }
0x2a: {  	p0 =	seq.s32 s5, $0x0;
	s5 =	sld [smem:$0x3FB0]  }
0x2b: {  	s6 =	sld [smem:$0x3FB1]  }
0x2c: {  	s7 =	sld [smem:$0x3FB2]  }
0x2d: {  	s3 =	simm.s32 $0x108;
	s8 =	sld [smem:$0x3FB3]  }
0x2e: {  	s3 =	simm.s32 @!p0 $0x1082;
	s9 =	sld [smem:$0x3FB4]  }
0x2f: {  	lr =	sadd.s32 s0, s3;
	s0 =	sld [smem:$0x3FAB]  }
0x30: {  	s3 =	sld [smem:$0x3FAE]  }
0x31: {  	[smem:$0x3FB7] =	sst s10  }
0x32: {  	s10 =	sld [smem:$0x3FB5];
	_ =	sdelay $0x3  }
0x33: {  	p0 =	seq.s32 s10, $0x1;
	s10 =	sld [smem:$0x3FB7];
	_ =	sdelay $0x3  }
0x34: {  	[smem:$0x3FB7] =	sst s10  }
0x35: {  	s10 =	sld [smem:$0x3FB6];
	_ =	sdelay $0x3  }
0x36: {  	p1 =	seq.s32 s10, $0x1;
	s10 =	sld [smem:$0x3FB7];
	_ =	sdelay $0x3  }
0x37: {  	[smem:$0x3FB7] =	sst s10  }
0x38: {  	s10 =	sld [smem:$0x3FB8]  }
0x39: {  	_ = 	snop;
	(pc) =	sbr.ind lr, $3  }
0x3a: {  	_ = 	snop  }
0x3b: {  	_ = 	snop  }
0x3c: {  	p2 =	seq.s32 s10, $0x1;
	s10 =	sld [smem:$0x3FB7]  }
0x3d: {  	_ =	shalt  }
0x3e: {  	_ =	shalt  }
0x3f: {  	_ =	shalt  }
0x40: {  	_ =	shalt  }
0x41: {  	_ =	shalt  }
0x42: {  	_ =	shalt  }
0x43: {  	_ =	shalt  }
0x44: {  	_ =	shalt  }
0x45: {  	_ =	shalt  }
0x46: {  	_ =	shalt  }
0x47: {  	_ =	shalt  }
0x48: {  	_ =	shalt  }
0x49: {  	_ =	shalt  }
0x4a: {  	_ =	shalt  }
0x4b: {  	_ =	shalt  }
0x4c: {  	_ =	shalt  }
0x4d: {  	_ =	shalt  }
0x4e: {  	_ =	shalt  }
0x4f: {  	_ =	shalt  }
0x50: {  	_ =	shalt  }
0x51: {  	_ =	shalt  }
0x52: {  	_ =	shalt  }
0x53: {  	_ =	shalt  }
0x54: {  	_ =	shalt  }
0x55: {  	_ =	shalt  }
0x56: {  	_ =	shalt  }
0x57: {  	_ =	shalt  }
0x58: {  	_ =	shalt  }
0x59: {  	_ =	shalt  }
0x5a: {  	_ =	shalt  }
0x5b: {  	_ =	shalt  }
0x5c: {  	_ =	shalt  }
0x5d: {  	_ =	shalt  }
0x5e: {  	_ =	shalt  }
0x5f: {  	_ =	shalt  }
0x60: {  	_ =	shalt  }
0x61: {  	_ =	shalt  }
0x62: {  	_ =	shalt  }
0x63: {  	_ =	shalt  }
0x64: {  	_ =	shalt  }
0x65: {  	_ =	shalt  }
0x66: {  	_ =	shalt  }
0x67: {  	_ =	shalt  }
0x68: {  	_ =	shalt  }
0x69: {  	_ =	shalt  }
0x6a: {  	_ =	shalt  }
0x6b: {  	_ =	shalt  }
0x6c: {  	_ =	shalt  }
0x6d: {  	_ =	shalt  }
0x6e: {  	_ =	shalt  }
0x6f: {  	_ =	shalt  }
0x70: {  	_ =	shalt  }
0x71: {  	_ =	shalt  }
0x72: {  	_ =	shalt  }
0x73: {  	_ =	shalt  }
0x74: {  	_ =	shalt  }
0x75: {  	_ =	shalt  }
0x76: {  	_ =	shalt  }
0x77: {  	_ =	shalt  }
0x78: {  	_ =	shalt  }
0x79: {  	_ =	shalt  }
0x7a: {  	_ =	shalt  }
0x7b: {  	_ =	shalt  }
0x7c: {  	_ =	shalt  }
0x7d: {  	_ =	shalt  }
0x7e: {  	_ =	shalt  }
0x7f: {  	_ =	shalt  }
0x80: {  	_ =	shalt  }
0x81: {  	_ =	shalt  }
0x82: {  	_ =	shalt  }
0x83: {  	_ =	shalt  }
0x84: {  	_ =	shalt  }
0x85: {  	_ =	shalt  }
0x86: {  	_ =	shalt  }
0x87: {  	_ =	shalt  }
.Lfunc_end0:
.L_simem_size_0:
called_computation_lowered:
.L_overlay_start_0:
0x88: {  	s2 =	sld [smem:$0x3FD9]  }
0x89: {  	s3 =	sld [smem:$0x3FFE];
	_ =	sdelay $0x1  }
0x8a: {  	s1 =	srdreg.scid  }
0x8b: {  	s0 =	sand.u32 $0x1, s1  }
0x8c: {  	s17 =	sshll.u32 s0, $0xA;
	s2 =	sadd.s32 s3, s2  }
0x8d: {  	s2 =	sadd.s32 s2, s17  }
0x8e: {  	[smem:$0x3FC3] =	sst s2  }
0x8f: {  	_ = 	snop  }
0x90: {  	s2 =	sld [smem:$0x3FC9]  }
0x91: {  	s18 =	sld [smem:$0x3FD0];
	(tm) =	ssettm $0x1  }
0x92: {  	s4 =	sld [smem:$0x3FFB];
	_ =	sdelay $0x3  }
0x93: {  	_ =	strace s4  }
0x94: {  	s4 =	sld [smem:$0x3FFC];
	_ =	sdelay $0x3  }
0x95: {  	_ =	strace s4  }
0x96: {  	s4 =	sld [smem:$0x3FFD];
	_ =	sdelay $0x3  }
0x97: {  	_ =	strace s4  }
0x98: {  	_ =	strace $0x8FFFFFFF  }
0x99: {  	s19 =	sld [smem:$0x3FDB];
	_ =	sdelay $0x1  }
0x9a: {  	s5 =	simm.s32 $_scs_section_size  }
0x9b: {  	s6 =	simm.s32 $_size__tile_overlayer_lowered;
	s7 =	simm.s32 $_tile_overlayer_lowered  }
0x9c: {  	s22 =	simm.s32 $0x1BFF;
	s21 =	sshll.u32 s7, $0x1;
	s4 =	sadd.s32 s5, s19  }
0x9d: {  	s8 =	simm.s32 $0x0;
	s20 =	sshll.u32 s6, $0x1;
	s6 =	sadd.s32 s21, s4  }
0x9e: {  	[timem:s8], [sflag:s22] =	dma.local [hbm:s6], s20  }
0x9f: {  	_ =	swait.ge [sflag:s22], s20  }
0xa0: {  	s5 =	ssub.s32 $0x0, s20;
	[sflag:s22] =	ssyncset.done $0x0  }
0xa1: {  	[sflag:s22] =	ssyncadd.s32 s5;
	_ =	sdelay $0x1  }
0xa2: {  	s23 =	simm.s32 $0x1B8B  }
0xa3: {  	_ =	swait.ge [sflag:s23], $0x1  }
0xa4: {  	[sflag:s23] =	ssyncset.done $0x0  }
0xa5: {  	s25 =	simm.s32 $0x1B8E;
	s24 =	sld [smem:$0x3FFE];
	[sflag:s23] =	ssyncadd.s32 $0xFFFFFFFF  }
0xa6: {  	s26 =	simm.s32 $execute0_lowered;
	[smem:$0x3FD2] =	sst s25  }
0xa7: {  	s6 =	sshll.u32 s26, $0x1;
	_ =	strace $0x80000046;
	[dreg:$0x1] =	wrdreg $0xFFFFFFFF  }
0xa8: {  	s28 =	simm.s32 $_size_execute0_lowered;
	s4 =	sadd.s32 s4, s6;
	[dreg:$0x0] =	wrdreg $0x0  }
0xa9: {  	s6 =	sshll.u32 s28, $0x1;
	[dreg:$0x2] =	wrdreg s4  }
0xaa: {  	[dreg:$0x3] =	wrdreg s6  }
0xab: {  	[dreg:$0x4] =	wrdreg $0xC0  }
0xac: {  	_ =	task [dreg:s8], $0x5FFFF  }
0xad: {  	[dreg:$0x1] =	wrdreg $0xFFFFFFFF  }
0xae: {  	[dreg:$0x0] =	wrdreg $0x60  }
0xaf: {  	[dreg:$0x2] =	wrdreg s2  }
0xb0: {  	[dreg:$0x3] =	wrdreg s24  }
0xb1: {  	[dreg:$0x4] =	wrdreg s18  }
0xb2: {  	[dreg:$0x5] =	wrdreg $0x9  }
0xb3: {  	_ =	task.clear_ibuf [dreg:s8], $0x6FFFF;
	_ =	strace $0x90000046  }
0xb4: {  	s29 =	simm.s32 $0x9;
	_ =	strace $0x80000048  }
0xb5: {  	_ =	swait.ge [sflag:s29], $0x1  }
0xb6: {  	[sflag:s29] =	ssyncadd.s32 $0xFFFFFFFF  }
0xb7: {  	_ =	strace $0x90000048  }
0xb8: {  	_ =	sfence  }
0xb9: {  	s30 =	sld [smem:$0x0];
	_ =	sdelay $0x2  }
0xba: {  	s31 =	sshll.u32 s1, $0xD;
	s1 =	sshrl.u32 s1, $0x2  }
0xbb: {  	s3 =	sand.u32 $0x4000, s31;
	s1 =	sadd.s32 s1, s30  }
0xbc: {  	s0 =	sor.u32 s3, s0;
	s1 =	sshll.u32 s1, $0x11  }
0xbd: {  	s0 =	sor.u32 s1, s0  }
0xbe: {  	s0 =	sadd.s32 $0x8F2B, s0  }
0xbf: {  	[sflag:s0] =	ssyncadd.remote.s32 $0x1  }
0xc0: {  	_ =	sfence.sel $0xFFFF  }
0xc1: {  	[dreg:$0x0] =	wrdreg $0xFFFFFFFF;
	(pc) =	sbr.abs _section_cstart, $3  }
0xc2: {  	[dreg:$0x1] =	wrdreg $0xFFFFFFFF  }
0xc3: {  	_ =	task.clear_ibuf [dreg:s8], $0x2FFFF;
	_ =	strace $0x9FFFFFFF  }
0xc4: {  	(tm) =	ssettm $0x7FFFFFFF  }
0xc5: {  	_ =	shalt  }
tec
execute0_lowered:
.L_overlay_start_1:
0x0: {  	(tag) =	ssettag $0x1  }
0x1: {  	s24 =	rddreg [dreg:$0x0]  }
0x2: {  	s0 =	rddreg [dreg:$0x1];
	s1 =	srdreg.scid  }
0x3: {  	s2 =	stileid.u32;
	s4 =	simm.s32 $0x0;
	s12 =	simm.s32 $0x8000  }
0x4: {  	s1 =	sand.u32 $0x1, s1;
	s2 =	sshll.u32 s2, $0x1;
	[smem:$0x7FF] =	sst s4  }
0x5: {  	s30 =	sadd.s32 $0x10, s24;
	s6 =	sor.u32 s1, s2;
	_ =	strace $0x80000047  }
0x6: {  	s1 =	ssub.s32 $0x2, s1;
	[dreg:$0x8] =	wrdreg s30;
	s2 =	sshll.u32 s6, $0xC  }
0x7: {  	s3 =	sshll.u32 s6, $0x9;
	s5 =	sshrl.u32 s1, $0x1;
	s29 =	sshll.u32 s6, $0xF  }
.Ltmp0:
0x8: {  	[dreg:$0x4] =	wrdreg s6;
	s2 =	sadd.s32 s2, s0;
	(pc) =	sbr.rel .LBB2_1-.Ltmp0, $4  }
0x9: {  	s0 =	sadd.s32 s3, s0;
	[dreg:$0x5] =	wrdreg s29;
	s2 =	sadd.s32 $0xA00, s2  }
0xa: {  	s1 =	ssub.s32 s1, s5;
	s0 =	sadd.s32 $0x20A00, s0;
	[dreg:$0x6] =	wrdreg s2  }
0xb: {  	p0 =	seq.s32 s6, $0x1F;
	s31 =	smax.u32 s1, $0x1;
	[dreg:$0x7] =	wrdreg s0  }
0xc: {  	p1 =	sne.s32 s6, $0x1F;
	s1 =	simm.s32 $0x0;
	[dreg:$0x9] =	wrdreg s31  }
.LBB2_23:
0xd: {  	s0 =	simm.s32 $0x3  }
0xe: {  	_ =	swait.ge [sflag:s0], $0x8000  }
0xf: {  	[sflag:s0] =	ssyncset.done $0x0  }
0x10: {  	s31 =	simm.s32 $0x4;
	[sflag:s0] =	ssyncadd.s32 $0xFFFF8000  }
0x11: {  	_ =	swait.ge [sflag:s31], $0x8000  }
0x12: {  	[sflag:s31] =	ssyncset.done $0x0  }
0x13: {  	s1 =	rddreg [dreg:$0xa];
	[sflag:s31] =	ssyncadd.s32 $0xFFFF8000  }
.LBB2_24:
0x14: {  	s1 =	sadd.s32 $0x1, s1;
	s0 =	rddreg [dreg:$0x9]  }
0x15: {  	p2 =	sne.s32 s1, s0  }
.Ltmp1:
0x16: {  	_ = 	snop;
	(pc) =	sbr.rel @!p2 .LBB2_25-.Ltmp1, $1  }
0x17: {  	_ =	sdelay $0x3  }
.LBB2_1:
0x18: {  	[dreg:$0xa] =	wrdreg s1  }
0x19: {  	s0 =	rddreg [dreg:$0x6];
	s26 =	simm.s32 $0x5  }
0x1a: {  	[tilespmem:s4], [sflag:$0x5] =	stream.linear.gather [hbm4b:s0+s4], $0x8000, $0x38;
	[tilespmem:$0x19800] =	vst v63  }
0x1b: {  	_ =	swait.ge [sflag:s26], $0x8000  }
0x1c: {  	[sflag:s26] =	ssyncset.done $0x0  }
0x1d: {  	s28 =	rddreg [dreg:$0x7];
	[sflag:s26] =	ssyncadd.s32 $0xFFFF8000  }
0x1e: {  	[tilespmem:s12], [sflag:$0x5] =	stream.linear.gather [hbm4b:s28+s4], $0x1000, $0x38;
	[tilespmem:$0x19800] =	vst v63  }
0x1f: {  	_ =	swait.ge [sflag:s26], $0x1000  }
.Ltmp2:
0x20: {  	s29 =	simm.s32 $0x80;
	[sflag:s26] =	ssyncset.done $0x0;
	(pc) =	sbr.rel .LBB2_2-.Ltmp2, $4  }
0x21: {  	s2 =	simm.s32 $0x400;
	s30 =	simm.s32 $0x9000;
	[sflag:s26] =	ssyncadd.s32 $0xFFFFF000  }
0x22: {  	[tilespmem:s30], [sflag:$0x1] =	stream.strided.gather [hbm4b:s24+s29], $0x400, s2, s29, $0x38;
	[tilespmem:$0x19800] =	vst v63  }
0x23: {  	s3 =	simm.s32 $0x9400;
	s23 =	simm.s32 $0x0;
	s31 =	rddreg [dreg:$0x8]  }
0x24: {  	[tilespmem:s3], [sflag:$0x2] =	stream.strided.gather [hbm4b:s31+s29], $0x400, s2, s29, $0x38;
	[tilespmem:$0x19800] =	vst v63  }
.LBB2_21:
.Ltmp3:
0x25: {  	s1 =	rddreg [dreg:$0x5];
	(pc) =	sbr.rel @p2 .LBB2_23-.Ltmp3, $4  }
0x26: {  	s0 =	sadd.s32 s1, s0  }
0x27: {  	s30 =	rddreg [dreg:$0x2];
	s0 =	sshrl.u32 s0, $0x3  }
0x28: {  	s31 =	simm.s32 $0x11800;
	s0 =	sadd.s32 s30, s0  }
0x29: {  	[hbm4b:s0+s4] =	stream.linear.scatter [tilespmem:s31], [sflag:$0x4], $0x8000, $0x38;
	[tilespmem:$0x19800] =	vst v63  }
.LBB2_22:
0x2a: {  	s0 =	rddreg [dreg:$0xb]  }
0x2b: {  	s0 =	sadd.s32 $0x3, s0  }
0x2c: {  	s1 =	sshll.u32 s0, $0x4  }
0x2d: {  	s31 =	simm.s32 $0x80;
	s0 =	sshll.u32 s0, $0x7;
	s1 =	sand.u32 $0x70, s1  }
0x2e: {  	s2 =	simm.s32 $0x400;
	s0 =	sand.u32 $0x3C00, s0;
	s1 =	sadd.s32 s24, s1  }
0x2f: {  	s3 =	simm.s32 $0x9400;
	s23 =	sadd.s32 $0x1, s23;
	s0 =	sadd.s32 s0, s1  }
0x30: {  	[tilespmem:s3], [sflag:$0x2] =	stream.strided.gather [hbm4b:s0+s31], $0x400, s2, s31, $0x38;
	[tilespmem:$0x19800] =	vst v63  }
.LBB2_2:
0x31: {  	s1 =	simm.s32 $0x1  }
0x32: {  	_ =	swait.ge [sflag:s1], $0x400  }
0x33: {  	p2 =	seq.s32 s23, $0x0;
	s0 =	rddreg [dreg:$0x4]  }
0x34: {  	p4 =	seq.s32 @!p2 s0, $0x1F  }
0x35: {  	[sflag:s1] =	ssyncset.done $0x0;
	p3 =	por !p4, p2  }
0x36: {  	[sflag:s1] =	ssyncadd.s32 $0xFFFFFC00;
	s0 =	simm.s32 @!p3 $0x3  }
0x37: {  	_ =	swait.ge @!p3 [sflag:s0], $0x2000  }
0x38: {  	p4 =	por p4, p2;
	[sflag:s0] =	ssyncset.done @!p3 $0x0  }
0x39: {  	[sflag:s0] =	ssyncadd.s32 @!p3 $0xFFFFE000;
	s0 =	simm.s32 @!p4 $0x3  }
0x3a: {  	_ =	swait.ge @!p4 [sflag:s0], $0x8000  }
0x3b: {  	[sflag:s0] =	ssyncset.done @!p4 $0x0  }
0x3c: {  	s16 =	simm.s32 $0x9000;
	[sflag:s0] =	ssyncadd.s32 @!p4 $0xFFFF8000  }
0x3d: {  	v1 =	vld [tilespmem:s16+$0x0];
	_ =	sdelay $0x1  }
0x3e: {  	s17 =	sshll.u32 s23, $0x1  }
0x3f: {  	v0 =	vmov s17;
	_ =	sdelay $0x1  }
0x40: {  	v2 =	vor.u32 $0x80, v0;
	v3 =	vshll.u32 v1, $0x3  }
0x41: {  	v4 =	vor.u32 $0x100, v0;
	v1 =	vand.u32 $0x7F, v1;
	v3 =	vand.u32 $0xFFFFFC00, v3  }
0x42: {  	v14 =	vor.u32 v1, v3  }
0x43: {  	s18 =	simm.s32 $0x9010;
	[dreg:$0xb] =	wrdreg s17;
	v11 =	vld.idx.msk [tilespmem:v0+s12+$0x0], $0xffff  }
0x44: {  	v6 =	vld [tilespmem:s18+$0x0];
	v1 =	vor.u32 $0x180, v0  }
0x45: {  	v10 =	vld.idx.msk [tilespmem:v2+s12+$0x0], $0xffff;
	v3 =	vor.u32 $0x200, v0  }
0x46: {  	v2 =	vor.u32 $0x280, v0;
	v9 =	vld.idx.msk [tilespmem:v4+s12+$0x0], $0xffff  }
0x47: {  	v4 =	vor.u32 $0x300, v0;
	v12 =	vld.idx.msk [tilespmem:v14+s4+$0x0], $0xffff;
	_ =	sdelay $0x1  }
0x48: {  	v8 =	vor.u32 $0x380, v0;
	v7 =	vld.idx.msk [tilespmem:v1+s12+$0x0], $0xffff;
	v1 =	vshll.u32 v6, $0x3  }
0x49: {  	v13 =	vor.u32 $0x80, v14;
	v5 =	vld.idx.msk [tilespmem:v3+s12+$0x0], $0xffff;
	v6 =	vand.u32 $0x7F, v6;
	v1 =	vand.u32 $0xFFFFFC00, v1  }
0x4a: {  	s15 =	simm.s32 $0x0;
	v3 =	vld.idx.msk [tilespmem:v2+s12+$0x0], $0xffff;
	v16 =	vor.u32 v6, v1  }
0x4b: {  	s19 =	simm.s32 $0x9020;
	s20 =	sand.u32 $0x70, s15;
	s2 =	sand.u32 $0x1C00, s15;
	v2 =	vld.idx.msk [tilespmem:v4+s12+$0x0], $0xffff;
	v4 =	vadd.f32 v12, v11  }
0x4c: {  	s1 =	sor.u32 s20, s2;
	v6 =	vld [tilespmem:s19+$0x0]  }
0x4d: {  	v1 =	vld.idx.msk [tilespmem:v8+s12+$0x0], $0xffff;
	[tilespmem:s1+$0x9800] =	vst v4  }
0x4e: {  	v8 =	vld.idx.msk [tilespmem:v13+s4+$0x0], $0xffff  }
0x4f: {  	v12 =	vld.idx.msk [tilespmem:v16+s4+$0x0], $0xffff;
	_ =	sdelay $0x1  }
0x50: {  	v4 =	vshll.u32 v6, $0x3;
	v13 =	vor.u32 $0x100, v14  }
0x51: {  	v15 =	vor.u32 $0x80, v16;
	v6 =	vand.u32 $0x7F, v6;
	v4 =	vand.u32 $0xFFFFFC00, v4  }
0x52: {  	s25 =	simm.s32 $0x10;
	s26 =	simm.s32 $0x80;
	v4 =	vor.u32 v6, v4;
	v6 =	vadd.f32 v8, v10  }
0x53: {  	s21 =	simm.s32 $0x9030;
	s22 =	sand.u32 $0x70, s25;
	s3 =	sand.u32 $0x1C00, s26;
	v8 =	vadd.f32 v12, v11  }
0x54: {  	s30 =	sor.u32 s22, s3;
	v12 =	vld [tilespmem:s21+$0x0];
	[tilespmem:s1+$0x9880] =	vst v6  }
0x55: {  	[tilespmem:s30+$0x9800] =	vst v8;
	v6 =	vld.idx.msk [tilespmem:v13+s4+$0x0], $0xffff  }
0x56: {  	v8 =	vld.idx.msk [tilespmem:v15+s4+$0x0], $0xffff  }
0x57: {  	v13 =	vld.idx.msk [tilespmem:v4+s4+$0x0], $0xffff  }
0x58: {  	v15 =	vor.u32 $0x180, v14  }
0x59: {  	v18 =	vor.u32 $0x100, v16;
	v17 =	vand.u32 $0x7F, v12;
	v12 =	vshll.u32 v12, $0x3  }
0x5a: {  	v19 =	vor.u32 $0x80, v4;
	v12 =	vand.u32 $0xFFFFFC00, v12;
	v20 =	vadd.f32 v6, v9  }
0x5b: {  	s29 =	simm.s32 $0x20;
	s5 =	simm.s32 $0x9040;
	s28 =	simm.s32 $0x100;
	v6 =	vor.u32 v17, v12;
	v8 =	vadd.f32 v8, v10  }
0x5c: {  	s6 =	sand.u32 $0x70, s29;
	s7 =	sand.u32 $0x1C00, s28;
	v12 =	vld [tilespmem:s5+$0x0];
	v13 =	vadd.f32 v13, v11;
	[tilespmem:s1+$0x9900] =	vst v20  }
0x5d: {  	s2 =	sor.u32 s6, s7;
	[tilespmem:s30+$0x9880] =	vst v8;
	v8 =	vld.idx.msk [tilespmem:v15+s4+$0x0], $0xffff  }
0x5e: {  	[tilespmem:s2+$0x9800] =	vst v13;
	v13 =	vld.idx.msk [tilespmem:v18+s4+$0x0], $0xffff  }
0x5f: {  	v15 =	vld.idx.msk [tilespmem:v19+s4+$0x0], $0xffff  }
0x60: {  	v18 =	vor.u32 $0x200, v14;
	v17 =	vld.idx.msk [tilespmem:v6+s4+$0x0], $0xffff  }
0x61: {  	v21 =	vor.u32 $0x100, v4;
	v20 =	vor.u32 $0x180, v16  }
0x62: {  	v19 =	vand.u32 $0x7F, v12;
	v12 =	vshll.u32 v12, $0x3;
	v22 =	vadd.f32 v8, v7  }
0x63: {  	s8 =	simm.s32 $0x9050;
	v8 =	vand.u32 $0xFFFFFC00, v12;
	v12 =	vor.u32 $0x80, v6;
	v13 =	vadd.f32 v13, v9  }
0x64: {  	s31 =	simm.s32 $0x30;
	s0 =	simm.s32 $0x180;
	v23 =	vld [tilespmem:s8+$0x0];
	v15 =	vadd.f32 v15, v10;
	v8 =	vor.u32 v19, v8;
	[tilespmem:s1+$0x9980] =	vst v22  }
0x65: {  	s9 =	sand.u32 $0x70, s31;
	s5 =	sand.u32 $0x1C00, s0;
	v17 =	vadd.f32 v17, v11;
	[tilespmem:s30+$0x9900] =	vst v13;
	v13 =	vld.idx.msk [tilespmem:v18+s4+$0x0], $0xffff  }
0x66: {  	s9 =	sor.u32 s9, s5;
	[tilespmem:s2+$0x9880] =	vst v15;
	v15 =	vld.idx.msk [tilespmem:v20+s4+$0x0], $0xffff  }
0x67: {  	[tilespmem:s9+$0x9800] =	vst v17;
	v17 =	vld.idx.msk [tilespmem:v21+s4+$0x0], $0xffff  }
0x68: {  	v19 =	vor.u32 $0x280, v14;
	v18 =	vld.idx.msk [tilespmem:v12+s4+$0x0], $0xffff  }
0x69: {  	v21 =	vor.u32 $0x200, v16;
	v20 =	vld.idx.msk [tilespmem:v8+s4+$0x0], $0xffff  }
0x6a: {  	v24 =	vor.u32 $0x100, v6;
	v22 =	vor.u32 $0x180, v4;
	v13 =	vadd.f32 v13, v5  }
0x6b: {  	s10 =	simm.s32 $0x9060;
	v12 =	vand.u32 $0x7F, v23;
	v23 =	vshll.u32 v23, $0x3;
	v15 =	vadd.f32 v15, v7  }
0x6c: {  	v25 =	vld [tilespmem:s10+$0x0];
	v26 =	vor.u32 $0x80, v8;
	v23 =	vand.u32 $0xFFFFFC00, v23;
	v17 =	vadd.f32 v17, v9;
	[tilespmem:s1+$0x9A00] =	vst v13  }
0x6d: {  	s7 =	simm.s32 $0x200;
	s8 =	simm.s32 $0x40;
	v12 =	vor.u32 v12, v23;
	v13 =	vadd.f32 v18, v10;
	[tilespmem:s30+$0x9980] =	vst v15;
	v15 =	vld.idx.msk [tilespmem:v19+s4+$0x0], $0xffff  }
0x6e: {  	s13 =	sand.u32 $0x1C00, s7;
	s11 =	sand.u32 $0x70, s8;
	v18 =	vadd.f32 v20, v11;
	[tilespmem:s2+$0x9900] =	vst v17;
	v17 =	vld.idx.msk [tilespmem:v21+s4+$0x0], $0xffff  }
0x6f: {  	s10 =	sor.u32 s11, s13;
	[tilespmem:s9+$0x9880] =	vst v13;
	v13 =	vld.idx.msk [tilespmem:v22+s4+$0x0], $0xffff  }
0x70: {  	v19 =	vor.u32 $0x300, v14;
	[tilespmem:s10+$0x9800] =	vst v18;
	v18 =	vld.idx.msk [tilespmem:v24+s4+$0x0], $0xffff  }
0x71: {  	v21 =	vor.u32 $0x280, v16;
	v20 =	vld.idx.msk [tilespmem:v26+s4+$0x0], $0xffff  }
0x72: {  	v23 =	vor.u32 $0x200, v4;
	v22 =	vld.idx.msk [tilespmem:v12+s4+$0x0], $0xffff;
	v15 =	vadd.f32 v15, v3  }
0x73: {  	s14 =	simm.s32 $0x9070;
	v55 =	vand.u32 $0x7F, v25;
	v56 =	vor.u32 $0x180, v6;
	v17 =	vadd.f32 v17, v5  }
0x74: {  	v27 =	vld [tilespmem:s14+$0x0];
	v25 =	vshll.u32 v25, $0x3;
	v28 =	vor.u32 $0x100, v8;
	v29 =	vadd.f32 v13, v7;
	[tilespmem:s1+$0x9A80] =	vst v15  }
0x75: {  	v13 =	vand.u32 $0xFFFFFC00, v25;
	v15 =	vor.u32 $0x80, v12;
	v18 =	vadd.f32 v18, v9;
	[tilespmem:s30+$0x9A00] =	vst v17;
	v17 =	vld.idx.msk [tilespmem:v19+s4+$0x0], $0xffff  }
0x76: {  	s20 =	simm.s32 $0x50;
	s21 =	simm.s32 $0x280;
	v13 =	vor.u32 v55, v13;
	v19 =	vadd.f32 v20, v10;
	[tilespmem:s2+$0x9980] =	vst v29;
	v20 =	vld.idx.msk [tilespmem:v21+s4+$0x0], $0xffff  }
0x77: {  	s16 =	sand.u32 $0x70, s20;
	s17 =	sand.u32 $0x1C00, s21;
	v21 =	vadd.f32 v22, v11;
	[tilespmem:s9+$0x9900] =	vst v18;
	v18 =	vld.idx.msk [tilespmem:v23+s4+$0x0], $0xffff  }
0x78: {  	s16 =	sor.u32 s16, s17;
	v14 =	vor.u32 $0x380, v14;
	[tilespmem:s10+$0x9880] =	vst v19;
	v22 =	vld.idx.msk [tilespmem:v56+s4+$0x0], $0xffff  }
0x79: {  	v23 =	vor.u32 $0x300, v16;
	[tilespmem:s16+$0x9800] =	vst v21;
	v21 =	vld.idx.msk [tilespmem:v28+s4+$0x0], $0xffff  }
0x7a: {  	v57 =	vor.u32 $0x280, v4;
	v15 =	vld.idx.msk [tilespmem:v15+s4+$0x0], $0xffff;
	v17 =	vadd.f32 v17, v2  }
0x7b: {  	s3 =	simm.s32 $0x9080;
	v59 =	vor.u32 $0x200, v6;
	v58 =	vld.idx.msk [tilespmem:v13+s4+$0x0], $0xffff;
	v20 =	vadd.f32 v20, v3  }
0x7c: {  	v60 =	vor.u32 $0x180, v8;
	v19 =	vld [tilespmem:s3+$0x0];
	v18 =	vadd.f32 v18, v5;
	[tilespmem:s1+$0x9B00] =	vst v17  }
0x7d: {  	v61 =	vor.u32 $0x100, v12;
	v22 =	vadd.f32 v22, v7;
	[tilespmem:s30+$0x9A80] =	vst v20;
	v17 =	vld.idx.msk [tilespmem:v14+s4+$0x0], $0xffff  }
0x7e: {  	v20 =	vadd.f32 v21, v9;
	[tilespmem:s2+$0x9A00] =	vst v18;
	v14 =	vld.idx.msk [tilespmem:v23+s4+$0x0], $0xffff;
	v23 =	vor.u32 $0x80, v13  }
0x7f: {  	s22 =	simm.s32 $0x300;
	s11 =	simm.s32 $0x60;
	v15 =	vadd.f32 v15, v10;
	[tilespmem:s9+$0x9980] =	vst v22;
	v18 =	vld.idx.msk [tilespmem:v57+s4+$0x0], $0xffff  }
0x80: {  	s18 =	sand.u32 $0x70, s11;
	s19 =	sand.u32 $0x1C00, s22;
	v21 =	vshll.u32 v27, $0x3;
	v22 =	vadd.f32 v58, v11;
	[tilespmem:s10+$0x9900] =	vst v20;
	v20 =	vld.idx.msk [tilespmem:v59+s4+$0x0], $0xffff  }
0x81: {  	s13 =	simm.s32 $0x70;
	v62 =	vand.u32 $0x7F, v27;
	s14 =	sor.u32 s18, s19;
	v63 =	vand.u32 $0xFFFFFC00, v21;
	[tilespmem:s16+$0x9880] =	vst v15;
	v21 =	vld.idx.msk [tilespmem:v60+s4+$0x0], $0xffff  }
0x82: {  	s19 =	simm.s32 $0x80;
	s5 =	simm.s32 $0x90;
	v16 =	vor.u32 $0x380, v16;
	s1 =	simm.s32 $0x0;
	v15 =	vor.u32 v62, v63;
	[tilespmem:s14+$0x9800] =	vst v22;
	v22 =	vld.idx.msk [tilespmem:v61+s4+$0x0], $0xffff  }
.LBB2_3:
0x83: {  	p2 =	sne.s32 s5, $0x3F0;
	v24 =	vld.idx.msk [tilespmem:v23+s4+$0x0], $0xffff;
	v25 =	vor.u32 $0x300, v4;
	v17 =	vadd.f32 v17, v1;
	s6 =	sor.u32 s1, s15;
	v26 =	vmovc v13;
	v13 =	vmov v15;
	s1 =	smov.u32 s26  }
0x84: {  	v28 =	vor.u32 $0x280, v6;
	v14 =	vadd.f32 v14, v2;
	s26 =	smov.u32 s28;
	s28 =	smov.u32 s0;
	v27 =	vld.idx.msk [tilespmem:v15+s4+$0x0], $0xffff;
	s6 =	sor.u32 $0x380, s6  }
0x85: {  	s3 =	sadd.s32 $0x10, s3;
	v29 =	vor.u32 $0x200, v8;
	s0 =	smov.u32 s7;
	s7 =	smov.u32 s21;
	v15 =	vadd.f32 v18, v3;
	[tilespmem:s6+$0x9800] =	vst v17  }
0x86: {  	v31 =	vor.u32 $0x180, v12;
	s21 =	smov.u32 s22;
	v18 =	vand.u32 $0x7F, v19;
	v20 =	vadd.f32 v20, v5;
	v30 =	vld [tilespmem:s3+$0x0];
	[tilespmem:s30+$0x9B00] =	vst v14;
	s30 =	smov.u32 s2;
	s2 =	smov.u32 s9  }
0x87: {  	v32 =	vor.u32 $0x100, v26;
	v14 =	vshll.u32 v19, $0x3;
	v19 =	vadd.f32 v21, v7;
	s9 =	smov.u32 s10;
	s10 =	smov.u32 s16;
	s16 =	smov.u32 s14;
	[tilespmem:s30+$0x9A80] =	vst v15;
	v17 =	vld.idx.msk [tilespmem:v16+s4+$0x0], $0xffff  }
.Ltmp4:
0x88: {  	s15 =	smov.u32 s25;
	s25 =	smov.u32 s29;
	v23 =	vor.u32 $0x80, v13;
	v15 =	vand.u32 $0xFFFFFC00, v14;
	v16 =	vadd.f32 v22, v9;
	[tilespmem:s2+$0x9A00] =	vst v20;
	v14 =	vld.idx.msk [tilespmem:v25+s4+$0x0], $0xffff;
	(pc) =	sbr.rel @p2 .LBB2_3-.Ltmp4, $4  }
0x89: {  	s22 =	sadd.s32 $0x80, s22;
	s29 =	smov.u32 s31;
	s31 =	smov.u32 s8;
	v15 =	vor.u32 v18, v15;
	v21 =	vadd.f32 v24, v10;
	[tilespmem:s9+$0x9980] =	vst v19;
	v18 =	vld.idx.msk [tilespmem:v28+s4+$0x0], $0xffff  }
0x8a: {  	s8 =	smov.u32 s20;
	s6 =	sand.u32 $0x70, s13;
	s14 =	sand.u32 $0x1C00, s22;
	v22 =	vadd.f32 v27, v11;
	[tilespmem:s10+$0x9900] =	vst v16;
	v20 =	vld.idx.msk [tilespmem:v29+s4+$0x0], $0xffff  }
0x8b: {  	s20 =	smov.u32 s11;
	s11 =	smov.u32 s13;
	s14 =	sor.u32 s6, s14;
	[tilespmem:s16+$0x9880] =	vst v21;
	v21 =	vld.idx.msk [tilespmem:v31+s4+$0x0], $0xffff;
	v19 =	vmov v30  }
0x8c: {  	s13 =	smov.u32 s19;
	s19 =	smov.u32 s5;
	s5 =	sadd.s32 $0x10, s5;
	v16 =	vor.u32 $0x380, v4;
	v4 =	vmovc v6;
	v6 =	vmovc v8;
	v8 =	vmov v12;
	v12 =	vmov v26;
	[tilespmem:s14+$0x9800] =	vst v22;
	v22 =	vld.idx.msk [tilespmem:v32+s4+$0x0], $0xffff  }
0x8d: {  	v24 =	vshll.u32 v19, $0x3  }
0x8e: {  	v19 =	vand.u32 $0x7F, v19;
	v24 =	vand.u32 $0xFFFFFC00, v24  }
0x8f: {  	v19 =	vor.u32 v19, v24;
	_ =	sdelay $0x3  }
0x90: {  	v24 =	vld.idx.msk [tilespmem:v15+s4+$0x0], $0xffff  }
0x91: {  	v25 =	vld.idx.msk [tilespmem:v19+s4+$0x0], $0xffff;
	_ =	sdelay $0x1  }
0x92: {  	v26 =	vor.u32 $0x80, v15  }
0x93: {  	s3 =	sadd.s32 $0x80, s22;
	v27 =	vor.u32 $0x80, v19  }
0x94: {  	s6 =	sand.u32 $0x70, s13;
	s17 =	sand.u32 $0x1C00, s3;
	s5 =	sadd.s32 $0x80, s3;
	v24 =	vadd.f32 v24, v11  }
0x95: {  	s17 =	sor.u32 s6, s17;
	s6 =	sand.u32 $0x70, s19;
	s18 =	sand.u32 $0x1C00, s5;
	v11 =	vadd.f32 v25, v11  }
0x96: {  	v23 =	vld.idx.msk [tilespmem:v23+s4+$0x0], $0xffff;
	s6 =	sor.u32 s6, s18;
	[tilespmem:s17+$0x9800] =	vst v24  }
0x97: {  	v24 =	vld.idx.msk [tilespmem:v26+s4+$0x0], $0xffff;
	[tilespmem:s6+$0x9800] =	vst v11  }
0x98: {  	v11 =	vld.idx.msk [tilespmem:v27+s4+$0x0], $0xffff  }
0x99: {  	v25 =	vor.u32 $0x100, v13  }
0x9a: {  	v26 =	vor.u32 $0x100, v15  }
0x9b: {  	v23 =	vadd.f32 v23, v10;
	v27 =	vor.u32 $0x100, v19  }
0x9c: {  	v24 =	vadd.f32 v24, v10  }
0x9d: {  	[tilespmem:s14+$0x9880] =	vst v23;
	v10 =	vadd.f32 v11, v10  }
0x9e: {  	[tilespmem:s17+$0x9880] =	vst v24;
	v11 =	vld.idx.msk [tilespmem:v25+s4+$0x0], $0xffff  }
0x9f: {  	v23 =	vld.idx.msk [tilespmem:v26+s4+$0x0], $0xffff;
	[tilespmem:s6+$0x9880] =	vst v10  }
0xa0: {  	v10 =	vor.u32 $0x180, v12;
	v24 =	vld.idx.msk [tilespmem:v27+s4+$0x0], $0xffff  }
0xa1: {  	v25 =	vor.u32 $0x180, v13  }
0xa2: {  	v22 =	vadd.f32 v22, v9;
	v26 =	vor.u32 $0x180, v15  }
0xa3: {  	v27 =	vor.u32 $0x180, v19;
	v11 =	vadd.f32 v11, v9  }
0xa4: {  	[tilespmem:s16+$0x9900] =	vst v22;
	v22 =	vadd.f32 v23, v9  }
0xa5: {  	v10 =	vld.idx.msk [tilespmem:v10+s4+$0x0], $0xffff;
	[tilespmem:s14+$0x9900] =	vst v11;
	v9 =	vadd.f32 v24, v9  }
0xa6: {  	[tilespmem:s17+$0x9900] =	vst v22;
	v11 =	vld.idx.msk [tilespmem:v25+s4+$0x0], $0xffff  }
0xa7: {  	v22 =	vor.u32 $0x200, v8;
	v23 =	vld.idx.msk [tilespmem:v26+s4+$0x0], $0xffff;
	[tilespmem:s6+$0x9900] =	vst v9  }
0xa8: {  	v9 =	vor.u32 $0x200, v12;
	v24 =	vld.idx.msk [tilespmem:v27+s4+$0x0], $0xffff  }
0xa9: {  	v21 =	vadd.f32 v21, v7;
	v25 =	vor.u32 $0x200, v13  }
0xaa: {  	v26 =	vor.u32 $0x200, v15;
	v10 =	vadd.f32 v10, v7  }
0xab: {  	[tilespmem:s10+$0x9980] =	vst v21;
	v21 =	vor.u32 $0x200, v19;
	v11 =	vadd.f32 v11, v7  }
0xac: {  	v22 =	vld.idx.msk [tilespmem:v22+s4+$0x0], $0xffff;
	[tilespmem:s16+$0x9980] =	vst v10;
	v10 =	vadd.f32 v23, v7  }
0xad: {  	v9 =	vld.idx.msk [tilespmem:v9+s4+$0x0], $0xffff;
	[tilespmem:s14+$0x9980] =	vst v11;
	v7 =	vadd.f32 v24, v7  }
0xae: {  	v11 =	vor.u32 $0x280, v6;
	v23 =	vld.idx.msk [tilespmem:v25+s4+$0x0], $0xffff;
	[tilespmem:s17+$0x9980] =	vst v10  }
0xaf: {  	v10 =	vor.u32 $0x280, v8;
	v24 =	vld.idx.msk [tilespmem:v26+s4+$0x0], $0xffff;
	[tilespmem:s6+$0x9980] =	vst v7  }
0xb0: {  	v7 =	vadd.f32 v20, v5;
	v20 =	vor.u32 $0x280, v12;
	v21 =	vld.idx.msk [tilespmem:v21+s4+$0x0], $0xffff  }
0xb1: {  	v22 =	vadd.f32 v22, v5;
	v25 =	vor.u32 $0x280, v13  }
0xb2: {  	[tilespmem:s9+$0x9A00] =	vst v7;
	v7 =	vadd.f32 v9, v5;
	v9 =	vor.u32 $0x280, v15  }
0xb3: {  	[tilespmem:s10+$0x9A00] =	vst v22;
	v11 =	vld.idx.msk [tilespmem:v11+s4+$0x0], $0xffff;
	v22 =	vadd.f32 v23, v5;
	v23 =	vor.u32 $0x280, v19  }
0xb4: {  	v10 =	vld.idx.msk [tilespmem:v10+s4+$0x0], $0xffff;
	[tilespmem:s16+$0x9A00] =	vst v7;
	v7 =	vadd.f32 v24, v5  }
0xb5: {  	v24 =	vor.u32 $0x300, v4;
	v20 =	vld.idx.msk [tilespmem:v20+s4+$0x0], $0xffff;
	[tilespmem:s14+$0x9A00] =	vst v22;
	v5 =	vadd.f32 v21, v5  }
0xb6: {  	s1 =	sor.u32 s1, s15;
	v17 =	vadd.f32 v17, v1;
	v21 =	vor.u32 $0x300, v6;
	v22 =	vld.idx.msk [tilespmem:v25+s4+$0x0], $0xffff;
	[tilespmem:s17+$0x9A00] =	vst v7  }
0xb7: {  	s1 =	sor.u32 $0x380, s1;
	v7 =	vadd.f32 v18, v3;
	v18 =	vor.u32 $0x300, v8;
	v9 =	vld.idx.msk [tilespmem:v9+s4+$0x0], $0xffff;
	[tilespmem:s6+$0x9A00] =	vst v5  }
0xb8: {  	[tilespmem:s1+$0x9800] =	vst v17;
	v5 =	vadd.f32 v11, v3;
	v11 =	vor.u32 $0x300, v12;
	v17 =	vld.idx.msk [tilespmem:v23+s4+$0x0], $0xffff  }
0xb9: {  	[tilespmem:s2+$0x9A80] =	vst v7;
	v7 =	vadd.f32 v10, v3;
	v10 =	vor.u32 $0x300, v13  }
0xba: {  	v23 =	vld.idx.msk [tilespmem:v24+s4+$0x0], $0xffff;
	[tilespmem:s9+$0x9A80] =	vst v5;
	v5 =	vadd.f32 v20, v3;
	v20 =	vor.u32 $0x300, v15  }
0xbb: {  	[tilespmem:s10+$0x9A80] =	vst v7;
	v21 =	vld.idx.msk [tilespmem:v21+s4+$0x0], $0xffff;
	v7 =	vadd.f32 v22, v3;
	v22 =	vor.u32 $0x300, v19  }
0xbc: {  	v18 =	vld.idx.msk [tilespmem:v18+s4+$0x0], $0xffff;
	[tilespmem:s16+$0x9A80] =	vst v5;
	v5 =	vadd.f32 v9, v3  }
0xbd: {  	v4 =	vor.u32 $0x380, v4;
	v9 =	vld.idx.msk [tilespmem:v11+s4+$0x0], $0xffff;
	[tilespmem:s14+$0x9A80] =	vst v7;
	v3 =	vadd.f32 v17, v3  }
0xbe: {  	v6 =	vor.u32 $0x380, v6;
	v7 =	vadd.f32 v14, v2;
	v10 =	vld.idx.msk [tilespmem:v10+s4+$0x0], $0xffff;
	[tilespmem:s17+$0x9A80] =	vst v5  }
0xbf: {  	v8 =	vor.u32 $0x380, v8;
	v5 =	vadd.f32 v23, v2;
	v11 =	vld.idx.msk [tilespmem:v20+s4+$0x0], $0xffff;
	[tilespmem:s6+$0x9A80] =	vst v3  }
0xc0: {  	[tilespmem:s30+$0x9B00] =	vst v7;
	v7 =	vor.u32 $0x380, v12;
	v3 =	vadd.f32 v21, v2;
	v12 =	vld.idx.msk [tilespmem:v22+s4+$0x0], $0xffff  }
0xc1: {  	v13 =	vor.u32 $0x380, v13;
	[tilespmem:s2+$0x9B00] =	vst v5;
	v5 =	vld.idx.msk [tilespmem:v16+s4+$0x0], $0xffff;
	v14 =	vadd.f32 v18, v2  }
0xc2: {  	v4 =	vld.idx.msk [tilespmem:v4+s4+$0x0], $0xffff;
	[tilespmem:s9+$0x9B00] =	vst v3;
	v3 =	vadd.f32 v9, v2;
	v9 =	vor.u32 $0x380, v15  }
0xc3: {  	[tilespmem:s10+$0x9B00] =	vst v14;
	v14 =	vor.u32 $0x380, v19;
	v6 =	vld.idx.msk [tilespmem:v6+s4+$0x0], $0xffff;
	v10 =	vadd.f32 v10, v2  }
0xc4: {  	v8 =	vld.idx.msk [tilespmem:v8+s4+$0x0], $0xffff;
	[tilespmem:s16+$0x9B00] =	vst v3;
	v3 =	vadd.f32 v11, v2  }
0xc5: {  	v7 =	vld.idx.msk [tilespmem:v7+s4+$0x0], $0xffff;
	[tilespmem:s14+$0x9B00] =	vst v10;
	v2 =	vadd.f32 v12, v2  }
0xc6: {  	v5 =	vadd.f32 v5, v1;
	s14 =	sor.u32 s26, s25;
	v10 =	vld.idx.msk [tilespmem:v13+s4+$0x0], $0xffff;
	[tilespmem:s17+$0x9B00] =	vst v3  }
0xc7: {  	s15 =	sor.u32 s28, s29;
	s1 =	sor.u32 $0x380, s14;
	v3 =	vadd.f32 v4, v1;
	v4 =	vld.idx.msk [tilespmem:v9+s4+$0x0], $0xffff;
	[tilespmem:s6+$0x9B00] =	vst v2  }
0xc8: {  	s0 =	sor.u32 s0, s31;
	s16 =	sor.u32 $0x380, s15;
	[tilespmem:s1+$0x9800] =	vst v5;
	v2 =	vadd.f32 v6, v1;
	v5 =	vld.idx.msk [tilespmem:v14+s4+$0x0], $0xffff  }
0xc9: {  	s0 =	sor.u32 $0x380, s0;
	s17 =	sor.u32 s7, s8;
	[tilespmem:s16+$0x9800] =	vst v3;
	v3 =	vadd.f32 v8, v1  }
0xca: {  	s20 =	sor.u32 s21, s20;
	s18 =	sor.u32 $0x380, s17;
	[tilespmem:s0+$0x9800] =	vst v2;
	v2 =	vadd.f32 v7, v1  }
0xcb: {  	s21 =	sor.u32 $0x380, s20;
	s25 =	sor.u32 s22, s11;
	[tilespmem:s18+$0x9800] =	vst v3;
	v3 =	vadd.f32 v10, v1  }
0xcc: {  	s28 =	sor.u32 s3, s13;
	s26 =	sor.u32 $0x380, s25;
	[tilespmem:s21+$0x9800] =	vst v2;
	v2 =	vadd.f32 v4, v1  }
0xcd: {  	s29 =	sor.u32 $0x380, s28;
	s30 =	sor.u32 s5, s19;
	[tilespmem:s26+$0x9800] =	vst v3;
	v1 =	vadd.f32 v5, v1  }
0xce: {  	s31 =	sor.u32 $0x380, s30;
	[tilespmem:s29+$0x9800] =	vst v2  }
0xcf: {  	s1 =	simm.s32 $0x9000;
	[tilespmem:s31+$0x9800] =	vst v1  }
0xd0: {  	v1 =	vld [tilespmem:s1+$0x0];
	_ =	sdelay $0x4  }
0xd1: {  	v2 =	vor.u32 $0x400, v0;
	v3 =	vshll.u32 v1, $0x3  }
0xd2: {  	v4 =	vor.u32 $0x480, v0;
	v1 =	vand.u32 $0x7F, v1;
	v3 =	vand.u32 $0xFFFFFC00, v3  }
0xd3: {  	v5 =	vor.u32 $0x500, v0;
	v15 =	vor.u32 v1, v3  }
0xd4: {  	s2 =	simm.s32 $0x9010;
	v1 =	vadd.s32 $0x2000, v15  }
0xd5: {  	v7 =	vld [tilespmem:s2+$0x0];
	v3 =	vor.u32 $0x580, v0  }
0xd6: {  	v12 =	vld.idx.msk [tilespmem:v2+s12+$0x0], $0xffff;
	v2 =	vor.u32 $0x600, v0  }
0xd7: {  	v11 =	vld.idx.msk [tilespmem:v4+s12+$0x0], $0xffff;
	v4 =	vor.u32 $0x680, v0  }
0xd8: {  	v10 =	vld.idx.msk [tilespmem:v5+s12+$0x0], $0xffff;
	v5 =	vor.u32 $0x700, v0  }
0xd9: {  	v1 =	vld.idx.msk [tilespmem:v1+s4+$0x0], $0xffff  }
0xda: {  	v8 =	vld.idx.msk [tilespmem:v3+s12+$0x0], $0xffff;
	v3 =	vshll.u32 v7, $0x3  }
0xdb: {  	v9 =	vor.u32 $0x780, v0;
	v6 =	vld.idx.msk [tilespmem:v2+s12+$0x0], $0xffff;
	v2 =	vand.u32 $0x7F, v7;
	v7 =	vand.u32 $0xFFFFFC00, v3  }
0xdc: {  	v3 =	vld.idx.msk [tilespmem:v4+s12+$0x0], $0xffff;
	v4 =	vor.u32 v2, v7;
	v7 =	vadd.s32 $0x2080, v15  }
0xdd: {  	s3 =	simm.s32 $0x0;
	s5 =	simm.s32 $0x9020;
	v2 =	vld.idx.msk [tilespmem:v5+s12+$0x0], $0xffff;
	v5 =	vadd.s32 $0x2000, v4  }
0xde: {  	s6 =	sand.u32 $0x70, s3;
	s0 =	sand.u32 $0x1C00, s3;
	v13 =	vld [tilespmem:s5+$0x0];
	v14 =	vadd.f32 v1, v12  }
0xdf: {  	s2 =	sor.u32 s6, s0  }
0xe0: {  	v1 =	vld.idx.msk [tilespmem:v9+s12+$0x0], $0xffff;
	[tilespmem:s2+$0xB800] =	vst v14  }
0xe1: {  	v7 =	vld.idx.msk [tilespmem:v7+s4+$0x0], $0xffff  }
0xe2: {  	v9 =	vld.idx.msk [tilespmem:v5+s4+$0x0], $0xffff  }
0xe3: {  	v5 =	vshll.u32 v13, $0x3  }
0xe4: {  	v13 =	vand.u32 $0x7F, v13;
	v14 =	vadd.s32 $0x2100, v15;
	v5 =	vand.u32 $0xFFFFFC00, v5  }
0xe5: {  	v5 =	vor.u32 v13, v5;
	v13 =	vadd.s32 $0x2080, v4  }
0xe6: {  	s9 =	simm.s32 $0x80;
	s7 =	simm.s32 $0x10;
	s8 =	simm.s32 $0x9030;
	v16 =	vadd.s32 $0x2000, v5;
	v7 =	vadd.f32 v7, v11  }
0xe7: {  	s10 =	sand.u32 $0x1C00, s9;
	v17 =	vld [tilespmem:s8+$0x0];
	s0 =	sand.u32 $0x70, s7;
	v9 =	vadd.f32 v9, v12  }
0xe8: {  	s25 =	sor.u32 s0, s10;
	[tilespmem:s2+$0xB880] =	vst v7  }
0xe9: {  	[tilespmem:s25+$0xB800] =	vst v9;
	v9 =	vld.idx.msk [tilespmem:v14+s4+$0x0], $0xffff  }
0xea: {  	v13 =	vld.idx.msk [tilespmem:v13+s4+$0x0], $0xffff  }
0xeb: {  	v14 =	vld.idx.msk [tilespmem:v16+s4+$0x0], $0xffff  }
0xec: {  	v7 =	vshll.u32 v17, $0x3;
	v16 =	vadd.s32 $0x2180, v15  }
0xed: {  	v18 =	vadd.s32 $0x2100, v4;
	v17 =	vand.u32 $0x7F, v17;
	v7 =	vand.u32 $0xFFFFFC00, v7  }
0xee: {  	v7 =	vor.u32 v17, v7;
	v17 =	vadd.s32 $0x2080, v5;
	v9 =	vadd.f32 v9, v10  }
0xef: {  	s13 =	simm.s32 $0x9040;
	s11 =	simm.s32 $0x20;
	s14 =	simm.s32 $0x100;
	v19 =	vadd.s32 $0x2000, v7;
	v13 =	vadd.f32 v13, v11  }
0xf0: {  	s15 =	sand.u32 $0x1C00, s14;
	v20 =	vld [tilespmem:s13+$0x0];
	s0 =	sand.u32 $0x70, s11;
	v14 =	vadd.f32 v14, v12;
	[tilespmem:s2+$0xB900] =	vst v9  }
0xf1: {  	s0 =	sor.u32 s0, s15;
	[tilespmem:s25+$0xB880] =	vst v13;
	v9 =	vld.idx.msk [tilespmem:v16+s4+$0x0], $0xffff  }
0xf2: {  	[tilespmem:s0+$0xB800] =	vst v14;
	v13 =	vld.idx.msk [tilespmem:v18+s4+$0x0], $0xffff  }
0xf3: {  	v14 =	vld.idx.msk [tilespmem:v17+s4+$0x0], $0xffff  }
0xf4: {  	v16 =	vld.idx.msk [tilespmem:v19+s4+$0x0], $0xffff;
	v17 =	vadd.s32 $0x2200, v15  }
0xf5: {  	v18 =	vand.u32 $0x7F, v20;
	v19 =	vshll.u32 v20, $0x3;
	v20 =	vadd.s32 $0x2180, v4  }
0xf6: {  	v21 =	vadd.s32 $0x2100, v5;
	v19 =	vand.u32 $0xFFFFFC00, v19;
	v22 =	vadd.f32 v9, v8  }
0xf7: {  	s16 =	simm.s32 $0x9050;
	v13 =	vadd.f32 v13, v10;
	v9 =	vor.u32 v18, v19;
	v18 =	vadd.s32 $0x2080, v7  }
0xf8: {  	s17 =	simm.s32 $0x30;
	s18 =	simm.s32 $0x180;
	v19 =	vld [tilespmem:s16+$0x0];
	v14 =	vadd.f32 v14, v11;
	v23 =	vadd.s32 $0x2000, v9;
	[tilespmem:s2+$0xB980] =	vst v22  }
0xf9: {  	s3 =	sand.u32 $0x70, s17;
	s1 =	sand.u32 $0x1C00, s18;
	v16 =	vadd.f32 v16, v12;
	[tilespmem:s25+$0xB900] =	vst v13;
	v13 =	vld.idx.msk [tilespmem:v17+s4+$0x0], $0xffff  }
0xfa: {  	s7 =	sor.u32 s3, s1;
	[tilespmem:s0+$0xB880] =	vst v14;
	v14 =	vld.idx.msk [tilespmem:v20+s4+$0x0], $0xffff  }
0xfb: {  	[tilespmem:s7+$0xB800] =	vst v16;
	v16 =	vld.idx.msk [tilespmem:v21+s4+$0x0], $0xffff  }
0xfc: {  	v17 =	vld.idx.msk [tilespmem:v18+s4+$0x0], $0xffff;
	v18 =	vadd.s32 $0x2280, v15  }
0xfd: {  	v22 =	vadd.s32 $0x2200, v4;
	v21 =	vand.u32 $0x7F, v19;
	v20 =	vld.idx.msk [tilespmem:v23+s4+$0x0], $0xffff  }
0xfe: {  	v19 =	vshll.u32 v19, $0x3;
	v23 =	vadd.s32 $0x2180, v5;
	v24 =	vadd.f32 v13, v6  }
0xff: {  	s19 =	simm.s32 $0x9060;
	v14 =	vadd.f32 v14, v8;
	v13 =	vand.u32 $0xFFFFFC00, v19;
	v19 =	vadd.s32 $0x2100, v7  }
0x100: {  	v25 =	vld [tilespmem:s19+$0x0];
	v16 =	vadd.f32 v16, v10;
	v13 =	vor.u32 v21, v13;
	v21 =	vadd.s32 $0x2080, v9;
	[tilespmem:s2+$0xBA00] =	vst v24  }
0x101: {  	s20 =	simm.s32 $0x40;
	s21 =	simm.s32 $0x200;
	[tilespmem:s25+$0xB980] =	vst v14;
	v24 =	vadd.s32 $0x2000, v13;
	v17 =	vadd.f32 v17, v11;
	v14 =	vld.idx.msk [tilespmem:v18+s4+$0x0], $0xffff  }
0x102: {  	s1 =	sand.u32 $0x70, s20;
	s3 =	sand.u32 $0x1C00, s21;
	[tilespmem:s0+$0xB900] =	vst v16;
	v16 =	vld.idx.msk [tilespmem:v22+s4+$0x0], $0xffff;
	v18 =	vadd.f32 v20, v12  }
0x103: {  	s8 =	sor.u32 s1, s3;
	[tilespmem:s7+$0xB880] =	vst v17;
	v17 =	vld.idx.msk [tilespmem:v23+s4+$0x0], $0xffff  }
0x104: {  	[tilespmem:s8+$0xB800] =	vst v18;
	v18 =	vld.idx.msk [tilespmem:v19+s4+$0x0], $0xffff;
	v19 =	vadd.s32 $0x2300, v15  }
0x105: {  	v20 =	vld.idx.msk [tilespmem:v21+s4+$0x0], $0xffff;
	v21 =	vadd.s32 $0x2280, v4  }
0x106: {  	v22 =	vld.idx.msk [tilespmem:v24+s4+$0x0], $0xffff;
	v24 =	vadd.s32 $0x2200, v5;
	v14 =	vadd.f32 v14, v3  }
0x107: {  	s22 =	simm.s32 $0x9070;
	v26 =	vadd.s32 $0x2180, v7;
	v28 =	vadd.s32 $0x2100, v9;
	v16 =	vadd.f32 v16, v6  }
0x108: {  	v27 =	vld [tilespmem:s22+$0x0];
	v23 =	vand.u32 $0x7F, v25;
	v25 =	vshll.u32 v25, $0x3;
	v17 =	vadd.f32 v17, v8;
	[tilespmem:s2+$0xBA80] =	vst v14  }
0x109: {  	v25 =	vand.u32 $0xFFFFFC00, v25;
	[tilespmem:s25+$0xBA00] =	vst v16;
	v18 =	vadd.f32 v18, v10;
	v16 =	vld.idx.msk [tilespmem:v19+s4+$0x0], $0xffff  }
0x10a: {  	s28 =	simm.s32 $0x280;
	s26 =	simm.s32 $0x50;
	v14 =	vor.u32 v23, v25;
	v23 =	vadd.s32 $0x2080, v13;
	v20 =	vadd.f32 v20, v11;
	[tilespmem:s0+$0xB980] =	vst v17;
	v17 =	vld.idx.msk [tilespmem:v21+s4+$0x0], $0xffff  }
0x10b: {  	s1 =	sand.u32 $0x70, s26;
	s3 =	sand.u32 $0x1C00, s28;
	v21 =	vadd.f32 v22, v12;
	[tilespmem:s7+$0xB900] =	vst v18;
	v18 =	vld.idx.msk [tilespmem:v24+s4+$0x0], $0xffff  }
0x10c: {  	s9 =	sor.u32 s1, s3;
	v19 =	vadd.s32 $0x2000, v14;
	[tilespmem:s8+$0xB880] =	vst v20;
	v20 =	vld.idx.msk [tilespmem:v26+s4+$0x0], $0xffff  }
0x10d: {  	v15 =	vadd.s32 $0x2380, v15;
	[tilespmem:s9+$0xB800] =	vst v21;
	v21 =	vld.idx.msk [tilespmem:v28+s4+$0x0], $0xffff  }
0x10e: {  	v22 =	vadd.s32 $0x2300, v4  }
0x10f: {  	v23 =	vld.idx.msk [tilespmem:v23+s4+$0x0], $0xffff;
	v16 =	vadd.f32 v16, v2  }
0x110: {  	v24 =	vadd.s32 $0x2280, v5;
	v17 =	vadd.f32 v17, v3  }
0x111: {  	v63 =	vadd.s32 $0x2180, v9;
	v26 =	vadd.s32 $0x2200, v7;
	v25 =	vld.idx.msk [tilespmem:v19+s4+$0x0], $0xffff;
	v18 =	vadd.f32 v18, v6;
	[tilespmem:s2+$0xBB00] =	vst v16  }
0x112: {  	v20 =	vadd.f32 v20, v8;
	[tilespmem:s25+$0xBA80] =	vst v17;
	v17 =	vld.idx.msk [tilespmem:v15+s4+$0x0], $0xffff;
	v15 =	vshll.u32 v27, $0x3;
	v21 =	vadd.f32 v21, v10  }
0x113: {  	s1 =	simm.s32 $0x9080;
	v16 =	vld.idx.msk [tilespmem:v22+s4+$0x0], $0xffff;
	v27 =	vand.u32 $0x7F, v27;
	v22 =	vadd.s32 $0x2100, v13;
	v15 =	vand.u32 $0xFFFFFC00, v15  }
0x114: {  	v19 =	vld [tilespmem:s1+$0x0];
	[tilespmem:s0+$0xBA00] =	vst v18;
	v29 =	vadd.f32 v23, v11;
	v23 =	vadd.s32 $0x2080, v14;
	v15 =	vor.u32 v27, v15  }
0x115: {  	s29 =	simm.s32 $0x60;
	s3 =	simm.s32 $0x300;
	[tilespmem:s7+$0xB980] =	vst v20;
	v18 =	vld.idx.msk [tilespmem:v24+s4+$0x0], $0xffff;
	v24 =	vadd.s32 $0x2000, v15  }
0x116: {  	s30 =	sand.u32 $0x70, s29;
	s5 =	simm.s32 $0x70;
	s31 =	sand.u32 $0x1C00, s3;
	[tilespmem:s8+$0xB900] =	vst v21;
	v20 =	vld.idx.msk [tilespmem:v26+s4+$0x0], $0xffff;
	v25 =	vadd.f32 v25, v12  }
0x117: {  	s6 =	simm.s32 $0x80;
	s11 =	simm.s32 $0x90;
	s10 =	sor.u32 s30, s31;
	[tilespmem:s9+$0xB880] =	vst v29;
	v21 =	vld.idx.msk [tilespmem:v63+s4+$0x0], $0xffff  }
.LBB2_5:
0x118: {  	p2 =	sne.s32 s11, $0x3F0;
	[tilespmem:s10+$0xB800] =	vst v25;
	v25 =	vld.idx.msk [tilespmem:v22+s4+$0x0], $0xffff;
	v26 =	vadd.s32 $0x2380, v4;
	v4 =	vmovc v5;
	v5 =	vmovc v7;
	v7 =	vmov v9;
	v9 =	vmov v13  }
0x119: {  	v17 =	vadd.f32 v17, v1;
	v13 =	vmovc v14;
	v14 =	vmov v15;
	v27 =	vld.idx.msk [tilespmem:v23+s4+$0x0], $0xffff;
	v28 =	vadd.s32 $0x2300, v4  }
0x11a: {  	v30 =	vadd.s32 $0x2280, v5;
	v15 =	vadd.f32 v16, v2;
	v29 =	vld.idx.msk [tilespmem:v24+s4+$0x0], $0xffff  }
0x11b: {  	s1 =	sadd.s32 $0x10, s1;
	v16 =	vand.u32 $0x7F, v19;
	v31 =	vadd.s32 $0x2200, v7;
	v18 =	vadd.f32 v18, v3;
	[tilespmem:s2+$0xBB80] =	vst v17;
	s2 =	smov.u32 s25;
	s25 =	smov.u32 s0  }
0x11c: {  	v32 =	vadd.s32 $0x2180, v9;
	v17 =	vshll.u32 v19, $0x3;
	v20 =	vadd.f32 v20, v6;
	s0 =	smov.u32 s7;
	s7 =	smov.u32 s8;
	s8 =	smov.u32 s9;
	v19 =	vld [tilespmem:s1+$0x0];
	[tilespmem:s2+$0xBB00] =	vst v15  }
.Ltmp5:
0x11d: {  	v22 =	vadd.s32 $0x2100, v13;
	s9 =	smov.u32 s10;
	v15 =	vand.u32 $0xFFFFFC00, v17;
	v21 =	vadd.f32 v21, v8;
	[tilespmem:s25+$0xBA80] =	vst v18;
	v17 =	vld.idx.msk [tilespmem:v26+s4+$0x0], $0xffff;
	(pc) =	sbr.rel @p2 .LBB2_5-.Ltmp5, $4  }
0x11e: {  	v23 =	vadd.s32 $0x2080, v14;
	v15 =	vor.u32 v16, v15;
	v26 =	vadd.f32 v25, v10;
	[tilespmem:s0+$0xBA00] =	vst v20;
	v16 =	vld.idx.msk [tilespmem:v28+s4+$0x0], $0xffff  }
0x11f: {  	s3 =	sadd.s32 $0x80, s3;
	v24 =	vadd.s32 $0x2000, v15;
	v27 =	vadd.f32 v27, v11;
	[tilespmem:s7+$0xB980] =	vst v21;
	v18 =	vld.idx.msk [tilespmem:v30+s4+$0x0], $0xffff  }
0x120: {  	s13 =	sand.u32 $0x1C00, s3;
	s10 =	sand.u32 $0x70, s5;
	s5 =	smov.u32 s6;
	v25 =	vadd.f32 v29, v12;
	[tilespmem:s8+$0xB900] =	vst v26;
	v20 =	vld.idx.msk [tilespmem:v31+s4+$0x0], $0xffff  }
0x121: {  	s6 =	smov.u32 s11;
	s11 =	sadd.s32 $0x10, s11;
	s10 =	sor.u32 s10, s13;
	[tilespmem:s9+$0xB880] =	vst v27;
	v21 =	vld.idx.msk [tilespmem:v32+s4+$0x0], $0xffff  }
0x122: {  	v26 =	vshll.u32 v19, $0x3  }
0x123: {  	v19 =	vand.u32 $0x7F, v19;
	v26 =	vand.u32 $0xFFFFFC00, v26  }
0x124: {  	v19 =	vor.u32 v19, v26  }
0x125: {  	v26 =	vadd.s32 $0x2000, v19;
	_ =	sdelay $0x3  }
0x126: {  	v24 =	vld.idx.msk [tilespmem:v24+s4+$0x0], $0xffff  }
0x127: {  	v26 =	vld.idx.msk [tilespmem:v26+s4+$0x0], $0xffff;
	_ =	sdelay $0x1  }
0x128: {  	v27 =	vadd.s32 $0x2080, v15  }
0x129: {  	s1 =	sadd.s32 $0x80, s3;
	v28 =	vadd.s32 $0x2080, v19  }
0x12a: {  	s26 =	sand.u32 $0x70, s5;
	s28 =	sand.u32 $0x1C00, s1;
	s11 =	sadd.s32 $0x80, s1;
	v24 =	vadd.f32 v24, v12  }
0x12b: {  	[tilespmem:s10+$0xB800] =	vst v25;
	s30 =	sand.u32 $0x70, s6;
	s29 =	sor.u32 s26, s28;
	s31 =	sand.u32 $0x1C00, s11;
	v12 =	vadd.f32 v26, v12  }
0x12c: {  	v23 =	vld.idx.msk [tilespmem:v23+s4+$0x0], $0xffff;
	s3 =	sor.u32 s30, s31;
	[tilespmem:s29+$0xB800] =	vst v24  }
0x12d: {  	v24 =	vld.idx.msk [tilespmem:v27+s4+$0x0], $0xffff;
	[tilespmem:s3+$0xB800] =	vst v12  }
0x12e: {  	v12 =	vld.idx.msk [tilespmem:v28+s4+$0x0], $0xffff  }
0x12f: {  	v25 =	vadd.s32 $0x2100, v14  }
0x130: {  	v26 =	vadd.s32 $0x2100, v15  }
0x131: {  	v23 =	vadd.f32 v23, v11;
	v27 =	vadd.s32 $0x2100, v19  }
0x132: {  	v24 =	vadd.f32 v24, v11  }
0x133: {  	v22 =	vld.idx.msk [tilespmem:v22+s4+$0x0], $0xffff;
	[tilespmem:s10+$0xB880] =	vst v23;
	v11 =	vadd.f32 v12, v11  }
0x134: {  	[tilespmem:s29+$0xB880] =	vst v24;
	v12 =	vld.idx.msk [tilespmem:v25+s4+$0x0], $0xffff  }
0x135: {  	v23 =	vld.idx.msk [tilespmem:v26+s4+$0x0], $0xffff;
	[tilespmem:s3+$0xB880] =	vst v11  }
0x136: {  	v11 =	vadd.s32 $0x2180, v13;
	v24 =	vld.idx.msk [tilespmem:v27+s4+$0x0], $0xffff  }
0x137: {  	v25 =	vadd.s32 $0x2180, v14  }
0x138: {  	v22 =	vadd.f32 v22, v10;
	v26 =	vadd.s32 $0x2180, v15  }
0x139: {  	v27 =	vadd.s32 $0x2180, v19;
	v12 =	vadd.f32 v12, v10  }
0x13a: {  	[tilespmem:s9+$0xB900] =	vst v22;
	v22 =	vadd.f32 v23, v10  }
0x13b: {  	v11 =	vld.idx.msk [tilespmem:v11+s4+$0x0], $0xffff;
	[tilespmem:s10+$0xB900] =	vst v12;
	v10 =	vadd.f32 v24, v10  }
0x13c: {  	[tilespmem:s29+$0xB900] =	vst v22;
	v12 =	vld.idx.msk [tilespmem:v25+s4+$0x0], $0xffff  }
0x13d: {  	v22 =	vadd.s32 $0x2200, v9;
	v23 =	vld.idx.msk [tilespmem:v26+s4+$0x0], $0xffff;
	[tilespmem:s3+$0xB900] =	vst v10  }
0x13e: {  	v10 =	vadd.s32 $0x2200, v13;
	v24 =	vld.idx.msk [tilespmem:v27+s4+$0x0], $0xffff  }
0x13f: {  	v21 =	vadd.f32 v21, v8;
	v25 =	vadd.s32 $0x2200, v14  }
0x140: {  	v26 =	vadd.s32 $0x2200, v15;
	v11 =	vadd.f32 v11, v8  }
0x141: {  	[tilespmem:s8+$0xB980] =	vst v21;
	v21 =	vadd.s32 $0x2200, v19;
	v12 =	vadd.f32 v12, v8  }
0x142: {  	v22 =	vld.idx.msk [tilespmem:v22+s4+$0x0], $0xffff;
	[tilespmem:s9+$0xB980] =	vst v11;
	v11 =	vadd.f32 v23, v8  }
0x143: {  	v10 =	vld.idx.msk [tilespmem:v10+s4+$0x0], $0xffff;
	[tilespmem:s10+$0xB980] =	vst v12;
	v8 =	vadd.f32 v24, v8  }
0x144: {  	v12 =	vadd.s32 $0x2280, v7;
	v23 =	vld.idx.msk [tilespmem:v25+s4+$0x0], $0xffff;
	[tilespmem:s29+$0xB980] =	vst v11  }
0x145: {  	v11 =	vadd.s32 $0x2280, v9;
	v24 =	vld.idx.msk [tilespmem:v26+s4+$0x0], $0xffff;
	[tilespmem:s3+$0xB980] =	vst v8  }
0x146: {  	v8 =	vadd.f32 v20, v6;
	v20 =	vadd.s32 $0x2280, v13;
	v21 =	vld.idx.msk [tilespmem:v21+s4+$0x0], $0xffff  }
0x147: {  	v22 =	vadd.f32 v22, v6;
	v25 =	vadd.s32 $0x2280, v14  }
0x148: {  	[tilespmem:s7+$0xBA00] =	vst v8;
	v8 =	vadd.f32 v10, v6;
	v10 =	vadd.s32 $0x2280, v15  }
0x149: {  	[tilespmem:s8+$0xBA00] =	vst v22;
	v12 =	vld.idx.msk [tilespmem:v12+s4+$0x0], $0xffff;
	v22 =	vadd.f32 v23, v6;
	v23 =	vadd.s32 $0x2280, v19  }
0x14a: {  	v11 =	vld.idx.msk [tilespmem:v11+s4+$0x0], $0xffff;
	[tilespmem:s9+$0xBA00] =	vst v8;
	v8 =	vadd.f32 v24, v6  }
0x14b: {  	v24 =	vadd.s32 $0x2300, v5;
	v20 =	vld.idx.msk [tilespmem:v20+s4+$0x0], $0xffff;
	[tilespmem:s10+$0xBA00] =	vst v22;
	v6 =	vadd.f32 v21, v6  }
0x14c: {  	v17 =	vadd.f32 v17, v1;
	v21 =	vadd.s32 $0x2300, v7;
	v22 =	vld.idx.msk [tilespmem:v25+s4+$0x0], $0xffff;
	[tilespmem:s29+$0xBA00] =	vst v8  }
0x14d: {  	v8 =	vadd.f32 v18, v3;
	v18 =	vadd.s32 $0x2300, v9;
	v10 =	vld.idx.msk [tilespmem:v10+s4+$0x0], $0xffff;
	[tilespmem:s3+$0xBA00] =	vst v6  }
0x14e: {  	[tilespmem:s2+$0xBB80] =	vst v17;
	v6 =	vadd.f32 v12, v3;
	v12 =	vadd.s32 $0x2300, v13;
	v17 =	vld.idx.msk [tilespmem:v23+s4+$0x0], $0xffff  }
0x14f: {  	[tilespmem:s0+$0xBA80] =	vst v8;
	v8 =	vadd.f32 v11, v3;
	v11 =	vadd.s32 $0x2300, v14  }
0x150: {  	v23 =	vld.idx.msk [tilespmem:v24+s4+$0x0], $0xffff;
	[tilespmem:s7+$0xBA80] =	vst v6;
	v6 =	vadd.f32 v20, v3;
	v20 =	vadd.s32 $0x2300, v15  }
0x151: {  	[tilespmem:s8+$0xBA80] =	vst v8;
	v21 =	vld.idx.msk [tilespmem:v21+s4+$0x0], $0xffff;
	v8 =	vadd.f32 v22, v3;
	v22 =	vadd.s32 $0x2300, v19  }
0x152: {  	v4 =	vadd.s32 $0x2380, v4;
	v18 =	vld.idx.msk [tilespmem:v18+s4+$0x0], $0xffff;
	[tilespmem:s9+$0xBA80] =	vst v6;
	v6 =	vadd.f32 v10, v3  }
0x153: {  	v5 =	vadd.s32 $0x2380, v5;
	v10 =	vld.idx.msk [tilespmem:v12+s4+$0x0], $0xffff;
	[tilespmem:s10+$0xBA80] =	vst v8;
	v3 =	vadd.f32 v17, v3  }
0x154: {  	v7 =	vadd.s32 $0x2380, v7;
	v8 =	vadd.f32 v16, v2;
	v11 =	vld.idx.msk [tilespmem:v11+s4+$0x0], $0xffff;
	[tilespmem:s29+$0xBA80] =	vst v6  }
0x155: {  	v9 =	vadd.s32 $0x2380, v9;
	v6 =	vadd.f32 v23, v2;
	v12 =	vld.idx.msk [tilespmem:v20+s4+$0x0], $0xffff;
	[tilespmem:s3+$0xBA80] =	vst v3  }
0x156: {  	[tilespmem:s25+$0xBB00] =	vst v8;
	v8 =	vadd.s32 $0x2380, v13;
	v3 =	vadd.f32 v21, v2;
	v13 =	vld.idx.msk [tilespmem:v22+s4+$0x0], $0xffff  }
0x157: {  	v14 =	vadd.s32 $0x2380, v14;
	v4 =	vld.idx.msk [tilespmem:v4+s4+$0x0], $0xffff;
	[tilespmem:s0+$0xBB00] =	vst v6;
	v6 =	vadd.f32 v18, v2  }
0x158: {  	v5 =	vld.idx.msk [tilespmem:v5+s4+$0x0], $0xffff;
	[tilespmem:s7+$0xBB00] =	vst v3;
	v3 =	vadd.f32 v10, v2;
	v10 =	vadd.s32 $0x2380, v15  }
0x159: {  	[tilespmem:s8+$0xBB00] =	vst v6;
	v7 =	vld.idx.msk [tilespmem:v7+s4+$0x0], $0xffff;
	v6 =	vadd.f32 v11, v2;
	v11 =	vadd.s32 $0x2380, v19  }
0x15a: {  	v9 =	vld.idx.msk [tilespmem:v9+s4+$0x0], $0xffff;
	[tilespmem:s9+$0xBB00] =	vst v3;
	v3 =	vadd.f32 v12, v2  }
0x15b: {  	v8 =	vld.idx.msk [tilespmem:v8+s4+$0x0], $0xffff;
	[tilespmem:s10+$0xBB00] =	vst v6;
	v2 =	vadd.f32 v13, v2  }
0x15c: {  	v4 =	vadd.f32 v4, v1;
	v6 =	vld.idx.msk [tilespmem:v14+s4+$0x0], $0xffff;
	[tilespmem:s29+$0xBB00] =	vst v3  }
0x15d: {  	v3 =	vadd.f32 v5, v1;
	v5 =	vld.idx.msk [tilespmem:v10+s4+$0x0], $0xffff;
	[tilespmem:s3+$0xBB00] =	vst v2  }
0x15e: {  	[tilespmem:s25+$0xBB80] =	vst v4;
	v2 =	vadd.f32 v7, v1;
	v4 =	vld.idx.msk [tilespmem:v11+s4+$0x0], $0xffff  }
0x15f: {  	[tilespmem:s0+$0xBB80] =	vst v3;
	v3 =	vadd.f32 v9, v1  }
0x160: {  	[tilespmem:s7+$0xBB80] =	vst v2;
	v2 =	vadd.f32 v8, v1  }
0x161: {  	[tilespmem:s8+$0xBB80] =	vst v3;
	v3 =	vadd.f32 v6, v1  }
0x162: {  	[tilespmem:s9+$0xBB80] =	vst v2;
	v2 =	vadd.f32 v5, v1  }
0x163: {  	[tilespmem:s10+$0xBB80] =	vst v3;
	v1 =	vadd.f32 v4, v1  }
0x164: {  	[tilespmem:s29+$0xBB80] =	vst v2  }
0x165: {  	s2 =	simm.s32 $0x9000;
	[tilespmem:s3+$0xBB80] =	vst v1  }
0x166: {  	v1 =	vld [tilespmem:s2+$0x0];
	_ =	sdelay $0x4  }
0x167: {  	v2 =	vor.u32 $0x800, v0;
	v3 =	vshll.u32 v1, $0x3  }
0x168: {  	v4 =	vor.u32 $0x880, v0;
	v1 =	vand.u32 $0x7F, v1;
	v3 =	vand.u32 $0xFFFFFC00, v3  }
0x169: {  	v5 =	vor.u32 $0x900, v0;
	v15 =	vor.u32 v1, v3  }
0x16a: {  	s3 =	simm.s32 $0x9010;
	v1 =	vadd.s32 $0x4000, v15  }
0x16b: {  	v7 =	vld [tilespmem:s3+$0x0];
	v3 =	vor.u32 $0x980, v0  }
0x16c: {  	v12 =	vld.idx.msk [tilespmem:v2+s12+$0x0], $0xffff;
	v2 =	vor.u32 $0xA00, v0  }
0x16d: {  	v11 =	vld.idx.msk [tilespmem:v4+s12+$0x0], $0xffff;
	v4 =	vor.u32 $0xA80, v0  }
0x16e: {  	v10 =	vld.idx.msk [tilespmem:v5+s12+$0x0], $0xffff;
	v5 =	vor.u32 $0xB00, v0  }
0x16f: {  	v1 =	vld.idx.msk [tilespmem:v1+s4+$0x0], $0xffff  }
0x170: {  	v8 =	vld.idx.msk [tilespmem:v3+s12+$0x0], $0xffff;
	v3 =	vshll.u32 v7, $0x3  }
0x171: {  	v9 =	vor.u32 $0xB80, v0;
	v6 =	vld.idx.msk [tilespmem:v2+s12+$0x0], $0xffff;
	v2 =	vand.u32 $0x7F, v7;
	v7 =	vand.u32 $0xFFFFFC00, v3  }
0x172: {  	v3 =	vld.idx.msk [tilespmem:v4+s12+$0x0], $0xffff;
	v4 =	vor.u32 v2, v7;
	v7 =	vadd.s32 $0x4080, v15  }
0x173: {  	s5 =	simm.s32 $0x0;
	s6 =	simm.s32 $0x9020;
	v2 =	vld.idx.msk [tilespmem:v5+s12+$0x0], $0xffff;
	v5 =	vadd.s32 $0x4000, v4  }
0x174: {  	s0 =	sand.u32 $0x1C00, s5;
	s7 =	sand.u32 $0x70, s5;
	v13 =	vld [tilespmem:s6+$0x0];
	v14 =	vadd.f32 v1, v12  }
0x175: {  	s2 =	sor.u32 s7, s0  }
0x176: {  	v1 =	vld.idx.msk [tilespmem:v9+s12+$0x0], $0xffff;
	[tilespmem:s2+$0xD800] =	vst v14  }
0x177: {  	v7 =	vld.idx.msk [tilespmem:v7+s4+$0x0], $0xffff  }
0x178: {  	v9 =	vld.idx.msk [tilespmem:v5+s4+$0x0], $0xffff  }
0x179: {  	v5 =	vshll.u32 v13, $0x3  }
0x17a: {  	v13 =	vand.u32 $0x7F, v13;
	v14 =	vadd.s32 $0x4100, v15;
	v5 =	vand.u32 $0xFFFFFC00, v5  }
0x17b: {  	v5 =	vor.u32 v13, v5;
	v13 =	vadd.s32 $0x4080, v4  }
0x17c: {  	s8 =	simm.s32 $0x10;
	s9 =	simm.s32 $0x9030;
	s10 =	simm.s32 $0x80;
	v16 =	vadd.s32 $0x4000, v5;
	v7 =	vadd.f32 v7, v11  }
0x17d: {  	s11 =	sand.u32 $0x1C00, s10;
	v17 =	vld [tilespmem:s9+$0x0];
	s0 =	sand.u32 $0x70, s8;
	v9 =	vadd.f32 v9, v12  }
0x17e: {  	s25 =	sor.u32 s0, s11;
	[tilespmem:s2+$0xD880] =	vst v7  }
0x17f: {  	[tilespmem:s25+$0xD800] =	vst v9;
	v9 =	vld.idx.msk [tilespmem:v14+s4+$0x0], $0xffff  }
0x180: {  	v13 =	vld.idx.msk [tilespmem:v13+s4+$0x0], $0xffff  }
0x181: {  	v14 =	vld.idx.msk [tilespmem:v16+s4+$0x0], $0xffff  }
0x182: {  	v7 =	vshll.u32 v17, $0x3;
	v16 =	vadd.s32 $0x4180, v15  }
0x183: {  	v18 =	vadd.s32 $0x4100, v4;
	v17 =	vand.u32 $0x7F, v17;
	v7 =	vand.u32 $0xFFFFFC00, v7  }
0x184: {  	v7 =	vor.u32 v17, v7;
	v17 =	vadd.s32 $0x4080, v5;
	v9 =	vadd.f32 v9, v10  }
0x185: {  	s13 =	simm.s32 $0x20;
	s14 =	simm.s32 $0x9040;
	s15 =	simm.s32 $0x100;
	v19 =	vadd.s32 $0x4000, v7;
	v13 =	vadd.f32 v13, v11  }
0x186: {  	s16 =	sand.u32 $0x1C00, s15;
	v20 =	vld [tilespmem:s14+$0x0];
	s0 =	sand.u32 $0x70, s13;
	v14 =	vadd.f32 v14, v12;
	[tilespmem:s2+$0xD900] =	vst v9  }
0x187: {  	s0 =	sor.u32 s0, s16;
	[tilespmem:s25+$0xD880] =	vst v13;
	v9 =	vld.idx.msk [tilespmem:v16+s4+$0x0], $0xffff  }
0x188: {  	[tilespmem:s0+$0xD800] =	vst v14;
	v13 =	vld.idx.msk [tilespmem:v18+s4+$0x0], $0xffff  }
0x189: {  	v14 =	vld.idx.msk [tilespmem:v17+s4+$0x0], $0xffff  }
0x18a: {  	v16 =	vld.idx.msk [tilespmem:v19+s4+$0x0], $0xffff;
	v17 =	vadd.s32 $0x4200, v15  }
0x18b: {  	v18 =	vand.u32 $0x7F, v20;
	v19 =	vshll.u32 v20, $0x3;
	v20 =	vadd.s32 $0x4180, v4  }
0x18c: {  	v21 =	vadd.s32 $0x4100, v5;
	v19 =	vand.u32 $0xFFFFFC00, v19;
	v22 =	vadd.f32 v9, v8  }
0x18d: {  	s17 =	simm.s32 $0x9050;
	v13 =	vadd.f32 v13, v10;
	v9 =	vor.u32 v18, v19;
	v18 =	vadd.s32 $0x4080, v7  }
0x18e: {  	s18 =	simm.s32 $0x30;
	s19 =	simm.s32 $0x180;
	v19 =	vld [tilespmem:s17+$0x0];
	v14 =	vadd.f32 v14, v11;
	v23 =	vadd.s32 $0x4000, v9;
	[tilespmem:s2+$0xD980] =	vst v22  }
0x18f: {  	s1 =	sand.u32 $0x1C00, s19;
	s3 =	sand.u32 $0x70, s18;
	v16 =	vadd.f32 v16, v12;
	[tilespmem:s25+$0xD900] =	vst v13;
	v13 =	vld.idx.msk [tilespmem:v17+s4+$0x0], $0xffff  }
0x190: {  	s7 =	sor.u32 s3, s1;
	[tilespmem:s0+$0xD880] =	vst v14;
	v14 =	vld.idx.msk [tilespmem:v20+s4+$0x0], $0xffff  }
0x191: {  	[tilespmem:s7+$0xD800] =	vst v16;
	v16 =	vld.idx.msk [tilespmem:v21+s4+$0x0], $0xffff  }
0x192: {  	v17 =	vld.idx.msk [tilespmem:v18+s4+$0x0], $0xffff;
	v18 =	vadd.s32 $0x4280, v15  }
0x193: {  	v22 =	vadd.s32 $0x4200, v4;
	v21 =	vand.u32 $0x7F, v19;
	v20 =	vld.idx.msk [tilespmem:v23+s4+$0x0], $0xffff  }
0x194: {  	v19 =	vshll.u32 v19, $0x3;
	v23 =	vadd.s32 $0x4180, v5;
	v24 =	vadd.f32 v13, v6  }
0x195: {  	s20 =	simm.s32 $0x9060;
	v14 =	vadd.f32 v14, v8;
	v13 =	vand.u32 $0xFFFFFC00, v19;
	v19 =	vadd.s32 $0x4100, v7  }
0x196: {  	v25 =	vld [tilespmem:s20+$0x0];
	v16 =	vadd.f32 v16, v10;
	v13 =	vor.u32 v21, v13;
	v21 =	vadd.s32 $0x4080, v9;
	[tilespmem:s2+$0xDA00] =	vst v24  }
0x197: {  	s21 =	simm.s32 $0x40;
	s22 =	simm.s32 $0x200;
	[tilespmem:s25+$0xD980] =	vst v14;
	v24 =	vadd.s32 $0x4000, v13;
	v17 =	vadd.f32 v17, v11;
	v14 =	vld.idx.msk [tilespmem:v18+s4+$0x0], $0xffff  }
0x198: {  	s1 =	sand.u32 $0x70, s21;
	s3 =	sand.u32 $0x1C00, s22;
	[tilespmem:s0+$0xD900] =	vst v16;
	v16 =	vld.idx.msk [tilespmem:v22+s4+$0x0], $0xffff;
	v18 =	vadd.f32 v20, v12  }
0x199: {  	s8 =	sor.u32 s1, s3;
	[tilespmem:s7+$0xD880] =	vst v17;
	v17 =	vld.idx.msk [tilespmem:v23+s4+$0x0], $0xffff  }
0x19a: {  	[tilespmem:s8+$0xD800] =	vst v18;
	v18 =	vld.idx.msk [tilespmem:v19+s4+$0x0], $0xffff;
	v19 =	vadd.s32 $0x4300, v15  }
0x19b: {  	v20 =	vld.idx.msk [tilespmem:v21+s4+$0x0], $0xffff;
	v21 =	vadd.s32 $0x4280, v4  }
0x19c: {  	v22 =	vld.idx.msk [tilespmem:v24+s4+$0x0], $0xffff;
	v24 =	vadd.s32 $0x4200, v5;
	v14 =	vadd.f32 v14, v3  }
0x19d: {  	s26 =	simm.s32 $0x9070;
	v26 =	vadd.s32 $0x4180, v7;
	v62 =	vadd.s32 $0x4100, v9;
	v16 =	vadd.f32 v16, v6  }
0x19e: {  	v27 =	vld [tilespmem:s26+$0x0];
	v23 =	vand.u32 $0x7F, v25;
	v25 =	vshll.u32 v25, $0x3;
	v17 =	vadd.f32 v17, v8;
	[tilespmem:s2+$0xDA80] =	vst v14  }
0x19f: {  	v25 =	vand.u32 $0xFFFFFC00, v25;
	[tilespmem:s25+$0xDA00] =	vst v16;
	v18 =	vadd.f32 v18, v10;
	v16 =	vld.idx.msk [tilespmem:v19+s4+$0x0], $0xffff  }
0x1a0: {  	s28 =	simm.s32 $0x50;
	s29 =	simm.s32 $0x280;
	v14 =	vor.u32 v23, v25;
	v23 =	vadd.s32 $0x4080, v13;
	v20 =	vadd.f32 v20, v11;
	[tilespmem:s0+$0xD980] =	vst v17;
	v17 =	vld.idx.msk [tilespmem:v21+s4+$0x0], $0xffff  }
0x1a1: {  	s1 =	sand.u32 $0x70, s28;
	s3 =	sand.u32 $0x1C00, s29;
	v21 =	vadd.f32 v22, v12;
	[tilespmem:s7+$0xD900] =	vst v18;
	v18 =	vld.idx.msk [tilespmem:v24+s4+$0x0], $0xffff  }
0x1a2: {  	s9 =	sor.u32 s1, s3;
	v19 =	vadd.s32 $0x4000, v14;
	[tilespmem:s8+$0xD880] =	vst v20;
	v20 =	vld.idx.msk [tilespmem:v26+s4+$0x0], $0xffff  }
0x1a3: {  	v15 =	vadd.s32 $0x4380, v15;
	[tilespmem:s9+$0xD800] =	vst v21;
	v21 =	vld.idx.msk [tilespmem:v62+s4+$0x0], $0xffff  }
0x1a4: {  	v22 =	vadd.s32 $0x4300, v4  }
0x1a5: {  	v23 =	vld.idx.msk [tilespmem:v23+s4+$0x0], $0xffff;
	v16 =	vadd.f32 v16, v2  }
0x1a6: {  	v24 =	vadd.s32 $0x4280, v5;
	v17 =	vadd.f32 v17, v3  }
0x1a7: {  	v63 =	vadd.s32 $0x4180, v9;
	v26 =	vadd.s32 $0x4200, v7;
	v25 =	vld.idx.msk [tilespmem:v19+s4+$0x0], $0xffff;
	v18 =	vadd.f32 v18, v6;
	[tilespmem:s2+$0xDB00] =	vst v16  }
0x1a8: {  	v20 =	vadd.f32 v20, v8;
	[tilespmem:s25+$0xDA80] =	vst v17;
	v17 =	vld.idx.msk [tilespmem:v15+s4+$0x0], $0xffff;
	v15 =	vshll.u32 v27, $0x3;
	v21 =	vadd.f32 v21, v10  }
0x1a9: {  	s1 =	simm.s32 $0x9080;
	v16 =	vld.idx.msk [tilespmem:v22+s4+$0x0], $0xffff;
	v27 =	vand.u32 $0x7F, v27;
	v22 =	vadd.s32 $0x4100, v13;
	v15 =	vand.u32 $0xFFFFFC00, v15  }
0x1aa: {  	v19 =	vld [tilespmem:s1+$0x0];
	[tilespmem:s0+$0xDA00] =	vst v18;
	v29 =	vadd.f32 v23, v11;
	v23 =	vadd.s32 $0x4080, v14;
	v15 =	vor.u32 v27, v15  }
0x1ab: {  	s30 =	simm.s32 $0x60;
	s3 =	simm.s32 $0x300;
	[tilespmem:s7+$0xD980] =	vst v20;
	v18 =	vld.idx.msk [tilespmem:v24+s4+$0x0], $0xffff;
	v24 =	vadd.s32 $0x4000, v15  }
0x1ac: {  	s31 =	sand.u32 $0x70, s30;
	s5 =	simm.s32 $0x70;
	s13 =	sand.u32 $0x1C00, s3;
	[tilespmem:s8+$0xD900] =	vst v21;
	v20 =	vld.idx.msk [tilespmem:v26+s4+$0x0], $0xffff;
	v25 =	vadd.f32 v25, v12  }
0x1ad: {  	s6 =	simm.s32 $0x80;
	s11 =	simm.s32 $0x90;
	s10 =	sor.u32 s31, s13;
	[tilespmem:s9+$0xD880] =	vst v29;
	v21 =	vld.idx.msk [tilespmem:v63+s4+$0x0], $0xffff  }
.LBB2_7:
0x1ae: {  	p2 =	sne.s32 s11, $0x3F0;
	[tilespmem:s10+$0xD800] =	vst v25;
	v25 =	vld.idx.msk [tilespmem:v22+s4+$0x0], $0xffff;
	v26 =	vadd.s32 $0x4380, v4;
	v4 =	vmovc v5;
	v5 =	vmovc v7;
	v7 =	vmov v9;
	v9 =	vmov v13  }
0x1af: {  	v17 =	vadd.f32 v17, v1;
	v13 =	vmovc v14;
	v14 =	vmov v15;
	v27 =	vld.idx.msk [tilespmem:v23+s4+$0x0], $0xffff;
	v28 =	vadd.s32 $0x4300, v4  }
0x1b0: {  	v30 =	vadd.s32 $0x4280, v5;
	v15 =	vadd.f32 v16, v2;
	v29 =	vld.idx.msk [tilespmem:v24+s4+$0x0], $0xffff  }
0x1b1: {  	s1 =	sadd.s32 $0x10, s1;
	v16 =	vand.u32 $0x7F, v19;
	v31 =	vadd.s32 $0x4200, v7;
	v18 =	vadd.f32 v18, v3;
	[tilespmem:s2+$0xDB80] =	vst v17;
	s2 =	smov.u32 s25;
	s25 =	smov.u32 s0  }
0x1b2: {  	v32 =	vadd.s32 $0x4180, v9;
	v17 =	vshll.u32 v19, $0x3;
	v20 =	vadd.f32 v20, v6;
	s0 =	smov.u32 s7;
	s7 =	smov.u32 s8;
	s8 =	smov.u32 s9;
	v19 =	vld [tilespmem:s1+$0x0];
	[tilespmem:s2+$0xDB00] =	vst v15  }
.Ltmp6:
0x1b3: {  	v22 =	vadd.s32 $0x4100, v13;
	s9 =	smov.u32 s10;
	v15 =	vand.u32 $0xFFFFFC00, v17;
	v21 =	vadd.f32 v21, v8;
	[tilespmem:s25+$0xDA80] =	vst v18;
	v17 =	vld.idx.msk [tilespmem:v26+s4+$0x0], $0xffff;
	(pc) =	sbr.rel @p2 .LBB2_7-.Ltmp6, $4  }
0x1b4: {  	v23 =	vadd.s32 $0x4080, v14;
	v15 =	vor.u32 v16, v15;
	v26 =	vadd.f32 v25, v10;
	[tilespmem:s0+$0xDA00] =	vst v20;
	v16 =	vld.idx.msk [tilespmem:v28+s4+$0x0], $0xffff  }
0x1b5: {  	s3 =	sadd.s32 $0x80, s3;
	v24 =	vadd.s32 $0x4000, v15;
	v27 =	vadd.f32 v27, v11;
	[tilespmem:s7+$0xD980] =	vst v21;
	v18 =	vld.idx.msk [tilespmem:v30+s4+$0x0], $0xffff  }
0x1b6: {  	s13 =	sand.u32 $0x1C00, s3;
	s10 =	sand.u32 $0x70, s5;
	s5 =	smov.u32 s6;
	v25 =	vadd.f32 v29, v12;
	[tilespmem:s8+$0xD900] =	vst v26;
	v20 =	vld.idx.msk [tilespmem:v31+s4+$0x0], $0xffff  }
0x1b7: {  	s6 =	smov.u32 s11;
	s11 =	sadd.s32 $0x10, s11;
	s10 =	sor.u32 s10, s13;
	[tilespmem:s9+$0xD880] =	vst v27;
	v21 =	vld.idx.msk [tilespmem:v32+s4+$0x0], $0xffff  }
0x1b8: {  	v26 =	vshll.u32 v19, $0x3  }
0x1b9: {  	v19 =	vand.u32 $0x7F, v19;
	v26 =	vand.u32 $0xFFFFFC00, v26  }
0x1ba: {  	v19 =	vor.u32 v19, v26  }
0x1bb: {  	v26 =	vadd.s32 $0x4000, v19;
	_ =	sdelay $0x3  }
0x1bc: {  	v24 =	vld.idx.msk [tilespmem:v24+s4+$0x0], $0xffff  }
0x1bd: {  	v26 =	vld.idx.msk [tilespmem:v26+s4+$0x0], $0xffff;
	_ =	sdelay $0x1  }
0x1be: {  	v27 =	vadd.s32 $0x4080, v15  }
0x1bf: {  	s1 =	sadd.s32 $0x80, s3;
	v28 =	vadd.s32 $0x4080, v19  }
0x1c0: {  	s26 =	sand.u32 $0x70, s5;
	s28 =	sand.u32 $0x1C00, s1;
	s11 =	sadd.s32 $0x80, s1;
	v24 =	vadd.f32 v24, v12  }
0x1c1: {  	[tilespmem:s10+$0xD800] =	vst v25;
	s30 =	sand.u32 $0x70, s6;
	s29 =	sor.u32 s26, s28;
	s31 =	sand.u32 $0x1C00, s11;
	v12 =	vadd.f32 v26, v12  }
0x1c2: {  	v23 =	vld.idx.msk [tilespmem:v23+s4+$0x0], $0xffff;
	s3 =	sor.u32 s30, s31;
	[tilespmem:s29+$0xD800] =	vst v24  }
0x1c3: {  	v24 =	vld.idx.msk [tilespmem:v27+s4+$0x0], $0xffff;
	[tilespmem:s3+$0xD800] =	vst v12  }
0x1c4: {  	v12 =	vld.idx.msk [tilespmem:v28+s4+$0x0], $0xffff  }
0x1c5: {  	v25 =	vadd.s32 $0x4100, v14  }
0x1c6: {  	v26 =	vadd.s32 $0x4100, v15  }
0x1c7: {  	v23 =	vadd.f32 v23, v11;
	v27 =	vadd.s32 $0x4100, v19  }
0x1c8: {  	v24 =	vadd.f32 v24, v11  }
0x1c9: {  	v22 =	vld.idx.msk [tilespmem:v22+s4+$0x0], $0xffff;
	[tilespmem:s10+$0xD880] =	vst v23;
	v11 =	vadd.f32 v12, v11  }
0x1ca: {  	[tilespmem:s29+$0xD880] =	vst v24;
	v12 =	vld.idx.msk [tilespmem:v25+s4+$0x0], $0xffff  }
0x1cb: {  	v23 =	vld.idx.msk [tilespmem:v26+s4+$0x0], $0xffff;
	[tilespmem:s3+$0xD880] =	vst v11  }
0x1cc: {  	v11 =	vadd.s32 $0x4180, v13;
	v24 =	vld.idx.msk [tilespmem:v27+s4+$0x0], $0xffff  }
0x1cd: {  	v25 =	vadd.s32 $0x4180, v14  }
0x1ce: {  	v22 =	vadd.f32 v22, v10;
	v26 =	vadd.s32 $0x4180, v15  }
0x1cf: {  	v27 =	vadd.s32 $0x4180, v19;
	v12 =	vadd.f32 v12, v10  }
0x1d0: {  	[tilespmem:s9+$0xD900] =	vst v22;
	v22 =	vadd.f32 v23, v10  }
0x1d1: {  	v11 =	vld.idx.msk [tilespmem:v11+s4+$0x0], $0xffff;
	[tilespmem:s10+$0xD900] =	vst v12;
	v10 =	vadd.f32 v24, v10  }
0x1d2: {  	[tilespmem:s29+$0xD900] =	vst v22;
	v12 =	vld.idx.msk [tilespmem:v25+s4+$0x0], $0xffff  }
0x1d3: {  	v22 =	vadd.s32 $0x4200, v9;
	v23 =	vld.idx.msk [tilespmem:v26+s4+$0x0], $0xffff;
	[tilespmem:s3+$0xD900] =	vst v10  }
0x1d4: {  	v10 =	vadd.s32 $0x4200, v13;
	v24 =	vld.idx.msk [tilespmem:v27+s4+$0x0], $0xffff  }
0x1d5: {  	v21 =	vadd.f32 v21, v8;
	v25 =	vadd.s32 $0x4200, v14  }
0x1d6: {  	v26 =	vadd.s32 $0x4200, v15;
	v11 =	vadd.f32 v11, v8  }
0x1d7: {  	[tilespmem:s8+$0xD980] =	vst v21;
	v21 =	vadd.s32 $0x4200, v19;
	v12 =	vadd.f32 v12, v8  }
0x1d8: {  	v22 =	vld.idx.msk [tilespmem:v22+s4+$0x0], $0xffff;
	[tilespmem:s9+$0xD980] =	vst v11;
	v11 =	vadd.f32 v23, v8  }
0x1d9: {  	v10 =	vld.idx.msk [tilespmem:v10+s4+$0x0], $0xffff;
	[tilespmem:s10+$0xD980] =	vst v12;
	v8 =	vadd.f32 v24, v8  }
0x1da: {  	v12 =	vadd.s32 $0x4280, v7;
	v23 =	vld.idx.msk [tilespmem:v25+s4+$0x0], $0xffff;
	[tilespmem:s29+$0xD980] =	vst v11  }
0x1db: {  	v11 =	vadd.s32 $0x4280, v9;
	v24 =	vld.idx.msk [tilespmem:v26+s4+$0x0], $0xffff;
	[tilespmem:s3+$0xD980] =	vst v8  }
0x1dc: {  	v8 =	vadd.f32 v20, v6;
	v20 =	vadd.s32 $0x4280, v13;
	v21 =	vld.idx.msk [tilespmem:v21+s4+$0x0], $0xffff  }
0x1dd: {  	v22 =	vadd.f32 v22, v6;
	v25 =	vadd.s32 $0x4280, v14  }
0x1de: {  	[tilespmem:s7+$0xDA00] =	vst v8;
	v8 =	vadd.f32 v10, v6;
	v10 =	vadd.s32 $0x4280, v15  }
0x1df: {  	[tilespmem:s8+$0xDA00] =	vst v22;
	v12 =	vld.idx.msk [tilespmem:v12+s4+$0x0], $0xffff;
	v22 =	vadd.f32 v23, v6;
	v23 =	vadd.s32 $0x4280, v19  }
0x1e0: {  	v11 =	vld.idx.msk [tilespmem:v11+s4+$0x0], $0xffff;
	[tilespmem:s9+$0xDA00] =	vst v8;
	v8 =	vadd.f32 v24, v6  }
0x1e1: {  	v24 =	vadd.s32 $0x4300, v5;
	v20 =	vld.idx.msk [tilespmem:v20+s4+$0x0], $0xffff;
	[tilespmem:s10+$0xDA00] =	vst v22;
	v6 =	vadd.f32 v21, v6  }
0x1e2: {  	v17 =	vadd.f32 v17, v1;
	v21 =	vadd.s32 $0x4300, v7;
	v22 =	vld.idx.msk [tilespmem:v25+s4+$0x0], $0xffff;
	[tilespmem:s29+$0xDA00] =	vst v8  }
0x1e3: {  	v8 =	vadd.f32 v18, v3;
	v18 =	vadd.s32 $0x4300, v9;
	v10 =	vld.idx.msk [tilespmem:v10+s4+$0x0], $0xffff;
	[tilespmem:s3+$0xDA00] =	vst v6  }
0x1e4: {  	[tilespmem:s2+$0xDB80] =	vst v17;
	v6 =	vadd.f32 v12, v3;
	v12 =	vadd.s32 $0x4300, v13;
	v17 =	vld.idx.msk [tilespmem:v23+s4+$0x0], $0xffff  }
0x1e5: {  	[tilespmem:s0+$0xDA80] =	vst v8;
	v8 =	vadd.f32 v11, v3;
	v11 =	vadd.s32 $0x4300, v14  }
0x1e6: {  	v23 =	vld.idx.msk [tilespmem:v24+s4+$0x0], $0xffff;
	[tilespmem:s7+$0xDA80] =	vst v6;
	v6 =	vadd.f32 v20, v3;
	v20 =	vadd.s32 $0x4300, v15  }
0x1e7: {  	[tilespmem:s8+$0xDA80] =	vst v8;
	v21 =	vld.idx.msk [tilespmem:v21+s4+$0x0], $0xffff;
	v8 =	vadd.f32 v22, v3;
	v22 =	vadd.s32 $0x4300, v19  }
0x1e8: {  	v4 =	vadd.s32 $0x4380, v4;
	v18 =	vld.idx.msk [tilespmem:v18+s4+$0x0], $0xffff;
	[tilespmem:s9+$0xDA80] =	vst v6;
	v6 =	vadd.f32 v10, v3  }
0x1e9: {  	v5 =	vadd.s32 $0x4380, v5;
	v10 =	vld.idx.msk [tilespmem:v12+s4+$0x0], $0xffff;
	[tilespmem:s10+$0xDA80] =	vst v8;
	v3 =	vadd.f32 v17, v3  }
0x1ea: {  	v7 =	vadd.s32 $0x4380, v7;
	v8 =	vadd.f32 v16, v2;
	v11 =	vld.idx.msk [tilespmem:v11+s4+$0x0], $0xffff;
	[tilespmem:s29+$0xDA80] =	vst v6  }
0x1eb: {  	v9 =	vadd.s32 $0x4380, v9;
	v6 =	vadd.f32 v23, v2;
	v12 =	vld.idx.msk [tilespmem:v20+s4+$0x0], $0xffff;
	[tilespmem:s3+$0xDA80] =	vst v3  }
0x1ec: {  	[tilespmem:s25+$0xDB00] =	vst v8;
	v8 =	vadd.s32 $0x4380, v13;
	v3 =	vadd.f32 v21, v2;
	v13 =	vld.idx.msk [tilespmem:v22+s4+$0x0], $0xffff  }
0x1ed: {  	v14 =	vadd.s32 $0x4380, v14;
	v4 =	vld.idx.msk [tilespmem:v4+s4+$0x0], $0xffff;
	[tilespmem:s0+$0xDB00] =	vst v6;
	v6 =	vadd.f32 v18, v2  }
0x1ee: {  	v5 =	vld.idx.msk [tilespmem:v5+s4+$0x0], $0xffff;
	[tilespmem:s7+$0xDB00] =	vst v3;
	v3 =	vadd.f32 v10, v2;
	v10 =	vadd.s32 $0x4380, v15  }
0x1ef: {  	[tilespmem:s8+$0xDB00] =	vst v6;
	v7 =	vld.idx.msk [tilespmem:v7+s4+$0x0], $0xffff;
	v6 =	vadd.f32 v11, v2;
	v11 =	vadd.s32 $0x4380, v19  }
0x1f0: {  	v9 =	vld.idx.msk [tilespmem:v9+s4+$0x0], $0xffff;
	[tilespmem:s9+$0xDB00] =	vst v3;
	v3 =	vadd.f32 v12, v2  }
0x1f1: {  	v8 =	vld.idx.msk [tilespmem:v8+s4+$0x0], $0xffff;
	[tilespmem:s10+$0xDB00] =	vst v6;
	v2 =	vadd.f32 v13, v2  }
0x1f2: {  	v4 =	vadd.f32 v4, v1;
	v6 =	vld.idx.msk [tilespmem:v14+s4+$0x0], $0xffff;
	[tilespmem:s29+$0xDB00] =	vst v3  }
0x1f3: {  	v3 =	vadd.f32 v5, v1;
	v5 =	vld.idx.msk [tilespmem:v10+s4+$0x0], $0xffff;
	[tilespmem:s3+$0xDB00] =	vst v2  }
0x1f4: {  	[tilespmem:s25+$0xDB80] =	vst v4;
	v2 =	vadd.f32 v7, v1;
	v4 =	vld.idx.msk [tilespmem:v11+s4+$0x0], $0xffff  }
0x1f5: {  	[tilespmem:s0+$0xDB80] =	vst v3;
	v3 =	vadd.f32 v9, v1  }
0x1f6: {  	[tilespmem:s7+$0xDB80] =	vst v2;
	v2 =	vadd.f32 v8, v1  }
0x1f7: {  	[tilespmem:s8+$0xDB80] =	vst v3;
	v3 =	vadd.f32 v6, v1  }
0x1f8: {  	[tilespmem:s9+$0xDB80] =	vst v2;
	v2 =	vadd.f32 v5, v1  }
0x1f9: {  	[tilespmem:s10+$0xDB80] =	vst v3;
	v1 =	vadd.f32 v4, v1  }
0x1fa: {  	[tilespmem:s29+$0xDB80] =	vst v2  }
0x1fb: {  	s2 =	simm.s32 $0x9000;
	[tilespmem:s3+$0xDB80] =	vst v1  }
0x1fc: {  	v1 =	vld [tilespmem:s2+$0x0];
	_ =	sdelay $0x3  }
0x1fd: {  	v2 =	vor.u32 $0xC00, v0  }
0x1fe: {  	v3 =	vshll.u32 v1, $0x3  }
0x1ff: {  	v4 =	vor.u32 $0xC80, v0;
	v1 =	vand.u32 $0x7F, v1;
	v3 =	vand.u32 $0xFFFFFC00, v3  }
0x200: {  	v5 =	vor.u32 $0xD00, v0;
	s3 =	simm.s32 $0x9010;
	v14 =	vor.u32 v1, v3  }
0x201: {  	v6 =	vld [tilespmem:s3+$0x0];
	v1 =	vadd.s32 $0x6000, v14  }
0x202: {  	v11 =	vld.idx.msk [tilespmem:v2+s12+$0x0], $0xffff;
	v2 =	vor.u32 $0xE00, v0  }
0x203: {  	v3 =	vor.u32 $0xD80, v0  }
0x204: {  	v10 =	vld.idx.msk [tilespmem:v4+s12+$0x0], $0xffff;
	v4 =	vor.u32 $0xE80, v0  }
0x205: {  	v8 =	vor.u32 $0xF00, v0;
	v9 =	vld.idx.msk [tilespmem:v5+s12+$0x0], $0xffff  }
0x206: {  	v12 =	vld.idx.msk [tilespmem:v1+s4+$0x0], $0xffff  }
0x207: {  	v5 =	vld.idx.msk [tilespmem:v2+s12+$0x0], $0xffff;
	v1 =	vshll.u32 v6, $0x3  }
0x208: {  	v0 =	vor.u32 $0xF80, v0;
	v7 =	vld.idx.msk [tilespmem:v3+s12+$0x0], $0xffff;
	v3 =	vand.u32 $0x7F, v6;
	v1 =	vand.u32 $0xFFFFFC00, v1  }
0x209: {  	v2 =	vld.idx.msk [tilespmem:v4+s12+$0x0], $0xffff;
	v4 =	vadd.s32 $0x6080, v14;
	v3 =	vor.u32 v3, v1  }
0x20a: {  	s5 =	simm.s32 $0x0;
	s6 =	simm.s32 $0x9020;
	v1 =	vld.idx.msk [tilespmem:v8+s12+$0x0], $0xffff;
	v6 =	vadd.s32 $0x6000, v3  }
0x20b: {  	s0 =	sand.u32 $0x1C00, s5;
	s7 =	sand.u32 $0x70, s5;
	v8 =	vld [tilespmem:s6+$0x0];
	v12 =	vadd.f32 v12, v11  }
0x20c: {  	s2 =	sor.u32 s7, s0  }
0x20d: {  	v0 =	vld.idx.msk [tilespmem:v0+s12+$0x0], $0xffff;
	[tilespmem:s2+$0xF800] =	vst v12  }
0x20e: {  	v12 =	vld.idx.msk [tilespmem:v4+s4+$0x0], $0xffff  }
0x20f: {  	v6 =	vld.idx.msk [tilespmem:v6+s4+$0x0], $0xffff  }
0x210: {  	v4 =	vshll.u32 v8, $0x3  }
0x211: {  	v13 =	vadd.s32 $0x6100, v14;
	v8 =	vand.u32 $0x7F, v8;
	v4 =	vand.u32 $0xFFFFFC00, v4  }
0x212: {  	v4 =	vor.u32 v8, v4;
	v8 =	vadd.s32 $0x6080, v3  }
0x213: {  	s8 =	simm.s32 $0x10;
	s9 =	simm.s32 $0x9030;
	s10 =	simm.s32 $0x80;
	v15 =	vadd.s32 $0x6000, v4;
	v12 =	vadd.f32 v12, v10  }
0x214: {  	s11 =	sand.u32 $0x1C00, s10;
	v16 =	vld [tilespmem:s9+$0x0];
	s0 =	sand.u32 $0x70, s8;
	v6 =	vadd.f32 v6, v11  }
0x215: {  	s25 =	sor.u32 s0, s11;
	[tilespmem:s2+$0xF880] =	vst v12  }
0x216: {  	[tilespmem:s25+$0xF800] =	vst v6;
	v12 =	vld.idx.msk [tilespmem:v13+s4+$0x0], $0xffff  }
0x217: {  	v8 =	vld.idx.msk [tilespmem:v8+s4+$0x0], $0xffff  }
0x218: {  	v13 =	vld.idx.msk [tilespmem:v15+s4+$0x0], $0xffff  }
0x219: {  	v6 =	vshll.u32 v16, $0x3;
	v15 =	vadd.s32 $0x6180, v14  }
0x21a: {  	v17 =	vadd.s32 $0x6100, v3;
	v16 =	vand.u32 $0x7F, v16;
	v6 =	vand.u32 $0xFFFFFC00, v6  }
0x21b: {  	v6 =	vor.u32 v16, v6;
	v16 =	vadd.s32 $0x6080, v4;
	v12 =	vadd.f32 v12, v9  }
0x21c: {  	s13 =	simm.s32 $0x20;
	s14 =	simm.s32 $0x9040;
	s15 =	simm.s32 $0x100;
	v18 =	vadd.s32 $0x6000, v6;
	v8 =	vadd.f32 v8, v10  }
0x21d: {  	s16 =	sand.u32 $0x1C00, s15;
	v19 =	vld [tilespmem:s14+$0x0];
	s0 =	sand.u32 $0x70, s13;
	v13 =	vadd.f32 v13, v11;
	[tilespmem:s2+$0xF900] =	vst v12  }
0x21e: {  	s0 =	sor.u32 s0, s16;
	[tilespmem:s25+$0xF880] =	vst v8;
	v8 =	vld.idx.msk [tilespmem:v15+s4+$0x0], $0xffff  }
0x21f: {  	[tilespmem:s0+$0xF800] =	vst v13;
	v12 =	vld.idx.msk [tilespmem:v17+s4+$0x0], $0xffff  }
0x220: {  	v13 =	vld.idx.msk [tilespmem:v16+s4+$0x0], $0xffff  }
0x221: {  	v15 =	vld.idx.msk [tilespmem:v18+s4+$0x0], $0xffff;
	v16 =	vadd.s32 $0x6200, v14  }
0x222: {  	v17 =	vand.u32 $0x7F, v19;
	v18 =	vshll.u32 v19, $0x3;
	v19 =	vadd.s32 $0x6180, v3  }
0x223: {  	v20 =	vadd.s32 $0x6100, v4;
	v18 =	vand.u32 $0xFFFFFC00, v18;
	v21 =	vadd.f32 v8, v7  }
0x224: {  	s17 =	simm.s32 $0x9050;
	v8 =	vor.u32 v17, v18;
	v17 =	vadd.s32 $0x6080, v6;
	v12 =	vadd.f32 v12, v9  }
0x225: {  	s18 =	simm.s32 $0x30;
	s19 =	simm.s32 $0x180;
	v18 =	vld [tilespmem:s17+$0x0];
	v13 =	vadd.f32 v13, v10;
	v22 =	vadd.s32 $0x6000, v8;
	[tilespmem:s2+$0xF980] =	vst v21  }
0x226: {  	s1 =	sand.u32 $0x1C00, s19;
	s3 =	sand.u32 $0x70, s18;
	v15 =	vadd.f32 v15, v11;
	[tilespmem:s25+$0xF900] =	vst v12;
	v12 =	vld.idx.msk [tilespmem:v16+s4+$0x0], $0xffff  }
0x227: {  	s7 =	sor.u32 s3, s1;
	[tilespmem:s0+$0xF880] =	vst v13;
	v13 =	vld.idx.msk [tilespmem:v19+s4+$0x0], $0xffff  }
0x228: {  	[tilespmem:s7+$0xF800] =	vst v15;
	v15 =	vld.idx.msk [tilespmem:v20+s4+$0x0], $0xffff  }
0x229: {  	v16 =	vld.idx.msk [tilespmem:v17+s4+$0x0], $0xffff;
	v17 =	vadd.s32 $0x6280, v14  }
0x22a: {  	v21 =	vadd.s32 $0x6200, v3;
	v20 =	vand.u32 $0x7F, v18;
	v19 =	vld.idx.msk [tilespmem:v22+s4+$0x0], $0xffff  }
0x22b: {  	v18 =	vshll.u32 v18, $0x3;
	v22 =	vadd.s32 $0x6180, v4;
	v23 =	vadd.f32 v12, v5  }
0x22c: {  	s20 =	simm.s32 $0x9060;
	v12 =	vand.u32 $0xFFFFFC00, v18;
	v18 =	vadd.s32 $0x6100, v6;
	v13 =	vadd.f32 v13, v7  }
0x22d: {  	v24 =	vld [tilespmem:s20+$0x0];
	v15 =	vadd.f32 v15, v9;
	v12 =	vor.u32 v20, v12;
	v20 =	vadd.s32 $0x6080, v8;
	[tilespmem:s2+$0xFA00] =	vst v23  }
0x22e: {  	s21 =	simm.s32 $0x40;
	s22 =	simm.s32 $0x200;
	v23 =	vadd.s32 $0x6000, v12;
	v16 =	vadd.f32 v16, v10;
	[tilespmem:s25+$0xF980] =	vst v13;
	v13 =	vld.idx.msk [tilespmem:v17+s4+$0x0], $0xffff  }
0x22f: {  	s1 =	sand.u32 $0x70, s21;
	s3 =	sand.u32 $0x1C00, s22;
	[tilespmem:s0+$0xF900] =	vst v15;
	v17 =	vadd.f32 v19, v11;
	v15 =	vld.idx.msk [tilespmem:v21+s4+$0x0], $0xffff  }
0x230: {  	s8 =	sor.u32 s1, s3;
	[tilespmem:s7+$0xF880] =	vst v16;
	v16 =	vld.idx.msk [tilespmem:v22+s4+$0x0], $0xffff  }
0x231: {  	[tilespmem:s8+$0xF800] =	vst v17;
	v17 =	vld.idx.msk [tilespmem:v18+s4+$0x0], $0xffff;
	v18 =	vadd.s32 $0x6300, v14  }
0x232: {  	v19 =	vld.idx.msk [tilespmem:v20+s4+$0x0], $0xffff;
	v20 =	vadd.s32 $0x6280, v3  }
0x233: {  	v21 =	vld.idx.msk [tilespmem:v23+s4+$0x0], $0xffff;
	v23 =	vadd.s32 $0x6200, v4;
	v13 =	vadd.f32 v13, v2  }
0x234: {  	s26 =	simm.s32 $0x9070;
	v25 =	vadd.s32 $0x6180, v6;
	v27 =	vadd.s32 $0x6100, v8;
	v15 =	vadd.f32 v15, v5  }
0x235: {  	v26 =	vld [tilespmem:s26+$0x0];
	v22 =	vand.u32 $0x7F, v24;
	v24 =	vshll.u32 v24, $0x3;
	v16 =	vadd.f32 v16, v7;
	[tilespmem:s2+$0xFA80] =	vst v13  }
0x236: {  	v24 =	vand.u32 $0xFFFFFC00, v24;
	v17 =	vadd.f32 v17, v9;
	[tilespmem:s25+$0xFA00] =	vst v15;
	v15 =	vld.idx.msk [tilespmem:v18+s4+$0x0], $0xffff  }
0x237: {  	s28 =	simm.s32 $0x50;
	s29 =	simm.s32 $0x280;
	v13 =	vor.u32 v22, v24;
	v22 =	vadd.s32 $0x6080, v12;
	v19 =	vadd.f32 v19, v10;
	[tilespmem:s0+$0xF980] =	vst v16;
	v16 =	vld.idx.msk [tilespmem:v20+s4+$0x0], $0xffff  }
0x238: {  	s1 =	sand.u32 $0x70, s28;
	s3 =	sand.u32 $0x1C00, s29;
	v20 =	vadd.f32 v21, v11;
	[tilespmem:s7+$0xF900] =	vst v17;
	v17 =	vld.idx.msk [tilespmem:v23+s4+$0x0], $0xffff  }
0x239: {  	s9 =	sor.u32 s1, s3;
	v18 =	vadd.s32 $0x6000, v13;
	[tilespmem:s8+$0xF880] =	vst v19;
	v19 =	vld.idx.msk [tilespmem:v25+s4+$0x0], $0xffff  }
0x23a: {  	v14 =	vadd.s32 $0x6380, v14;
	[tilespmem:s9+$0xF800] =	vst v20;
	v20 =	vld.idx.msk [tilespmem:v27+s4+$0x0], $0xffff  }
0x23b: {  	v21 =	vadd.s32 $0x6300, v3  }
0x23c: {  	v22 =	vld.idx.msk [tilespmem:v22+s4+$0x0], $0xffff;
	v15 =	vadd.f32 v15, v1  }
0x23d: {  	v23 =	vadd.s32 $0x6280, v4;
	v16 =	vadd.f32 v16, v2  }
0x23e: {  	v25 =	vadd.s32 $0x6200, v6;
	v27 =	vadd.s32 $0x6180, v8;
	v24 =	vld.idx.msk [tilespmem:v18+s4+$0x0], $0xffff;
	v17 =	vadd.f32 v17, v5;
	[tilespmem:s2+$0xFB00] =	vst v15  }
0x23f: {  	v19 =	vadd.f32 v19, v7;
	[tilespmem:s25+$0xFA80] =	vst v16;
	v16 =	vld.idx.msk [tilespmem:v14+s4+$0x0], $0xffff;
	v14 =	vshll.u32 v26, $0x3;
	v20 =	vadd.f32 v20, v9  }
0x240: {  	s1 =	simm.s32 $0x9080;
	v15 =	vld.idx.msk [tilespmem:v21+s4+$0x0], $0xffff;
	v26 =	vand.u32 $0x7F, v26;
	v21 =	vadd.s32 $0x6100, v12;
	v14 =	vand.u32 $0xFFFFFC00, v14  }
0x241: {  	v18 =	vld [tilespmem:s1+$0x0];
	[tilespmem:s0+$0xFA00] =	vst v17;
	v63 =	vadd.f32 v22, v10;
	v22 =	vadd.s32 $0x6080, v13;
	v14 =	vor.u32 v26, v14  }
0x242: {  	s30 =	simm.s32 $0x60;
	s3 =	simm.s32 $0x300;
	[tilespmem:s7+$0xF980] =	vst v19;
	v17 =	vld.idx.msk [tilespmem:v23+s4+$0x0], $0xffff;
	v23 =	vadd.s32 $0x6000, v14  }
0x243: {  	s31 =	sand.u32 $0x70, s30;
	s5 =	simm.s32 $0x70;
	s13 =	sand.u32 $0x1C00, s3;
	[tilespmem:s8+$0xF900] =	vst v20;
	v19 =	vld.idx.msk [tilespmem:v25+s4+$0x0], $0xffff;
	v24 =	vadd.f32 v24, v11  }
0x244: {  	s11 =	simm.s32 $0x90;
	s10 =	sor.u32 s31, s13;
	s6 =	simm.s32 $0x80;
	[tilespmem:s9+$0xF880] =	vst v63;
	v20 =	vld.idx.msk [tilespmem:v27+s4+$0x0], $0xffff  }
.LBB2_9:
0x245: {  	p2 =	sne.s32 s11, $0x3F0;
	[tilespmem:s10+$0xF800] =	vst v24;
	v24 =	vld.idx.msk [tilespmem:v21+s4+$0x0], $0xffff;
	v25 =	vadd.s32 $0x6380, v3;
	v3 =	vmovc v4;
	v4 =	vmovc v6;
	v6 =	vmov v8;
	v8 =	vmov v12  }
0x246: {  	v16 =	vadd.f32 v16, v0;
	v12 =	vmovc v13;
	v13 =	vmov v14;
	v26 =	vld.idx.msk [tilespmem:v22+s4+$0x0], $0xffff;
	v27 =	vadd.s32 $0x6300, v3  }
0x247: {  	v29 =	vadd.s32 $0x6280, v4;
	v14 =	vadd.f32 v15, v1;
	v28 =	vld.idx.msk [tilespmem:v23+s4+$0x0], $0xffff  }
0x248: {  	s1 =	sadd.s32 $0x10, s1;
	v15 =	vand.u32 $0x7F, v18;
	v30 =	vadd.s32 $0x6200, v6;
	v17 =	vadd.f32 v17, v2;
	[tilespmem:s2+$0xFB80] =	vst v16;
	s2 =	smov.u32 s25;
	s25 =	smov.u32 s0  }
0x249: {  	v31 =	vadd.s32 $0x6180, v8;
	v16 =	vshll.u32 v18, $0x3;
	v19 =	vadd.f32 v19, v5;
	s0 =	smov.u32 s7;
	s7 =	smov.u32 s8;
	s8 =	smov.u32 s9;
	v18 =	vld [tilespmem:s1+$0x0];
	[tilespmem:s2+$0xFB00] =	vst v14  }
.Ltmp7:
0x24a: {  	v21 =	vadd.s32 $0x6100, v12;
	s9 =	smov.u32 s10;
	v14 =	vand.u32 $0xFFFFFC00, v16;
	v20 =	vadd.f32 v20, v7;
	[tilespmem:s25+$0xFA80] =	vst v17;
	v16 =	vld.idx.msk [tilespmem:v25+s4+$0x0], $0xffff;
	(pc) =	sbr.rel @p2 .LBB2_9-.Ltmp7, $4  }
0x24b: {  	v22 =	vadd.s32 $0x6080, v13;
	v14 =	vor.u32 v15, v14;
	v25 =	vadd.f32 v24, v9;
	[tilespmem:s0+$0xFA00] =	vst v19;
	v15 =	vld.idx.msk [tilespmem:v27+s4+$0x0], $0xffff  }
0x24c: {  	s3 =	sadd.s32 $0x80, s3;
	v23 =	vadd.s32 $0x6000, v14;
	v26 =	vadd.f32 v26, v10;
	[tilespmem:s7+$0xF980] =	vst v20;
	v17 =	vld.idx.msk [tilespmem:v29+s4+$0x0], $0xffff  }
0x24d: {  	s13 =	sand.u32 $0x1C00, s3;
	s10 =	sand.u32 $0x70, s5;
	s5 =	smov.u32 s6;
	v24 =	vadd.f32 v28, v11;
	[tilespmem:s8+$0xF900] =	vst v25;
	v19 =	vld.idx.msk [tilespmem:v30+s4+$0x0], $0xffff  }
0x24e: {  	s6 =	smov.u32 s11;
	s11 =	sadd.s32 $0x10, s11;
	s10 =	sor.u32 s10, s13;
	[tilespmem:s9+$0xF880] =	vst v26;
	v20 =	vld.idx.msk [tilespmem:v31+s4+$0x0], $0xffff  }
0x24f: {  	v25 =	vshll.u32 v18, $0x3  }
0x250: {  	v18 =	vand.u32 $0x7F, v18;
	v25 =	vand.u32 $0xFFFFFC00, v25  }
0x251: {  	v18 =	vor.u32 v18, v25  }
0x252: {  	v25 =	vadd.s32 $0x6000, v18;
	_ =	sdelay $0x3  }
0x253: {  	v23 =	vld.idx.msk [tilespmem:v23+s4+$0x0], $0xffff  }
0x254: {  	v25 =	vld.idx.msk [tilespmem:v25+s4+$0x0], $0xffff;
	_ =	sdelay $0x1  }
0x255: {  	v26 =	vadd.s32 $0x6080, v14  }
0x256: {  	s1 =	sadd.s32 $0x80, s3;
	v27 =	vadd.s32 $0x6080, v18  }
0x257: {  	s19 =	sand.u32 $0x70, s5;
	s20 =	sand.u32 $0x1C00, s1;
	s11 =	sadd.s32 $0x80, s1;
	v23 =	vadd.f32 v23, v11  }
0x258: {  	[tilespmem:s10+$0xF800] =	vst v24;
	s22 =	sand.u32 $0x70, s6;
	s21 =	sor.u32 s19, s20;
	s26 =	sand.u32 $0x1C00, s11;
	v11 =	vadd.f32 v25, v11  }
0x259: {  	v22 =	vld.idx.msk [tilespmem:v22+s4+$0x0], $0xffff;
	s3 =	sor.u32 s22, s26;
	[tilespmem:s21+$0xF800] =	vst v23  }
0x25a: {  	v23 =	vld.idx.msk [tilespmem:v26+s4+$0x0], $0xffff;
	[tilespmem:s3+$0xF800] =	vst v11  }
0x25b: {  	v11 =	vld.idx.msk [tilespmem:v27+s4+$0x0], $0xffff  }
0x25c: {  	v42 =	vadd.s32 $0x6100, v13  }
0x25d: {  	v43 =	vadd.s32 $0x6100, v14  }
0x25e: {  	v44 =	vadd.s32 $0x6100, v18;
	v22 =	vadd.f32 v22, v10  }
0x25f: {  	v23 =	vadd.f32 v23, v10  }
0x260: {  	v21 =	vld.idx.msk [tilespmem:v21+s4+$0x0], $0xffff;
	[tilespmem:s10+$0xF880] =	vst v22;
	v10 =	vadd.f32 v11, v10  }
0x261: {  	[tilespmem:s21+$0xF880] =	vst v23;
	v11 =	vld.idx.msk [tilespmem:v42+s4+$0x0], $0xffff  }
0x262: {  	v22 =	vld.idx.msk [tilespmem:v43+s4+$0x0], $0xffff;
	[tilespmem:s3+$0xF880] =	vst v10  }
0x263: {  	v10 =	vadd.s32 $0x6180, v12;
	v23 =	vld.idx.msk [tilespmem:v44+s4+$0x0], $0xffff  }
0x264: {  	v45 =	vadd.s32 $0x6180, v13  }
0x265: {  	v46 =	vadd.s32 $0x6180, v14;
	v21 =	vadd.f32 v21, v9  }
0x266: {  	v47 =	vadd.s32 $0x6180, v18;
	v11 =	vadd.f32 v11, v9  }
0x267: {  	[tilespmem:s9+$0xF900] =	vst v21;
	v21 =	vadd.f32 v22, v9  }
0x268: {  	v10 =	vld.idx.msk [tilespmem:v10+s4+$0x0], $0xffff;
	[tilespmem:s10+$0xF900] =	vst v11;
	v9 =	vadd.f32 v23, v9  }
0x269: {  	[tilespmem:s21+$0xF900] =	vst v21;
	v11 =	vld.idx.msk [tilespmem:v45+s4+$0x0], $0xffff  }
0x26a: {  	v21 =	vadd.s32 $0x6200, v8;
	v22 =	vld.idx.msk [tilespmem:v46+s4+$0x0], $0xffff;
	[tilespmem:s3+$0xF900] =	vst v9  }
0x26b: {  	v9 =	vadd.s32 $0x6200, v12;
	v23 =	vld.idx.msk [tilespmem:v47+s4+$0x0], $0xffff  }
0x26c: {  	v48 =	vadd.s32 $0x6200, v13;
	v20 =	vadd.f32 v20, v7  }
0x26d: {  	v49 =	vadd.s32 $0x6200, v14;
	v10 =	vadd.f32 v10, v7  }
0x26e: {  	[tilespmem:s8+$0xF980] =	vst v20;
	v20 =	vadd.s32 $0x6200, v18;
	v11 =	vadd.f32 v11, v7  }
0x26f: {  	v21 =	vld.idx.msk [tilespmem:v21+s4+$0x0], $0xffff;
	[tilespmem:s9+$0xF980] =	vst v10;
	v10 =	vadd.f32 v22, v7  }
0x270: {  	v9 =	vld.idx.msk [tilespmem:v9+s4+$0x0], $0xffff;
	[tilespmem:s10+$0xF980] =	vst v11;
	v7 =	vadd.f32 v23, v7  }
0x271: {  	v11 =	vadd.s32 $0x6280, v6;
	v22 =	vld.idx.msk [tilespmem:v48+s4+$0x0], $0xffff;
	[tilespmem:s21+$0xF980] =	vst v10  }
0x272: {  	v10 =	vadd.s32 $0x6280, v8;
	v23 =	vld.idx.msk [tilespmem:v49+s4+$0x0], $0xffff;
	[tilespmem:s3+$0xF980] =	vst v7  }
0x273: {  	v7 =	vadd.f32 v19, v5;
	v19 =	vadd.s32 $0x6280, v12;
	v20 =	vld.idx.msk [tilespmem:v20+s4+$0x0], $0xffff  }
0x274: {  	v50 =	vadd.s32 $0x6280, v13;
	v21 =	vadd.f32 v21, v5  }
0x275: {  	[tilespmem:s7+$0xFA00] =	vst v7;
	v7 =	vadd.f32 v9, v5;
	v9 =	vadd.s32 $0x6280, v14  }
0x276: {  	[tilespmem:s8+$0xFA00] =	vst v21;
	v11 =	vld.idx.msk [tilespmem:v11+s4+$0x0], $0xffff;
	v21 =	vadd.f32 v22, v5;
	v22 =	vadd.s32 $0x6280, v18  }
0x277: {  	v10 =	vld.idx.msk [tilespmem:v10+s4+$0x0], $0xffff;
	[tilespmem:s9+$0xFA00] =	vst v7;
	v7 =	vadd.f32 v23, v5  }
0x278: {  	v23 =	vadd.s32 $0x6300, v4;
	v19 =	vld.idx.msk [tilespmem:v19+s4+$0x0], $0xffff;
	[tilespmem:s10+$0xFA00] =	vst v21;
	v5 =	vadd.f32 v20, v5  }
0x279: {  	v16 =	vadd.f32 v16, v0;
	v20 =	vadd.s32 $0x6300, v6;
	v21 =	vld.idx.msk [tilespmem:v50+s4+$0x0], $0xffff;
	[tilespmem:s21+$0xFA00] =	vst v7  }
0x27a: {  	v7 =	vadd.f32 v17, v2;
	v17 =	vadd.s32 $0x6300, v8;
	v9 =	vld.idx.msk [tilespmem:v9+s4+$0x0], $0xffff;
	[tilespmem:s3+$0xFA00] =	vst v5  }
0x27b: {  	[tilespmem:s2+$0xFB80] =	vst v16;
	v5 =	vadd.f32 v11, v2;
	v11 =	vadd.s32 $0x6300, v12;
	v16 =	vld.idx.msk [tilespmem:v22+s4+$0x0], $0xffff  }
0x27c: {  	[tilespmem:s0+$0xFA80] =	vst v7;
	v7 =	vadd.f32 v10, v2;
	v10 =	vadd.s32 $0x6300, v13  }
0x27d: {  	v22 =	vld.idx.msk [tilespmem:v23+s4+$0x0], $0xffff;
	[tilespmem:s7+$0xFA80] =	vst v5;
	v5 =	vadd.f32 v19, v2;
	v19 =	vadd.s32 $0x6300, v14  }
0x27e: {  	[tilespmem:s8+$0xFA80] =	vst v7;
	v20 =	vld.idx.msk [tilespmem:v20+s4+$0x0], $0xffff;
	v7 =	vadd.f32 v21, v2;
	v21 =	vadd.s32 $0x6300, v18  }
0x27f: {  	v3 =	vadd.s32 $0x6380, v3;
	v17 =	vld.idx.msk [tilespmem:v17+s4+$0x0], $0xffff;
	[tilespmem:s9+$0xFA80] =	vst v5;
	v5 =	vadd.f32 v9, v2  }
0x280: {  	v4 =	vadd.s32 $0x6380, v4;
	v9 =	vld.idx.msk [tilespmem:v11+s4+$0x0], $0xffff;
	[tilespmem:s10+$0xFA80] =	vst v7;
	v2 =	vadd.f32 v16, v2  }
0x281: {  	v6 =	vadd.s32 $0x6380, v6;
	v7 =	vadd.f32 v15, v1;
	v10 =	vld.idx.msk [tilespmem:v10+s4+$0x0], $0xffff;
	[tilespmem:s21+$0xFA80] =	vst v5  }
0x282: {  	v8 =	vadd.s32 $0x6380, v8;
	v5 =	vadd.f32 v22, v1;
	v11 =	vld.idx.msk [tilespmem:v19+s4+$0x0], $0xffff;
	[tilespmem:s3+$0xFA80] =	vst v2  }
0x283: {  	[tilespmem:s25+$0xFB00] =	vst v7;
	v7 =	vadd.s32 $0x6380, v12;
	v2 =	vadd.f32 v20, v1;
	v12 =	vld.idx.msk [tilespmem:v21+s4+$0x0], $0xffff  }
0x284: {  	v13 =	vadd.s32 $0x6380, v13;
	v3 =	vld.idx.msk [tilespmem:v3+s4+$0x0], $0xffff;
	[tilespmem:s0+$0xFB00] =	vst v5;
	v5 =	vadd.f32 v17, v1  }
0x285: {  	v4 =	vld.idx.msk [tilespmem:v4+s4+$0x0], $0xffff;
	[tilespmem:s7+$0xFB00] =	vst v2;
	v2 =	vadd.f32 v9, v1;
	v9 =	vadd.s32 $0x6380, v14  }
0x286: {  	[tilespmem:s8+$0xFB00] =	vst v5;
	v6 =	vld.idx.msk [tilespmem:v6+s4+$0x0], $0xffff;
	v5 =	vadd.f32 v10, v1;
	v10 =	vadd.s32 $0x6380, v18  }
0x287: {  	v8 =	vld.idx.msk [tilespmem:v8+s4+$0x0], $0xffff;
	[tilespmem:s9+$0xFB00] =	vst v2;
	v2 =	vadd.f32 v11, v1  }
0x288: {  	v7 =	vld.idx.msk [tilespmem:v7+s4+$0x0], $0xffff;
	[tilespmem:s10+$0xFB00] =	vst v5;
	v1 =	vadd.f32 v12, v1  }
0x289: {  	v3 =	vadd.f32 v3, v0;
	v5 =	vld.idx.msk [tilespmem:v13+s4+$0x0], $0xffff;
	[tilespmem:s21+$0xFB00] =	vst v2  }
0x28a: {  	v2 =	vadd.f32 v4, v0;
	v4 =	vld.idx.msk [tilespmem:v9+s4+$0x0], $0xffff;
	[tilespmem:s3+$0xFB00] =	vst v1  }
0x28b: {  	[tilespmem:s25+$0xFB80] =	vst v3;
	v1 =	vadd.f32 v6, v0;
	v3 =	vld.idx.msk [tilespmem:v10+s4+$0x0], $0xffff  }
0x28c: {  	[tilespmem:s0+$0xFB80] =	vst v2;
	v2 =	vadd.f32 v8, v0  }
0x28d: {  	[tilespmem:s7+$0xFB80] =	vst v1;
	v1 =	vadd.f32 v7, v0  }
0x28e: {  	s0 =	smul.u32 $0x1F4000, s23;
	[tilespmem:s8+$0xFB80] =	vst v2;
	v2 =	vadd.f32 v5, v0  }
0x28f: {  	[tilespmem:s9+$0xFB80] =	vst v1;
	v1 =	vadd.f32 v4, v0  }
0x290: {  	s5 =	rddreg [dreg:$0x2];
	s2 =	sshrl.u32 @p0 s0, $0x3;
	[tilespmem:s10+$0xFB80] =	vst v2;
	v0 =	vadd.f32 v3, v0  }
0x291: {  	s1 =	sadd.s32 @p0 s5, s2;
	[tilespmem:s21+$0xFB80] =	vst v1  }
0x292: {  	s2 =	simm.s32 @p0 $0x0;
	s1 =	sadd.s32 @p0 $0x1F000, s1;
	[tilespmem:s3+$0xFB80] =	vst v0;
	s3 =	simm.s32 @p0 $0x9800  }
0x293: {  	[hbm4b:s1+s2] =	stream.linear.scatter @p0 [tilespmem:s3], [sflag:$0x3], $0x2000, $0x38;
	[tilespmem:$0x19800] =	vst v63  }
0x294: {  	s1 =	rddreg [dreg:$0x5]  }
0x295: {  	s0 =	sadd.s32 @!p0 s1, s0  }
0x296: {  	p2 =	seq.s32 s23, $0x18;
	s2 =	simm.s32 @!p0 $0x9800;
	s0 =	sshrl.u32 @!p0 s0, $0x3  }
0x297: {  	s1 =	simm.s32 @!p0 $0x0;
	s0 =	sadd.s32 @!p0 s5, s0;
	s5 =	rddreg [dreg:$0xb]  }
0x298: {  	[hbm4b:s0+s1] =	stream.linear.scatter @!p0 [tilespmem:s2], [sflag:$0x3], $0x8000, $0x38;
	[tilespmem:$0x19800] =	vst v63  }
0x299: {  	s0 =	sadd.s32 @!p2 $0x2, s5  }
0x29a: {  	s1 =	sshll.u32 @!p2 s0, $0x4  }
0x29b: {  	s0 =	sshll.u32 @!p2 s0, $0x7;
	s1 =	sand.u32 @!p2 $0x60, s1  }
0x29c: {  	s3 =	simm.s32 @!p2 $0x9000;
	s0 =	sand.u32 @!p2 $0x3C00, s0;
	s1 =	sadd.s32 @!p2 s24, s1  }
0x29d: {  	s2 =	simm.s32 @!p2 $0x400;
	s0 =	sadd.s32 @!p2 s0, s1;
	s1 =	simm.s32 @!p2 $0x80  }
0x29e: {  	[tilespmem:s3], [sflag:$0x1] =	stream.strided.gather @!p2 [hbm4b:s0+s1], $0x400, s2, s1, $0x38;
	[tilespmem:$0x19800] =	vst v63  }
0x29f: {  	s3 =	simm.s32 $0x2  }
0x2a0: {  	_ =	swait.ge [sflag:s3], $0x400  }
0x2a1: {  	[sflag:s3] =	ssyncset.done $0x0  }
0x2a2: {  	s0 =	simm.s32 @!p3 $0x4;
	[sflag:s3] =	ssyncadd.s32 $0xFFFFFC00  }
0x2a3: {  	_ =	swait.ge @!p3 [sflag:s0], $0x2000  }
0x2a4: {  	[sflag:s0] =	ssyncset.done @!p3 $0x0  }
0x2a5: {  	[sflag:s0] =	ssyncadd.s32 @!p3 $0xFFFFE000;
	s0 =	simm.s32 @!p4 $0x4  }
0x2a6: {  	_ =	swait.ge @!p4 [sflag:s0], $0x8000  }
0x2a7: {  	[sflag:s0] =	ssyncset.done @!p4 $0x0  }
0x2a8: {  	s6 =	simm.s32 $0x9400;
	[sflag:s0] =	ssyncadd.s32 @!p4 $0xFFFF8000  }
0x2a9: {  	v1 =	vld [tilespmem:s6+$0x0];
	_ =	sdelay $0x1  }
0x2aa: {  	s25 =	sor.u32 $0x1, s5  }
0x2ab: {  	v0 =	vmov s25;
	_ =	sdelay $0x1  }
0x2ac: {  	v2 =	vor.u32 $0x80, v0;
	v3 =	vshll.u32 v1, $0x3  }
0x2ad: {  	v4 =	vor.u32 $0x100, v0;
	v1 =	vand.u32 $0x7F, v1;
	v3 =	vand.u32 $0xFFFFFC00, v3  }
0x2ae: {  	v14 =	vor.u32 v1, v3  }
0x2af: {  	s7 =	simm.s32 $0x9410;
	v11 =	vld.idx.msk [tilespmem:v0+s12+$0x0], $0xffff  }
0x2b0: {  	v6 =	vld [tilespmem:s7+$0x0];
	v1 =	vor.u32 $0x180, v0  }
0x2b1: {  	v10 =	vld.idx.msk [tilespmem:v2+s12+$0x0], $0xffff;
	v3 =	vor.u32 $0x200, v0  }
0x2b2: {  	v2 =	vor.u32 $0x280, v0;
	v9 =	vld.idx.msk [tilespmem:v4+s12+$0x0], $0xffff  }
0x2b3: {  	v4 =	vor.u32 $0x300, v0;
	v12 =	vld.idx.msk [tilespmem:v14+s4+$0x0], $0xffff;
	_ =	sdelay $0x1  }
0x2b4: {  	v8 =	vor.u32 $0x380, v0;
	v7 =	vld.idx.msk [tilespmem:v1+s12+$0x0], $0xffff;
	v1 =	vshll.u32 v6, $0x3  }
0x2b5: {  	v13 =	vor.u32 $0x80, v14;
	v5 =	vld.idx.msk [tilespmem:v3+s12+$0x0], $0xffff;
	v6 =	vand.u32 $0x7F, v6;
	v1 =	vand.u32 $0xFFFFFC00, v1  }
0x2b6: {  	s9 =	simm.s32 $0x0;
	v3 =	vld.idx.msk [tilespmem:v2+s12+$0x0], $0xffff;
	v15 =	vor.u32 v6, v1  }
0x2b7: {  	s8 =	simm.s32 $0x9420;
	s10 =	sand.u32 $0x70, s9;
	s11 =	sand.u32 $0x1C00, s9;
	v2 =	vld.idx.msk [tilespmem:v4+s12+$0x0], $0xffff;
	v4 =	vadd.f32 v12, v11  }
0x2b8: {  	s13 =	sor.u32 s10, s11;
	v6 =	vld [tilespmem:s8+$0x0]  }
0x2b9: {  	v1 =	vld.idx.msk [tilespmem:v8+s12+$0x0], $0xffff;
	[tilespmem:s13+$0x11800] =	vst v4  }
0x2ba: {  	v8 =	vld.idx.msk [tilespmem:v13+s4+$0x0], $0xffff  }
0x2bb: {  	v12 =	vld.idx.msk [tilespmem:v15+s4+$0x0], $0xffff;
	_ =	sdelay $0x1  }
0x2bc: {  	v4 =	vshll.u32 v6, $0x3;
	v13 =	vor.u32 $0x100, v14  }
0x2bd: {  	v16 =	vor.u32 $0x80, v15;
	v6 =	vand.u32 $0x7F, v6;
	v4 =	vand.u32 $0xFFFFFC00, v4  }
0x2be: {  	s14 =	simm.s32 $0x9430;
	s28 =	simm.s32 $0x80;
	s26 =	simm.s32 $0x10;
	v4 =	vor.u32 v6, v4;
	v6 =	vadd.f32 v8, v10  }
0x2bf: {  	s16 =	sand.u32 $0x1C00, s28;
	s15 =	sand.u32 $0x70, s26;
	s1 =	sadd.s32 $0x11800, s13;
	v8 =	vadd.f32 v12, v11  }
0x2c0: {  	s17 =	sor.u32 s15, s16;
	v12 =	vld [tilespmem:s14+$0x0];
	[tilespmem:s1+$0x80] =	vst v6  }
0x2c1: {  	[tilespmem:s17+$0x11800] =	vst v8;
	v6 =	vld.idx.msk [tilespmem:v13+s4+$0x0], $0xffff  }
0x2c2: {  	v8 =	vld.idx.msk [tilespmem:v16+s4+$0x0], $0xffff  }
0x2c3: {  	v13 =	vld.idx.msk [tilespmem:v4+s4+$0x0], $0xffff  }
0x2c4: {  	v16 =	vor.u32 $0x180, v14  }
0x2c5: {  	v18 =	vor.u32 $0x100, v15;
	v17 =	vand.u32 $0x7F, v12;
	v12 =	vshll.u32 v12, $0x3  }
0x2c6: {  	v19 =	vor.u32 $0x80, v4;
	v12 =	vand.u32 $0xFFFFFC00, v12;
	v20 =	vadd.f32 v6, v9  }
0x2c7: {  	s29 =	simm.s32 $0x20;
	s18 =	simm.s32 $0x9440;
	s30 =	simm.s32 $0x100;
	v6 =	vor.u32 v17, v12;
	v8 =	vadd.f32 v8, v10  }
0x2c8: {  	s19 =	sand.u32 $0x70, s29;
	s20 =	sand.u32 $0x1C00, s30;
	s2 =	sadd.s32 $0x11800, s17;
	v12 =	vld [tilespmem:s18+$0x0];
	v13 =	vadd.f32 v13, v11;
	[tilespmem:s1+$0x100] =	vst v20  }
0x2c9: {  	s3 =	sor.u32 s19, s20;
	[tilespmem:s2+$0x80] =	vst v8;
	v8 =	vld.idx.msk [tilespmem:v16+s4+$0x0], $0xffff  }
0x2ca: {  	[tilespmem:s3+$0x11800] =	vst v13;
	v13 =	vld.idx.msk [tilespmem:v18+s4+$0x0], $0xffff  }
0x2cb: {  	v16 =	vld.idx.msk [tilespmem:v19+s4+$0x0], $0xffff  }
0x2cc: {  	v18 =	vor.u32 $0x200, v14;
	v17 =	vld.idx.msk [tilespmem:v6+s4+$0x0], $0xffff  }
0x2cd: {  	v21 =	vor.u32 $0x100, v4;
	v20 =	vor.u32 $0x180, v15  }
0x2ce: {  	v19 =	vand.u32 $0x7F, v12;
	v12 =	vshll.u32 v12, $0x3;
	v22 =	vadd.f32 v8, v7  }
0x2cf: {  	s21 =	simm.s32 $0x9450;
	v8 =	vand.u32 $0xFFFFFC00, v12;
	v12 =	vor.u32 $0x80, v6;
	v13 =	vadd.f32 v13, v9  }
0x2d0: {  	s31 =	simm.s32 $0x30;
	s0 =	simm.s32 $0x180;
	v23 =	vld [tilespmem:s21+$0x0];
	v16 =	vadd.f32 v16, v10;
	v8 =	vor.u32 v19, v8;
	[tilespmem:s1+$0x180] =	vst v22  }
0x2d1: {  	s22 =	sand.u32 $0x70, s31;
	s24 =	sand.u32 $0x1C00, s0;
	s8 =	sadd.s32 $0x11800, s3;
	v17 =	vadd.f32 v17, v11;
	[tilespmem:s2+$0x100] =	vst v13;
	v13 =	vld.idx.msk [tilespmem:v18+s4+$0x0], $0xffff  }
0x2d2: {  	s6 =	sor.u32 s22, s24;
	[tilespmem:s8+$0x80] =	vst v16;
	v16 =	vld.idx.msk [tilespmem:v20+s4+$0x0], $0xffff  }
0x2d3: {  	[tilespmem:s6+$0x11800] =	vst v17;
	v17 =	vld.idx.msk [tilespmem:v21+s4+$0x0], $0xffff  }
0x2d4: {  	v19 =	vor.u32 $0x280, v14;
	v18 =	vld.idx.msk [tilespmem:v12+s4+$0x0], $0xffff  }
0x2d5: {  	v21 =	vor.u32 $0x200, v15;
	v20 =	vld.idx.msk [tilespmem:v8+s4+$0x0], $0xffff  }
0x2d6: {  	v51 =	vor.u32 $0x100, v6;
	v22 =	vor.u32 $0x180, v4;
	v13 =	vadd.f32 v13, v5  }
0x2d7: {  	s10 =	simm.s32 $0x9460;
	v12 =	vand.u32 $0x7F, v23;
	v23 =	vshll.u32 v23, $0x3;
	v16 =	vadd.f32 v16, v7  }
0x2d8: {  	v52 =	vld [tilespmem:s10+$0x0];
	v53 =	vor.u32 $0x80, v8;
	v23 =	vand.u32 $0xFFFFFC00, v23;
	v17 =	vadd.f32 v17, v9;
	[tilespmem:s1+$0x200] =	vst v13  }
0x2d9: {  	s15 =	simm.s32 $0x40;
	s7 =	simm.s32 $0x200;
	v12 =	vor.u32 v12, v23;
	v13 =	vadd.f32 v18, v10;
	[tilespmem:s2+$0x180] =	vst v16;
	v16 =	vld.idx.msk [tilespmem:v19+s4+$0x0], $0xffff  }
0x2da: {  	s11 =	sand.u32 $0x70, s15;
	s20 =	sadd.s32 $0x11800, s6;
	s13 =	sand.u32 $0x1C00, s7;
	v18 =	vadd.f32 v20, v11;
	[tilespmem:s8+$0x100] =	vst v17;
	v17 =	vld.idx.msk [tilespmem:v21+s4+$0x0], $0xffff  }
0x2db: {  	s14 =	sor.u32 s11, s13;
	[tilespmem:s20+$0x80] =	vst v13;
	v13 =	vld.idx.msk [tilespmem:v22+s4+$0x0], $0xffff  }
0x2dc: {  	v19 =	vor.u32 $0x300, v14;
	[tilespmem:s14+$0x11800] =	vst v18;
	v18 =	vld.idx.msk [tilespmem:v51+s4+$0x0], $0xffff  }
0x2dd: {  	v21 =	vor.u32 $0x280, v15;
	v20 =	vld.idx.msk [tilespmem:v53+s4+$0x0], $0xffff  }
0x2de: {  	v23 =	vor.u32 $0x200, v4;
	v22 =	vld.idx.msk [tilespmem:v12+s4+$0x0], $0xffff;
	v16 =	vadd.f32 v16, v3  }
0x2df: {  	s16 =	simm.s32 $0x9470;
	v54 =	vand.u32 $0x7F, v52;
	v55 =	vor.u32 $0x180, v6;
	v17 =	vadd.f32 v17, v5  }
0x2e0: {  	v56 =	vld [tilespmem:s16+$0x0];
	v25 =	vshll.u32 v52, $0x3;
	v28 =	vor.u32 $0x100, v8;
	v29 =	vadd.f32 v13, v7;
	[tilespmem:s1+$0x280] =	vst v16  }
0x2e1: {  	v13 =	vand.u32 $0xFFFFFC00, v25;
	v16 =	vor.u32 $0x80, v12;
	v18 =	vadd.f32 v18, v9;
	[tilespmem:s2+$0x200] =	vst v17;
	v17 =	vld.idx.msk [tilespmem:v19+s4+$0x0], $0xffff  }
0x2e2: {  	s21 =	simm.s32 $0x50;
	s10 =	simm.s32 $0x280;
	v13 =	vor.u32 v54, v13;
	v19 =	vadd.f32 v20, v10;
	[tilespmem:s8+$0x180] =	vst v29;
	v20 =	vld.idx.msk [tilespmem:v21+s4+$0x0], $0xffff  }
0x2e3: {  	s16 =	sadd.s32 $0x11800, s14;
	s17 =	sand.u32 $0x70, s21;
	s18 =	sand.u32 $0x1C00, s10;
	v21 =	vadd.f32 v22, v11;
	[tilespmem:s20+$0x100] =	vst v18;
	v18 =	vld.idx.msk [tilespmem:v23+s4+$0x0], $0xffff  }
0x2e4: {  	s5 =	sor.u32 s17, s18;
	v14 =	vor.u32 $0x380, v14;
	[tilespmem:s16+$0x80] =	vst v19;
	v22 =	vld.idx.msk [tilespmem:v55+s4+$0x0], $0xffff  }
0x2e5: {  	v23 =	vor.u32 $0x300, v15;
	[tilespmem:s5+$0x11800] =	vst v21;
	v21 =	vld.idx.msk [tilespmem:v28+s4+$0x0], $0xffff  }
0x2e6: {  	v57 =	vor.u32 $0x280, v4;
	v16 =	vld.idx.msk [tilespmem:v16+s4+$0x0], $0xffff;
	v17 =	vadd.f32 v17, v2  }
0x2e7: {  	v59 =	vor.u32 $0x200, v6;
	s3 =	simm.s32 $0x9480;
	v58 =	vld.idx.msk [tilespmem:v13+s4+$0x0], $0xffff;
	v20 =	vadd.f32 v20, v3  }
0x2e8: {  	v60 =	vor.u32 $0x180, v8;
	v19 =	vld [tilespmem:s3+$0x0];
	v18 =	vadd.f32 v18, v5;
	[tilespmem:s1+$0x300] =	vst v17  }
0x2e9: {  	v61 =	vor.u32 $0x100, v12;
	v22 =	vadd.f32 v22, v7;
	[tilespmem:s2+$0x280] =	vst v20;
	v17 =	vld.idx.msk [tilespmem:v14+s4+$0x0], $0xffff  }
0x2ea: {  	v20 =	vadd.f32 v21, v9;
	[tilespmem:s8+$0x200] =	vst v18;
	v14 =	vld.idx.msk [tilespmem:v23+s4+$0x0], $0xffff;
	v23 =	vor.u32 $0x80, v13  }
0x2eb: {  	s22 =	simm.s32 $0x300;
	s11 =	simm.s32 $0x60;
	v16 =	vadd.f32 v16, v10;
	[tilespmem:s20+$0x180] =	vst v22;
	v18 =	vld.idx.msk [tilespmem:v57+s4+$0x0], $0xffff  }
0x2ec: {  	s24 =	sand.u32 $0x1C00, s22;
	s19 =	sand.u32 $0x70, s11;
	s14 =	sadd.s32 $0x11800, s5;
	v21 =	vshll.u32 v56, $0x3;
	v22 =	vadd.f32 v58, v11;
	[tilespmem:s16+$0x100] =	vst v20;
	v20 =	vld.idx.msk [tilespmem:v59+s4+$0x0], $0xffff  }
0x2ed: {  	v62 =	vand.u32 $0x7F, v56;
	s13 =	simm.s32 $0x70;
	s6 =	sor.u32 s19, s24;
	v63 =	vand.u32 $0xFFFFFC00, v21;
	[tilespmem:s14+$0x80] =	vst v16;
	v21 =	vld.idx.msk [tilespmem:v60+s4+$0x0], $0xffff  }
0x2ee: {  	s19 =	simm.s32 $0x80;
	v15 =	vor.u32 $0x380, v15;
	s5 =	simm.s32 $0x90;
	s1 =	simm.s32 $0x0;
	v16 =	vor.u32 v62, v63;
	[tilespmem:s6+$0x11800] =	vst v22;
	v22 =	vld.idx.msk [tilespmem:v61+s4+$0x0], $0xffff  }
.LBB2_11:
0x2ef: {  	p3 =	sne.s32 s5, $0x3F0;
	v24 =	vld.idx.msk [tilespmem:v23+s4+$0x0], $0xffff;
	v25 =	vor.u32 $0x300, v4;
	v17 =	vadd.f32 v17, v1;
	s9 =	sor.u32 s1, s9;
	v26 =	vmovc v13;
	v13 =	vmov v16;
	s1 =	smov.u32 s28  }
0x2f0: {  	v28 =	vor.u32 $0x280, v6;
	v14 =	vadd.f32 v14, v2;
	s28 =	smov.u32 s30;
	s30 =	smov.u32 s0;
	v27 =	vld.idx.msk [tilespmem:v16+s4+$0x0], $0xffff;
	s9 =	sor.u32 $0x380, s9  }
0x2f1: {  	s3 =	sadd.s32 $0x10, s3;
	v29 =	vor.u32 $0x200, v8;
	s0 =	smov.u32 s7;
	s7 =	smov.u32 s10;
	v16 =	vadd.f32 v18, v3;
	[tilespmem:s9+$0x11800] =	vst v17  }
0x2f2: {  	v31 =	vor.u32 $0x180, v12;
	s10 =	smov.u32 s22;
	v18 =	vand.u32 $0x7F, v19;
	v20 =	vadd.f32 v20, v5;
	v30 =	vld [tilespmem:s3+$0x0];
	[tilespmem:s2+$0x300] =	vst v14;
	s2 =	smov.u32 s8;
	s8 =	smov.u32 s20  }
0x2f3: {  	v32 =	vor.u32 $0x100, v26;
	s9 =	smov.u32 s26;
	v14 =	vshll.u32 v19, $0x3;
	v19 =	vadd.f32 v21, v7;
	s20 =	smov.u32 s16;
	s16 =	smov.u32 s14;
	[tilespmem:s2+$0x280] =	vst v16;
	v17 =	vld.idx.msk [tilespmem:v15+s4+$0x0], $0xffff  }
.Ltmp8:
0x2f4: {  	v23 =	vor.u32 $0x80, v13;
	s26 =	smov.u32 s29;
	s29 =	smov.u32 s31;
	v15 =	vand.u32 $0xFFFFFC00, v14;
	v21 =	vadd.f32 v22, v9;
	[tilespmem:s8+$0x200] =	vst v20;
	v14 =	vld.idx.msk [tilespmem:v25+s4+$0x0], $0xffff;
	(pc) =	sbr.rel @p3 .LBB2_11-.Ltmp8, $4  }
0x2f5: {  	s22 =	sadd.s32 $0x80, s22;
	s31 =	smov.u32 s15;
	s15 =	smov.u32 s21;
	v16 =	vor.u32 v18, v15;
	v15 =	vadd.f32 v24, v10;
	[tilespmem:s20+$0x180] =	vst v19;
	v18 =	vld.idx.msk [tilespmem:v28+s4+$0x0], $0xffff  }
0x2f6: {  	s17 =	sand.u32 $0x70, s13;
	s18 =	sand.u32 $0x1C00, s22;
	s14 =	sadd.s32 $0x11800, s6;
	v22 =	vadd.f32 v27, v11;
	[tilespmem:s16+$0x100] =	vst v21;
	v20 =	vld.idx.msk [tilespmem:v29+s4+$0x0], $0xffff  }
0x2f7: {  	s21 =	smov.u32 s11;
	s11 =	smov.u32 s13;
	s6 =	sor.u32 s17, s18;
	[tilespmem:s14+$0x80] =	vst v15;
	v21 =	vld.idx.msk [tilespmem:v31+s4+$0x0], $0xffff;
	v19 =	vmov v30  }
0x2f8: {  	s13 =	smov.u32 s19;
	s19 =	smov.u32 s5;
	s5 =	sadd.s32 $0x10, s5;
	v15 =	vor.u32 $0x380, v4;
	v4 =	vmovc v6;
	v6 =	vmovc v8;
	v8 =	vmov v12;
	v12 =	vmov v26;
	[tilespmem:s6+$0x11800] =	vst v22;
	v22 =	vld.idx.msk [tilespmem:v32+s4+$0x0], $0xffff  }
0x2f9: {  	v24 =	vshll.u32 v19, $0x3  }
0x2fa: {  	v19 =	vand.u32 $0x7F, v19;
	v24 =	vand.u32 $0xFFFFFC00, v24  }
0x2fb: {  	v19 =	vor.u32 v19, v24;
	_ =	sdelay $0x3  }
0x2fc: {  	v24 =	vld.idx.msk [tilespmem:v16+s4+$0x0], $0xffff  }
0x2fd: {  	v25 =	vld.idx.msk [tilespmem:v19+s4+$0x0], $0xffff;
	_ =	sdelay $0x1  }
0x2fe: {  	v26 =	vor.u32 $0x80, v16  }
0x2ff: {  	s5 =	sadd.s32 $0x80, s22;
	v27 =	vor.u32 $0x80, v19  }
0x300: {  	s17 =	sand.u32 $0x70, s13;
	s18 =	sand.u32 $0x1C00, s5;
	s3 =	sadd.s32 $0x80, s5;
	v24 =	vadd.f32 v24, v11  }
0x301: {  	s17 =	sor.u32 s17, s18;
	s18 =	sand.u32 $0x70, s19;
	s24 =	sand.u32 $0x1C00, s3;
	v11 =	vadd.f32 v25, v11  }
0x302: {  	v23 =	vld.idx.msk [tilespmem:v23+s4+$0x0], $0xffff;
	s24 =	sor.u32 s18, s24;
	[tilespmem:s17+$0x11800] =	vst v24  }
0x303: {  	v24 =	vld.idx.msk [tilespmem:v26+s4+$0x0], $0xffff;
	[tilespmem:s24+$0x11800] =	vst v11  }
0x304: {  	v11 =	vld.idx.msk [tilespmem:v27+s4+$0x0], $0xffff  }
0x305: {  	v25 =	vor.u32 $0x100, v13  }
0x306: {  	v26 =	vor.u32 $0x100, v16  }
0x307: {  	v23 =	vadd.f32 v23, v10;
	v27 =	vor.u32 $0x100, v19  }
0x308: {  	s6 =	sadd.s32 $0x11800, s6;
	v24 =	vadd.f32 v24, v10  }
0x309: {  	[tilespmem:s6+$0x80] =	vst v23;
	s17 =	sadd.s32 $0x11800, s17;
	v10 =	vadd.f32 v11, v10  }
0x30a: {  	s24 =	sadd.s32 $0x11800, s24;
	[tilespmem:s17+$0x80] =	vst v24;
	v11 =	vld.idx.msk [tilespmem:v25+s4+$0x0], $0xffff  }
0x30b: {  	v23 =	vld.idx.msk [tilespmem:v26+s4+$0x0], $0xffff;
	[tilespmem:s24+$0x80] =	vst v10  }
0x30c: {  	v10 =	vor.u32 $0x180, v12;
	v24 =	vld.idx.msk [tilespmem:v27+s4+$0x0], $0xffff  }
0x30d: {  	v25 =	vor.u32 $0x180, v13  }
0x30e: {  	v22 =	vadd.f32 v22, v9;
	v26 =	vor.u32 $0x180, v16  }
0x30f: {  	v27 =	vor.u32 $0x180, v19;
	v11 =	vadd.f32 v11, v9  }
0x310: {  	[tilespmem:s14+$0x100] =	vst v22;
	v22 =	vadd.f32 v23, v9  }
0x311: {  	v10 =	vld.idx.msk [tilespmem:v10+s4+$0x0], $0xffff;
	[tilespmem:s6+$0x100] =	vst v11;
	v9 =	vadd.f32 v24, v9  }
0x312: {  	[tilespmem:s17+$0x100] =	vst v22;
	v11 =	vld.idx.msk [tilespmem:v25+s4+$0x0], $0xffff  }
0x313: {  	v22 =	vor.u32 $0x200, v8;
	v23 =	vld.idx.msk [tilespmem:v26+s4+$0x0], $0xffff;
	[tilespmem:s24+$0x100] =	vst v9  }
0x314: {  	v9 =	vor.u32 $0x200, v12;
	v24 =	vld.idx.msk [tilespmem:v27+s4+$0x0], $0xffff  }
0x315: {  	v21 =	vadd.f32 v21, v7;
	v25 =	vor.u32 $0x200, v13  }
0x316: {  	v26 =	vor.u32 $0x200, v16;
	v10 =	vadd.f32 v10, v7  }
0x317: {  	[tilespmem:s16+$0x180] =	vst v21;
	v21 =	vor.u32 $0x200, v19;
	v11 =	vadd.f32 v11, v7  }
0x318: {  	v22 =	vld.idx.msk [tilespmem:v22+s4+$0x0], $0xffff;
	[tilespmem:s14+$0x180] =	vst v10;
	v10 =	vadd.f32 v23, v7  }
0x319: {  	v9 =	vld.idx.msk [tilespmem:v9+s4+$0x0], $0xffff;
	[tilespmem:s6+$0x180] =	vst v11;
	v7 =	vadd.f32 v24, v7  }
0x31a: {  	v11 =	vor.u32 $0x280, v6;
	v23 =	vld.idx.msk [tilespmem:v25+s4+$0x0], $0xffff;
	[tilespmem:s17+$0x180] =	vst v10  }
0x31b: {  	v10 =	vor.u32 $0x280, v8;
	v24 =	vld.idx.msk [tilespmem:v26+s4+$0x0], $0xffff;
	[tilespmem:s24+$0x180] =	vst v7  }
0x31c: {  	v7 =	vadd.f32 v20, v5;
	v20 =	vor.u32 $0x280, v12;
	v21 =	vld.idx.msk [tilespmem:v21+s4+$0x0], $0xffff  }
0x31d: {  	v22 =	vadd.f32 v22, v5;
	v25 =	vor.u32 $0x280, v13  }
0x31e: {  	[tilespmem:s20+$0x200] =	vst v7;
	v7 =	vadd.f32 v9, v5;
	v9 =	vor.u32 $0x280, v16  }
0x31f: {  	[tilespmem:s16+$0x200] =	vst v22;
	v11 =	vld.idx.msk [tilespmem:v11+s4+$0x0], $0xffff;
	v22 =	vadd.f32 v23, v5;
	v23 =	vor.u32 $0x280, v19  }
0x320: {  	v10 =	vld.idx.msk [tilespmem:v10+s4+$0x0], $0xffff;
	[tilespmem:s14+$0x200] =	vst v7;
	v7 =	vadd.f32 v24, v5  }
0x321: {  	v24 =	vor.u32 $0x300, v4;
	v20 =	vld.idx.msk [tilespmem:v20+s4+$0x0], $0xffff;
	[tilespmem:s6+$0x200] =	vst v22;
	v5 =	vadd.f32 v21, v5  }
0x322: {  	s1 =	sor.u32 s1, s9;
	v17 =	vadd.f32 v17, v1;
	v21 =	vor.u32 $0x300, v6;
	v22 =	vld.idx.msk [tilespmem:v25+s4+$0x0], $0xffff;
	[tilespmem:s17+$0x200] =	vst v7  }
0x323: {  	s1 =	sor.u32 $0x380, s1;
	v7 =	vadd.f32 v18, v3;
	v18 =	vor.u32 $0x300, v8;
	v9 =	vld.idx.msk [tilespmem:v9+s4+$0x0], $0xffff;
	[tilespmem:s24+$0x200] =	vst v5  }
0x324: {  	[tilespmem:s1+$0x11800] =	vst v17;
	v5 =	vadd.f32 v11, v3;
	v11 =	vor.u32 $0x300, v12;
	v17 =	vld.idx.msk [tilespmem:v23+s4+$0x0], $0xffff  }
0x325: {  	[tilespmem:s8+$0x280] =	vst v7;
	v7 =	vadd.f32 v10, v3;
	v10 =	vor.u32 $0x300, v13  }
0x326: {  	v23 =	vld.idx.msk [tilespmem:v24+s4+$0x0], $0xffff;
	[tilespmem:s20+$0x280] =	vst v5;
	v5 =	vadd.f32 v20, v3;
	v20 =	vor.u32 $0x300, v16  }
0x327: {  	[tilespmem:s16+$0x280] =	vst v7;
	v21 =	vld.idx.msk [tilespmem:v21+s4+$0x0], $0xffff;
	v7 =	vadd.f32 v22, v3;
	v22 =	vor.u32 $0x300, v19  }
0x328: {  	v18 =	vld.idx.msk [tilespmem:v18+s4+$0x0], $0xffff;
	[tilespmem:s14+$0x280] =	vst v5;
	v5 =	vadd.f32 v9, v3  }
0x329: {  	v4 =	vor.u32 $0x380, v4;
	v9 =	vld.idx.msk [tilespmem:v11+s4+$0x0], $0xffff;
	[tilespmem:s6+$0x280] =	vst v7;
	v3 =	vadd.f32 v17, v3  }
0x32a: {  	v6 =	vor.u32 $0x380, v6;
	v7 =	vadd.f32 v14, v2;
	v10 =	vld.idx.msk [tilespmem:v10+s4+$0x0], $0xffff;
	[tilespmem:s17+$0x280] =	vst v5  }
0x32b: {  	v8 =	vor.u32 $0x380, v8;
	v5 =	vadd.f32 v23, v2;
	v11 =	vld.idx.msk [tilespmem:v20+s4+$0x0], $0xffff;
	[tilespmem:s24+$0x280] =	vst v3  }
0x32c: {  	[tilespmem:s2+$0x300] =	vst v7;
	v7 =	vor.u32 $0x380, v12;
	v3 =	vadd.f32 v21, v2;
	v12 =	vld.idx.msk [tilespmem:v22+s4+$0x0], $0xffff  }
0x32d: {  	v13 =	vor.u32 $0x380, v13;
	[tilespmem:s8+$0x300] =	vst v5;
	v5 =	vld.idx.msk [tilespmem:v15+s4+$0x0], $0xffff;
	v14 =	vadd.f32 v18, v2  }
0x32e: {  	v4 =	vld.idx.msk [tilespmem:v4+s4+$0x0], $0xffff;
	[tilespmem:s20+$0x300] =	vst v3;
	v3 =	vadd.f32 v9, v2;
	v9 =	vor.u32 $0x380, v16  }
0x32f: {  	[tilespmem:s16+$0x300] =	vst v14;
	v14 =	vor.u32 $0x380, v19;
	v6 =	vld.idx.msk [tilespmem:v6+s4+$0x0], $0xffff;
	v10 =	vadd.f32 v10, v2  }
0x330: {  	v8 =	vld.idx.msk [tilespmem:v8+s4+$0x0], $0xffff;
	[tilespmem:s14+$0x300] =	vst v3;
	v3 =	vadd.f32 v11, v2  }
0x331: {  	v7 =	vld.idx.msk [tilespmem:v7+s4+$0x0], $0xffff;
	[tilespmem:s6+$0x300] =	vst v10;
	v2 =	vadd.f32 v12, v2  }
0x332: {  	s9 =	sor.u32 s28, s26;
	v5 =	vadd.f32 v5, v1;
	v10 =	vld.idx.msk [tilespmem:v13+s4+$0x0], $0xffff;
	[tilespmem:s17+$0x300] =	vst v3  }
0x333: {  	s1 =	sor.u32 $0x380, s9;
	s14 =	sor.u32 s30, s29;
	v3 =	vadd.f32 v4, v1;
	v4 =	vld.idx.msk [tilespmem:v9+s4+$0x0], $0xffff;
	[tilespmem:s24+$0x300] =	vst v2  }
0x334: {  	s0 =	sor.u32 s0, s31;
	s16 =	sor.u32 $0x380, s14;
	[tilespmem:s1+$0x11800] =	vst v5;
	v2 =	vadd.f32 v6, v1;
	v5 =	vld.idx.msk [tilespmem:v14+s4+$0x0], $0xffff  }
0x335: {  	s0 =	sor.u32 $0x380, s0;
	s17 =	sor.u32 s7, s15;
	[tilespmem:s16+$0x11800] =	vst v3;
	v3 =	vadd.f32 v8, v1  }
0x336: {  	s20 =	sor.u32 s10, s21;
	s18 =	sor.u32 $0x380, s17;
	[tilespmem:s0+$0x11800] =	vst v2;
	v2 =	vadd.f32 v7, v1  }
0x337: {  	s21 =	sor.u32 $0x380, s20;
	s24 =	sor.u32 s22, s11;
	[tilespmem:s18+$0x11800] =	vst v3;
	v3 =	vadd.f32 v10, v1  }
0x338: {  	s28 =	sor.u32 s5, s13;
	s26 =	sor.u32 $0x380, s24;
	[tilespmem:s21+$0x11800] =	vst v2;
	v2 =	vadd.f32 v4, v1  }
0x339: {  	s29 =	sor.u32 $0x380, s28;
	s30 =	sor.u32 s3, s19;
	[tilespmem:s26+$0x11800] =	vst v3;
	v1 =	vadd.f32 v5, v1  }
0x33a: {  	s31 =	sor.u32 $0x380, s30;
	[tilespmem:s29+$0x11800] =	vst v2  }
0x33b: {  	s1 =	simm.s32 $0x9400;
	[tilespmem:s31+$0x11800] =	vst v1  }
0x33c: {  	v1 =	vld [tilespmem:s1+$0x0];
	_ =	sdelay $0x4  }
0x33d: {  	v2 =	vor.u32 $0x400, v0;
	v3 =	vshll.u32 v1, $0x3  }
0x33e: {  	v4 =	vor.u32 $0x480, v0;
	v1 =	vand.u32 $0x7F, v1;
	v3 =	vand.u32 $0xFFFFFC00, v3  }
0x33f: {  	v5 =	vor.u32 $0x500, v0;
	v15 =	vor.u32 v1, v3  }
0x340: {  	s2 =	simm.s32 $0x9410;
	v1 =	vadd.s32 $0x2000, v15  }
0x341: {  	v7 =	vld [tilespmem:s2+$0x0];
	v3 =	vor.u32 $0x580, v0  }
0x342: {  	v12 =	vld.idx.msk [tilespmem:v2+s12+$0x0], $0xffff;
	v2 =	vor.u32 $0x600, v0  }
0x343: {  	v11 =	vld.idx.msk [tilespmem:v4+s12+$0x0], $0xffff;
	v4 =	vor.u32 $0x680, v0  }
0x344: {  	v10 =	vld.idx.msk [tilespmem:v5+s12+$0x0], $0xffff;
	v5 =	vor.u32 $0x700, v0  }
0x345: {  	v1 =	vld.idx.msk [tilespmem:v1+s4+$0x0], $0xffff  }
0x346: {  	v8 =	vld.idx.msk [tilespmem:v3+s12+$0x0], $0xffff;
	v3 =	vshll.u32 v7, $0x3  }
0x347: {  	v9 =	vor.u32 $0x780, v0;
	v6 =	vld.idx.msk [tilespmem:v2+s12+$0x0], $0xffff;
	v2 =	vand.u32 $0x7F, v7;
	v7 =	vand.u32 $0xFFFFFC00, v3  }
0x348: {  	v3 =	vld.idx.msk [tilespmem:v4+s12+$0x0], $0xffff;
	v4 =	vor.u32 v2, v7;
	v7 =	vadd.s32 $0x2080, v15  }
0x349: {  	s5 =	simm.s32 $0x9420;
	s3 =	simm.s32 $0x0;
	v2 =	vld.idx.msk [tilespmem:v5+s12+$0x0], $0xffff;
	v5 =	vadd.s32 $0x2000, v4  }
0x34a: {  	s6 =	sand.u32 $0x70, s3;
	s0 =	sand.u32 $0x1C00, s3;
	v13 =	vld [tilespmem:s5+$0x0];
	v14 =	vadd.f32 v1, v12  }
0x34b: {  	s2 =	sor.u32 s6, s0  }
0x34c: {  	v1 =	vld.idx.msk [tilespmem:v9+s12+$0x0], $0xffff;
	[tilespmem:s2+$0x13800] =	vst v14  }
0x34d: {  	v7 =	vld.idx.msk [tilespmem:v7+s4+$0x0], $0xffff  }
0x34e: {  	v9 =	vld.idx.msk [tilespmem:v5+s4+$0x0], $0xffff  }
0x34f: {  	v5 =	vshll.u32 v13, $0x3  }
0x350: {  	v13 =	vand.u32 $0x7F, v13;
	v14 =	vadd.s32 $0x2100, v15;
	v5 =	vand.u32 $0xFFFFFC00, v5  }
0x351: {  	v5 =	vor.u32 v13, v5;
	v13 =	vadd.s32 $0x2080, v4  }
0x352: {  	s9 =	simm.s32 $0x80;
	s8 =	simm.s32 $0x9430;
	s7 =	simm.s32 $0x10;
	v16 =	vadd.s32 $0x2000, v5;
	v7 =	vadd.f32 v7, v11  }
0x353: {  	s10 =	sand.u32 $0x1C00, s9;
	v17 =	vld [tilespmem:s8+$0x0];
	s0 =	sand.u32 $0x70, s7;
	v9 =	vadd.f32 v9, v12  }
0x354: {  	s26 =	sor.u32 s0, s10;
	[tilespmem:s2+$0x13880] =	vst v7  }
0x355: {  	[tilespmem:s26+$0x13800] =	vst v9;
	v9 =	vld.idx.msk [tilespmem:v14+s4+$0x0], $0xffff  }
0x356: {  	v13 =	vld.idx.msk [tilespmem:v13+s4+$0x0], $0xffff  }
0x357: {  	v14 =	vld.idx.msk [tilespmem:v16+s4+$0x0], $0xffff  }
0x358: {  	v7 =	vshll.u32 v17, $0x3;
	v16 =	vadd.s32 $0x2180, v15  }
0x359: {  	v18 =	vadd.s32 $0x2100, v4;
	v17 =	vand.u32 $0x7F, v17;
	v7 =	vand.u32 $0xFFFFFC00, v7  }
0x35a: {  	v7 =	vor.u32 v17, v7;
	v17 =	vadd.s32 $0x2080, v5;
	v9 =	vadd.f32 v9, v10  }
0x35b: {  	s13 =	simm.s32 $0x9440;
	s14 =	simm.s32 $0x100;
	s11 =	simm.s32 $0x20;
	v19 =	vadd.s32 $0x2000, v7;
	v13 =	vadd.f32 v13, v11  }
0x35c: {  	s15 =	sand.u32 $0x1C00, s14;
	v20 =	vld [tilespmem:s13+$0x0];
	s0 =	sand.u32 $0x70, s11;
	v14 =	vadd.f32 v14, v12;
	[tilespmem:s2+$0x13900] =	vst v9  }
0x35d: {  	s0 =	sor.u32 s0, s15;
	[tilespmem:s26+$0x13880] =	vst v13;
	v9 =	vld.idx.msk [tilespmem:v16+s4+$0x0], $0xffff  }
0x35e: {  	[tilespmem:s0+$0x13800] =	vst v14;
	v13 =	vld.idx.msk [tilespmem:v18+s4+$0x0], $0xffff  }
0x35f: {  	v14 =	vld.idx.msk [tilespmem:v17+s4+$0x0], $0xffff  }
0x360: {  	v16 =	vld.idx.msk [tilespmem:v19+s4+$0x0], $0xffff;
	v17 =	vadd.s32 $0x2200, v15  }
0x361: {  	v18 =	vand.u32 $0x7F, v20;
	v19 =	vshll.u32 v20, $0x3;
	v20 =	vadd.s32 $0x2180, v4  }
0x362: {  	v21 =	vadd.s32 $0x2100, v5;
	v19 =	vand.u32 $0xFFFFFC00, v19;
	v22 =	vadd.f32 v9, v8  }
0x363: {  	s16 =	simm.s32 $0x9450;
	v13 =	vadd.f32 v13, v10;
	v9 =	vor.u32 v18, v19;
	v18 =	vadd.s32 $0x2080, v7  }
0x364: {  	s17 =	simm.s32 $0x30;
	s18 =	simm.s32 $0x180;
	v19 =	vld [tilespmem:s16+$0x0];
	v14 =	vadd.f32 v14, v11;
	v23 =	vadd.s32 $0x2000, v9;
	[tilespmem:s2+$0x13980] =	vst v22  }
0x365: {  	s3 =	sand.u32 $0x70, s17;
	s1 =	sand.u32 $0x1C00, s18;
	v16 =	vadd.f32 v16, v12;
	[tilespmem:s26+$0x13900] =	vst v13;
	v13 =	vld.idx.msk [tilespmem:v17+s4+$0x0], $0xffff  }
0x366: {  	s7 =	sor.u32 s3, s1;
	[tilespmem:s0+$0x13880] =	vst v14;
	v14 =	vld.idx.msk [tilespmem:v20+s4+$0x0], $0xffff  }
0x367: {  	[tilespmem:s7+$0x13800] =	vst v16;
	v16 =	vld.idx.msk [tilespmem:v21+s4+$0x0], $0xffff  }
0x368: {  	v17 =	vld.idx.msk [tilespmem:v18+s4+$0x0], $0xffff;
	v18 =	vadd.s32 $0x2280, v15  }
0x369: {  	v22 =	vadd.s32 $0x2200, v4;
	v21 =	vand.u32 $0x7F, v19;
	v20 =	vld.idx.msk [tilespmem:v23+s4+$0x0], $0xffff  }
0x36a: {  	v19 =	vshll.u32 v19, $0x3;
	v23 =	vadd.s32 $0x2180, v5;
	v24 =	vadd.f32 v13, v6  }
0x36b: {  	s19 =	simm.s32 $0x9460;
	v14 =	vadd.f32 v14, v8;
	v13 =	vand.u32 $0xFFFFFC00, v19;
	v19 =	vadd.s32 $0x2100, v7  }
0x36c: {  	v25 =	vld [tilespmem:s19+$0x0];
	v16 =	vadd.f32 v16, v10;
	v13 =	vor.u32 v21, v13;
	v21 =	vadd.s32 $0x2080, v9;
	[tilespmem:s2+$0x13A00] =	vst v24  }
0x36d: {  	s20 =	simm.s32 $0x40;
	s21 =	simm.s32 $0x200;
	[tilespmem:s26+$0x13980] =	vst v14;
	v24 =	vadd.s32 $0x2000, v13;
	v17 =	vadd.f32 v17, v11;
	v14 =	vld.idx.msk [tilespmem:v18+s4+$0x0], $0xffff  }
0x36e: {  	s1 =	sand.u32 $0x70, s20;
	s3 =	sand.u32 $0x1C00, s21;
	[tilespmem:s0+$0x13900] =	vst v16;
	v16 =	vld.idx.msk [tilespmem:v22+s4+$0x0], $0xffff;
	v18 =	vadd.f32 v20, v12  }
0x36f: {  	s8 =	sor.u32 s1, s3;
	[tilespmem:s7+$0x13880] =	vst v17;
	v17 =	vld.idx.msk [tilespmem:v23+s4+$0x0], $0xffff  }
0x370: {  	[tilespmem:s8+$0x13800] =	vst v18;
	v18 =	vld.idx.msk [tilespmem:v19+s4+$0x0], $0xffff;
	v19 =	vadd.s32 $0x2300, v15  }
0x371: {  	v20 =	vld.idx.msk [tilespmem:v21+s4+$0x0], $0xffff;
	v21 =	vadd.s32 $0x2280, v4  }
0x372: {  	v22 =	vld.idx.msk [tilespmem:v24+s4+$0x0], $0xffff;
	v24 =	vadd.s32 $0x2200, v5;
	v14 =	vadd.f32 v14, v3  }
0x373: {  	s22 =	simm.s32 $0x9470;
	v26 =	vadd.s32 $0x2180, v7;
	v28 =	vadd.s32 $0x2100, v9;
	v16 =	vadd.f32 v16, v6  }
0x374: {  	v27 =	vld [tilespmem:s22+$0x0];
	v23 =	vand.u32 $0x7F, v25;
	v25 =	vshll.u32 v25, $0x3;
	v17 =	vadd.f32 v17, v8;
	[tilespmem:s2+$0x13A80] =	vst v14  }
0x375: {  	v25 =	vand.u32 $0xFFFFFC00, v25;
	[tilespmem:s26+$0x13A00] =	vst v16;
	v18 =	vadd.f32 v18, v10;
	v16 =	vld.idx.msk [tilespmem:v19+s4+$0x0], $0xffff  }
0x376: {  	s28 =	simm.s32 $0x280;
	s24 =	simm.s32 $0x50;
	v14 =	vor.u32 v23, v25;
	v23 =	vadd.s32 $0x2080, v13;
	v20 =	vadd.f32 v20, v11;
	[tilespmem:s0+$0x13980] =	vst v17;
	v17 =	vld.idx.msk [tilespmem:v21+s4+$0x0], $0xffff  }
0x377: {  	s1 =	sand.u32 $0x70, s24;
	s3 =	sand.u32 $0x1C00, s28;
	v21 =	vadd.f32 v22, v12;
	[tilespmem:s7+$0x13900] =	vst v18;
	v18 =	vld.idx.msk [tilespmem:v24+s4+$0x0], $0xffff  }
0x378: {  	s9 =	sor.u32 s1, s3;
	v19 =	vadd.s32 $0x2000, v14;
	[tilespmem:s8+$0x13880] =	vst v20;
	v20 =	vld.idx.msk [tilespmem:v26+s4+$0x0], $0xffff  }
0x379: {  	v15 =	vadd.s32 $0x2380, v15;
	[tilespmem:s9+$0x13800] =	vst v21;
	v21 =	vld.idx.msk [tilespmem:v28+s4+$0x0], $0xffff  }
0x37a: {  	v22 =	vadd.s32 $0x2300, v4  }
0x37b: {  	v23 =	vld.idx.msk [tilespmem:v23+s4+$0x0], $0xffff;
	v16 =	vadd.f32 v16, v2  }
0x37c: {  	v24 =	vadd.s32 $0x2280, v5;
	v17 =	vadd.f32 v17, v3  }
0x37d: {  	v63 =	vadd.s32 $0x2180, v9;
	v26 =	vadd.s32 $0x2200, v7;
	v25 =	vld.idx.msk [tilespmem:v19+s4+$0x0], $0xffff;
	v18 =	vadd.f32 v18, v6;
	[tilespmem:s2+$0x13B00] =	vst v16  }
0x37e: {  	v20 =	vadd.f32 v20, v8;
	[tilespmem:s26+$0x13A80] =	vst v17;
	v17 =	vld.idx.msk [tilespmem:v15+s4+$0x0], $0xffff;
	v15 =	vshll.u32 v27, $0x3;
	v21 =	vadd.f32 v21, v10  }
0x37f: {  	s1 =	simm.s32 $0x9480;
	v16 =	vld.idx.msk [tilespmem:v22+s4+$0x0], $0xffff;
	v27 =	vand.u32 $0x7F, v27;
	v22 =	vadd.s32 $0x2100, v13;
	v15 =	vand.u32 $0xFFFFFC00, v15  }
0x380: {  	v19 =	vld [tilespmem:s1+$0x0];
	[tilespmem:s0+$0x13A00] =	vst v18;
	v29 =	vadd.f32 v23, v11;
	v23 =	vadd.s32 $0x2080, v14;
	v15 =	vor.u32 v27, v15  }
0x381: {  	s29 =	simm.s32 $0x60;
	s3 =	simm.s32 $0x300;
	[tilespmem:s7+$0x13980] =	vst v20;
	v18 =	vld.idx.msk [tilespmem:v24+s4+$0x0], $0xffff;
	v24 =	vadd.s32 $0x2000, v15  }
0x382: {  	s30 =	sand.u32 $0x70, s29;
	s5 =	simm.s32 $0x70;
	s31 =	sand.u32 $0x1C00, s3;
	[tilespmem:s8+$0x13900] =	vst v21;
	v20 =	vld.idx.msk [tilespmem:v26+s4+$0x0], $0xffff;
	v25 =	vadd.f32 v25, v12  }
0x383: {  	s6 =	simm.s32 $0x80;
	s11 =	simm.s32 $0x90;
	s10 =	sor.u32 s30, s31;
	[tilespmem:s9+$0x13880] =	vst v29;
	v21 =	vld.idx.msk [tilespmem:v63+s4+$0x0], $0xffff  }
.LBB2_13:
0x384: {  	p3 =	sne.s32 s11, $0x3F0;
	[tilespmem:s10+$0x13800] =	vst v25;
	v25 =	vld.idx.msk [tilespmem:v22+s4+$0x0], $0xffff;
	v26 =	vadd.s32 $0x2380, v4;
	v4 =	vmovc v5;
	v5 =	vmovc v7;
	v7 =	vmov v9;
	v9 =	vmov v13  }
0x385: {  	v17 =	vadd.f32 v17, v1;
	v13 =	vmovc v14;
	v14 =	vmov v15;
	v27 =	vld.idx.msk [tilespmem:v23+s4+$0x0], $0xffff;
	v28 =	vadd.s32 $0x2300, v4  }
0x386: {  	v30 =	vadd.s32 $0x2280, v5;
	v15 =	vadd.f32 v16, v2;
	v29 =	vld.idx.msk [tilespmem:v24+s4+$0x0], $0xffff  }
0x387: {  	s1 =	sadd.s32 $0x10, s1;
	v16 =	vand.u32 $0x7F, v19;
	v31 =	vadd.s32 $0x2200, v7;
	v18 =	vadd.f32 v18, v3;
	[tilespmem:s2+$0x13B80] =	vst v17;
	s2 =	smov.u32 s26;
	s26 =	smov.u32 s0  }
0x388: {  	v32 =	vadd.s32 $0x2180, v9;
	v17 =	vshll.u32 v19, $0x3;
	v20 =	vadd.f32 v20, v6;
	s0 =	smov.u32 s7;
	s7 =	smov.u32 s8;
	s8 =	smov.u32 s9;
	v19 =	vld [tilespmem:s1+$0x0];
	[tilespmem:s2+$0x13B00] =	vst v15  }
.Ltmp9:
0x389: {  	v22 =	vadd.s32 $0x2100, v13;
	s9 =	smov.u32 s10;
	v15 =	vand.u32 $0xFFFFFC00, v17;
	v21 =	vadd.f32 v21, v8;
	[tilespmem:s26+$0x13A80] =	vst v18;
	v17 =	vld.idx.msk [tilespmem:v26+s4+$0x0], $0xffff;
	(pc) =	sbr.rel @p3 .LBB2_13-.Ltmp9, $4  }
0x38a: {  	v23 =	vadd.s32 $0x2080, v14;
	v15 =	vor.u32 v16, v15;
	v26 =	vadd.f32 v25, v10;
	[tilespmem:s0+$0x13A00] =	vst v20;
	v16 =	vld.idx.msk [tilespmem:v28+s4+$0x0], $0xffff  }
0x38b: {  	s3 =	sadd.s32 $0x80, s3;
	v24 =	vadd.s32 $0x2000, v15;
	v27 =	vadd.f32 v27, v11;
	[tilespmem:s7+$0x13980] =	vst v21;
	v18 =	vld.idx.msk [tilespmem:v30+s4+$0x0], $0xffff  }
0x38c: {  	s13 =	sand.u32 $0x1C00, s3;
	s10 =	sand.u32 $0x70, s5;
	s5 =	smov.u32 s6;
	v25 =	vadd.f32 v29, v12;
	[tilespmem:s8+$0x13900] =	vst v26;
	v20 =	vld.idx.msk [tilespmem:v31+s4+$0x0], $0xffff  }
0x38d: {  	s6 =	smov.u32 s11;
	s11 =	sadd.s32 $0x10, s11;
	s10 =	sor.u32 s10, s13;
	[tilespmem:s9+$0x13880] =	vst v27;
	v21 =	vld.idx.msk [tilespmem:v32+s4+$0x0], $0xffff  }
0x38e: {  	v26 =	vshll.u32 v19, $0x3  }
0x38f: {  	v19 =	vand.u32 $0x7F, v19;
	v26 =	vand.u32 $0xFFFFFC00, v26  }
0x390: {  	v19 =	vor.u32 v19, v26  }
0x391: {  	v26 =	vadd.s32 $0x2000, v19;
	_ =	sdelay $0x3  }
0x392: {  	v24 =	vld.idx.msk [tilespmem:v24+s4+$0x0], $0xffff  }
0x393: {  	v26 =	vld.idx.msk [tilespmem:v26+s4+$0x0], $0xffff;
	_ =	sdelay $0x1  }
0x394: {  	v27 =	vadd.s32 $0x2080, v15  }
0x395: {  	s1 =	sadd.s32 $0x80, s3;
	v28 =	vadd.s32 $0x2080, v19  }
0x396: {  	s24 =	sand.u32 $0x70, s5;
	s28 =	sand.u32 $0x1C00, s1;
	s11 =	sadd.s32 $0x80, s1;
	v24 =	vadd.f32 v24, v12  }
0x397: {  	[tilespmem:s10+$0x13800] =	vst v25;
	s30 =	sand.u32 $0x70, s6;
	s29 =	sor.u32 s24, s28;
	s31 =	sand.u32 $0x1C00, s11;
	v12 =	vadd.f32 v26, v12  }
0x398: {  	v23 =	vld.idx.msk [tilespmem:v23+s4+$0x0], $0xffff;
	s3 =	sor.u32 s30, s31;
	[tilespmem:s29+$0x13800] =	vst v24  }
0x399: {  	v24 =	vld.idx.msk [tilespmem:v27+s4+$0x0], $0xffff;
	[tilespmem:s3+$0x13800] =	vst v12  }
0x39a: {  	v12 =	vld.idx.msk [tilespmem:v28+s4+$0x0], $0xffff  }
0x39b: {  	v25 =	vadd.s32 $0x2100, v14  }
0x39c: {  	v26 =	vadd.s32 $0x2100, v15  }
0x39d: {  	v23 =	vadd.f32 v23, v11;
	v27 =	vadd.s32 $0x2100, v19  }
0x39e: {  	v24 =	vadd.f32 v24, v11  }
0x39f: {  	v22 =	vld.idx.msk [tilespmem:v22+s4+$0x0], $0xffff;
	[tilespmem:s10+$0x13880] =	vst v23;
	v11 =	vadd.f32 v12, v11  }
0x3a0: {  	[tilespmem:s29+$0x13880] =	vst v24;
	v12 =	vld.idx.msk [tilespmem:v25+s4+$0x0], $0xffff  }
0x3a1: {  	v23 =	vld.idx.msk [tilespmem:v26+s4+$0x0], $0xffff;
	[tilespmem:s3+$0x13880] =	vst v11  }
0x3a2: {  	v11 =	vadd.s32 $0x2180, v13;
	v24 =	vld.idx.msk [tilespmem:v27+s4+$0x0], $0xffff  }
0x3a3: {  	v25 =	vadd.s32 $0x2180, v14  }
0x3a4: {  	v22 =	vadd.f32 v22, v10;
	v26 =	vadd.s32 $0x2180, v15  }
0x3a5: {  	v27 =	vadd.s32 $0x2180, v19;
	v12 =	vadd.f32 v12, v10  }
0x3a6: {  	[tilespmem:s9+$0x13900] =	vst v22;
	v22 =	vadd.f32 v23, v10  }
0x3a7: {  	v11 =	vld.idx.msk [tilespmem:v11+s4+$0x0], $0xffff;
	[tilespmem:s10+$0x13900] =	vst v12;
	v10 =	vadd.f32 v24, v10  }
0x3a8: {  	[tilespmem:s29+$0x13900] =	vst v22;
	v12 =	vld.idx.msk [tilespmem:v25+s4+$0x0], $0xffff  }
0x3a9: {  	v22 =	vadd.s32 $0x2200, v9;
	v23 =	vld.idx.msk [tilespmem:v26+s4+$0x0], $0xffff;
	[tilespmem:s3+$0x13900] =	vst v10  }
0x3aa: {  	v10 =	vadd.s32 $0x2200, v13;
	v24 =	vld.idx.msk [tilespmem:v27+s4+$0x0], $0xffff  }
0x3ab: {  	v21 =	vadd.f32 v21, v8;
	v25 =	vadd.s32 $0x2200, v14  }
0x3ac: {  	v26 =	vadd.s32 $0x2200, v15;
	v11 =	vadd.f32 v11, v8  }
0x3ad: {  	[tilespmem:s8+$0x13980] =	vst v21;
	v21 =	vadd.s32 $0x2200, v19;
	v12 =	vadd.f32 v12, v8  }
0x3ae: {  	v22 =	vld.idx.msk [tilespmem:v22+s4+$0x0], $0xffff;
	[tilespmem:s9+$0x13980] =	vst v11;
	v11 =	vadd.f32 v23, v8  }
0x3af: {  	v10 =	vld.idx.msk [tilespmem:v10+s4+$0x0], $0xffff;
	[tilespmem:s10+$0x13980] =	vst v12;
	v8 =	vadd.f32 v24, v8  }
0x3b0: {  	v12 =	vadd.s32 $0x2280, v7;
	v23 =	vld.idx.msk [tilespmem:v25+s4+$0x0], $0xffff;
	[tilespmem:s29+$0x13980] =	vst v11  }
0x3b1: {  	v11 =	vadd.s32 $0x2280, v9;
	v24 =	vld.idx.msk [tilespmem:v26+s4+$0x0], $0xffff;
	[tilespmem:s3+$0x13980] =	vst v8  }
0x3b2: {  	v8 =	vadd.f32 v20, v6;
	v20 =	vadd.s32 $0x2280, v13;
	v21 =	vld.idx.msk [tilespmem:v21+s4+$0x0], $0xffff  }
0x3b3: {  	v22 =	vadd.f32 v22, v6;
	v25 =	vadd.s32 $0x2280, v14  }
0x3b4: {  	[tilespmem:s7+$0x13A00] =	vst v8;
	v8 =	vadd.f32 v10, v6;
	v10 =	vadd.s32 $0x2280, v15  }
0x3b5: {  	[tilespmem:s8+$0x13A00] =	vst v22;
	v12 =	vld.idx.msk [tilespmem:v12+s4+$0x0], $0xffff;
	v22 =	vadd.f32 v23, v6;
	v23 =	vadd.s32 $0x2280, v19  }
0x3b6: {  	v11 =	vld.idx.msk [tilespmem:v11+s4+$0x0], $0xffff;
	[tilespmem:s9+$0x13A00] =	vst v8;
	v8 =	vadd.f32 v24, v6  }
0x3b7: {  	v24 =	vadd.s32 $0x2300, v5;
	v20 =	vld.idx.msk [tilespmem:v20+s4+$0x0], $0xffff;
	[tilespmem:s10+$0x13A00] =	vst v22;
	v6 =	vadd.f32 v21, v6  }
0x3b8: {  	v17 =	vadd.f32 v17, v1;
	v21 =	vadd.s32 $0x2300, v7;
	v22 =	vld.idx.msk [tilespmem:v25+s4+$0x0], $0xffff;
	[tilespmem:s29+$0x13A00] =	vst v8  }
0x3b9: {  	v8 =	vadd.f32 v18, v3;
	v18 =	vadd.s32 $0x2300, v9;
	v10 =	vld.idx.msk [tilespmem:v10+s4+$0x0], $0xffff;
	[tilespmem:s3+$0x13A00] =	vst v6  }
0x3ba: {  	[tilespmem:s2+$0x13B80] =	vst v17;
	v6 =	vadd.f32 v12, v3;
	v12 =	vadd.s32 $0x2300, v13;
	v17 =	vld.idx.msk [tilespmem:v23+s4+$0x0], $0xffff  }
0x3bb: {  	[tilespmem:s0+$0x13A80] =	vst v8;
	v8 =	vadd.f32 v11, v3;
	v11 =	vadd.s32 $0x2300, v14  }
0x3bc: {  	v23 =	vld.idx.msk [tilespmem:v24+s4+$0x0], $0xffff;
	[tilespmem:s7+$0x13A80] =	vst v6;
	v6 =	vadd.f32 v20, v3;
	v20 =	vadd.s32 $0x2300, v15  }
0x3bd: {  	[tilespmem:s8+$0x13A80] =	vst v8;
	v21 =	vld.idx.msk [tilespmem:v21+s4+$0x0], $0xffff;
	v8 =	vadd.f32 v22, v3;
	v22 =	vadd.s32 $0x2300, v19  }
0x3be: {  	v4 =	vadd.s32 $0x2380, v4;
	v18 =	vld.idx.msk [tilespmem:v18+s4+$0x0], $0xffff;
	[tilespmem:s9+$0x13A80] =	vst v6;
	v6 =	vadd.f32 v10, v3  }
0x3bf: {  	v5 =	vadd.s32 $0x2380, v5;
	v10 =	vld.idx.msk [tilespmem:v12+s4+$0x0], $0xffff;
	[tilespmem:s10+$0x13A80] =	vst v8;
	v3 =	vadd.f32 v17, v3  }
0x3c0: {  	v7 =	vadd.s32 $0x2380, v7;
	v8 =	vadd.f32 v16, v2;
	v11 =	vld.idx.msk [tilespmem:v11+s4+$0x0], $0xffff;
	[tilespmem:s29+$0x13A80] =	vst v6  }
0x3c1: {  	v9 =	vadd.s32 $0x2380, v9;
	v6 =	vadd.f32 v23, v2;
	v12 =	vld.idx.msk [tilespmem:v20+s4+$0x0], $0xffff;
	[tilespmem:s3+$0x13A80] =	vst v3  }
0x3c2: {  	[tilespmem:s26+$0x13B00] =	vst v8;
	v8 =	vadd.s32 $0x2380, v13;
	v3 =	vadd.f32 v21, v2;
	v13 =	vld.idx.msk [tilespmem:v22+s4+$0x0], $0xffff  }
0x3c3: {  	v14 =	vadd.s32 $0x2380, v14;
	v4 =	vld.idx.msk [tilespmem:v4+s4+$0x0], $0xffff;
	[tilespmem:s0+$0x13B00] =	vst v6;
	v6 =	vadd.f32 v18, v2  }
0x3c4: {  	v5 =	vld.idx.msk [tilespmem:v5+s4+$0x0], $0xffff;
	[tilespmem:s7+$0x13B00] =	vst v3;
	v3 =	vadd.f32 v10, v2;
	v10 =	vadd.s32 $0x2380, v15  }
0x3c5: {  	[tilespmem:s8+$0x13B00] =	vst v6;
	v7 =	vld.idx.msk [tilespmem:v7+s4+$0x0], $0xffff;
	v6 =	vadd.f32 v11, v2;
	v11 =	vadd.s32 $0x2380, v19  }
0x3c6: {  	v9 =	vld.idx.msk [tilespmem:v9+s4+$0x0], $0xffff;
	[tilespmem:s9+$0x13B00] =	vst v3;
	v3 =	vadd.f32 v12, v2  }
0x3c7: {  	v8 =	vld.idx.msk [tilespmem:v8+s4+$0x0], $0xffff;
	[tilespmem:s10+$0x13B00] =	vst v6;
	v2 =	vadd.f32 v13, v2  }
0x3c8: {  	v4 =	vadd.f32 v4, v1;
	v6 =	vld.idx.msk [tilespmem:v14+s4+$0x0], $0xffff;
	[tilespmem:s29+$0x13B00] =	vst v3  }
0x3c9: {  	v3 =	vadd.f32 v5, v1;
	v5 =	vld.idx.msk [tilespmem:v10+s4+$0x0], $0xffff;
	[tilespmem:s3+$0x13B00] =	vst v2  }
0x3ca: {  	[tilespmem:s26+$0x13B80] =	vst v4;
	v2 =	vadd.f32 v7, v1;
	v4 =	vld.idx.msk [tilespmem:v11+s4+$0x0], $0xffff  }
0x3cb: {  	[tilespmem:s0+$0x13B80] =	vst v3;
	v3 =	vadd.f32 v9, v1  }
0x3cc: {  	[tilespmem:s7+$0x13B80] =	vst v2;
	v2 =	vadd.f32 v8, v1  }
0x3cd: {  	[tilespmem:s8+$0x13B80] =	vst v3;
	v3 =	vadd.f32 v6, v1  }
0x3ce: {  	[tilespmem:s9+$0x13B80] =	vst v2;
	v2 =	vadd.f32 v5, v1  }
0x3cf: {  	[tilespmem:s10+$0x13B80] =	vst v3;
	v1 =	vadd.f32 v4, v1  }
0x3d0: {  	[tilespmem:s29+$0x13B80] =	vst v2  }
0x3d1: {  	s2 =	simm.s32 $0x9400;
	[tilespmem:s3+$0x13B80] =	vst v1  }
0x3d2: {  	v1 =	vld [tilespmem:s2+$0x0];
	_ =	sdelay $0x4  }
0x3d3: {  	v2 =	vor.u32 $0x800, v0;
	v3 =	vshll.u32 v1, $0x3  }
0x3d4: {  	v4 =	vor.u32 $0x880, v0;
	v1 =	vand.u32 $0x7F, v1;
	v3 =	vand.u32 $0xFFFFFC00, v3  }
0x3d5: {  	v5 =	vor.u32 $0x900, v0;
	v15 =	vor.u32 v1, v3  }
0x3d6: {  	s3 =	simm.s32 $0x9410;
	v1 =	vadd.s32 $0x4000, v15  }
0x3d7: {  	v7 =	vld [tilespmem:s3+$0x0];
	v3 =	vor.u32 $0x980, v0  }
0x3d8: {  	v12 =	vld.idx.msk [tilespmem:v2+s12+$0x0], $0xffff;
	v2 =	vor.u32 $0xA00, v0  }
0x3d9: {  	v11 =	vld.idx.msk [tilespmem:v4+s12+$0x0], $0xffff;
	v4 =	vor.u32 $0xA80, v0  }
0x3da: {  	v10 =	vld.idx.msk [tilespmem:v5+s12+$0x0], $0xffff;
	v5 =	vor.u32 $0xB00, v0  }
0x3db: {  	v1 =	vld.idx.msk [tilespmem:v1+s4+$0x0], $0xffff  }
0x3dc: {  	v8 =	vld.idx.msk [tilespmem:v3+s12+$0x0], $0xffff;
	v3 =	vshll.u32 v7, $0x3  }
0x3dd: {  	v9 =	vor.u32 $0xB80, v0;
	v6 =	vld.idx.msk [tilespmem:v2+s12+$0x0], $0xffff;
	v2 =	vand.u32 $0x7F, v7;
	v7 =	vand.u32 $0xFFFFFC00, v3  }
0x3de: {  	v3 =	vld.idx.msk [tilespmem:v4+s12+$0x0], $0xffff;
	v4 =	vor.u32 v2, v7;
	v7 =	vadd.s32 $0x4080, v15  }
0x3df: {  	s5 =	simm.s32 $0x0;
	s6 =	simm.s32 $0x9420;
	v2 =	vld.idx.msk [tilespmem:v5+s12+$0x0], $0xffff;
	v5 =	vadd.s32 $0x4000, v4  }
0x3e0: {  	s0 =	sand.u32 $0x1C00, s5;
	s7 =	sand.u32 $0x70, s5;
	v13 =	vld [tilespmem:s6+$0x0];
	v14 =	vadd.f32 v1, v12  }
0x3e1: {  	s2 =	sor.u32 s7, s0  }
0x3e2: {  	v1 =	vld.idx.msk [tilespmem:v9+s12+$0x0], $0xffff;
	[tilespmem:s2+$0x15800] =	vst v14  }
0x3e3: {  	v7 =	vld.idx.msk [tilespmem:v7+s4+$0x0], $0xffff  }
0x3e4: {  	v9 =	vld.idx.msk [tilespmem:v5+s4+$0x0], $0xffff  }
0x3e5: {  	v5 =	vshll.u32 v13, $0x3  }
0x3e6: {  	v13 =	vand.u32 $0x7F, v13;
	v14 =	vadd.s32 $0x4100, v15;
	v5 =	vand.u32 $0xFFFFFC00, v5  }
0x3e7: {  	v5 =	vor.u32 v13, v5;
	v13 =	vadd.s32 $0x4080, v4  }
0x3e8: {  	s8 =	simm.s32 $0x10;
	s9 =	simm.s32 $0x9430;
	s10 =	simm.s32 $0x80;
	v16 =	vadd.s32 $0x4000, v5;
	v7 =	vadd.f32 v7, v11  }
0x3e9: {  	s11 =	sand.u32 $0x1C00, s10;
	v17 =	vld [tilespmem:s9+$0x0];
	s0 =	sand.u32 $0x70, s8;
	v9 =	vadd.f32 v9, v12  }
0x3ea: {  	s26 =	sor.u32 s0, s11;
	[tilespmem:s2+$0x15880] =	vst v7  }
0x3eb: {  	[tilespmem:s26+$0x15800] =	vst v9;
	v9 =	vld.idx.msk [tilespmem:v14+s4+$0x0], $0xffff  }
0x3ec: {  	v13 =	vld.idx.msk [tilespmem:v13+s4+$0x0], $0xffff  }
0x3ed: {  	v14 =	vld.idx.msk [tilespmem:v16+s4+$0x0], $0xffff  }
0x3ee: {  	v7 =	vshll.u32 v17, $0x3;
	v16 =	vadd.s32 $0x4180, v15  }
0x3ef: {  	v18 =	vadd.s32 $0x4100, v4;
	v17 =	vand.u32 $0x7F, v17;
	v7 =	vand.u32 $0xFFFFFC00, v7  }
0x3f0: {  	v7 =	vor.u32 v17, v7;
	v17 =	vadd.s32 $0x4080, v5;
	v9 =	vadd.f32 v9, v10  }
0x3f1: {  	s13 =	simm.s32 $0x20;
	s14 =	simm.s32 $0x9440;
	s15 =	simm.s32 $0x100;
	v19 =	vadd.s32 $0x4000, v7;
	v13 =	vadd.f32 v13, v11  }
0x3f2: {  	s16 =	sand.u32 $0x1C00, s15;
	v20 =	vld [tilespmem:s14+$0x0];
	s0 =	sand.u32 $0x70, s13;
	v14 =	vadd.f32 v14, v12;
	[tilespmem:s2+$0x15900] =	vst v9  }
0x3f3: {  	s0 =	sor.u32 s0, s16;
	[tilespmem:s26+$0x15880] =	vst v13;
	v9 =	vld.idx.msk [tilespmem:v16+s4+$0x0], $0xffff  }
0x3f4: {  	[tilespmem:s0+$0x15800] =	vst v14;
	v13 =	vld.idx.msk [tilespmem:v18+s4+$0x0], $0xffff  }
0x3f5: {  	v14 =	vld.idx.msk [tilespmem:v17+s4+$0x0], $0xffff  }
0x3f6: {  	v16 =	vld.idx.msk [tilespmem:v19+s4+$0x0], $0xffff;
	v17 =	vadd.s32 $0x4200, v15  }
0x3f7: {  	v18 =	vand.u32 $0x7F, v20;
	v19 =	vshll.u32 v20, $0x3;
	v20 =	vadd.s32 $0x4180, v4  }
0x3f8: {  	v21 =	vadd.s32 $0x4100, v5;
	v19 =	vand.u32 $0xFFFFFC00, v19;
	v22 =	vadd.f32 v9, v8  }
0x3f9: {  	s17 =	simm.s32 $0x9450;
	v13 =	vadd.f32 v13, v10;
	v9 =	vor.u32 v18, v19;
	v18 =	vadd.s32 $0x4080, v7  }
0x3fa: {  	s18 =	simm.s32 $0x30;
	s19 =	simm.s32 $0x180;
	v19 =	vld [tilespmem:s17+$0x0];
	v14 =	vadd.f32 v14, v11;
	v23 =	vadd.s32 $0x4000, v9;
	[tilespmem:s2+$0x15980] =	vst v22  }
0x3fb: {  	s1 =	sand.u32 $0x1C00, s19;
	s3 =	sand.u32 $0x70, s18;
	v16 =	vadd.f32 v16, v12;
	[tilespmem:s26+$0x15900] =	vst v13;
	v13 =	vld.idx.msk [tilespmem:v17+s4+$0x0], $0xffff  }
0x3fc: {  	s7 =	sor.u32 s3, s1;
	[tilespmem:s0+$0x15880] =	vst v14;
	v14 =	vld.idx.msk [tilespmem:v20+s4+$0x0], $0xffff  }
0x3fd: {  	[tilespmem:s7+$0x15800] =	vst v16;
	v16 =	vld.idx.msk [tilespmem:v21+s4+$0x0], $0xffff  }
0x3fe: {  	v17 =	vld.idx.msk [tilespmem:v18+s4+$0x0], $0xffff;
	v18 =	vadd.s32 $0x4280, v15  }
0x3ff: {  	v22 =	vadd.s32 $0x4200, v4;
	v21 =	vand.u32 $0x7F, v19;
	v20 =	vld.idx.msk [tilespmem:v23+s4+$0x0], $0xffff  }
0x400: {  	v19 =	vshll.u32 v19, $0x3;
	v23 =	vadd.s32 $0x4180, v5;
	v24 =	vadd.f32 v13, v6  }
0x401: {  	s20 =	simm.s32 $0x9460;
	v14 =	vadd.f32 v14, v8;
	v13 =	vand.u32 $0xFFFFFC00, v19;
	v19 =	vadd.s32 $0x4100, v7  }
0x402: {  	v25 =	vld [tilespmem:s20+$0x0];
	v16 =	vadd.f32 v16, v10;
	v13 =	vor.u32 v21, v13;
	v21 =	vadd.s32 $0x4080, v9;
	[tilespmem:s2+$0x15A00] =	vst v24  }
0x403: {  	s21 =	simm.s32 $0x40;
	s22 =	simm.s32 $0x200;
	[tilespmem:s26+$0x15980] =	vst v14;
	v24 =	vadd.s32 $0x4000, v13;
	v17 =	vadd.f32 v17, v11;
	v14 =	vld.idx.msk [tilespmem:v18+s4+$0x0], $0xffff  }
0x404: {  	s1 =	sand.u32 $0x70, s21;
	s3 =	sand.u32 $0x1C00, s22;
	[tilespmem:s0+$0x15900] =	vst v16;
	v16 =	vld.idx.msk [tilespmem:v22+s4+$0x0], $0xffff;
	v18 =	vadd.f32 v20, v12  }
0x405: {  	s8 =	sor.u32 s1, s3;
	[tilespmem:s7+$0x15880] =	vst v17;
	v17 =	vld.idx.msk [tilespmem:v23+s4+$0x0], $0xffff  }
0x406: {  	[tilespmem:s8+$0x15800] =	vst v18;
	v18 =	vld.idx.msk [tilespmem:v19+s4+$0x0], $0xffff;
	v19 =	vadd.s32 $0x4300, v15  }
0x407: {  	v20 =	vld.idx.msk [tilespmem:v21+s4+$0x0], $0xffff;
	v21 =	vadd.s32 $0x4280, v4  }
0x408: {  	v22 =	vld.idx.msk [tilespmem:v24+s4+$0x0], $0xffff;
	v24 =	vadd.s32 $0x4200, v5;
	v14 =	vadd.f32 v14, v3  }
0x409: {  	s24 =	simm.s32 $0x9470;
	v26 =	vadd.s32 $0x4180, v7;
	v62 =	vadd.s32 $0x4100, v9;
	v16 =	vadd.f32 v16, v6  }
0x40a: {  	v27 =	vld [tilespmem:s24+$0x0];
	v23 =	vand.u32 $0x7F, v25;
	v25 =	vshll.u32 v25, $0x3;
	v17 =	vadd.f32 v17, v8;
	[tilespmem:s2+$0x15A80] =	vst v14  }
0x40b: {  	v25 =	vand.u32 $0xFFFFFC00, v25;
	[tilespmem:s26+$0x15A00] =	vst v16;
	v18 =	vadd.f32 v18, v10;
	v16 =	vld.idx.msk [tilespmem:v19+s4+$0x0], $0xffff  }
0x40c: {  	s28 =	simm.s32 $0x50;
	s29 =	simm.s32 $0x280;
	v14 =	vor.u32 v23, v25;
	v23 =	vadd.s32 $0x4080, v13;
	v20 =	vadd.f32 v20, v11;
	[tilespmem:s0+$0x15980] =	vst v17;
	v17 =	vld.idx.msk [tilespmem:v21+s4+$0x0], $0xffff  }
0x40d: {  	s1 =	sand.u32 $0x70, s28;
	s3 =	sand.u32 $0x1C00, s29;
	v21 =	vadd.f32 v22, v12;
	[tilespmem:s7+$0x15900] =	vst v18;
	v18 =	vld.idx.msk [tilespmem:v24+s4+$0x0], $0xffff  }
0x40e: {  	s9 =	sor.u32 s1, s3;
	v19 =	vadd.s32 $0x4000, v14;
	[tilespmem:s8+$0x15880] =	vst v20;
	v20 =	vld.idx.msk [tilespmem:v26+s4+$0x0], $0xffff  }
0x40f: {  	v15 =	vadd.s32 $0x4380, v15;
	[tilespmem:s9+$0x15800] =	vst v21;
	v21 =	vld.idx.msk [tilespmem:v62+s4+$0x0], $0xffff  }
0x410: {  	v22 =	vadd.s32 $0x4300, v4  }
0x411: {  	v23 =	vld.idx.msk [tilespmem:v23+s4+$0x0], $0xffff;
	v16 =	vadd.f32 v16, v2  }
0x412: {  	v24 =	vadd.s32 $0x4280, v5;
	v17 =	vadd.f32 v17, v3  }
0x413: {  	v63 =	vadd.s32 $0x4180, v9;
	v26 =	vadd.s32 $0x4200, v7;
	v25 =	vld.idx.msk [tilespmem:v19+s4+$0x0], $0xffff;
	v18 =	vadd.f32 v18, v6;
	[tilespmem:s2+$0x15B00] =	vst v16  }
0x414: {  	v20 =	vadd.f32 v20, v8;
	[tilespmem:s26+$0x15A80] =	vst v17;
	v17 =	vld.idx.msk [tilespmem:v15+s4+$0x0], $0xffff;
	v15 =	vshll.u32 v27, $0x3;
	v21 =	vadd.f32 v21, v10  }
0x415: {  	s1 =	simm.s32 $0x9480;
	v16 =	vld.idx.msk [tilespmem:v22+s4+$0x0], $0xffff;
	v27 =	vand.u32 $0x7F, v27;
	v22 =	vadd.s32 $0x4100, v13;
	v15 =	vand.u32 $0xFFFFFC00, v15  }
0x416: {  	v19 =	vld [tilespmem:s1+$0x0];
	[tilespmem:s0+$0x15A00] =	vst v18;
	v29 =	vadd.f32 v23, v11;
	v23 =	vadd.s32 $0x4080, v14;
	v15 =	vor.u32 v27, v15  }
0x417: {  	s30 =	simm.s32 $0x60;
	s3 =	simm.s32 $0x300;
	[tilespmem:s7+$0x15980] =	vst v20;
	v18 =	vld.idx.msk [tilespmem:v24+s4+$0x0], $0xffff;
	v24 =	vadd.s32 $0x4000, v15  }
0x418: {  	s31 =	sand.u32 $0x70, s30;
	s5 =	simm.s32 $0x70;
	s13 =	sand.u32 $0x1C00, s3;
	[tilespmem:s8+$0x15900] =	vst v21;
	v20 =	vld.idx.msk [tilespmem:v26+s4+$0x0], $0xffff;
	v25 =	vadd.f32 v25, v12  }
0x419: {  	s6 =	simm.s32 $0x80;
	s11 =	simm.s32 $0x90;
	s10 =	sor.u32 s31, s13;
	[tilespmem:s9+$0x15880] =	vst v29;
	v21 =	vld.idx.msk [tilespmem:v63+s4+$0x0], $0xffff  }
.LBB2_15:
0x41a: {  	p3 =	sne.s32 s11, $0x3F0;
	[tilespmem:s10+$0x15800] =	vst v25;
	v25 =	vld.idx.msk [tilespmem:v22+s4+$0x0], $0xffff;
	v26 =	vadd.s32 $0x4380, v4;
	v4 =	vmovc v5;
	v5 =	vmovc v7;
	v7 =	vmov v9;
	v9 =	vmov v13  }
0x41b: {  	v17 =	vadd.f32 v17, v1;
	v13 =	vmovc v14;
	v14 =	vmov v15;
	v27 =	vld.idx.msk [tilespmem:v23+s4+$0x0], $0xffff;
	v28 =	vadd.s32 $0x4300, v4  }
0x41c: {  	v30 =	vadd.s32 $0x4280, v5;
	v15 =	vadd.f32 v16, v2;
	v29 =	vld.idx.msk [tilespmem:v24+s4+$0x0], $0xffff  }
0x41d: {  	s1 =	sadd.s32 $0x10, s1;
	v16 =	vand.u32 $0x7F, v19;
	v31 =	vadd.s32 $0x4200, v7;
	v18 =	vadd.f32 v18, v3;
	[tilespmem:s2+$0x15B80] =	vst v17;
	s2 =	smov.u32 s26;
	s26 =	smov.u32 s0  }
0x41e: {  	v32 =	vadd.s32 $0x4180, v9;
	v17 =	vshll.u32 v19, $0x3;
	v20 =	vadd.f32 v20, v6;
	s0 =	smov.u32 s7;
	s7 =	smov.u32 s8;
	s8 =	smov.u32 s9;
	v19 =	vld [tilespmem:s1+$0x0];
	[tilespmem:s2+$0x15B00] =	vst v15  }
.Ltmp10:
0x41f: {  	v22 =	vadd.s32 $0x4100, v13;
	s9 =	smov.u32 s10;
	v15 =	vand.u32 $0xFFFFFC00, v17;
	v21 =	vadd.f32 v21, v8;
	[tilespmem:s26+$0x15A80] =	vst v18;
	v17 =	vld.idx.msk [tilespmem:v26+s4+$0x0], $0xffff;
	(pc) =	sbr.rel @p3 .LBB2_15-.Ltmp10, $4  }
0x420: {  	v23 =	vadd.s32 $0x4080, v14;
	v15 =	vor.u32 v16, v15;
	v26 =	vadd.f32 v25, v10;
	[tilespmem:s0+$0x15A00] =	vst v20;
	v16 =	vld.idx.msk [tilespmem:v28+s4+$0x0], $0xffff  }
0x421: {  	s3 =	sadd.s32 $0x80, s3;
	v24 =	vadd.s32 $0x4000, v15;
	v27 =	vadd.f32 v27, v11;
	[tilespmem:s7+$0x15980] =	vst v21;
	v18 =	vld.idx.msk [tilespmem:v30+s4+$0x0], $0xffff  }
0x422: {  	s13 =	sand.u32 $0x1C00, s3;
	s10 =	sand.u32 $0x70, s5;
	s5 =	smov.u32 s6;
	v25 =	vadd.f32 v29, v12;
	[tilespmem:s8+$0x15900] =	vst v26;
	v20 =	vld.idx.msk [tilespmem:v31+s4+$0x0], $0xffff  }
0x423: {  	s6 =	smov.u32 s11;
	s11 =	sadd.s32 $0x10, s11;
	s10 =	sor.u32 s10, s13;
	[tilespmem:s9+$0x15880] =	vst v27;
	v21 =	vld.idx.msk [tilespmem:v32+s4+$0x0], $0xffff  }
0x424: {  	v26 =	vshll.u32 v19, $0x3  }
0x425: {  	v19 =	vand.u32 $0x7F, v19;
	v26 =	vand.u32 $0xFFFFFC00, v26  }
0x426: {  	v19 =	vor.u32 v19, v26  }
0x427: {  	v26 =	vadd.s32 $0x4000, v19;
	_ =	sdelay $0x3  }
0x428: {  	v24 =	vld.idx.msk [tilespmem:v24+s4+$0x0], $0xffff  }
0x429: {  	v26 =	vld.idx.msk [tilespmem:v26+s4+$0x0], $0xffff;
	_ =	sdelay $0x1  }
0x42a: {  	v27 =	vadd.s32 $0x4080, v15  }
0x42b: {  	s1 =	sadd.s32 $0x80, s3;
	v28 =	vadd.s32 $0x4080, v19  }
0x42c: {  	s24 =	sand.u32 $0x70, s5;
	s28 =	sand.u32 $0x1C00, s1;
	s11 =	sadd.s32 $0x80, s1;
	v24 =	vadd.f32 v24, v12  }
0x42d: {  	[tilespmem:s10+$0x15800] =	vst v25;
	s30 =	sand.u32 $0x70, s6;
	s29 =	sor.u32 s24, s28;
	s31 =	sand.u32 $0x1C00, s11;
	v12 =	vadd.f32 v26, v12  }
0x42e: {  	v23 =	vld.idx.msk [tilespmem:v23+s4+$0x0], $0xffff;
	s3 =	sor.u32 s30, s31;
	[tilespmem:s29+$0x15800] =	vst v24  }
0x42f: {  	v24 =	vld.idx.msk [tilespmem:v27+s4+$0x0], $0xffff;
	[tilespmem:s3+$0x15800] =	vst v12  }
0x430: {  	v12 =	vld.idx.msk [tilespmem:v28+s4+$0x0], $0xffff  }
0x431: {  	v25 =	vadd.s32 $0x4100, v14  }
0x432: {  	v26 =	vadd.s32 $0x4100, v15  }
0x433: {  	v23 =	vadd.f32 v23, v11;
	v27 =	vadd.s32 $0x4100, v19  }
0x434: {  	v24 =	vadd.f32 v24, v11  }
0x435: {  	v22 =	vld.idx.msk [tilespmem:v22+s4+$0x0], $0xffff;
	[tilespmem:s10+$0x15880] =	vst v23;
	v11 =	vadd.f32 v12, v11  }
0x436: {  	[tilespmem:s29+$0x15880] =	vst v24;
	v12 =	vld.idx.msk [tilespmem:v25+s4+$0x0], $0xffff  }
0x437: {  	v23 =	vld.idx.msk [tilespmem:v26+s4+$0x0], $0xffff;
	[tilespmem:s3+$0x15880] =	vst v11  }
0x438: {  	v11 =	vadd.s32 $0x4180, v13;
	v24 =	vld.idx.msk [tilespmem:v27+s4+$0x0], $0xffff  }
0x439: {  	v25 =	vadd.s32 $0x4180, v14  }
0x43a: {  	v22 =	vadd.f32 v22, v10;
	v26 =	vadd.s32 $0x4180, v15  }
0x43b: {  	v27 =	vadd.s32 $0x4180, v19;
	v12 =	vadd.f32 v12, v10  }
0x43c: {  	[tilespmem:s9+$0x15900] =	vst v22;
	v22 =	vadd.f32 v23, v10  }
0x43d: {  	v11 =	vld.idx.msk [tilespmem:v11+s4+$0x0], $0xffff;
	[tilespmem:s10+$0x15900] =	vst v12;
	v10 =	vadd.f32 v24, v10  }
0x43e: {  	[tilespmem:s29+$0x15900] =	vst v22;
	v12 =	vld.idx.msk [tilespmem:v25+s4+$0x0], $0xffff  }
0x43f: {  	v22 =	vadd.s32 $0x4200, v9;
	v23 =	vld.idx.msk [tilespmem:v26+s4+$0x0], $0xffff;
	[tilespmem:s3+$0x15900] =	vst v10  }
0x440: {  	v10 =	vadd.s32 $0x4200, v13;
	v24 =	vld.idx.msk [tilespmem:v27+s4+$0x0], $0xffff  }
0x441: {  	v21 =	vadd.f32 v21, v8;
	v25 =	vadd.s32 $0x4200, v14  }
0x442: {  	v26 =	vadd.s32 $0x4200, v15;
	v11 =	vadd.f32 v11, v8  }
0x443: {  	[tilespmem:s8+$0x15980] =	vst v21;
	v21 =	vadd.s32 $0x4200, v19;
	v12 =	vadd.f32 v12, v8  }
0x444: {  	v22 =	vld.idx.msk [tilespmem:v22+s4+$0x0], $0xffff;
	[tilespmem:s9+$0x15980] =	vst v11;
	v11 =	vadd.f32 v23, v8  }
0x445: {  	v10 =	vld.idx.msk [tilespmem:v10+s4+$0x0], $0xffff;
	[tilespmem:s10+$0x15980] =	vst v12;
	v8 =	vadd.f32 v24, v8  }
0x446: {  	v12 =	vadd.s32 $0x4280, v7;
	v23 =	vld.idx.msk [tilespmem:v25+s4+$0x0], $0xffff;
	[tilespmem:s29+$0x15980] =	vst v11  }
0x447: {  	v11 =	vadd.s32 $0x4280, v9;
	v24 =	vld.idx.msk [tilespmem:v26+s4+$0x0], $0xffff;
	[tilespmem:s3+$0x15980] =	vst v8  }
0x448: {  	v8 =	vadd.f32 v20, v6;
	v20 =	vadd.s32 $0x4280, v13;
	v21 =	vld.idx.msk [tilespmem:v21+s4+$0x0], $0xffff  }
0x449: {  	v22 =	vadd.f32 v22, v6;
	v25 =	vadd.s32 $0x4280, v14  }
0x44a: {  	[tilespmem:s7+$0x15A00] =	vst v8;
	v8 =	vadd.f32 v10, v6;
	v10 =	vadd.s32 $0x4280, v15  }
0x44b: {  	[tilespmem:s8+$0x15A00] =	vst v22;
	v12 =	vld.idx.msk [tilespmem:v12+s4+$0x0], $0xffff;
	v22 =	vadd.f32 v23, v6;
	v23 =	vadd.s32 $0x4280, v19  }
0x44c: {  	v11 =	vld.idx.msk [tilespmem:v11+s4+$0x0], $0xffff;
	[tilespmem:s9+$0x15A00] =	vst v8;
	v8 =	vadd.f32 v24, v6  }
0x44d: {  	v24 =	vadd.s32 $0x4300, v5;
	v20 =	vld.idx.msk [tilespmem:v20+s4+$0x0], $0xffff;
	[tilespmem:s10+$0x15A00] =	vst v22;
	v6 =	vadd.f32 v21, v6  }
0x44e: {  	v17 =	vadd.f32 v17, v1;
	v21 =	vadd.s32 $0x4300, v7;
	v22 =	vld.idx.msk [tilespmem:v25+s4+$0x0], $0xffff;
	[tilespmem:s29+$0x15A00] =	vst v8  }
0x44f: {  	v8 =	vadd.f32 v18, v3;
	v18 =	vadd.s32 $0x4300, v9;
	v10 =	vld.idx.msk [tilespmem:v10+s4+$0x0], $0xffff;
	[tilespmem:s3+$0x15A00] =	vst v6  }
0x450: {  	[tilespmem:s2+$0x15B80] =	vst v17;
	v6 =	vadd.f32 v12, v3;
	v12 =	vadd.s32 $0x4300, v13;
	v17 =	vld.idx.msk [tilespmem:v23+s4+$0x0], $0xffff  }
0x451: {  	[tilespmem:s0+$0x15A80] =	vst v8;
	v8 =	vadd.f32 v11, v3;
	v11 =	vadd.s32 $0x4300, v14  }
0x452: {  	v23 =	vld.idx.msk [tilespmem:v24+s4+$0x0], $0xffff;
	[tilespmem:s7+$0x15A80] =	vst v6;
	v6 =	vadd.f32 v20, v3;
	v20 =	vadd.s32 $0x4300, v15  }
0x453: {  	[tilespmem:s8+$0x15A80] =	vst v8;
	v21 =	vld.idx.msk [tilespmem:v21+s4+$0x0], $0xffff;
	v8 =	vadd.f32 v22, v3;
	v22 =	vadd.s32 $0x4300, v19  }
0x454: {  	v4 =	vadd.s32 $0x4380, v4;
	v18 =	vld.idx.msk [tilespmem:v18+s4+$0x0], $0xffff;
	[tilespmem:s9+$0x15A80] =	vst v6;
	v6 =	vadd.f32 v10, v3  }
0x455: {  	v5 =	vadd.s32 $0x4380, v5;
	v10 =	vld.idx.msk [tilespmem:v12+s4+$0x0], $0xffff;
	[tilespmem:s10+$0x15A80] =	vst v8;
	v3 =	vadd.f32 v17, v3  }
0x456: {  	v7 =	vadd.s32 $0x4380, v7;
	v8 =	vadd.f32 v16, v2;
	v11 =	vld.idx.msk [tilespmem:v11+s4+$0x0], $0xffff;
	[tilespmem:s29+$0x15A80] =	vst v6  }
0x457: {  	v9 =	vadd.s32 $0x4380, v9;
	v6 =	vadd.f32 v23, v2;
	v12 =	vld.idx.msk [tilespmem:v20+s4+$0x0], $0xffff;
	[tilespmem:s3+$0x15A80] =	vst v3  }
0x458: {  	[tilespmem:s26+$0x15B00] =	vst v8;
	v8 =	vadd.s32 $0x4380, v13;
	v3 =	vadd.f32 v21, v2;
	v13 =	vld.idx.msk [tilespmem:v22+s4+$0x0], $0xffff  }
0x459: {  	v14 =	vadd.s32 $0x4380, v14;
	v4 =	vld.idx.msk [tilespmem:v4+s4+$0x0], $0xffff;
	[tilespmem:s0+$0x15B00] =	vst v6;
	v6 =	vadd.f32 v18, v2  }
0x45a: {  	v5 =	vld.idx.msk [tilespmem:v5+s4+$0x0], $0xffff;
	[tilespmem:s7+$0x15B00] =	vst v3;
	v3 =	vadd.f32 v10, v2;
	v10 =	vadd.s32 $0x4380, v15  }
0x45b: {  	[tilespmem:s8+$0x15B00] =	vst v6;
	v7 =	vld.idx.msk [tilespmem:v7+s4+$0x0], $0xffff;
	v6 =	vadd.f32 v11, v2;
	v11 =	vadd.s32 $0x4380, v19  }
0x45c: {  	v9 =	vld.idx.msk [tilespmem:v9+s4+$0x0], $0xffff;
	[tilespmem:s9+$0x15B00] =	vst v3;
	v3 =	vadd.f32 v12, v2  }
0x45d: {  	v8 =	vld.idx.msk [tilespmem:v8+s4+$0x0], $0xffff;
	[tilespmem:s10+$0x15B00] =	vst v6;
	v2 =	vadd.f32 v13, v2  }
0x45e: {  	v4 =	vadd.f32 v4, v1;
	v6 =	vld.idx.msk [tilespmem:v14+s4+$0x0], $0xffff;
	[tilespmem:s29+$0x15B00] =	vst v3  }
0x45f: {  	v3 =	vadd.f32 v5, v1;
	v5 =	vld.idx.msk [tilespmem:v10+s4+$0x0], $0xffff;
	[tilespmem:s3+$0x15B00] =	vst v2  }
0x460: {  	[tilespmem:s26+$0x15B80] =	vst v4;
	v2 =	vadd.f32 v7, v1;
	v4 =	vld.idx.msk [tilespmem:v11+s4+$0x0], $0xffff  }
0x461: {  	[tilespmem:s0+$0x15B80] =	vst v3;
	v3 =	vadd.f32 v9, v1  }
0x462: {  	[tilespmem:s7+$0x15B80] =	vst v2;
	v2 =	vadd.f32 v8, v1  }
0x463: {  	[tilespmem:s8+$0x15B80] =	vst v3;
	v3 =	vadd.f32 v6, v1  }
0x464: {  	[tilespmem:s9+$0x15B80] =	vst v2;
	v2 =	vadd.f32 v5, v1  }
0x465: {  	[tilespmem:s10+$0x15B80] =	vst v3;
	v1 =	vadd.f32 v4, v1  }
0x466: {  	[tilespmem:s29+$0x15B80] =	vst v2  }
0x467: {  	s2 =	simm.s32 $0x9400;
	[tilespmem:s3+$0x15B80] =	vst v1  }
0x468: {  	v1 =	vld [tilespmem:s2+$0x0];
	_ =	sdelay $0x3  }
0x469: {  	v2 =	vor.u32 $0xC00, v0  }
0x46a: {  	v3 =	vshll.u32 v1, $0x3  }
0x46b: {  	v4 =	vor.u32 $0xC80, v0;
	v1 =	vand.u32 $0x7F, v1;
	v3 =	vand.u32 $0xFFFFFC00, v3  }
0x46c: {  	v5 =	vor.u32 $0xD00, v0;
	s3 =	simm.s32 $0x9410;
	v14 =	vor.u32 v1, v3  }
0x46d: {  	v6 =	vld [tilespmem:s3+$0x0];
	v1 =	vadd.s32 $0x6000, v14  }
0x46e: {  	v11 =	vld.idx.msk [tilespmem:v2+s12+$0x0], $0xffff;
	v2 =	vor.u32 $0xE00, v0  }
0x46f: {  	v3 =	vor.u32 $0xD80, v0  }
0x470: {  	v10 =	vld.idx.msk [tilespmem:v4+s12+$0x0], $0xffff;
	v4 =	vor.u32 $0xE80, v0  }
0x471: {  	v8 =	vor.u32 $0xF00, v0;
	v9 =	vld.idx.msk [tilespmem:v5+s12+$0x0], $0xffff  }
0x472: {  	v12 =	vld.idx.msk [tilespmem:v1+s4+$0x0], $0xffff  }
0x473: {  	v5 =	vld.idx.msk [tilespmem:v2+s12+$0x0], $0xffff;
	v1 =	vshll.u32 v6, $0x3  }
0x474: {  	v0 =	vor.u32 $0xF80, v0;
	v7 =	vld.idx.msk [tilespmem:v3+s12+$0x0], $0xffff;
	v3 =	vand.u32 $0x7F, v6;
	v1 =	vand.u32 $0xFFFFFC00, v1  }
0x475: {  	v2 =	vld.idx.msk [tilespmem:v4+s12+$0x0], $0xffff;
	v4 =	vadd.s32 $0x6080, v14;
	v3 =	vor.u32 v3, v1  }
0x476: {  	s5 =	simm.s32 $0x0;
	s6 =	simm.s32 $0x9420;
	v1 =	vld.idx.msk [tilespmem:v8+s12+$0x0], $0xffff;
	v6 =	vadd.s32 $0x6000, v3  }
0x477: {  	s0 =	sand.u32 $0x1C00, s5;
	s7 =	sand.u32 $0x70, s5;
	v8 =	vld [tilespmem:s6+$0x0];
	v12 =	vadd.f32 v12, v11  }
0x478: {  	s2 =	sor.u32 s7, s0  }
0x479: {  	v0 =	vld.idx.msk [tilespmem:v0+s12+$0x0], $0xffff;
	[tilespmem:s2+$0x17800] =	vst v12  }
0x47a: {  	v12 =	vld.idx.msk [tilespmem:v4+s4+$0x0], $0xffff  }
0x47b: {  	v6 =	vld.idx.msk [tilespmem:v6+s4+$0x0], $0xffff  }
0x47c: {  	v4 =	vshll.u32 v8, $0x3  }
0x47d: {  	v13 =	vadd.s32 $0x6100, v14;
	v8 =	vand.u32 $0x7F, v8;
	v4 =	vand.u32 $0xFFFFFC00, v4  }
0x47e: {  	v4 =	vor.u32 v8, v4;
	v8 =	vadd.s32 $0x6080, v3  }
0x47f: {  	s8 =	simm.s32 $0x10;
	s9 =	simm.s32 $0x9430;
	s10 =	simm.s32 $0x80;
	v15 =	vadd.s32 $0x6000, v4;
	v12 =	vadd.f32 v12, v10  }
0x480: {  	s11 =	sand.u32 $0x1C00, s10;
	v16 =	vld [tilespmem:s9+$0x0];
	s0 =	sand.u32 $0x70, s8;
	v6 =	vadd.f32 v6, v11  }
0x481: {  	s26 =	sor.u32 s0, s11;
	[tilespmem:s2+$0x17880] =	vst v12  }
0x482: {  	[tilespmem:s26+$0x17800] =	vst v6;
	v12 =	vld.idx.msk [tilespmem:v13+s4+$0x0], $0xffff  }
0x483: {  	v8 =	vld.idx.msk [tilespmem:v8+s4+$0x0], $0xffff  }
0x484: {  	v13 =	vld.idx.msk [tilespmem:v15+s4+$0x0], $0xffff  }
0x485: {  	v6 =	vshll.u32 v16, $0x3;
	v15 =	vadd.s32 $0x6180, v14  }
0x486: {  	v17 =	vadd.s32 $0x6100, v3;
	v16 =	vand.u32 $0x7F, v16;
	v6 =	vand.u32 $0xFFFFFC00, v6  }
0x487: {  	v6 =	vor.u32 v16, v6;
	v16 =	vadd.s32 $0x6080, v4;
	v12 =	vadd.f32 v12, v9  }
0x488: {  	s13 =	simm.s32 $0x20;
	s14 =	simm.s32 $0x9440;
	s15 =	simm.s32 $0x100;
	v18 =	vadd.s32 $0x6000, v6;
	v8 =	vadd.f32 v8, v10  }
0x489: {  	s16 =	sand.u32 $0x1C00, s15;
	v19 =	vld [tilespmem:s14+$0x0];
	s0 =	sand.u32 $0x70, s13;
	v13 =	vadd.f32 v13, v11;
	[tilespmem:s2+$0x17900] =	vst v12  }
0x48a: {  	s0 =	sor.u32 s0, s16;
	[tilespmem:s26+$0x17880] =	vst v8;
	v8 =	vld.idx.msk [tilespmem:v15+s4+$0x0], $0xffff  }
0x48b: {  	[tilespmem:s0+$0x17800] =	vst v13;
	v12 =	vld.idx.msk [tilespmem:v17+s4+$0x0], $0xffff  }
0x48c: {  	v13 =	vld.idx.msk [tilespmem:v16+s4+$0x0], $0xffff  }
0x48d: {  	v15 =	vld.idx.msk [tilespmem:v18+s4+$0x0], $0xffff;
	v16 =	vadd.s32 $0x6200, v14  }
0x48e: {  	v17 =	vand.u32 $0x7F, v19;
	v18 =	vshll.u32 v19, $0x3;
	v19 =	vadd.s32 $0x6180, v3  }
0x48f: {  	v20 =	vadd.s32 $0x6100, v4;
	v18 =	vand.u32 $0xFFFFFC00, v18;
	v21 =	vadd.f32 v8, v7  }
0x490: {  	s17 =	simm.s32 $0x9450;
	v8 =	vor.u32 v17, v18;
	v17 =	vadd.s32 $0x6080, v6;
	v12 =	vadd.f32 v12, v9  }
0x491: {  	s18 =	simm.s32 $0x30;
	s19 =	simm.s32 $0x180;
	v18 =	vld [tilespmem:s17+$0x0];
	v13 =	vadd.f32 v13, v10;
	v22 =	vadd.s32 $0x6000, v8;
	[tilespmem:s2+$0x17980] =	vst v21  }
0x492: {  	s1 =	sand.u32 $0x1C00, s19;
	s3 =	sand.u32 $0x70, s18;
	v15 =	vadd.f32 v15, v11;
	[tilespmem:s26+$0x17900] =	vst v12;
	v12 =	vld.idx.msk [tilespmem:v16+s4+$0x0], $0xffff  }
0x493: {  	s7 =	sor.u32 s3, s1;
	[tilespmem:s0+$0x17880] =	vst v13;
	v13 =	vld.idx.msk [tilespmem:v19+s4+$0x0], $0xffff  }
0x494: {  	[tilespmem:s7+$0x17800] =	vst v15;
	v15 =	vld.idx.msk [tilespmem:v20+s4+$0x0], $0xffff  }
0x495: {  	v16 =	vld.idx.msk [tilespmem:v17+s4+$0x0], $0xffff;
	v17 =	vadd.s32 $0x6280, v14  }
0x496: {  	v21 =	vadd.s32 $0x6200, v3;
	v20 =	vand.u32 $0x7F, v18;
	v19 =	vld.idx.msk [tilespmem:v22+s4+$0x0], $0xffff  }
0x497: {  	v18 =	vshll.u32 v18, $0x3;
	v22 =	vadd.s32 $0x6180, v4;
	v23 =	vadd.f32 v12, v5  }
0x498: {  	s20 =	simm.s32 $0x9460;
	v12 =	vand.u32 $0xFFFFFC00, v18;
	v18 =	vadd.s32 $0x6100, v6;
	v13 =	vadd.f32 v13, v7  }
0x499: {  	v24 =	vld [tilespmem:s20+$0x0];
	v15 =	vadd.f32 v15, v9;
	v12 =	vor.u32 v20, v12;
	v20 =	vadd.s32 $0x6080, v8;
	[tilespmem:s2+$0x17A00] =	vst v23  }
0x49a: {  	s21 =	simm.s32 $0x40;
	s22 =	simm.s32 $0x200;
	v23 =	vadd.s32 $0x6000, v12;
	v16 =	vadd.f32 v16, v10;
	[tilespmem:s26+$0x17980] =	vst v13;
	v13 =	vld.idx.msk [tilespmem:v17+s4+$0x0], $0xffff  }
0x49b: {  	s1 =	sand.u32 $0x70, s21;
	s3 =	sand.u32 $0x1C00, s22;
	[tilespmem:s0+$0x17900] =	vst v15;
	v17 =	vadd.f32 v19, v11;
	v15 =	vld.idx.msk [tilespmem:v21+s4+$0x0], $0xffff  }
0x49c: {  	s8 =	sor.u32 s1, s3;
	[tilespmem:s7+$0x17880] =	vst v16;
	v16 =	vld.idx.msk [tilespmem:v22+s4+$0x0], $0xffff  }
0x49d: {  	[tilespmem:s8+$0x17800] =	vst v17;
	v17 =	vld.idx.msk [tilespmem:v18+s4+$0x0], $0xffff;
	v18 =	vadd.s32 $0x6300, v14  }
0x49e: {  	v19 =	vld.idx.msk [tilespmem:v20+s4+$0x0], $0xffff;
	v20 =	vadd.s32 $0x6280, v3  }
0x49f: {  	v21 =	vld.idx.msk [tilespmem:v23+s4+$0x0], $0xffff;
	v23 =	vadd.s32 $0x6200, v4;
	v13 =	vadd.f32 v13, v2  }
0x4a0: {  	s24 =	simm.s32 $0x9470;
	v25 =	vadd.s32 $0x6180, v6;
	v27 =	vadd.s32 $0x6100, v8;
	v15 =	vadd.f32 v15, v5  }
0x4a1: {  	v26 =	vld [tilespmem:s24+$0x0];
	v22 =	vand.u32 $0x7F, v24;
	v24 =	vshll.u32 v24, $0x3;
	v16 =	vadd.f32 v16, v7;
	[tilespmem:s2+$0x17A80] =	vst v13  }
0x4a2: {  	v24 =	vand.u32 $0xFFFFFC00, v24;
	v17 =	vadd.f32 v17, v9;
	[tilespmem:s26+$0x17A00] =	vst v15;
	v15 =	vld.idx.msk [tilespmem:v18+s4+$0x0], $0xffff  }
0x4a3: {  	s28 =	simm.s32 $0x50;
	s29 =	simm.s32 $0x280;
	v13 =	vor.u32 v22, v24;
	v22 =	vadd.s32 $0x6080, v12;
	v19 =	vadd.f32 v19, v10;
	[tilespmem:s0+$0x17980] =	vst v16;
	v16 =	vld.idx.msk [tilespmem:v20+s4+$0x0], $0xffff  }
0x4a4: {  	s1 =	sand.u32 $0x70, s28;
	s3 =	sand.u32 $0x1C00, s29;
	v20 =	vadd.f32 v21, v11;
	[tilespmem:s7+$0x17900] =	vst v17;
	v17 =	vld.idx.msk [tilespmem:v23+s4+$0x0], $0xffff  }
0x4a5: {  	s9 =	sor.u32 s1, s3;
	v18 =	vadd.s32 $0x6000, v13;
	[tilespmem:s8+$0x17880] =	vst v19;
	v19 =	vld.idx.msk [tilespmem:v25+s4+$0x0], $0xffff  }
0x4a6: {  	v14 =	vadd.s32 $0x6380, v14;
	[tilespmem:s9+$0x17800] =	vst v20;
	v20 =	vld.idx.msk [tilespmem:v27+s4+$0x0], $0xffff  }
0x4a7: {  	v21 =	vadd.s32 $0x6300, v3  }
0x4a8: {  	v22 =	vld.idx.msk [tilespmem:v22+s4+$0x0], $0xffff;
	v15 =	vadd.f32 v15, v1  }
0x4a9: {  	v23 =	vadd.s32 $0x6280, v4;
	v16 =	vadd.f32 v16, v2  }
0x4aa: {  	v25 =	vadd.s32 $0x6200, v6;
	v27 =	vadd.s32 $0x6180, v8;
	v24 =	vld.idx.msk [tilespmem:v18+s4+$0x0], $0xffff;
	v17 =	vadd.f32 v17, v5;
	[tilespmem:s2+$0x17B00] =	vst v15  }
0x4ab: {  	v19 =	vadd.f32 v19, v7;
	[tilespmem:s26+$0x17A80] =	vst v16;
	v16 =	vld.idx.msk [tilespmem:v14+s4+$0x0], $0xffff;
	v14 =	vshll.u32 v26, $0x3;
	v20 =	vadd.f32 v20, v9  }
0x4ac: {  	s1 =	simm.s32 $0x9480;
	v15 =	vld.idx.msk [tilespmem:v21+s4+$0x0], $0xffff;
	v26 =	vand.u32 $0x7F, v26;
	v21 =	vadd.s32 $0x6100, v12;
	v14 =	vand.u32 $0xFFFFFC00, v14  }
0x4ad: {  	s30 =	simm.s32 $0x60;
	v18 =	vld [tilespmem:s1+$0x0];
	[tilespmem:s0+$0x17A00] =	vst v17;
	v63 =	vadd.f32 v22, v10;
	v22 =	vadd.s32 $0x6080, v13;
	v14 =	vor.u32 v26, v14  }
0x4ae: {  	s31 =	sand.u32 $0x70, s30;
	s3 =	simm.s32 $0x300;
	[tilespmem:s7+$0x17980] =	vst v19;
	v17 =	vld.idx.msk [tilespmem:v23+s4+$0x0], $0xffff;
	v23 =	vadd.s32 $0x6000, v14  }
0x4af: {  	s5 =	simm.s32 $0x70;
	s24 =	rddreg [dreg:$0x0];
	s13 =	sand.u32 $0x1C00, s3;
	[tilespmem:s8+$0x17900] =	vst v20;
	v19 =	vld.idx.msk [tilespmem:v25+s4+$0x0], $0xffff;
	v24 =	vadd.f32 v24, v11  }
0x4b0: {  	s11 =	simm.s32 $0x90;
	s10 =	sor.u32 s31, s13;
	s6 =	simm.s32 $0x80;
	[tilespmem:s9+$0x17880] =	vst v63;
	v20 =	vld.idx.msk [tilespmem:v27+s4+$0x0], $0xffff  }
.LBB2_17:
0x4b1: {  	p3 =	sne.s32 s11, $0x3F0;
	[tilespmem:s10+$0x17800] =	vst v24;
	v24 =	vld.idx.msk [tilespmem:v21+s4+$0x0], $0xffff;
	v25 =	vadd.s32 $0x6380, v3;
	v3 =	vmovc v4;
	v4 =	vmovc v6;
	v6 =	vmov v8;
	v8 =	vmov v12  }
0x4b2: {  	v16 =	vadd.f32 v16, v0;
	v12 =	vmovc v13;
	v13 =	vmov v14;
	v26 =	vld.idx.msk [tilespmem:v22+s4+$0x0], $0xffff;
	v27 =	vadd.s32 $0x6300, v3  }
0x4b3: {  	v29 =	vadd.s32 $0x6280, v4;
	v14 =	vadd.f32 v15, v1;
	v28 =	vld.idx.msk [tilespmem:v23+s4+$0x0], $0xffff  }
0x4b4: {  	s1 =	sadd.s32 $0x10, s1;
	v15 =	vand.u32 $0x7F, v18;
	v30 =	vadd.s32 $0x6200, v6;
	v17 =	vadd.f32 v17, v2;
	[tilespmem:s2+$0x17B80] =	vst v16;
	s2 =	smov.u32 s26;
	s26 =	smov.u32 s0  }
0x4b5: {  	v31 =	vadd.s32 $0x6180, v8;
	v16 =	vshll.u32 v18, $0x3;
	v19 =	vadd.f32 v19, v5;
	s0 =	smov.u32 s7;
	s7 =	smov.u32 s8;
	s8 =	smov.u32 s9;
	v18 =	vld [tilespmem:s1+$0x0];
	[tilespmem:s2+$0x17B00] =	vst v14  }
.Ltmp11:
0x4b6: {  	v21 =	vadd.s32 $0x6100, v12;
	s9 =	smov.u32 s10;
	v14 =	vand.u32 $0xFFFFFC00, v16;
	v20 =	vadd.f32 v20, v7;
	[tilespmem:s26+$0x17A80] =	vst v17;
	v16 =	vld.idx.msk [tilespmem:v25+s4+$0x0], $0xffff;
	(pc) =	sbr.rel @p3 .LBB2_17-.Ltmp11, $4  }
0x4b7: {  	v22 =	vadd.s32 $0x6080, v13;
	v14 =	vor.u32 v15, v14;
	v25 =	vadd.f32 v24, v9;
	[tilespmem:s0+$0x17A00] =	vst v19;
	v15 =	vld.idx.msk [tilespmem:v27+s4+$0x0], $0xffff  }
0x4b8: {  	s3 =	sadd.s32 $0x80, s3;
	v23 =	vadd.s32 $0x6000, v14;
	v26 =	vadd.f32 v26, v10;
	[tilespmem:s7+$0x17980] =	vst v20;
	v17 =	vld.idx.msk [tilespmem:v29+s4+$0x0], $0xffff  }
0x4b9: {  	s13 =	sand.u32 $0x1C00, s3;
	s10 =	sand.u32 $0x70, s5;
	s5 =	smov.u32 s6;
	v24 =	vadd.f32 v28, v11;
	[tilespmem:s8+$0x17900] =	vst v25;
	v19 =	vld.idx.msk [tilespmem:v30+s4+$0x0], $0xffff  }
0x4ba: {  	s6 =	smov.u32 s11;
	s11 =	sadd.s32 $0x10, s11;
	s10 =	sor.u32 s10, s13;
	[tilespmem:s9+$0x17880] =	vst v26;
	v20 =	vld.idx.msk [tilespmem:v31+s4+$0x0], $0xffff  }
0x4bb: {  	v25 =	vshll.u32 v18, $0x3  }
0x4bc: {  	v60 =	vand.u32 $0x7F, v18;
	v25 =	vand.u32 $0xFFFFFC00, v25  }
0x4bd: {  	v18 =	vor.u32 v60, v25  }
0x4be: {  	v25 =	vadd.s32 $0x6000, v18;
	_ =	sdelay $0x3  }
0x4bf: {  	v23 =	vld.idx.msk [tilespmem:v23+s4+$0x0], $0xffff  }
0x4c0: {  	v25 =	vld.idx.msk [tilespmem:v25+s4+$0x0], $0xffff;
	_ =	sdelay $0x1  }
0x4c1: {  	v26 =	vadd.s32 $0x6080, v14  }
0x4c2: {  	s1 =	sadd.s32 $0x80, s3;
	v27 =	vadd.s32 $0x6080, v18  }
0x4c3: {  	s22 =	sand.u32 $0x70, s5;
	s28 =	sand.u32 $0x1C00, s1;
	s11 =	sadd.s32 $0x80, s1;
	v23 =	vadd.f32 v23, v11  }
0x4c4: {  	[tilespmem:s10+$0x17800] =	vst v24;
	s30 =	sand.u32 $0x70, s6;
	s29 =	sor.u32 s22, s28;
	s31 =	sand.u32 $0x1C00, s11;
	v61 =	vadd.f32 v25, v11  }
0x4c5: {  	v22 =	vld.idx.msk [tilespmem:v22+s4+$0x0], $0xffff;
	s3 =	sor.u32 s30, s31;
	[tilespmem:s29+$0x17800] =	vst v23  }
0x4c6: {  	v23 =	vld.idx.msk [tilespmem:v26+s4+$0x0], $0xffff;
	[tilespmem:s3+$0x17800] =	vst v61  }
0x4c7: {  	v11 =	vld.idx.msk [tilespmem:v27+s4+$0x0], $0xffff  }
0x4c8: {  	v62 =	vadd.s32 $0x6100, v13  }
0x4c9: {  	v63 =	vadd.s32 $0x6100, v14  }
0x4ca: {  	v28 =	vadd.s32 $0x6100, v18;
	v22 =	vadd.f32 v22, v10  }
0x4cb: {  	v23 =	vadd.f32 v23, v10  }
0x4cc: {  	v21 =	vld.idx.msk [tilespmem:v21+s4+$0x0], $0xffff;
	[tilespmem:s10+$0x17880] =	vst v22;
	v29 =	vadd.f32 v11, v10  }
0x4cd: {  	v30 =	vld.idx.msk [tilespmem:v62+s4+$0x0], $0xffff;
	[tilespmem:s29+$0x17880] =	vst v23  }
0x4ce: {  	v31 =	vld.idx.msk [tilespmem:v63+s4+$0x0], $0xffff;
	[tilespmem:s3+$0x17880] =	vst v29  }
0x4cf: {  	v32 =	vadd.s32 $0x6180, v12;
	v33 =	vld.idx.msk [tilespmem:v28+s4+$0x0], $0xffff  }
0x4d0: {  	v34 =	vadd.s32 $0x6180, v13  }
0x4d1: {  	v35 =	vadd.s32 $0x6180, v14;
	v21 =	vadd.f32 v21, v9  }
0x4d2: {  	v36 =	vadd.s32 $0x6180, v18;
	v11 =	vadd.f32 v30, v9  }
0x4d3: {  	[tilespmem:s9+$0x17900] =	vst v21;
	v37 =	vadd.f32 v31, v9  }
0x4d4: {  	v10 =	vld.idx.msk [tilespmem:v32+s4+$0x0], $0xffff;
	[tilespmem:s10+$0x17900] =	vst v11;
	v38 =	vadd.f32 v33, v9  }
0x4d5: {  	v39 =	vadd.s32 $0x6200, v8;
	[tilespmem:s29+$0x17900] =	vst v37;
	v11 =	vld.idx.msk [tilespmem:v34+s4+$0x0], $0xffff  }
0x4d6: {  	v40 =	vld.idx.msk [tilespmem:v35+s4+$0x0], $0xffff;
	[tilespmem:s3+$0x17900] =	vst v38  }
0x4d7: {  	v41 =	vadd.s32 $0x6200, v12;
	v20 =	vadd.f32 v20, v7;
	v42 =	vld.idx.msk [tilespmem:v36+s4+$0x0], $0xffff  }
0x4d8: {  	v43 =	vadd.s32 $0x6200, v13  }
0x4d9: {  	v44 =	vadd.s32 $0x6200, v14;
	[tilespmem:s8+$0x17980] =	vst v20;
	v10 =	vadd.f32 v10, v7  }
0x4da: {  	v45 =	vadd.s32 $0x6200, v18;
	v21 =	vld.idx.msk [tilespmem:v39+s4+$0x0], $0xffff;
	v11 =	vadd.f32 v11, v7  }
0x4db: {  	[tilespmem:s9+$0x17980] =	vst v10;
	v46 =	vadd.f32 v40, v7  }
0x4dc: {  	v9 =	vld.idx.msk [tilespmem:v41+s4+$0x0], $0xffff;
	[tilespmem:s10+$0x17980] =	vst v11;
	v47 =	vadd.f32 v42, v7  }
0x4dd: {  	v50 =	vadd.s32 $0x6280, v8;
	[tilespmem:s29+$0x17980] =	vst v46;
	v49 =	vld.idx.msk [tilespmem:v43+s4+$0x0], $0xffff  }
0x4de: {  	v48 =	vadd.s32 $0x6280, v6;
	v51 =	vld.idx.msk [tilespmem:v44+s4+$0x0], $0xffff;
	[tilespmem:s3+$0x17980] =	vst v47  }
0x4df: {  	v53 =	vadd.s32 $0x6280, v12;
	v21 =	vadd.f32 v21, v5;
	v20 =	vld.idx.msk [tilespmem:v45+s4+$0x0], $0xffff  }
0x4e0: {  	v54 =	vadd.s32 $0x6280, v13;
	v52 =	vadd.f32 v19, v5  }
0x4e1: {  	v56 =	vadd.s32 $0x6280, v14;
	[tilespmem:s8+$0x17A00] =	vst v21;
	v55 =	vadd.f32 v9, v5  }
0x4e2: {  	v58 =	vadd.s32 $0x6280, v18;
	[tilespmem:s7+$0x17A00] =	vst v52;
	v10 =	vld.idx.msk [tilespmem:v50+s4+$0x0], $0xffff;
	v57 =	vadd.f32 v49, v5  }
0x4e3: {  	v11 =	vld.idx.msk [tilespmem:v48+s4+$0x0], $0xffff;
	[tilespmem:s9+$0x17A00] =	vst v55;
	v59 =	vadd.f32 v51, v5  }
0x4e4: {  	v60 =	vadd.s32 $0x6300, v4;
	v19 =	vld.idx.msk [tilespmem:v53+s4+$0x0], $0xffff;
	[tilespmem:s10+$0x17A00] =	vst v57;
	v61 =	vadd.f32 v20, v5  }
0x4e5: {  	v16 =	vadd.f32 v16, v0;
	v24 =	vadd.s32 $0x6300, v8;
	[tilespmem:s29+$0x17A00] =	vst v59;
	v21 =	vld.idx.msk [tilespmem:v54+s4+$0x0], $0xffff  }
0x4e6: {  	v62 =	vadd.s32 $0x6300, v6;
	v63 =	vadd.f32 v17, v2;
	v9 =	vld.idx.msk [tilespmem:v56+s4+$0x0], $0xffff;
	[tilespmem:s3+$0x17A00] =	vst v61  }
0x4e7: {  	[tilespmem:s2+$0x17B80] =	vst v16;
	v26 =	vadd.s32 $0x6300, v12;
	v28 =	vadd.f32 v10, v2;
	v27 =	vld.idx.msk [tilespmem:v58+s4+$0x0], $0xffff  }
0x4e8: {  	[tilespmem:s0+$0x17A80] =	vst v63;
	v29 =	vadd.s32 $0x6300, v13;
	v25 =	vadd.f32 v11, v2  }
0x4e9: {  	v30 =	vld.idx.msk [tilespmem:v60+s4+$0x0], $0xffff;
	v32 =	vadd.s32 $0x6300, v14;
	[tilespmem:s8+$0x17A80] =	vst v28;
	v31 =	vadd.f32 v19, v2  }
0x4ea: {  	v34 =	vadd.s32 $0x6300, v18;
	v17 =	vld.idx.msk [tilespmem:v24+s4+$0x0], $0xffff;
	[tilespmem:s7+$0x17A80] =	vst v25;
	v33 =	vadd.f32 v21, v2  }
0x4eb: {  	v3 =	vadd.s32 $0x6380, v3;
	[tilespmem:s9+$0x17A80] =	vst v31;
	v20 =	vld.idx.msk [tilespmem:v62+s4+$0x0], $0xffff;
	v35 =	vadd.f32 v9, v2  }
0x4ec: {  	v36 =	vadd.s32 $0x6380, v4;
	v37 =	vld.idx.msk [tilespmem:v26+s4+$0x0], $0xffff;
	[tilespmem:s10+$0x17A80] =	vst v33;
	v38 =	vadd.f32 v27, v2  }
0x4ed: {  	v39 =	vadd.f32 v15, v1;
	v42 =	vadd.s32 $0x6380, v8;
	[tilespmem:s29+$0x17A80] =	vst v35;
	v10 =	vld.idx.msk [tilespmem:v29+s4+$0x0], $0xffff  }
0x4ee: {  	v40 =	vadd.s32 $0x6380, v6;
	v41 =	vadd.f32 v30, v1;
	v43 =	vld.idx.msk [tilespmem:v32+s4+$0x0], $0xffff;
	[tilespmem:s3+$0x17A80] =	vst v38  }
0x4ef: {  	[tilespmem:s26+$0x17B00] =	vst v39;
	v45 =	vadd.s32 $0x6380, v12;
	v47 =	vadd.f32 v17, v1;
	v46 =	vld.idx.msk [tilespmem:v34+s4+$0x0], $0xffff  }
0x4f0: {  	v3 =	vld.idx.msk [tilespmem:v3+s4+$0x0], $0xffff;
	[tilespmem:s0+$0x17B00] =	vst v41;
	v48 =	vadd.s32 $0x6380, v13;
	v44 =	vadd.f32 v20, v1  }
0x4f1: {  	v50 =	vadd.s32 $0x6380, v14;
	v4 =	vld.idx.msk [tilespmem:v36+s4+$0x0], $0xffff;
	[tilespmem:s8+$0x17B00] =	vst v47;
	v49 =	vadd.f32 v37, v1  }
0x4f2: {  	v52 =	vadd.s32 $0x6380, v18;
	v8 =	vld.idx.msk [tilespmem:v42+s4+$0x0], $0xffff;
	[tilespmem:s7+$0x17B00] =	vst v44;
	v51 =	vadd.f32 v10, v1  }
0x4f3: {  	[tilespmem:s9+$0x17B00] =	vst v49;
	v6 =	vld.idx.msk [tilespmem:v40+s4+$0x0], $0xffff;
	v53 =	vadd.f32 v43, v1  }
0x4f4: {  	v7 =	vld.idx.msk [tilespmem:v45+s4+$0x0], $0xffff;
	[tilespmem:s10+$0x17B00] =	vst v51;
	v54 =	vadd.f32 v46, v1  }
0x4f5: {  	v3 =	vadd.f32 v3, v0;
	[tilespmem:s29+$0x17B00] =	vst v53;
	v5 =	vld.idx.msk [tilespmem:v48+s4+$0x0], $0xffff  }
0x4f6: {  	v55 =	vadd.f32 v4, v0;
	v56 =	vld.idx.msk [tilespmem:v50+s4+$0x0], $0xffff;
	[tilespmem:s3+$0x17B00] =	vst v54  }
0x4f7: {  	[tilespmem:s26+$0x17B80] =	vst v3;
	v59 =	vadd.f32 v8, v0;
	v58 =	vld.idx.msk [tilespmem:v52+s4+$0x0], $0xffff  }
0x4f8: {  	[tilespmem:s0+$0x17B80] =	vst v55;
	v57 =	vadd.f32 v6, v0  }
0x4f9: {  	[tilespmem:s8+$0x17B80] =	vst v59;
	v60 =	vadd.f32 v7, v0  }
.Ltmp12:
0x4fa: {  	[tilespmem:s7+$0x17B80] =	vst v57;
	v61 =	vadd.f32 v5, v0;
	(pc) =	sbr.rel @p1 .LBB2_21-.Ltmp12, $4  }
0x4fb: {  	[tilespmem:s9+$0x17B80] =	vst v60;
	v62 =	vadd.f32 v56, v0  }
0x4fc: {  	[tilespmem:s10+$0x17B80] =	vst v61;
	v63 =	vadd.f32 v58, v0  }
0x4fd: {  	[tilespmem:s29+$0x17B80] =	vst v62  }
0x4fe: {  	s0 =	smul.u32 $0xFA000, s25;
	[tilespmem:s3+$0x17B80] =	vst v63  }
.Ltmp13:
0x4ff: {  	_ = 	snop;
	(pc) =	sbr.rel @!p2 .LBB2_22-.Ltmp13, $4  }
0x500: {  	s1 =	rddreg [dreg:$0x2];
	s0 =	sshrl.u32 s0, $0x3  }
0x501: {  	s0 =	sadd.s32 s1, s0  }
0x502: {  	s31 =	simm.s32 $0x11800;
	s0 =	sadd.s32 $0x1F000, s0  }
0x503: {  	[hbm4b:s0+s4] =	stream.linear.scatter [tilespmem:s31], [sflag:$0x4], $0x2000, $0x38;
	[tilespmem:$0x19800] =	vst v63  }
0x504: {  	s0 =	simm.s32 $0x3  }
0x505: {  	_ =	swait.ge [sflag:s0], $0x2000  }
.Ltmp14:
0x506: {  	[sflag:s0] =	ssyncset.done $0x0;
	(pc) =	sbr.rel .LBB2_24-.Ltmp14, $4  }
0x507: {  	s31 =	simm.s32 $0x4;
	[sflag:s0] =	ssyncadd.s32 $0xFFFFE000  }
0x508: {  	_ =	swait.ge [sflag:s31], $0x2000  }
0x509: {  	[sflag:s31] =	ssyncset.done $0x0  }
0x50a: {  	s1 =	rddreg [dreg:$0xa];
	[sflag:s31] =	ssyncadd.s32 $0xFFFFE000  }
.LBB2_25:
0x50b: {  	_ =	sfence.sel $0x180000  }
0x50c: {  	[bflag:$0x0] =	sbarrier.arrive $0xFFFF  }
0x50d: {  	_ =	strace $0x90000047  }
0x50e: {  	s0 =	stileid.u32;
	[bflag:$0x2] =	sbarrier.arrive $0xFFFF  }
0x50f: {  	p0 =	sne.s32 s0, $0x0;
	s0 =	rddreg [dreg:$0x3]  }
0x510: {  	s0 =	sadd.s32 @!p0 $0x100000, s0  }
0x511: {  	[sflag:s0] =	ssyncadd.tile.s32 @!p0 $0x1;
	_ =	shalt  }
.Lfunc_end2:
_tile_overlayer_lowered:
.L_overlay_start_2:
0x512: {  	(tag) =	ssettag $0x2  }
0x513: {  	s0 =	rddreg [dreg:$0x0];
	s2 =	stileid.u32  }
0x514: {  	s1 =	rddreg [dreg:$0x1];
	p0 =	sne.s32 s2, $0x0  }
0x515: {  	s3 =	rddreg [dreg:$0x2];
	[bflag:$0x3] =	sbarrier.arrive $0xFFFF;
	s2 =	simm.s32 @!p0 $0x1C05  }
0x516: {  	[timem:s3], [sflag:s2] =	dma.local @!p0 [hbm:s0], s1  }
0x517: {  	s0 =	simm.s32 @!p0 $0x5  }
0x518: {  	_ =	swait.ge @!p0 [sflag:s0], s1  }
0x519: {  	s1 =	ssub.s32 @!p0 $0x0, s1;
	[sflag:s0] =	ssyncset.done @!p0 $0x0  }
0x51a: {  	[sflag:s0] =	ssyncadd.s32 @!p0 s1  }
0x51b: {  	[bflag:$0x3] =	sbarrier.arrive $0xFFFF  }
0x51c: {  	_ =	shalt  }

</sc_bundles>
